<compile_context>
chip_gen: v7x
topology: tpu7x:2x2x1
jax: 0.10.2.dev20260603
libtpu: 0.0.44.dev20260713+nightly
codegen_flags: <defaults>
</compile_context>

<pallas_src>
import functools

import jax
import jax.numpy as jnp
from jax import lax
from jax.experimental import pallas as pl
from jax.experimental.pallas import tpu as pltpu
from jax.experimental.pallas import tpu_sc as plsc

_LANES = 128
_SUBC = 16
_ROW_BLK = 2000
_NBUF = 8
_CORE0_FRAC = 0.75


def _mesh():
    return plsc.VectorSubcoreMesh(core_axis_name="c", subcore_axis_name="s")


_SC_PARAMS = pltpu.CompilerParams(use_tc_tiling_on_sc=False)


@functools.lru_cache(maxsize=None)
def _make_deg(k0, k1, n_acc):
    zr = n_acc // _SUBC
    kmax = max(k0, k1)

    @functools.partial(
        pl.kernel,
        mesh=_mesh(),
        out_type=[jax.ShapeDtypeStruct((n_acc,), jnp.float32),
                  jax.ShapeDtypeStruct((n_acc,), jnp.float32)],
        compiler_params=_SC_PARAMS,
        scratch_types=[
            pltpu.VMEM((kmax, _LANES), jnp.int32),
            pltpu.VMEM((_LANES,), jnp.float32),
            pltpu.VMEM((zr,), jnp.float32),
            pltpu.VMEM_SHARED((n_acc,), jnp.float32),
        ],
    )
    def deg_kernel(dst0_hbm, dst1_hbm, ones_hbm, zeros_hbm, out0_hbm, out1_hbm,
                   dst_v, ones_v, stage_v, acc_sm):
        cid = lax.axis_index("c")
        sid = lax.axis_index("s")
        pltpu.sync_copy(zeros_hbm, stage_v)
        pltpu.sync_copy(stage_v, acc_sm.at[pl.ds(sid * zr, zr)])

        @pl.when(cid == 0)
        def _():
            pltpu.sync_copy(dst0_hbm.at[sid], dst_v.at[pl.ds(0, k0)])

        @pl.when(cid == 1)
        def _():
            pltpu.sync_copy(dst1_hbm.at[sid], dst_v.at[pl.ds(0, k1)])

        pltpu.sync_copy(ones_hbm, ones_v)
        n_chunks = jnp.where(cid == 0, k0, k1)
        plsc.subcore_barrier()

        def body(i, carry):
            pltpu.sync_copy(ones_v, acc_sm.at[dst_v.at[i]], add=True)
            return carry

        lax.fori_loop(0, n_chunks, body, 0)
        plsc.subcore_barrier()
        pltpu.sync_copy(acc_sm.at[pl.ds(sid * zr, zr)], stage_v)

        @pl.when(cid == 0)
        def _():
            pltpu.sync_copy(stage_v, out0_hbm.at[pl.ds(sid * zr, zr)])

        @pl.when(cid == 1)
        def _():
            pltpu.sync_copy(stage_v, out1_hbm.at[pl.ds(sid * zr, zr)])

    return deg_kernel


@functools.lru_cache(maxsize=None)
def _make_agg(k0, k1, n_acc, ch):
    zr = n_acc // _SUBC
    kmax = max(k0, k1)

    @functools.partial(
        pl.kernel,
        mesh=_mesh(),
        out_type=[jax.ShapeDtypeStruct((n_acc, ch), jnp.float32),
                  jax.ShapeDtypeStruct((n_acc, ch), jnp.float32)],
        compiler_params=_SC_PARAMS,
        scratch_types=[
            pltpu.VMEM((kmax, _LANES), jnp.int32),
            pltpu.VMEM((kmax, _LANES), jnp.int32),
            pltpu.VMEM((_NBUF, _LANES, ch), jnp.float32),
            pltpu.VMEM((zr, ch), jnp.float32),
            pltpu.VMEM_SHARED((n_acc, ch), jnp.float32),
            pltpu.SemaphoreType.DMA((_NBUF,)),
        ],
    )
    def agg_kernel(g_hbm, src0_hbm, dst0_hbm, src1_hbm, dst1_hbm, zeros_hbm,
                   out0_hbm, out1_hbm, src_v, dst_v, rows_v, stage_v, acc_sm,
                   sem):
        cid = lax.axis_index("c")
        sid = lax.axis_index("s")
        pltpu.sync_copy(zeros_hbm, stage_v)
        pltpu.sync_copy(stage_v, acc_sm.at[pl.ds(sid * zr, zr)])

        @pl.when(cid == 0)
        def _():
            pltpu.sync_copy(src0_hbm.at[sid], src_v.at[pl.ds(0, k0)])
            pltpu.sync_copy(dst0_hbm.at[sid], dst_v.at[pl.ds(0, k0)])

        @pl.when(cid == 1)
        def _():
            pltpu.sync_copy(src1_hbm.at[sid], src_v.at[pl.ds(0, k1)])
            pltpu.sync_copy(dst1_hbm.at[sid], dst_v.at[pl.ds(0, k1)])

        n_chunks = jnp.where(cid == 0, k0, k1)
        plsc.subcore_barrier()

        for b in range(_NBUF):
            pltpu.async_copy(g_hbm.at[src_v.at[b]], rows_v.at[b], sem.at[b])

        def blk_body(ib, carry):
            base = ib * _NBUF
            for b in range(_NBUF):
                i = base + b
                pltpu.make_async_copy(
                    g_hbm.at[src_v.at[i]], rows_v.at[b], sem.at[b]).wait()
                pltpu.sync_copy(rows_v.at[b], acc_sm.at[dst_v.at[i]], add=True)

                @pl.when(i + _NBUF < n_chunks)
                def _():
                    pltpu.async_copy(g_hbm.at[src_v.at[i + _NBUF]],
                                     rows_v.at[b], sem.at[b])
            return carry

        lax.fori_loop(0, n_chunks // _NBUF, blk_body, 0)
        plsc.subcore_barrier()
        pltpu.sync_copy(acc_sm.at[pl.ds(sid * zr, zr)], stage_v)

        @pl.when(cid == 0)
        def _():
            pltpu.sync_copy(stage_v, out0_hbm.at[pl.ds(sid * zr, zr)])

        @pl.when(cid == 1)
        def _():
            pltpu.sync_copy(stage_v, out1_hbm.at[pl.ds(sid * zr, zr)])

    return agg_kernel


@functools.lru_cache(maxsize=None)
def _make_tc1(n, in_ch, mid, blk):
    def body(degp_ref, x_ref, w1_ref, g1_ref):
        deg = degp_ref[:, 0] + degp_ref[:, 1] + 1.0
        dinv = lax.rsqrt(deg)[:, None]
        h = jnp.dot(x_ref[...], w1_ref[...], preferred_element_type=jnp.float32)
        g1_ref[...] = h * dinv

    return pl.pallas_call(
        body,
        grid=(n // blk,),
        in_specs=[
            pl.BlockSpec((blk, 2), lambda i: (i, 0)),
            pl.BlockSpec((blk, in_ch), lambda i: (i, 0)),
            pl.BlockSpec((in_ch, mid), lambda i: (0, 0)),
        ],
        out_specs=pl.BlockSpec((blk, mid), lambda i: (i, 0)),
        out_shape=jax.ShapeDtypeStruct((n, mid), jnp.float32),
    )


@functools.lru_cache(maxsize=None)
def _make_tc2(n, mid, out_ch, blk):
    def body(degp_ref, a0_ref, a1_ref, g1_ref, b1_ref, w2_ref, g2_ref):
        deg = degp_ref[:, 0] + degp_ref[:, 1] + 1.0
        dinv = lax.rsqrt(deg)[:, None]
        agg = a0_ref[...] + a1_ref[...] + g1_ref[...]
        z = jnp.maximum(agg * dinv + b1_ref[0], 0.0)
        h2 = jnp.dot(z, w2_ref[...], preferred_element_type=jnp.float32)
        g2_ref[...] = h2 * dinv

    return pl.pallas_call(
        body,
        grid=(n // blk,),
        in_specs=[
            pl.BlockSpec((blk, 2), lambda i: (i, 0)),
            pl.BlockSpec((blk, mid), lambda i: (i, 0)),
            pl.BlockSpec((blk, mid), lambda i: (i, 0)),
            pl.BlockSpec((blk, mid), lambda i: (i, 0)),
            pl.BlockSpec((1, mid), lambda i: (0, 0)),
            pl.BlockSpec((mid, out_ch), lambda i: (0, 0)),
        ],
        out_specs=pl.BlockSpec((blk, out_ch), lambda i: (i, 0)),
        out_shape=jax.ShapeDtypeStruct((n, out_ch), jnp.float32),
    )


@functools.lru_cache(maxsize=None)
def _make_tc3(n, out_ch, blk):
    def body(degp_ref, a0_ref, a1_ref, g2_ref, b2_ref, out_ref):
        deg = degp_ref[:, 0] + degp_ref[:, 1] + 1.0
        dinv = lax.rsqrt(deg)[:, None]
        agg = a0_ref[...] + a1_ref[...] + g2_ref[...]
        o = agg * dinv + b2_ref[0]
        m = jnp.max(o, axis=1, keepdims=True)
        e = jnp.exp(o - m)
        s = jnp.sum(e, axis=1, keepdims=True)
        out_ref[...] = o - m - jnp.log(s)

    return pl.pallas_call(
        body,
        grid=(n // blk,),
        in_specs=[
            pl.BlockSpec((blk, 2), lambda i: (i, 0)),
            pl.BlockSpec((blk, out_ch), lambda i: (i, 0)),
            pl.BlockSpec((blk, out_ch), lambda i: (i, 0)),
            pl.BlockSpec((blk, out_ch), lambda i: (i, 0)),
            pl.BlockSpec((1, out_ch), lambda i: (0, 0)),
        ],
        out_specs=pl.BlockSpec((blk, out_ch), lambda i: (i, 0)),
        out_shape=jax.ShapeDtypeStruct((n, out_ch), jnp.float32),
    )


def kernel(x, edge_index, W1, b1, W2, b2):
    n, in_ch = x.shape
    mid = W1.shape[1]
    out_ch = W2.shape[1]
    n_edges = edge_index.shape[1]

    ei = edge_index.astype(jnp.int32)
    k_tot = -(-n_edges // (2 * _SUBC * _LANES)) * 2
    k0 = max(_NBUF, int(round(k_tot * _CORE0_FRAC / _NBUF)) * _NBUF)
    k1 = max(_NBUF, -(-(k_tot - k0) // _NBUF) * _NBUF)
    e0 = _SUBC * k0 * _LANES
    e_pad = e0 + _SUBC * k1 * _LANES
    pad = e_pad - n_edges
    n_acc = ((n + 1 + 127) // 128) * 128

    junk = n + (jnp.arange(pad, dtype=jnp.int32) % (n_acc - n))
    src = jnp.concatenate([ei[0], jnp.zeros((pad,), jnp.int32)])
    dst = jnp.concatenate([ei[1], junk])
    src0 = src[:e0].reshape(_SUBC, k0, _LANES)
    dst0 = dst[:e0].reshape(_SUBC, k0, _LANES)
    src1 = src[e0:].reshape(_SUBC, k1, _LANES)
    dst1 = dst[e0:].reshape(_SUBC, k1, _LANES)

    zr = n_acc // _SUBC
    ones = jnp.ones((_LANES,), jnp.float32)
    d0, d1 = _make_deg(k0, k1, n_acc)(dst0, dst1, ones,
                                      jnp.zeros((zr,), jnp.float32))
    degp2 = jnp.stack([d0[:n], d1[:n]], axis=1)

    g1 = _make_tc1(n, in_ch, mid, _ROW_BLK)(degp2, x, W1)
    a0, a1 = _make_agg(k0, k1, n_acc, mid)(
        g1, src0, dst0, src1, dst1, jnp.zeros((zr, mid), jnp.float32))
    g2 = _make_tc2(n, mid, out_ch, _ROW_BLK)(
        degp2, a0, a1, g1, b1.reshape(1, -1), W2)
    a0, a1 = _make_agg(k0, k1, n_acc, out_ch)(
        g2, src0, dst0, src1, dst1, jnp.zeros((zr, out_ch), jnp.float32))
    return _make_tc3(n, out_ch, _ROW_BLK)(
        degp2, a0, a1, g2, b2.reshape(1, -1))

# --- scband reference (transcript-rebuilt; emitter-appended) ---
"""Pipeline reference for scband-gcn-22668837388509 (READ-ONLY COPY).

The authoritative reference and input builder live on the scoring server;
editing this copy changes nothing except your own understanding.
"""

import jax, jax.numpy as jnp
import numpy as np

N_NODES = 10000
N_EDGES = 320000
IN_CH = 128
MID_CH = 16
OUT_CH = 40


def setup_inputs(seed: int = 0) -> dict:
    key = jax.random.key(seed)
    k1, k2, k3, k4, k5, k6 = jax.random.split(key, 6)
    x = jax.random.normal(k1, (N_NODES, IN_CH), dtype=jnp.float32)
    edge_index = jax.random.randint(k2, (2, N_EDGES), 0, N_NODES, dtype=jnp.int64)
    # Glorot-style init for linear weights (as in PyG GCNConv), zeros for bias
    s1 = 1.0 / np.sqrt(IN_CH)
    s2 = 1.0 / np.sqrt(MID_CH)
    W1 = jax.random.uniform(k3, (IN_CH, MID_CH), dtype=jnp.float32, minval=-s1, maxval=s1)
    b1 = jnp.zeros((MID_CH,), dtype=jnp.float32)
    W2 = jax.random.uniform(k4, (MID_CH, OUT_CH), dtype=jnp.float32, minval=-s2, maxval=s2)
    b2 = jnp.zeros((OUT_CH,), dtype=jnp.float32)
    return {"x": x, "edge_index": edge_index, "W1": W1, "b1": b1, "W2": W2, "b2": b2}


def _gcn_conv(x, src, dst, norm, W, b, n_nodes):
    # linear transform first (PyG GCNConv order), then normalized aggregation
    h = x @ W
    msg = h[src] * norm[:, None]
    out = jnp.zeros((n_nodes, h.shape[1]), dtype=h.dtype).at[dst].add(msg)
    return out + b


def reference(x, edge_index, W1, b1, W2, b2):
    edge_index = edge_index.astype(jnp.int64)
    n_nodes = x.shape[0]
    # add self loops
    loop = jnp.arange(n_nodes, dtype=edge_index.dtype)
    src = jnp.concatenate([edge_index[0], loop])
    dst = jnp.concatenate([edge_index[1], loop])
    # symmetric normalization D^{-1/2} (A+I) D^{-1/2}
    deg = jnp.zeros((n_nodes,), dtype=x.dtype).at[dst].add(1.0)
    deg_inv_sqrt = jnp.where(deg > 0, jax.lax.rsqrt(jnp.maximum(deg, 1e-12)), 0.0)
    norm = deg_inv_sqrt[src] * deg_inv_sqrt[dst]

    h = _gcn_conv(x, src, dst, norm, W1, b1, n_nodes)
    h = jax.nn.relu(h)
    h = _gcn_conv(h, src, dst, norm, W2, b2, n_nodes)
    return jax.nn.log_softmax(h, axis=1)

if __name__ == "__main__":
    import jax
    _d = setup_inputs()
    print(jax.jit(kernel)(*tuple(_d.values())))

</pallas_src>

<mosaic_0001>
#map = affine_map<(d0, d1) -> (0, 0, 0)>
#map1 = affine_map<(d0, d1) -> (0)>
module attributes {stable_mosaic.version = 14 : i64} {
  func.func @deg_kernel(%arg0: i32, %arg1: i32, %arg2: memref<16x120x128xi32, #tpu.memory_space<hbm>>, %arg3: memref<16x40x128xi32, #tpu.memory_space<hbm>>, %arg4: memref<128xf32, #tpu.memory_space<hbm>>, %arg5: memref<632xf32, #tpu.memory_space<hbm>>, %arg6: memref<10112xf32, #tpu.memory_space<hbm>>, %arg7: memref<10112xf32, #tpu.memory_space<hbm>>, %arg8: memref<120x128xi32, #tpu.memory_space<vmem>>, %arg9: memref<128xf32, #tpu.memory_space<vmem>>, %arg10: memref<632xf32, #tpu.memory_space<vmem>>, %arg11: memref<10112xf32, #tpu.memory_space<vmem_shared>>) attributes {dimension_semantics = [#tpu.dimension_semantics<core_parallel>, #tpu.dimension_semantics<subcore_parallel>], iteration_bounds = array<i64: 2, 16>, scalar_prefetch = 0 : i64, scratch_operands = 4 : i64, tpu.core_type = #tpu.core_type<sc_vector_subcore>, window_params = [{transform_indices = #map}, {transform_indices = #map}, {transform_indices = #map1}, {transform_indices = #map1}, {transform_indices = #map1}, {transform_indices = #map1}]} {
    "tpu.region"() ({
      %run_scoped3A = tpu.sem_alloc : memref<!tpu.dma_semaphore, #tpu.memory_space<semaphore_mem>>
      tpu.enqueue_dma source(%arg5 : memref<632xf32, #tpu.memory_space<hbm>>) target(%arg10 : memref<632xf32, #tpu.memory_space<vmem>>) target_semaphore(%run_scoped3A : memref<!tpu.dma_semaphore, #tpu.memory_space<semaphore_mem>>)
      tpu.wait_dma2 semaphore(%run_scoped3A : memref<!tpu.dma_semaphore, #tpu.memory_space<semaphore_mem>>) src(%arg5 : memref<632xf32, #tpu.memory_space<hbm>>) dst(%arg10 : memref<632xf32, #tpu.memory_space<vmem>>)
      tpu.yield
    }) : () -> ()
    %mul3A = arith.constant 632 : i32
    %mul3A_0 = arith.muli %arg1, %mul3A : i32
    "tpu.region"() ({
      %run_scoped3A = tpu.sem_alloc : memref<!tpu.dma_semaphore, #tpu.memory_space<semaphore_mem>>
      %dma_start3A = tpu.memref_slice %arg11[%mul3A_0] : memref<10112xf32, #tpu.memory_space<vmem_shared>> -> memref<632xf32, #tpu.memory_space<vmem_shared>>
      %dma_start3A_33 = tpu.memref_slice %arg11[%mul3A_0] : memref<10112xf32, #tpu.memory_space<vmem_shared>> -> memref<632xf32, #tpu.memory_space<vmem_shared>>
      tpu.enqueue_dma source(%arg10 : memref<632xf32, #tpu.memory_space<vmem>>) target(%dma_start3A_33 : memref<632xf32, #tpu.memory_space<vmem_shared>>) target_semaphore(%run_scoped3A : memref<!tpu.dma_semaphore, #tpu.memory_space<semaphore_mem>>)
      %dma_wait3A = tpu.memref_slice %arg11[%mul3A_0] : memref<10112xf32, #tpu.memory_space<vmem_shared>> -> memref<632xf32, #tpu.memory_space<vmem_shared>>
      %dma_wait3A_34 = tpu.memref_slice %arg11[%mul3A_0] : memref<10112xf32, #tpu.memory_space<vmem_shared>> -> memref<632xf32, #tpu.memory_space<vmem_shared>>
      tpu.wait_dma2 semaphore(%run_scoped3A : memref<!tpu.dma_semaphore, #tpu.memory_space<semaphore_mem>>) src(%arg10 : memref<632xf32, #tpu.memory_space<vmem>>) dst(%dma_wait3A_34 : memref<632xf32, #tpu.memory_space<vmem_shared>>)
      tpu.yield
    }) : () -> ()
    %eq3A = arith.constant 0 : i32
    %eq3A_1 = arith.cmpi eq, %arg0, %eq3A : i32
    %convert_element_type3A = arith.extui %eq3A_1 : i1 to i32
    %cond3A = arith.constant 0 : i32
    %cond3A_2 = arith.cmpi ne, %convert_element_type3A, %cond3A : i32
    scf.if %cond3A_2 {
      "tpu.region"() ({
        %run_scoped3A = tpu.sem_alloc : memref<!tpu.dma_semaphore, #tpu.memory_space<semaphore_mem>>
        %dma_start3A = arith.constant 0 : i32
        %dma_start3A_33 = arith.constant 0 : i32
        %dma_start3A_34 = tpu.memref_slice %arg8[%dma_start3A, %dma_start3A_33] : memref<120x128xi32, #tpu.memory_space<vmem>> -> memref<120x128xi32, #tpu.memory_space<vmem>>
        %dma_start3A_35 = arith.constant 0 : i32
        %dma_start3A_36 = arith.constant 0 : i32
        %dma_start3A_37 = tpu.memref_slice %arg2[%arg1, %dma_start3A_35, %dma_start3A_36] : memref<16x120x128xi32, #tpu.memory_space<hbm>> -> memref<1x120x128xi32, #tpu.memory_space<hbm>>
        %dma_start3A_38 = tpu.memref_squeeze %dma_start3A_37 : memref<1x120x128xi32, #tpu.memory_space<hbm>> -> memref<120x128xi32, #tpu.memory_space<hbm>>
        %dma_start3A_39 = arith.constant 0 : i32
        %dma_start3A_40 = arith.constant 0 : i32
        %dma_start3A_41 = tpu.memref_slice %arg8[%dma_start3A_39, %dma_start3A_40] : memref<120x128xi32, #tpu.memory_space<vmem>> -> memref<120x128xi32, #tpu.memory_space<vmem>>
        %dma_start3A_42 = arith.constant 0 : i32
        %dma_start3A_43 = arith.constant 0 : i32
        %dma_start3A_44 = tpu.memref_slice %arg2[%arg1, %dma_start3A_42, %dma_start3A_43] : memref<16x120x128xi32, #tpu.memory_space<hbm>> -> memref<1x120x128xi32, #tpu.memory_space<hbm>>
        %dma_start3A_45 = tpu.memref_squeeze %dma_start3A_44 : memref<1x120x128xi32, #tpu.memory_space<hbm>> -> memref<120x128xi32, #tpu.memory_space<hbm>>
        tpu.enqueue_dma source(%dma_start3A_45 : memref<120x128xi32, #tpu.memory_space<hbm>>) target(%dma_start3A_41 : memref<120x128xi32, #tpu.memory_space<vmem>>) target_semaphore(%run_scoped3A : memref<!tpu.dma_semaphore, #tpu.memory_space<semaphore_mem>>)
        %dma_wait3A = arith.constant 0 : i32
        %dma_wait3A_46 = arith.constant 0 : i32
        %dma_wait3A_47 = tpu.memref_slice %arg8[%dma_wait3A, %dma_wait3A_46] : memref<120x128xi32, #tpu.memory_space<vmem>> -> memref<120x128xi32, #tpu.memory_space<vmem>>
        %dma_wait3A_48 = arith.constant 0 : i32
        %dma_wait3A_49 = arith.constant 0 : i32
        %dma_wait3A_50 = tpu.memref_slice %arg2[%arg1, %dma_wait3A_48, %dma_wait3A_49] : memref<16x120x128xi32, #tpu.memory_space<hbm>> -> memref<1x120x128xi32, #tpu.memory_space<hbm>>
        %dma_wait3A_51 = tpu.memref_squeeze %dma_wait3A_50 : memref<1x120x128xi32, #tpu.memory_space<hbm>> -> memref<120x128xi32, #tpu.memory_space<hbm>>
        %dma_wait3A_52 = arith.constant 0 : i32
        %dma_wait3A_53 = arith.constant 0 : i32
        %dma_wait3A_54 = tpu.memref_slice %arg8[%dma_wait3A_52, %dma_wait3A_53] : memref<120x128xi32, #tpu.memory_space<vmem>> -> memref<120x128xi32, #tpu.memory_space<vmem>>
        %dma_wait3A_55 = arith.constant 0 : i32
        %dma_wait3A_56 = arith.constant 0 : i32
        %dma_wait3A_57 = tpu.memref_slice %arg2[%arg1, %dma_wait3A_55, %dma_wait3A_56] : memref<16x120x128xi32, #tpu.memory_space<hbm>> -> memref<1x120x128xi32, #tpu.memory_space<hbm>>
        %dma_wait3A_58 = tpu.memref_squeeze %dma_wait3A_57 : memref<1x120x128xi32, #tpu.memory_space<hbm>> -> memref<120x128xi32, #tpu.memory_space<hbm>>
        tpu.wait_dma2 semaphore(%run_scoped3A : memref<!tpu.dma_semaphore, #tpu.memory_space<semaphore_mem>>) src(%dma_wait3A_58 : memref<120x128xi32, #tpu.memory_space<hbm>>) dst(%dma_wait3A_54 : memref<120x128xi32, #tpu.memory_space<vmem>>)
        tpu.yield
      }) : () -> ()
    } else {
    }
    %eq3A_3 = arith.constant 1 : i32
    %eq3A_4 = arith.cmpi eq, %arg0, %eq3A_3 : i32
    %convert_element_type3A_5 = arith.extui %eq3A_4 : i1 to i32
    %cond3A_6 = arith.constant 0 : i32
    %cond3A_7 = arith.cmpi ne, %convert_element_type3A_5, %cond3A_6 : i32
    scf.if %cond3A_7 {
      "tpu.region"() ({
        %run_scoped3A = tpu.sem_alloc : memref<!tpu.dma_semaphore, #tpu.memory_space<semaphore_mem>>
        %dma_start3A = arith.constant 0 : i32
        %dma_start3A_33 = arith.constant 0 : i32
        %dma_start3A_34 = tpu.memref_slice %arg8[%dma_start3A, %dma_start3A_33] : memref<120x128xi32, #tpu.memory_space<vmem>> -> memref<40x128xi32, #tpu.memory_space<vmem>>
        %dma_start3A_35 = arith.constant 0 : i32
        %dma_start3A_36 = arith.constant 0 : i32
        %dma_start3A_37 = tpu.memref_slice %arg3[%arg1, %dma_start3A_35, %dma_start3A_36] : memref<16x40x128xi32, #tpu.memory_space<hbm>> -> memref<1x40x128xi32, #tpu.memory_space<hbm>>
        %dma_start3A_38 = tpu.memref_squeeze %dma_start3A_37 : memref<1x40x128xi32, #tpu.memory_space<hbm>> -> memref<40x128xi32, #tpu.memory_space<hbm>>
        %dma_start3A_39 = arith.constant 0 : i32
        %dma_start3A_40 = arith.constant 0 : i32
        %dma_start3A_41 = tpu.memref_slice %arg8[%dma_start3A_39, %dma_start3A_40] : memref<120x128xi32, #tpu.memory_space<vmem>> -> memref<40x128xi32, #tpu.memory_space<vmem>>
        %dma_start3A_42 = arith.constant 0 : i32
        %dma_start3A_43 = arith.constant 0 : i32
        %dma_start3A_44 = tpu.memref_slice %arg3[%arg1, %dma_start3A_42, %dma_start3A_43] : memref<16x40x128xi32, #tpu.memory_space<hbm>> -> memref<1x40x128xi32, #tpu.memory_space<hbm>>
        %dma_start3A_45 = tpu.memref_squeeze %dma_start3A_44 : memref<1x40x128xi32, #tpu.memory_space<hbm>> -> memref<40x128xi32, #tpu.memory_space<hbm>>
        tpu.enqueue_dma source(%dma_start3A_45 : memref<40x128xi32, #tpu.memory_space<hbm>>) target(%dma_start3A_41 : memref<40x128xi32, #tpu.memory_space<vmem>>) target_semaphore(%run_scoped3A : memref<!tpu.dma_semaphore, #tpu.memory_space<semaphore_mem>>)
        %dma_wait3A = arith.constant 0 : i32
        %dma_wait3A_46 = arith.constant 0 : i32
        %dma_wait3A_47 = tpu.memref_slice %arg8[%dma_wait3A, %dma_wait3A_46] : memref<120x128xi32, #tpu.memory_space<vmem>> -> memref<40x128xi32, #tpu.memory_space<vmem>>
        %dma_wait3A_48 = arith.constant 0 : i32
        %dma_wait3A_49 = arith.constant 0 : i32
        %dma_wait3A_50 = tpu.memref_slice %arg3[%arg1, %dma_wait3A_48, %dma_wait3A_49] : memref<16x40x128xi32, #tpu.memory_space<hbm>> -> memref<1x40x128xi32, #tpu.memory_space<hbm>>
        %dma_wait3A_51 = tpu.memref_squeeze %dma_wait3A_50 : memref<1x40x128xi32, #tpu.memory_space<hbm>> -> memref<40x128xi32, #tpu.memory_space<hbm>>
        %dma_wait3A_52 = arith.constant 0 : i32
        %dma_wait3A_53 = arith.constant 0 : i32
        %dma_wait3A_54 = tpu.memref_slice %arg8[%dma_wait3A_52, %dma_wait3A_53] : memref<120x128xi32, #tpu.memory_space<vmem>> -> memref<40x128xi32, #tpu.memory_space<vmem>>
        %dma_wait3A_55 = arith.constant 0 : i32
        %dma_wait3A_56 = arith.constant 0 : i32
        %dma_wait3A_57 = tpu.memref_slice %arg3[%arg1, %dma_wait3A_55, %dma_wait3A_56] : memref<16x40x128xi32, #tpu.memory_space<hbm>> -> memref<1x40x128xi32, #tpu.memory_space<hbm>>
        %dma_wait3A_58 = tpu.memref_squeeze %dma_wait3A_57 : memref<1x40x128xi32, #tpu.memory_space<hbm>> -> memref<40x128xi32, #tpu.memory_space<hbm>>
        tpu.wait_dma2 semaphore(%run_scoped3A : memref<!tpu.dma_semaphore, #tpu.memory_space<semaphore_mem>>) src(%dma_wait3A_58 : memref<40x128xi32, #tpu.memory_space<hbm>>) dst(%dma_wait3A_54 : memref<40x128xi32, #tpu.memory_space<vmem>>)
        tpu.yield
      }) : () -> ()
    } else {
    }
    "tpu.region"() ({
      %run_scoped3A = tpu.sem_alloc : memref<!tpu.dma_semaphore, #tpu.memory_space<semaphore_mem>>
      tpu.enqueue_dma source(%arg4 : memref<128xf32, #tpu.memory_space<hbm>>) target(%arg9 : memref<128xf32, #tpu.memory_space<vmem>>) target_semaphore(%run_scoped3A : memref<!tpu.dma_semaphore, #tpu.memory_space<semaphore_mem>>)
      tpu.wait_dma2 semaphore(%run_scoped3A : memref<!tpu.dma_semaphore, #tpu.memory_space<semaphore_mem>>) src(%arg4 : memref<128xf32, #tpu.memory_space<hbm>>) dst(%arg9 : memref<128xf32, #tpu.memory_space<vmem>>)
      tpu.yield
    }) : () -> ()
    %eq3A_8 = arith.constant 0 : i32
    %eq3A_9 = arith.cmpi eq, %arg0, %eq3A_8 : i32
    %jit3A = arith.constant 120 : i32
    %jit3A_10 = arith.constant 40 : i32
    %select_n3A = arith.select %eq3A_9, %jit3A, %jit3A_10 : i32
    %barrier3A = arith.constant 0 : index
    tpu.barrier barrier_id(%barrier3A)
    %while3A = arith.constant 0 : i32
    %while3A_11 = arith.constant 0 : i32
    %while3A_12 = arith.subi %select_n3A, %while3A_11 : i32
    %while3A_13 = arith.addi %while3A_11, %while3A_12 : i32
    %while3A_14 = arith.constant 1 : i32
    %while3A_15 = arith.divsi %while3A_12, %while3A_14 : i32
    %while3A_16 = arith.muli %while3A_15, %while3A_14 : i32
    %while3A_17 = arith.addi %while3A_11, %while3A_16 : i32
    %while3A_18 = arith.constant 1 : i32
    scf.for %while3A_33 = %while3A_11 to %while3A_17 step %while3A_18  : i32 {
      "tpu.region"() ({
        %run_scoped3A = tpu.sem_alloc : memref<!tpu.dma_semaphore, #tpu.memory_space<semaphore_mem>>
        %dma_start3A = arith.constant 0 : i32
        %dma_start3A_34 = tpu.memref_slice %arg8[%while3A_33, %dma_start3A] : memref<120x128xi32, #tpu.memory_space<vmem>> -> memref<1x128xi32, #tpu.memory_space<vmem>>
        %dma_start3A_35 = tpu.memref_squeeze %dma_start3A_34 : memref<1x128xi32, #tpu.memory_space<vmem>> -> memref<128xi32, #tpu.memory_space<vmem>>
        %dma_start3A_36 = arith.constant 0 : i32
        %dma_start3A_37 = tpu.memref_slice %arg11[%dma_start3A_36] : memref<10112xf32, #tpu.memory_space<vmem_shared>> -> memref<10112xf32, #tpu.memory_space<vmem_shared>>
        tpu.enqueue_indirect_dma source(%arg9 : memref<128xf32, #tpu.memory_space<vmem>>) target(%dma_start3A_37 : memref<10112xf32, #tpu.memory_space<vmem_shared>>) offsets(%dma_start3A_35 : memref<128xi32, #tpu.memory_space<vmem>>) semaphore(%run_scoped3A : memref<!tpu.dma_semaphore, #tpu.memory_space<semaphore_mem>>) {add = true}
        %dma_wait3A = arith.constant 0 : i32
        %dma_wait3A_38 = tpu.memref_slice %arg8[%while3A_33, %dma_wait3A] : memref<120x128xi32, #tpu.memory_space<vmem>> -> memref<1x128xi32, #tpu.memory_space<vmem>>
        %dma_wait3A_39 = tpu.memref_squeeze %dma_wait3A_38 : memref<1x128xi32, #tpu.memory_space<vmem>> -> memref<128xi32, #tpu.memory_space<vmem>>
        %dma_wait3A_40 = arith.constant 0 : i32
        %dma_wait3A_41 = tpu.memref_slice %arg11[%dma_wait3A_40] : memref<10112xf32, #tpu.memory_space<vmem_shared>> -> memref<10112xf32, #tpu.memory_space<vmem_shared>>
        tpu.wait_indirect_dma semaphore(%run_scoped3A : memref<!tpu.dma_semaphore, #tpu.memory_space<semaphore_mem>>) src(%arg9 : memref<128xf32, #tpu.memory_space<vmem>>) dst(%dma_wait3A_41 : memref<10112xf32, #tpu.memory_space<vmem_shared>>)
        tpu.yield
      }) : () -> ()
    }
    %while3A_19 = arith.constant 1 : i32
    scf.for %while3A_33 = %while3A_17 to %while3A_13 step %while3A_19  : i32 {
      "tpu.region"() ({
        %run_scoped3A = tpu.sem_alloc : memref<!tpu.dma_semaphore, #tpu.memory_space<semaphore_mem>>
        %dma_start3A = arith.constant 0 : i32
        %dma_start3A_34 = tpu.memref_slice %arg8[%while3A_33, %dma_start3A] : memref<120x128xi32, #tpu.memory_space<vmem>> -> memref<1x128xi32, #tpu.memory_space<vmem>>
        %dma_start3A_35 = tpu.memref_squeeze %dma_start3A_34 : memref<1x128xi32, #tpu.memory_space<vmem>> -> memref<128xi32, #tpu.memory_space<vmem>>
        %dma_start3A_36 = arith.constant 0 : i32
        %dma_start3A_37 = tpu.memref_slice %arg11[%dma_start3A_36] : memref<10112xf32, #tpu.memory_space<vmem_shared>> -> memref<10112xf32, #tpu.memory_space<vmem_shared>>
        tpu.enqueue_indirect_dma source(%arg9 : memref<128xf32, #tpu.memory_space<vmem>>) target(%dma_start3A_37 : memref<10112xf32, #tpu.memory_space<vmem_shared>>) offsets(%dma_start3A_35 : memref<128xi32, #tpu.memory_space<vmem>>) semaphore(%run_scoped3A : memref<!tpu.dma_semaphore, #tpu.memory_space<semaphore_mem>>) {add = true}
        %dma_wait3A = arith.constant 0 : i32
        %dma_wait3A_38 = tpu.memref_slice %arg8[%while3A_33, %dma_wait3A] : memref<120x128xi32, #tpu.memory_space<vmem>> -> memref<1x128xi32, #tpu.memory_space<vmem>>
        %dma_wait3A_39 = tpu.memref_squeeze %dma_wait3A_38 : memref<1x128xi32, #tpu.memory_space<vmem>> -> memref<128xi32, #tpu.memory_space<vmem>>
        %dma_wait3A_40 = arith.constant 0 : i32
        %dma_wait3A_41 = tpu.memref_slice %arg11[%dma_wait3A_40] : memref<10112xf32, #tpu.memory_space<vmem_shared>> -> memref<10112xf32, #tpu.memory_space<vmem_shared>>
        tpu.wait_indirect_dma semaphore(%run_scoped3A : memref<!tpu.dma_semaphore, #tpu.memory_space<semaphore_mem>>) src(%arg9 : memref<128xf32, #tpu.memory_space<vmem>>) dst(%dma_wait3A_41 : memref<10112xf32, #tpu.memory_space<vmem_shared>>)
        tpu.yield
      }) : () -> ()
    }
    %barrier3A_20 = arith.constant 0 : index
    tpu.barrier barrier_id(%barrier3A_20)
    %mul3A_21 = arith.constant 632 : i32
    %mul3A_22 = arith.muli %arg1, %mul3A_21 : i32
    "tpu.region"() ({
      %run_scoped3A = tpu.sem_alloc : memref<!tpu.dma_semaphore, #tpu.memory_space<semaphore_mem>>
      %dma_start3A = tpu.memref_slice %arg11[%mul3A_22] : memref<10112xf32, #tpu.memory_space<vmem_shared>> -> memref<632xf32, #tpu.memory_space<vmem_shared>>
      %dma_start3A_33 = tpu.memref_slice %arg11[%mul3A_22] : memref<10112xf32, #tpu.memory_space<vmem_shared>> -> memref<632xf32, #tpu.memory_space<vmem_shared>>
      tpu.enqueue_dma source(%dma_start3A_33 : memref<632xf32, #tpu.memory_space<vmem_shared>>) target(%arg10 : memref<632xf32, #tpu.memory_space<vmem>>) target_semaphore(%run_scoped3A : memref<!tpu.dma_semaphore, #tpu.memory_space<semaphore_mem>>)
      %dma_wait3A = tpu.memref_slice %arg11[%mul3A_22] : memref<10112xf32, #tpu.memory_space<vmem_shared>> -> memref<632xf32, #tpu.memory_space<vmem_shared>>
      %dma_wait3A_34 = tpu.memref_slice %arg11[%mul3A_22] : memref<10112xf32, #tpu.memory_space<vmem_shared>> -> memref<632xf32, #tpu.memory_space<vmem_shared>>
      tpu.wait_dma2 semaphore(%run_scoped3A : memref<!tpu.dma_semaphore, #tpu.memory_space<semaphore_mem>>) src(%dma_wait3A_34 : memref<632xf32, #tpu.memory_space<vmem_shared>>) dst(%arg10 : memref<632xf32, #tpu.memory_space<vmem>>)
      tpu.yield
    }) : () -> ()
    %eq3A_23 = arith.constant 0 : i32
    %eq3A_24 = arith.cmpi eq, %arg0, %eq3A_23 : i32
    %convert_element_type3A_25 = arith.extui %eq3A_24 : i1 to i32
    %cond3A_26 = arith.constant 0 : i32
    %cond3A_27 = arith.cmpi ne, %convert_element_type3A_25, %cond3A_26 : i32
    scf.if %cond3A_27 {
      %mul3A_33 = arith.constant 632 : i32
      %mul3A_34 = arith.muli %arg1, %mul3A_33 : i32
      "tpu.region"() ({
        %run_scoped3A = tpu.sem_alloc : memref<!tpu.dma_semaphore, #tpu.memory_space<semaphore_mem>>
        %dma_start3A = tpu.memref_slice %arg6[%mul3A_34] : memref<10112xf32, #tpu.memory_space<hbm>> -> memref<632xf32, #tpu.memory_space<hbm>>
        %dma_start3A_35 = tpu.memref_slice %arg6[%mul3A_34] : memref<10112xf32, #tpu.memory_space<hbm>> -> memref<632xf32, #tpu.memory_space<hbm>>
        tpu.enqueue_dma source(%arg10 : memref<632xf32, #tpu.memory_space<vmem>>) target(%dma_start3A_35 : memref<632xf32, #tpu.memory_space<hbm>>) target_semaphore(%run_scoped3A : memref<!tpu.dma_semaphore, #tpu.memory_space<semaphore_mem>>)
        %dma_wait3A = tpu.memref_slice %arg6[%mul3A_34] : memref<10112xf32, #tpu.memory_space<hbm>> -> memref<632xf32, #tpu.memory_space<hbm>>
        %dma_wait3A_36 = tpu.memref_slice %arg6[%mul3A_34] : memref<10112xf32, #tpu.memory_space<hbm>> -> memref<632xf32, #tpu.memory_space<hbm>>
        tpu.wait_dma2 semaphore(%run_scoped3A : memref<!tpu.dma_semaphore, #tpu.memory_space<semaphore_mem>>) src(%arg10 : memref<632xf32, #tpu.memory_space<vmem>>) dst(%dma_wait3A_36 : memref<632xf32, #tpu.memory_space<hbm>>)
        tpu.yield
      }) : () -> ()
    } else {
    }
    %eq3A_28 = arith.constant 1 : i32
    %eq3A_29 = arith.cmpi eq, %arg0, %eq3A_28 : i32
    %convert_element_type3A_30 = arith.extui %eq3A_29 : i1 to i32
    %cond3A_31 = arith.constant 0 : i32
    %cond3A_32 = arith.cmpi ne, %convert_element_type3A_30, %cond3A_31 : i32
    scf.if %cond3A_32 {
      %mul3A_33 = arith.constant 632 : i32
      %mul3A_34 = arith.muli %arg1, %mul3A_33 : i32
      "tpu.region"() ({
        %run_scoped3A = tpu.sem_alloc : memref<!tpu.dma_semaphore, #tpu.memory_space<semaphore_mem>>
        %dma_start3A = tpu.memref_slice %arg7[%mul3A_34] : memref<10112xf32, #tpu.memory_space<hbm>> -> memref<632xf32, #tpu.memory_space<hbm>>
        %dma_start3A_35 = tpu.memref_slice %arg7[%mul3A_34] : memref<10112xf32, #tpu.memory_space<hbm>> -> memref<632xf32, #tpu.memory_space<hbm>>
        tpu.enqueue_dma source(%arg10 : memref<632xf32, #tpu.memory_space<vmem>>) target(%dma_start3A_35 : memref<632xf32, #tpu.memory_space<hbm>>) target_semaphore(%run_scoped3A : memref<!tpu.dma_semaphore, #tpu.memory_space<semaphore_mem>>)
        %dma_wait3A = tpu.memref_slice %arg7[%mul3A_34] : memref<10112xf32, #tpu.memory_space<hbm>> -> memref<632xf32, #tpu.memory_space<hbm>>
        %dma_wait3A_36 = tpu.memref_slice %arg7[%mul3A_34] : memref<10112xf32, #tpu.memory_space<hbm>> -> memref<632xf32, #tpu.memory_space<hbm>>
        tpu.wait_dma2 semaphore(%run_scoped3A : memref<!tpu.dma_semaphore, #tpu.memory_space<semaphore_mem>>) src(%arg10 : memref<632xf32, #tpu.memory_space<vmem>>) dst(%dma_wait3A_36 : memref<632xf32, #tpu.memory_space<hbm>>)
        tpu.yield
      }) : () -> ()
    } else {
    }
    return
  }
}

#map = affine_map<(d0, d1) -> (0, 0)>
#map1 = affine_map<(d0, d1) -> (0, 0, 0)>
module attributes {stable_mosaic.version = 14 : i64} {
  func.func @agg_kernel(%arg0: i32, %arg1: i32, %arg2: memref<10000x40xf32, #tpu.memory_space<hbm>>, %arg3: memref<16x120x128xi32, #tpu.memory_space<hbm>>, %arg4: memref<16x120x128xi32, #tpu.memory_space<hbm>>, %arg5: memref<16x40x128xi32, #tpu.memory_space<hbm>>, %arg6: memref<16x40x128xi32, #tpu.memory_space<hbm>>, %arg7: memref<632x40xf32, #tpu.memory_space<hbm>>, %arg8: memref<10112x40xf32, #tpu.memory_space<hbm>>, %arg9: memref<10112x40xf32, #tpu.memory_space<hbm>>, %arg10: memref<120x128xi32, #tpu.memory_space<vmem>>, %arg11: memref<120x128xi32, #tpu.memory_space<vmem>>, %arg12: memref<8x128x40xf32, #tpu.memory_space<vmem>>, %arg13: memref<632x40xf32, #tpu.memory_space<vmem>>, %arg14: memref<10112x40xf32, #tpu.memory_space<vmem_shared>>, %arg15: memref<8x!tpu.dma_semaphore, #tpu.memory_space<semaphore_mem>>) attributes {dimension_semantics = [#tpu.dimension_semantics<core_parallel>, #tpu.dimension_semantics<subcore_parallel>], iteration_bounds = array<i64: 2, 16>, scalar_prefetch = 0 : i64, scratch_operands = 6 : i64, tpu.core_type = #tpu.core_type<sc_vector_subcore>, window_params = [{transform_indices = #map}, {transform_indices = #map1}, {transform_indices = #map1}, {transform_indices = #map1}, {transform_indices = #map1}, {transform_indices = #map}, {transform_indices = #map}, {transform_indices = #map}]} {
    "tpu.region"() ({
      %run_scoped3A = tpu.sem_alloc : memref<!tpu.dma_semaphore, #tpu.memory_space<semaphore_mem>>
      tpu.enqueue_dma source(%arg7 : memref<632x40xf32, #tpu.memory_space<hbm>>) target(%arg13 : memref<632x40xf32, #tpu.memory_space<vmem>>) target_semaphore(%run_scoped3A : memref<!tpu.dma_semaphore, #tpu.memory_space<semaphore_mem>>)
      tpu.wait_dma2 semaphore(%run_scoped3A : memref<!tpu.dma_semaphore, #tpu.memory_space<semaphore_mem>>) src(%arg7 : memref<632x40xf32, #tpu.memory_space<hbm>>) dst(%arg13 : memref<632x40xf32, #tpu.memory_space<vmem>>)
      tpu.yield
    }) : () -> ()
    %mul3A = arith.constant 632 : i32
    %mul3A_0 = arith.muli %arg1, %mul3A : i32
    "tpu.region"() ({
      %run_scoped3A = tpu.sem_alloc : memref<!tpu.dma_semaphore, #tpu.memory_space<semaphore_mem>>
      %dma_start3A_170 = arith.constant 0 : i32
      %dma_start3A_171 = tpu.memref_slice %arg14[%mul3A_0, %dma_start3A_170] : memref<10112x40xf32, #tpu.memory_space<vmem_shared>> -> memref<632x40xf32, #tpu.memory_space<vmem_shared>>
      %dma_start3A_172 = arith.constant 0 : i32
      %dma_start3A_173 = tpu.memref_slice %arg14[%mul3A_0, %dma_start3A_172] : memref<10112x40xf32, #tpu.memory_space<vmem_shared>> -> memref<632x40xf32, #tpu.memory_space<vmem_shared>>
      tpu.enqueue_dma source(%arg13 : memref<632x40xf32, #tpu.memory_space<vmem>>) target(%dma_start3A_173 : memref<632x40xf32, #tpu.memory_space<vmem_shared>>) target_semaphore(%run_scoped3A : memref<!tpu.dma_semaphore, #tpu.memory_space<semaphore_mem>>)
      %dma_wait3A = arith.constant 0 : i32
      %dma_wait3A_174 = tpu.memref_slice %arg14[%mul3A_0, %dma_wait3A] : memref<10112x40xf32, #tpu.memory_space<vmem_shared>> -> memref<632x40xf32, #tpu.memory_space<vmem_shared>>
      %dma_wait3A_175 = arith.constant 0 : i32
      %dma_wait3A_176 = tpu.memref_slice %arg14[%mul3A_0, %dma_wait3A_175] : memref<10112x40xf32, #tpu.memory_space<vmem_shared>> -> memref<632x40xf32, #tpu.memory_space<vmem_shared>>
      tpu.wait_dma2 semaphore(%run_scoped3A : memref<!tpu.dma_semaphore, #tpu.memory_space<semaphore_mem>>) src(%arg13 : memref<632x40xf32, #tpu.memory_space<vmem>>) dst(%dma_wait3A_176 : memref<632x40xf32, #tpu.memory_space<vmem_shared>>)
      tpu.yield
    }) : () -> ()
    %eq3A = arith.constant 0 : i32
    %eq3A_1 = arith.cmpi eq, %arg0, %eq3A : i32
    %convert_element_type3A = arith.extui %eq3A_1 : i1 to i32
    %cond3A = arith.constant 0 : i32
    %cond3A_2 = arith.cmpi ne, %convert_element_type3A, %cond3A : i32
    scf.if %cond3A_2 {
      "tpu.region"() ({
        %run_scoped3A = tpu.sem_alloc : memref<!tpu.dma_semaphore, #tpu.memory_space<semaphore_mem>>
        %dma_start3A_170 = arith.constant 0 : i32
        %dma_start3A_171 = arith.constant 0 : i32
        %dma_start3A_172 = tpu.memref_slice %arg10[%dma_start3A_170, %dma_start3A_171] : memref<120x128xi32, #tpu.memory_space<vmem>> -> memref<120x128xi32, #tpu.memory_space<vmem>>
        %dma_start3A_173 = arith.constant 0 : i32
        %dma_start3A_174 = arith.constant 0 : i32
        %dma_start3A_175 = tpu.memref_slice %arg3[%arg1, %dma_start3A_173, %dma_start3A_174] : memref<16x120x128xi32, #tpu.memory_space<hbm>> -> memref<1x120x128xi32, #tpu.memory_space<hbm>>
        %dma_start3A_176 = tpu.memref_squeeze %dma_start3A_175 : memref<1x120x128xi32, #tpu.memory_space<hbm>> -> memref<120x128xi32, #tpu.memory_space<hbm>>
        %dma_start3A_177 = arith.constant 0 : i32
        %dma_start3A_178 = arith.constant 0 : i32
        %dma_start3A_179 = tpu.memref_slice %arg10[%dma_start3A_177, %dma_start3A_178] : memref<120x128xi32, #tpu.memory_space<vmem>> -> memref<120x128xi32, #tpu.memory_space<vmem>>
        %dma_start3A_180 = arith.constant 0 : i32
        %dma_start3A_181 = arith.constant 0 : i32
        %dma_start3A_182 = tpu.memref_slice %arg3[%arg1, %dma_start3A_180, %dma_start3A_181] : memref<16x120x128xi32, #tpu.memory_space<hbm>> -> memref<1x120x128xi32, #tpu.memory_space<hbm>>
        %dma_start3A_183 = tpu.memref_squeeze %dma_start3A_182 : memref<1x120x128xi32, #tpu.memory_space<hbm>> -> memref<120x128xi32, #tpu.memory_space<hbm>>
        tpu.enqueue_dma source(%dma_start3A_183 : memref<120x128xi32, #tpu.memory_space<hbm>>) target(%dma_start3A_179 : memref<120x128xi32, #tpu.memory_space<vmem>>) target_semaphore(%run_scoped3A : memref<!tpu.dma_semaphore, #tpu.memory_space<semaphore_mem>>)
        %dma_wait3A = arith.constant 0 : i32
        %dma_wait3A_184 = arith.constant 0 : i32
        %dma_wait3A_185 = tpu.memref_slice %arg10[%dma_wait3A, %dma_wait3A_184] : memref<120x128xi32, #tpu.memory_space<vmem>> -> memref<120x128xi32, #tpu.memory_space<vmem>>
        %dma_wait3A_186 = arith.constant 0 : i32
        %dma_wait3A_187 = arith.constant 0 : i32
        %dma_wait3A_188 = tpu.memref_slice %arg3[%arg1, %dma_wait3A_186, %dma_wait3A_187] : memref<16x120x128xi32, #tpu.memory_space<hbm>> -> memref<1x120x128xi32, #tpu.memory_space<hbm>>
        %dma_wait3A_189 = tpu.memref_squeeze %dma_wait3A_188 : memref<1x120x128xi32, #tpu.memory_space<hbm>> -> memref<120x128xi32, #tpu.memory_space<hbm>>
        %dma_wait3A_190 = arith.constant 0 : i32
        %dma_wait3A_191 = arith.constant 0 : i32
        %dma_wait3A_192 = tpu.memref_slice %arg10[%dma_wait3A_190, %dma_wait3A_191] : memref<120x128xi32, #tpu.memory_space<vmem>> -> memref<120x128xi32, #tpu.memory_space<vmem>>
        %dma_wait3A_193 = arith.constant 0 : i32
        %dma_wait3A_194 = arith.constant 0 : i32
        %dma_wait3A_195 = tpu.memref_slice %arg3[%arg1, %dma_wait3A_193, %dma_wait3A_194] : memref<16x120x128xi32, #tpu.memory_space<hbm>> -> memref<1x120x128xi32, #tpu.memory_space<hbm>>
        %dma_wait3A_196 = tpu.memref_squeeze %dma_wait3A_195 : memref<1x120x128xi32, #tpu.memory_space<hbm>> -> memref<120x128xi32, #tpu.memory_space<hbm>>
        tpu.wait_dma2 semaphore(%run_scoped3A : memref<!tpu.dma_semaphore, #tpu.memory_space<semaphore_mem>>) src(%dma_wait3A_196 : memref<120x128xi32, #tpu.memory_space<hbm>>) dst(%dma_wait3A_192 : memref<120x128xi32, #tpu.memory_space<vmem>>)
        tpu.yield
      }) : () -> ()
      "tpu.region"() ({
        %run_scoped3A = tpu.sem_alloc : memref<!tpu.dma_semaphore, #tpu.memory_space<semaphore_mem>>
        %dma_start3A_170 = arith.constant 0 : i32
        %dma_start3A_171 = arith.constant 0 : i32
        %dma_start3A_172 = tpu.memref_slice %arg11[%dma_start3A_170, %dma_start3A_171] : memref<120x128xi32, #tpu.memory_space<vmem>> -> memref<120x128xi32, #tpu.memory_space<vmem>>
        %dma_start3A_173 = arith.constant 0 : i32
        %dma_start3A_174 = arith.constant 0 : i32
        %dma_start3A_175 = tpu.memref_slice %arg4[%arg1, %dma_start3A_173, %dma_start3A_174] : memref<16x120x128xi32, #tpu.memory_space<hbm>> -> memref<1x120x128xi32, #tpu.memory_space<hbm>>
        %dma_start3A_176 = tpu.memref_squeeze %dma_start3A_175 : memref<1x120x128xi32, #tpu.memory_space<hbm>> -> memref<120x128xi32, #tpu.memory_space<hbm>>
        %dma_start3A_177 = arith.constant 0 : i32
        %dma_start3A_178 = arith.constant 0 : i32
        %dma_start3A_179 = tpu.memref_slice %arg11[%dma_start3A_177, %dma_start3A_178] : memref<120x128xi32, #tpu.memory_space<vmem>> -> memref<120x128xi32, #tpu.memory_space<vmem>>
        %dma_start3A_180 = arith.constant 0 : i32
        %dma_start3A_181 = arith.constant 0 : i32
        %dma_start3A_182 = tpu.memref_slice %arg4[%arg1, %dma_start3A_180, %dma_start3A_181] : memref<16x120x128xi32, #tpu.memory_space<hbm>> -> memref<1x120x128xi32, #tpu.memory_space<hbm>>
        %dma_start3A_183 = tpu.memref_squeeze %dma_start3A_182 : memref<1x120x128xi32, #tpu.memory_space<hbm>> -> memref<120x128xi32, #tpu.memory_space<hbm>>
        tpu.enqueue_dma source(%dma_start3A_183 : memref<120x128xi32, #tpu.memory_space<hbm>>) target(%dma_start3A_179 : memref<120x128xi32, #tpu.memory_space<vmem>>) target_semaphore(%run_scoped3A : memref<!tpu.dma_semaphore, #tpu.memory_space<semaphore_mem>>)
        %dma_wait3A = arith.constant 0 : i32
        %dma_wait3A_184 = arith.constant 0 : i32
        %dma_wait3A_185 = tpu.memref_slice %arg11[%dma_wait3A, %dma_wait3A_184] : memref<120x128xi32, #tpu.memory_space<vmem>> -> memref<120x128xi32, #tpu.memory_space<vmem>>
        %dma_wait3A_186 = arith.constant 0 : i32
        %dma_wait3A_187 = arith.constant 0 : i32
        %dma_wait3A_188 = tpu.memref_slice %arg4[%arg1, %dma_wait3A_186, %dma_wait3A_187] : memref<16x120x128xi32, #tpu.memory_space<hbm>> -> memref<1x120x128xi32, #tpu.memory_space<hbm>>
        %dma_wait3A_189 = tpu.memref_squeeze %dma_wait3A_188 : memref<1x120x128xi32, #tpu.memory_space<hbm>> -> memref<120x128xi32, #tpu.memory_space<hbm>>
        %dma_wait3A_190 = arith.constant 0 : i32
        %dma_wait3A_191 = arith.constant 0 : i32
        %dma_wait3A_192 = tpu.memref_slice %arg11[%dma_wait3A_190, %dma_wait3A_191] : memref<120x128xi32, #tpu.memory_space<vmem>> -> memref<120x128xi32, #tpu.memory_space<vmem>>
        %dma_wait3A_193 = arith.constant 0 : i32
        %dma_wait3A_194 = arith.constant 0 : i32
        %dma_wait3A_195 = tpu.memref_slice %arg4[%arg1, %dma_wait3A_193, %dma_wait3A_194] : memref<16x120x128xi32, #tpu.memory_space<hbm>> -> memref<1x120x128xi32, #tpu.memory_space<hbm>>
        %dma_wait3A_196 = tpu.memref_squeeze %dma_wait3A_195 : memref<1x120x128xi32, #tpu.memory_space<hbm>> -> memref<120x128xi32, #tpu.memory_space<hbm>>
        tpu.wait_dma2 semaphore(%run_scoped3A : memref<!tpu.dma_semaphore, #tpu.memory_space<semaphore_mem>>) src(%dma_wait3A_196 : memref<120x128xi32, #tpu.memory_space<hbm>>) dst(%dma_wait3A_192 : memref<120x128xi32, #tpu.memory_space<vmem>>)
        tpu.yield
      }) : () -> ()
    } else {
    }
    %eq3A_3 = arith.constant 1 : i32
    %eq3A_4 = arith.cmpi eq, %arg0, %eq3A_3 : i32
    %convert_element_type3A_5 = arith.extui %eq3A_4 : i1 to i32
    %cond3A_6 = arith.constant 0 : i32
    %cond3A_7 = arith.cmpi ne, %convert_element_type3A_5, %cond3A_6 : i32
    scf.if %cond3A_7 {
      "tpu.region"() ({
        %run_scoped3A = tpu.sem_alloc : memref<!tpu.dma_semaphore, #tpu.memory_space<semaphore_mem>>
        %dma_start3A_170 = arith.constant 0 : i32
        %dma_start3A_171 = arith.constant 0 : i32
        %dma_start3A_172 = tpu.memref_slice %arg10[%dma_start3A_170, %dma_start3A_171] : memref<120x128xi32, #tpu.memory_space<vmem>> -> memref<40x128xi32, #tpu.memory_space<vmem>>
        %dma_start3A_173 = arith.constant 0 : i32
        %dma_start3A_174 = arith.constant 0 : i32
        %dma_start3A_175 = tpu.memref_slice %arg5[%arg1, %dma_start3A_173, %dma_start3A_174] : memref<16x40x128xi32, #tpu.memory_space<hbm>> -> memref<1x40x128xi32, #tpu.memory_space<hbm>>
        %dma_start3A_176 = tpu.memref_squeeze %dma_start3A_175 : memref<1x40x128xi32, #tpu.memory_space<hbm>> -> memref<40x128xi32, #tpu.memory_space<hbm>>
        %dma_start3A_177 = arith.constant 0 : i32
        %dma_start3A_178 = arith.constant 0 : i32
        %dma_start3A_179 = tpu.memref_slice %arg10[%dma_start3A_177, %dma_start3A_178] : memref<120x128xi32, #tpu.memory_space<vmem>> -> memref<40x128xi32, #tpu.memory_space<vmem>>
        %dma_start3A_180 = arith.constant 0 : i32
        %dma_start3A_181 = arith.constant 0 : i32
        %dma_start3A_182 = tpu.memref_slice %arg5[%arg1, %dma_start3A_180, %dma_start3A_181] : memref<16x40x128xi32, #tpu.memory_space<hbm>> -> memref<1x40x128xi32, #tpu.memory_space<hbm>>
        %dma_start3A_183 = tpu.memref_squeeze %dma_start3A_182 : memref<1x40x128xi32, #tpu.memory_space<hbm>> -> memref<40x128xi32, #tpu.memory_space<hbm>>
        tpu.enqueue_dma source(%dma_start3A_183 : memref<40x128xi32, #tpu.memory_space<hbm>>) target(%dma_start3A_179 : memref<40x128xi32, #tpu.memory_space<vmem>>) target_semaphore(%run_scoped3A : memref<!tpu.dma_semaphore, #tpu.memory_space<semaphore_mem>>)
        %dma_wait3A = arith.constant 0 : i32
        %dma_wait3A_184 = arith.constant 0 : i32
        %dma_wait3A_185 = tpu.memref_slice %arg10[%dma_wait3A, %dma_wait3A_184] : memref<120x128xi32, #tpu.memory_space<vmem>> -> memref<40x128xi32, #tpu.memory_space<vmem>>
        %dma_wait3A_186 = arith.constant 0 : i32
        %dma_wait3A_187 = arith.constant 0 : i32
        %dma_wait3A_188 = tpu.memref_slice %arg5[%arg1, %dma_wait3A_186, %dma_wait3A_187] : memref<16x40x128xi32, #tpu.memory_space<hbm>> -> memref<1x40x128xi32, #tpu.memory_space<hbm>>
        %dma_wait3A_189 = tpu.memref_squeeze %dma_wait3A_188 : memref<1x40x128xi32, #tpu.memory_space<hbm>> -> memref<40x128xi32, #tpu.memory_space<hbm>>
        %dma_wait3A_190 = arith.constant 0 : i32
        %dma_wait3A_191 = arith.constant 0 : i32
        %dma_wait3A_192 = tpu.memref_slice %arg10[%dma_wait3A_190, %dma_wait3A_191] : memref<120x128xi32, #tpu.memory_space<vmem>> -> memref<40x128xi32, #tpu.memory_space<vmem>>
        %dma_wait3A_193 = arith.constant 0 : i32
        %dma_wait3A_194 = arith.constant 0 : i32
        %dma_wait3A_195 = tpu.memref_slice %arg5[%arg1, %dma_wait3A_193, %dma_wait3A_194] : memref<16x40x128xi32, #tpu.memory_space<hbm>> -> memref<1x40x128xi32, #tpu.memory_space<hbm>>
        %dma_wait3A_196 = tpu.memref_squeeze %dma_wait3A_195 : memref<1x40x128xi32, #tpu.memory_space<hbm>> -> memref<40x128xi32, #tpu.memory_space<hbm>>
        tpu.wait_dma2 semaphore(%run_scoped3A : memref<!tpu.dma_semaphore, #tpu.memory_space<semaphore_mem>>) src(%dma_wait3A_196 : memref<40x128xi32, #tpu.memory_space<hbm>>) dst(%dma_wait3A_192 : memref<40x128xi32, #tpu.memory_space<vmem>>)
        tpu.yield
      }) : () -> ()
      "tpu.region"() ({
        %run_scoped3A = tpu.sem_alloc : memref<!tpu.dma_semaphore, #tpu.memory_space<semaphore_mem>>
        %dma_start3A_170 = arith.constant 0 : i32
        %dma_start3A_171 = arith.constant 0 : i32
        %dma_start3A_172 = tpu.memref_slice %arg11[%dma_start3A_170, %dma_start3A_171] : memref<120x128xi32, #tpu.memory_space<vmem>> -> memref<40x128xi32, #tpu.memory_space<vmem>>
        %dma_start3A_173 = arith.constant 0 : i32
        %dma_start3A_174 = arith.constant 0 : i32
        %dma_start3A_175 = tpu.memref_slice %arg6[%arg1, %dma_start3A_173, %dma_start3A_174] : memref<16x40x128xi32, #tpu.memory_space<hbm>> -> memref<1x40x128xi32, #tpu.memory_space<hbm>>
        %dma_start3A_176 = tpu.memref_squeeze %dma_start3A_175 : memref<1x40x128xi32, #tpu.memory_space<hbm>> -> memref<40x128xi32, #tpu.memory_space<hbm>>
        %dma_start3A_177 = arith.constant 0 : i32
        %dma_start3A_178 = arith.constant 0 : i32
        %dma_start3A_179 = tpu.memref_slice %arg11[%dma_start3A_177, %dma_start3A_178] : memref<120x128xi32, #tpu.memory_space<vmem>> -> memref<40x128xi32, #tpu.memory_space<vmem>>
        %dma_start3A_180 = arith.constant 0 : i32
        %dma_start3A_181 = arith.constant 0 : i32
        %dma_start3A_182 = tpu.memref_slice %arg6[%arg1, %dma_start3A_180, %dma_start3A_181] : memref<16x40x128xi32, #tpu.memory_space<hbm>> -> memref<1x40x128xi32, #tpu.memory_space<hbm>>
        %dma_start3A_183 = tpu.memref_squeeze %dma_start3A_182 : memref<1x40x128xi32, #tpu.memory_space<hbm>> -> memref<40x128xi32, #tpu.memory_space<hbm>>
        tpu.enqueue_dma source(%dma_start3A_183 : memref<40x128xi32, #tpu.memory_space<hbm>>) target(%dma_start3A_179 : memref<40x128xi32, #tpu.memory_space<vmem>>) target_semaphore(%run_scoped3A : memref<!tpu.dma_semaphore, #tpu.memory_space<semaphore_mem>>)
        %dma_wait3A = arith.constant 0 : i32
        %dma_wait3A_184 = arith.constant 0 : i32
        %dma_wait3A_185 = tpu.memref_slice %arg11[%dma_wait3A, %dma_wait3A_184] : memref<120x128xi32, #tpu.memory_space<vmem>> -> memref<40x128xi32, #tpu.memory_space<vmem>>
        %dma_wait3A_186 = arith.constant 0 : i32
        %dma_wait3A_187 = arith.constant 0 : i32
        %dma_wait3A_188 = tpu.memref_slice %arg6[%arg1, %dma_wait3A_186, %dma_wait3A_187] : memref<16x40x128xi32, #tpu.memory_space<hbm>> -> memref<1x40x128xi32, #tpu.memory_space<hbm>>
        %dma_wait3A_189 = tpu.memref_squeeze %dma_wait3A_188 : memref<1x40x128xi32, #tpu.memory_space<hbm>> -> memref<40x128xi32, #tpu.memory_space<hbm>>
        %dma_wait3A_190 = arith.constant 0 : i32
        %dma_wait3A_191 = arith.constant 0 : i32
        %dma_wait3A_192 = tpu.memref_slice %arg11[%dma_wait3A_190, %dma_wait3A_191] : memref<120x128xi32, #tpu.memory_space<vmem>> -> memref<40x128xi32, #tpu.memory_space<vmem>>
        %dma_wait3A_193 = arith.constant 0 : i32
        %dma_wait3A_194 = arith.constant 0 : i32
        %dma_wait3A_195 = tpu.memref_slice %arg6[%arg1, %dma_wait3A_193, %dma_wait3A_194] : memref<16x40x128xi32, #tpu.memory_space<hbm>> -> memref<1x40x128xi32, #tpu.memory_space<hbm>>
        %dma_wait3A_196 = tpu.memref_squeeze %dma_wait3A_195 : memref<1x40x128xi32, #tpu.memory_space<hbm>> -> memref<40x128xi32, #tpu.memory_space<hbm>>
        tpu.wait_dma2 semaphore(%run_scoped3A : memref<!tpu.dma_semaphore, #tpu.memory_space<semaphore_mem>>) src(%dma_wait3A_196 : memref<40x128xi32, #tpu.memory_space<hbm>>) dst(%dma_wait3A_192 : memref<40x128xi32, #tpu.memory_space<vmem>>)
        tpu.yield
      }) : () -> ()
    } else {
    }
    %eq3A_8 = arith.constant 0 : i32
    %eq3A_9 = arith.cmpi eq, %arg0, %eq3A_8 : i32
    %jit3A = arith.constant 120 : i32
    %jit3A_10 = arith.constant 40 : i32
    %select_n3A = arith.select %eq3A_9, %jit3A, %jit3A_10 : i32
    %barrier3A = arith.constant 0 : index
    tpu.barrier barrier_id(%barrier3A)
    %dma_start3A = arith.constant 0 : i32
    %dma_start3A_11 = arith.constant 0 : i32
    %dma_start3A_12 = arith.constant 0 : i32
    %dma_start3A_13 = arith.constant 0 : i32
    %dma_start3A_14 = arith.constant 0 : i32
    %dma_start3A_15 = tpu.memref_slice %arg12[%dma_start3A_11, %dma_start3A_13, %dma_start3A_14] : memref<8x128x40xf32, #tpu.memory_space<vmem>> -> memref<1x128x40xf32, #tpu.memory_space<vmem>>
    %dma_start3A_16 = tpu.memref_squeeze %dma_start3A_15 : memref<1x128x40xf32, #tpu.memory_space<vmem>> -> memref<128x40xf32, #tpu.memory_space<vmem>>
    %dma_start3A_17 = arith.constant 0 : i32
    %dma_start3A_18 = tpu.memref_slice %arg10[%dma_start3A, %dma_start3A_17] : memref<120x128xi32, #tpu.memory_space<vmem>> -> memref<1x128xi32, #tpu.memory_space<vmem>>
    %dma_start3A_19 = tpu.memref_squeeze %dma_start3A_18 : memref<1x128xi32, #tpu.memory_space<vmem>> -> memref<128xi32, #tpu.memory_space<vmem>>
    %dma_start3A_20 = arith.constant 0 : i32
    %dma_start3A_21 = arith.constant 0 : i32
    %dma_start3A_22 = tpu.memref_slice %arg2[%dma_start3A_20, %dma_start3A_21] : memref<10000x40xf32, #tpu.memory_space<hbm>> -> memref<10000x40xf32, #tpu.memory_space<hbm>>
    %dma_start3A_23 = tpu.memref_slice %arg15[%dma_start3A_12] : memref<8x!tpu.dma_semaphore, #tpu.memory_space<semaphore_mem>> -> memref<1x!tpu.dma_semaphore, #tpu.memory_space<semaphore_mem>>
    %dma_start3A_24 = tpu.memref_squeeze %dma_start3A_23 : memref<1x!tpu.dma_semaphore, #tpu.memory_space<semaphore_mem>> -> memref<!tpu.dma_semaphore, #tpu.memory_space<semaphore_mem>>
    tpu.enqueue_indirect_dma source(%dma_start3A_22 : memref<10000x40xf32, #tpu.memory_space<hbm>>) target(%dma_start3A_16 : memref<128x40xf32, #tpu.memory_space<vmem>>) offsets(%dma_start3A_19 : memref<128xi32, #tpu.memory_space<vmem>>) semaphore(%dma_start3A_24 : memref<!tpu.dma_semaphore, #tpu.memory_space<semaphore_mem>>)
    %dma_start3A_25 = arith.constant 1 : i32
    %dma_start3A_26 = arith.constant 1 : i32
    %dma_start3A_27 = arith.constant 1 : i32
    %dma_start3A_28 = arith.constant 0 : i32
    %dma_start3A_29 = arith.constant 0 : i32
    %dma_start3A_30 = tpu.memref_slice %arg12[%dma_start3A_26, %dma_start3A_28, %dma_start3A_29] : memref<8x128x40xf32, #tpu.memory_space<vmem>> -> memref<1x128x40xf32, #tpu.memory_space<vmem>>
    %dma_start3A_31 = tpu.memref_squeeze %dma_start3A_30 : memref<1x128x40xf32, #tpu.memory_space<vmem>> -> memref<128x40xf32, #tpu.memory_space<vmem>>
    %dma_start3A_32 = arith.constant 0 : i32
    %dma_start3A_33 = tpu.memref_slice %arg10[%dma_start3A_25, %dma_start3A_32] : memref<120x128xi32, #tpu.memory_space<vmem>> -> memref<1x128xi32, #tpu.memory_space<vmem>>
    %dma_start3A_34 = tpu.memref_squeeze %dma_start3A_33 : memref<1x128xi32, #tpu.memory_space<vmem>> -> memref<128xi32, #tpu.memory_space<vmem>>
    %dma_start3A_35 = arith.constant 0 : i32
    %dma_start3A_36 = arith.constant 0 : i32
    %dma_start3A_37 = tpu.memref_slice %arg2[%dma_start3A_35, %dma_start3A_36] : memref<10000x40xf32, #tpu.memory_space<hbm>> -> memref<10000x40xf32, #tpu.memory_space<hbm>>
    %dma_start3A_38 = tpu.memref_slice %arg15[%dma_start3A_27] : memref<8x!tpu.dma_semaphore, #tpu.memory_space<semaphore_mem>> -> memref<1x!tpu.dma_semaphore, #tpu.memory_space<semaphore_mem>>
    %dma_start3A_39 = tpu.memref_squeeze %dma_start3A_38 : memref<1x!tpu.dma_semaphore, #tpu.memory_space<semaphore_mem>> -> memref<!tpu.dma_semaphore, #tpu.memory_space<semaphore_mem>>
    tpu.enqueue_indirect_dma source(%dma_start3A_37 : memref<10000x40xf32, #tpu.memory_space<hbm>>) target(%dma_start3A_31 : memref<128x40xf32, #tpu.memory_space<vmem>>) offsets(%dma_start3A_34 : memref<128xi32, #tpu.memory_space<vmem>>) semaphore(%dma_start3A_39 : memref<!tpu.dma_semaphore, #tpu.memory_space<semaphore_mem>>)
    %dma_start3A_40 = arith.constant 2 : i32
    %dma_start3A_41 = arith.constant 2 : i32
    %dma_start3A_42 = arith.constant 2 : i32
    %dma_start3A_43 = arith.constant 0 : i32
    %dma_start3A_44 = arith.constant 0 : i32
    %dma_start3A_45 = tpu.memref_slice %arg12[%dma_start3A_41, %dma_start3A_43, %dma_start3A_44] : memref<8x128x40xf32, #tpu.memory_space<vmem>> -> memref<1x128x40xf32, #tpu.memory_space<vmem>>
    %dma_start3A_46 = tpu.memref_squeeze %dma_start3A_45 : memref<1x128x40xf32, #tpu.memory_space<vmem>> -> memref<128x40xf32, #tpu.memory_space<vmem>>
    %dma_start3A_47 = arith.constant 0 : i32
    %dma_start3A_48 = tpu.memref_slice %arg10[%dma_start3A_40, %dma_start3A_47] : memref<120x128xi32, #tpu.memory_space<vmem>> -> memref<1x128xi32, #tpu.memory_space<vmem>>
    %dma_start3A_49 = tpu.memref_squeeze %dma_start3A_48 : memref<1x128xi32, #tpu.memory_space<vmem>> -> memref<128xi32, #tpu.memory_space<vmem>>
    %dma_start3A_50 = arith.constant 0 : i32
    %dma_start3A_51 = arith.constant 0 : i32
    %dma_start3A_52 = tpu.memref_slice %arg2[%dma_start3A_50, %dma_start3A_51] : memref<10000x40xf32, #tpu.memory_space<hbm>> -> memref<10000x40xf32, #tpu.memory_space<hbm>>
    %dma_start3A_53 = tpu.memref_slice %arg15[%dma_start3A_42] : memref<8x!tpu.dma_semaphore, #tpu.memory_space<semaphore_mem>> -> memref<1x!tpu.dma_semaphore, #tpu.memory_space<semaphore_mem>>
    %dma_start3A_54 = tpu.memref_squeeze %dma_start3A_53 : memref<1x!tpu.dma_semaphore, #tpu.memory_space<semaphore_mem>> -> memref<!tpu.dma_semaphore, #tpu.memory_space<semaphore_mem>>
    tpu.enqueue_indirect_dma source(%dma_start3A_52 : memref<10000x40xf32, #tpu.memory_space<hbm>>) target(%dma_start3A_46 : memref<128x40xf32, #tpu.memory_space<vmem>>) offsets(%dma_start3A_49 : memref<128xi32, #tpu.memory_space<vmem>>) semaphore(%dma_start3A_54 : memref<!tpu.dma_semaphore, #tpu.memory_space<semaphore_mem>>)
    %dma_start3A_55 = arith.constant 3 : i32
    %dma_start3A_56 = arith.constant 3 : i32
    %dma_start3A_57 = arith.constant 3 : i32
    %dma_start3A_58 = arith.constant 0 : i32
    %dma_start3A_59 = arith.constant 0 : i32
    %dma_start3A_60 = tpu.memref_slice %arg12[%dma_start3A_56, %dma_start3A_58, %dma_start3A_59] : memref<8x128x40xf32, #tpu.memory_space<vmem>> -> memref<1x128x40xf32, #tpu.memory_space<vmem>>
    %dma_start3A_61 = tpu.memref_squeeze %dma_start3A_60 : memref<1x128x40xf32, #tpu.memory_space<vmem>> -> memref<128x40xf32, #tpu.memory_space<vmem>>
    %dma_start3A_62 = arith.constant 0 : i32
    %dma_start3A_63 = tpu.memref_slice %arg10[%dma_start3A_55, %dma_start3A_62] : memref<120x128xi32, #tpu.memory_space<vmem>> -> memref<1x128xi32, #tpu.memory_space<vmem>>
    %dma_start3A_64 = tpu.memref_squeeze %dma_start3A_63 : memref<1x128xi32, #tpu.memory_space<vmem>> -> memref<128xi32, #tpu.memory_space<vmem>>
    %dma_start3A_65 = arith.constant 0 : i32
    %dma_start3A_66 = arith.constant 0 : i32
    %dma_start3A_67 = tpu.memref_slice %arg2[%dma_start3A_65, %dma_start3A_66] : memref<10000x40xf32, #tpu.memory_space<hbm>> -> memref<10000x40xf32, #tpu.memory_space<hbm>>
    %dma_start3A_68 = tpu.memref_slice %arg15[%dma_start3A_57] : memref<8x!tpu.dma_semaphore, #tpu.memory_space<semaphore_mem>> -> memref<1x!tpu.dma_semaphore, #tpu.memory_space<semaphore_mem>>
    %dma_start3A_69 = tpu.memref_squeeze %dma_start3A_68 : memref<1x!tpu.dma_semaphore, #tpu.memory_space<semaphore_mem>> -> memref<!tpu.dma_semaphore, #tpu.memory_space<semaphore_mem>>
    tpu.enqueue_indirect_dma source(%dma_start3A_67 : memref<10000x40xf32, #tpu.memory_space<hbm>>) target(%dma_start3A_61 : memref<128x40xf32, #tpu.memory_space<vmem>>) offsets(%dma_start3A_64 : memref<128xi32, #tpu.memory_space<vmem>>) semaphore(%dma_start3A_69 : memref<!tpu.dma_semaphore, #tpu.memory_space<semaphore_mem>>)
    %dma_start3A_70 = arith.constant 4 : i32
    %dma_start3A_71 = arith.constant 4 : i32
    %dma_start3A_72 = arith.constant 4 : i32
    %dma_start3A_73 = arith.constant 0 : i32
    %dma_start3A_74 = arith.constant 0 : i32
    %dma_start3A_75 = tpu.memref_slice %arg12[%dma_start3A_71, %dma_start3A_73, %dma_start3A_74] : memref<8x128x40xf32, #tpu.memory_space<vmem>> -> memref<1x128x40xf32, #tpu.memory_space<vmem>>
    %dma_start3A_76 = tpu.memref_squeeze %dma_start3A_75 : memref<1x128x40xf32, #tpu.memory_space<vmem>> -> memref<128x40xf32, #tpu.memory_space<vmem>>
    %dma_start3A_77 = arith.constant 0 : i32
    %dma_start3A_78 = tpu.memref_slice %arg10[%dma_start3A_70, %dma_start3A_77] : memref<120x128xi32, #tpu.memory_space<vmem>> -> memref<1x128xi32, #tpu.memory_space<vmem>>
    %dma_start3A_79 = tpu.memref_squeeze %dma_start3A_78 : memref<1x128xi32, #tpu.memory_space<vmem>> -> memref<128xi32, #tpu.memory_space<vmem>>
    %dma_start3A_80 = arith.constant 0 : i32
    %dma_start3A_81 = arith.constant 0 : i32
    %dma_start3A_82 = tpu.memref_slice %arg2[%dma_start3A_80, %dma_start3A_81] : memref<10000x40xf32, #tpu.memory_space<hbm>> -> memref<10000x40xf32, #tpu.memory_space<hbm>>
    %dma_start3A_83 = tpu.memref_slice %arg15[%dma_start3A_72] : memref<8x!tpu.dma_semaphore, #tpu.memory_space<semaphore_mem>> -> memref<1x!tpu.dma_semaphore, #tpu.memory_space<semaphore_mem>>
    %dma_start3A_84 = tpu.memref_squeeze %dma_start3A_83 : memref<1x!tpu.dma_semaphore, #tpu.memory_space<semaphore_mem>> -> memref<!tpu.dma_semaphore, #tpu.memory_space<semaphore_mem>>
    tpu.enqueue_indirect_dma source(%dma_start3A_82 : memref<10000x40xf32, #tpu.memory_space<hbm>>) target(%dma_start3A_76 : memref<128x40xf32, #tpu.memory_space<vmem>>) offsets(%dma_start3A_79 : memref<128xi32, #tpu.memory_space<vmem>>) semaphore(%dma_start3A_84 : memref<!tpu.dma_semaphore, #tpu.memory_space<semaphore_mem>>)
    %dma_start3A_85 = arith.constant 5 : i32
    %dma_start3A_86 = arith.constant 5 : i32
    %dma_start3A_87 = arith.constant 5 : i32
    %dma_start3A_88 = arith.constant 0 : i32
    %dma_start3A_89 = arith.constant 0 : i32
    %dma_start3A_90 = tpu.memref_slice %arg12[%dma_start3A_86, %dma_start3A_88, %dma_start3A_89] : memref<8x128x40xf32, #tpu.memory_space<vmem>> -> memref<1x128x40xf32, #tpu.memory_space<vmem>>
    %dma_start3A_91 = tpu.memref_squeeze %dma_start3A_90 : memref<1x128x40xf32, #tpu.memory_space<vmem>> -> memref<128x40xf32, #tpu.memory_space<vmem>>
    %dma_start3A_92 = arith.constant 0 : i32
    %dma_start3A_93 = tpu.memref_slice %arg10[%dma_start3A_85, %dma_start3A_92] : memref<120x128xi32, #tpu.memory_space<vmem>> -> memref<1x128xi32, #tpu.memory_space<vmem>>
    %dma_start3A_94 = tpu.memref_squeeze %dma_start3A_93 : memref<1x128xi32, #tpu.memory_space<vmem>> -> memref<128xi32, #tpu.memory_space<vmem>>
    %dma_start3A_95 = arith.constant 0 : i32
    %dma_start3A_96 = arith.constant 0 : i32
    %dma_start3A_97 = tpu.memref_slice %arg2[%dma_start3A_95, %dma_start3A_96] : memref<10000x40xf32, #tpu.memory_space<hbm>> -> memref<10000x40xf32, #tpu.memory_space<hbm>>
    %dma_start3A_98 = tpu.memref_slice %arg15[%dma_start3A_87] : memref<8x!tpu.dma_semaphore, #tpu.memory_space<semaphore_mem>> -> memref<1x!tpu.dma_semaphore, #tpu.memory_space<semaphore_mem>>
    %dma_start3A_99 = tpu.memref_squeeze %dma_start3A_98 : memref<1x!tpu.dma_semaphore, #tpu.memory_space<semaphore_mem>> -> memref<!tpu.dma_semaphore, #tpu.memory_space<semaphore_mem>>
    tpu.enqueue_indirect_dma source(%dma_start3A_97 : memref<10000x40xf32, #tpu.memory_space<hbm>>) target(%dma_start3A_91 : memref<128x40xf32, #tpu.memory_space<vmem>>) offsets(%dma_start3A_94 : memref<128xi32, #tpu.memory_space<vmem>>) semaphore(%dma_start3A_99 : memref<!tpu.dma_semaphore, #tpu.memory_space<semaphore_mem>>)
    %dma_start3A_100 = arith.constant 6 : i32
    %dma_start3A_101 = arith.constant 6 : i32
    %dma_start3A_102 = arith.constant 6 : i32
    %dma_start3A_103 = arith.constant 0 : i32
    %dma_start3A_104 = arith.constant 0 : i32
    %dma_start3A_105 = tpu.memref_slice %arg12[%dma_start3A_101, %dma_start3A_103, %dma_start3A_104] : memref<8x128x40xf32, #tpu.memory_space<vmem>> -> memref<1x128x40xf32, #tpu.memory_space<vmem>>
    %dma_start3A_106 = tpu.memref_squeeze %dma_start3A_105 : memref<1x128x40xf32, #tpu.memory_space<vmem>> -> memref<128x40xf32, #tpu.memory_space<vmem>>
    %dma_start3A_107 = arith.constant 0 : i32
    %dma_start3A_108 = tpu.memref_slice %arg10[%dma_start3A_100, %dma_start3A_107] : memref<120x128xi32, #tpu.memory_space<vmem>> -> memref<1x128xi32, #tpu.memory_space<vmem>>
    %dma_start3A_109 = tpu.memref_squeeze %dma_start3A_108 : memref<1x128xi32, #tpu.memory_space<vmem>> -> memref<128xi32, #tpu.memory_space<vmem>>
    %dma_start3A_110 = arith.constant 0 : i32
    %dma_start3A_111 = arith.constant 0 : i32
    %dma_start3A_112 = tpu.memref_slice %arg2[%dma_start3A_110, %dma_start3A_111] : memref<10000x40xf32, #tpu.memory_space<hbm>> -> memref<10000x40xf32, #tpu.memory_space<hbm>>
    %dma_start3A_113 = tpu.memref_slice %arg15[%dma_start3A_102] : memref<8x!tpu.dma_semaphore, #tpu.memory_space<semaphore_mem>> -> memref<1x!tpu.dma_semaphore, #tpu.memory_space<semaphore_mem>>
    %dma_start3A_114 = tpu.memref_squeeze %dma_start3A_113 : memref<1x!tpu.dma_semaphore, #tpu.memory_space<semaphore_mem>> -> memref<!tpu.dma_semaphore, #tpu.memory_space<semaphore_mem>>
    tpu.enqueue_indirect_dma source(%dma_start3A_112 : memref<10000x40xf32, #tpu.memory_space<hbm>>) target(%dma_start3A_106 : memref<128x40xf32, #tpu.memory_space<vmem>>) offsets(%dma_start3A_109 : memref<128xi32, #tpu.memory_space<vmem>>) semaphore(%dma_start3A_114 : memref<!tpu.dma_semaphore, #tpu.memory_space<semaphore_mem>>)
    %dma_start3A_115 = arith.constant 7 : i32
    %dma_start3A_116 = arith.constant 7 : i32
    %dma_start3A_117 = arith.constant 7 : i32
    %dma_start3A_118 = arith.constant 0 : i32
    %dma_start3A_119 = arith.constant 0 : i32
    %dma_start3A_120 = tpu.memref_slice %arg12[%dma_start3A_116, %dma_start3A_118, %dma_start3A_119] : memref<8x128x40xf32, #tpu.memory_space<vmem>> -> memref<1x128x40xf32, #tpu.memory_space<vmem>>
    %dma_start3A_121 = tpu.memref_squeeze %dma_start3A_120 : memref<1x128x40xf32, #tpu.memory_space<vmem>> -> memref<128x40xf32, #tpu.memory_space<vmem>>
    %dma_start3A_122 = arith.constant 0 : i32
    %dma_start3A_123 = tpu.memref_slice %arg10[%dma_start3A_115, %dma_start3A_122] : memref<120x128xi32, #tpu.memory_space<vmem>> -> memref<1x128xi32, #tpu.memory_space<vmem>>
    %dma_start3A_124 = tpu.memref_squeeze %dma_start3A_123 : memref<1x128xi32, #tpu.memory_space<vmem>> -> memref<128xi32, #tpu.memory_space<vmem>>
    %dma_start3A_125 = arith.constant 0 : i32
    %dma_start3A_126 = arith.constant 0 : i32
    %dma_start3A_127 = tpu.memref_slice %arg2[%dma_start3A_125, %dma_start3A_126] : memref<10000x40xf32, #tpu.memory_space<hbm>> -> memref<10000x40xf32, #tpu.memory_space<hbm>>
    %dma_start3A_128 = tpu.memref_slice %arg15[%dma_start3A_117] : memref<8x!tpu.dma_semaphore, #tpu.memory_space<semaphore_mem>> -> memref<1x!tpu.dma_semaphore, #tpu.memory_space<semaphore_mem>>
    %dma_start3A_129 = tpu.memref_squeeze %dma_start3A_128 : memref<1x!tpu.dma_semaphore, #tpu.memory_space<semaphore_mem>> -> memref<!tpu.dma_semaphore, #tpu.memory_space<semaphore_mem>>
    tpu.enqueue_indirect_dma source(%dma_start3A_127 : memref<10000x40xf32, #tpu.memory_space<hbm>>) target(%dma_start3A_121 : memref<128x40xf32, #tpu.memory_space<vmem>>) offsets(%dma_start3A_124 : memref<128xi32, #tpu.memory_space<vmem>>) semaphore(%dma_start3A_129 : memref<!tpu.dma_semaphore, #tpu.memory_space<semaphore_mem>>)
    %jit3A_130 = arith.constant 8 : i32
    %div3A = arith.divsi %select_n3A, %jit3A_130 : i32
    %sign3A = arith.constant 0 : i32
    %sign3A_131 = arith.cmpi sgt, %select_n3A, %sign3A : i32
    %sign3A_132 = arith.extui %sign3A_131 : i1 to i32
    %sign3A_133 = arith.constant 0 : i32
    %sign3A_134 = arith.cmpi slt, %select_n3A, %sign3A_133 : i32
    %sign3A_135 = arith.extui %sign3A_134 : i1 to i32
    %sign3A_136 = arith.subi %sign3A_132, %sign3A_135 : i32
    %sign3A_137 = arith.constant 0 : i32
    %sign3A_138 = arith.cmpi sgt, %jit3A_130, %sign3A_137 : i32
    %sign3A_139 = arith.extui %sign3A_138 : i1 to i32
    %sign3A_140 = arith.constant 0 : i32
    %sign3A_141 = arith.cmpi slt, %jit3A_130, %sign3A_140 : i32
    %sign3A_142 = arith.extui %sign3A_141 : i1 to i32
    %sign3A_143 = arith.subi %sign3A_139, %sign3A_142 : i32
    %ne3A = arith.cmpi ne, %sign3A_136, %sign3A_143 : i32
    %rem3A = arith.remsi %select_n3A, %jit3A_130 : i32
    %ne3A_144 = arith.constant 0 : i32
    %ne3A_145 = arith.cmpi ne, %rem3A, %ne3A_144 : i32
    %and3A = arith.andi %ne3A, %ne3A_145 : i1
    %sub3A = arith.constant 1 : i32
    %sub3A_146 = arith.subi %div3A, %sub3A : i32
    %select_n3A_147 = arith.select %and3A, %sub3A_146, %div3A : i32
    %while3A = arith.constant 0 : i32
    %while3A_148 = arith.constant 0 : i32
    %while3A_149 = arith.subi %select_n3A_147, %while3A_148 : i32
    %while3A_150 = arith.addi %while3A_148, %while3A_149 : i32
    %while3A_151 = arith.constant 1 : i32
    %while3A_152 = arith.divsi %while3A_149, %while3A_151 : i32
    %while3A_153 = arith.muli %while3A_152, %while3A_151 : i32
    %while3A_154 = arith.addi %while3A_148, %while3A_153 : i32
    %while3A_155 = arith.constant 1 : i32
    scf.for %while3A_170 = %while3A_148 to %while3A_154 step %while3A_155  : i32 {
      %mul3A_171 = arith.constant 8 : i32
      %mul3A_172 = arith.muli %while3A_170, %mul3A_171 : i32
      %add3A = arith.constant 0 : i32
      %add3A_173 = arith.addi %mul3A_172, %add3A : i32
      %dma_wait3A = arith.constant 0 : i32
      %dma_wait3A_174 = arith.constant 0 : i32
      %dma_wait3A_175 = arith.constant 0 : i32
      %dma_wait3A_176 = arith.constant 0 : i32
      %dma_wait3A_177 = tpu.memref_slice %arg12[%dma_wait3A, %dma_wait3A_175, %dma_wait3A_176] : memref<8x128x40xf32, #tpu.memory_space<vmem>> -> memref<1x128x40xf32, #tpu.memory_space<vmem>>
      %dma_wait3A_178 = tpu.memref_squeeze %dma_wait3A_177 : memref<1x128x40xf32, #tpu.memory_space<vmem>> -> memref<128x40xf32, #tpu.memory_space<vmem>>
      %dma_wait3A_179 = arith.constant 0 : i32
      %dma_wait3A_180 = tpu.memref_slice %arg10[%add3A_173, %dma_wait3A_179] : memref<120x128xi32, #tpu.memory_space<vmem>> -> memref<1x128xi32, #tpu.memory_space<vmem>>
      %dma_wait3A_181 = tpu.memref_squeeze %dma_wait3A_180 : memref<1x128xi32, #tpu.memory_space<vmem>> -> memref<128xi32, #tpu.memory_space<vmem>>
      %dma_wait3A_182 = arith.constant 0 : i32
      %dma_wait3A_183 = arith.constant 0 : i32
      %dma_wait3A_184 = tpu.memref_slice %arg2[%dma_wait3A_182, %dma_wait3A_183] : memref<10000x40xf32, #tpu.memory_space<hbm>> -> memref<10000x40xf32, #tpu.memory_space<hbm>>
      %dma_wait3A_185 = tpu.memref_slice %arg15[%dma_wait3A_174] : memref<8x!tpu.dma_semaphore, #tpu.memory_space<semaphore_mem>> -> memref<1x!tpu.dma_semaphore, #tpu.memory_space<semaphore_mem>>
      %dma_wait3A_186 = tpu.memref_squeeze %dma_wait3A_185 : memref<1x!tpu.dma_semaphore, #tpu.memory_space<semaphore_mem>> -> memref<!tpu.dma_semaphore, #tpu.memory_space<semaphore_mem>>
      tpu.wait_indirect_dma semaphore(%dma_wait3A_186 : memref<!tpu.dma_semaphore, #tpu.memory_space<semaphore_mem>>) src(%dma_wait3A_184 : memref<10000x40xf32, #tpu.memory_space<hbm>>) dst(%dma_wait3A_178 : memref<128x40xf32, #tpu.memory_space<vmem>>)
      %run_scoped3A = arith.constant 0 : i32
      "tpu.region"() ({
        %run_scoped3A_353 = tpu.sem_alloc : memref<!tpu.dma_semaphore, #tpu.memory_space<semaphore_mem>>
        %dma_start3A_354 = arith.constant 0 : i32
        %dma_start3A_355 = arith.constant 0 : i32
        %dma_start3A_356 = tpu.memref_slice %arg12[%run_scoped3A, %dma_start3A_354, %dma_start3A_355] : memref<8x128x40xf32, #tpu.memory_space<vmem>> -> memref<1x128x40xf32, #tpu.memory_space<vmem>>
        %dma_start3A_357 = tpu.memref_squeeze %dma_start3A_356 : memref<1x128x40xf32, #tpu.memory_space<vmem>> -> memref<128x40xf32, #tpu.memory_space<vmem>>
        %dma_start3A_358 = arith.constant 0 : i32
        %dma_start3A_359 = tpu.memref_slice %arg11[%add3A_173, %dma_start3A_358] : memref<120x128xi32, #tpu.memory_space<vmem>> -> memref<1x128xi32, #tpu.memory_space<vmem>>
        %dma_start3A_360 = tpu.memref_squeeze %dma_start3A_359 : memref<1x128xi32, #tpu.memory_space<vmem>> -> memref<128xi32, #tpu.memory_space<vmem>>
        %dma_start3A_361 = arith.constant 0 : i32
        %dma_start3A_362 = arith.constant 0 : i32
        %dma_start3A_363 = tpu.memref_slice %arg14[%dma_start3A_361, %dma_start3A_362] : memref<10112x40xf32, #tpu.memory_space<vmem_shared>> -> memref<10112x40xf32, #tpu.memory_space<vmem_shared>>
        tpu.enqueue_indirect_dma source(%dma_start3A_357 : memref<128x40xf32, #tpu.memory_space<vmem>>) target(%dma_start3A_363 : memref<10112x40xf32, #tpu.memory_space<vmem_shared>>) offsets(%dma_start3A_360 : memref<128xi32, #tpu.memory_space<vmem>>) semaphore(%run_scoped3A_353 : memref<!tpu.dma_semaphore, #tpu.memory_space<semaphore_mem>>) {add = true}
        %dma_wait3A_364 = arith.constant 0 : i32
        %dma_wait3A_365 = arith.constant 0 : i32
        %dma_wait3A_366 = tpu.memref_slice %arg12[%run_scoped3A, %dma_wait3A_364, %dma_wait3A_365] : memref<8x128x40xf32, #tpu.memory_space<vmem>> -> memref<1x128x40xf32, #tpu.memory_space<vmem>>
        %dma_wait3A_367 = tpu.memref_squeeze %dma_wait3A_366 : memref<1x128x40xf32, #tpu.memory_space<vmem>> -> memref<128x40xf32, #tpu.memory_space<vmem>>
        %dma_wait3A_368 = arith.constant 0 : i32
        %dma_wait3A_369 = tpu.memref_slice %arg11[%add3A_173, %dma_wait3A_368] : memref<120x128xi32, #tpu.memory_space<vmem>> -> memref<1x128xi32, #tpu.memory_space<vmem>>
        %dma_wait3A_370 = tpu.memref_squeeze %dma_wait3A_369 : memref<1x128xi32, #tpu.memory_space<vmem>> -> memref<128xi32, #tpu.memory_space<vmem>>
        %dma_wait3A_371 = arith.constant 0 : i32
        %dma_wait3A_372 = arith.constant 0 : i32
        %dma_wait3A_373 = tpu.memref_slice %arg14[%dma_wait3A_371, %dma_wait3A_372] : memref<10112x40xf32, #tpu.memory_space<vmem_shared>> -> memref<10112x40xf32, #tpu.memory_space<vmem_shared>>
        tpu.wait_indirect_dma semaphore(%run_scoped3A_353 : memref<!tpu.dma_semaphore, #tpu.memory_space<semaphore_mem>>) src(%dma_wait3A_367 : memref<128x40xf32, #tpu.memory_space<vmem>>) dst(%dma_wait3A_373 : memref<10112x40xf32, #tpu.memory_space<vmem_shared>>)
        tpu.yield
      }) : () -> ()
      %add3A_187 = arith.constant 8 : i32
      %add3A_188 = arith.addi %add3A_173, %add3A_187 : i32
      %lt3A = arith.cmpi slt, %add3A_188, %select_n3A : i32
      %convert_element_type3A_189 = arith.extui %lt3A : i1 to i32
      %cond3A_190 = arith.constant 0 : i32
      %cond3A_191 = arith.cmpi ne, %convert_element_type3A_189, %cond3A_190 : i32
      scf.if %cond3A_191 {
        %add3A_353 = arith.constant 8 : i32
        %add3A_354 = arith.addi %add3A_173, %add3A_353 : i32
        %dma_start3A_355 = arith.constant 0 : i32
        %dma_start3A_356 = arith.constant 0 : i32
        %dma_start3A_357 = arith.constant 0 : i32
        %dma_start3A_358 = arith.constant 0 : i32
        %dma_start3A_359 = tpu.memref_slice %arg12[%dma_start3A_355, %dma_start3A_357, %dma_start3A_358] : memref<8x128x40xf32, #tpu.memory_space<vmem>> -> memref<1x128x40xf32, #tpu.memory_space<vmem>>
        %dma_start3A_360 = tpu.memref_squeeze %dma_start3A_359 : memref<1x128x40xf32, #tpu.memory_space<vmem>> -> memref<128x40xf32, #tpu.memory_space<vmem>>
        %dma_start3A_361 = arith.constant 0 : i32
        %dma_start3A_362 = tpu.memref_slice %arg10[%add3A_354, %dma_start3A_361] : memref<120x128xi32, #tpu.memory_space<vmem>> -> memref<1x128xi32, #tpu.memory_space<vmem>>
        %dma_start3A_363 = tpu.memref_squeeze %dma_start3A_362 : memref<1x128xi32, #tpu.memory_space<vmem>> -> memref<128xi32, #tpu.memory_space<vmem>>
        %dma_start3A_364 = arith.constant 0 : i32
        %dma_start3A_365 = arith.constant 0 : i32
        %dma_start3A_366 = tpu.memref_slice %arg2[%dma_start3A_364, %dma_start3A_365] : memref<10000x40xf32, #tpu.memory_space<hbm>> -> memref<10000x40xf32, #tpu.memory_space<hbm>>
        %dma_start3A_367 = tpu.memref_slice %arg15[%dma_start3A_356] : memref<8x!tpu.dma_semaphore, #tpu.memory_space<semaphore_mem>> -> memref<1x!tpu.dma_semaphore, #tpu.memory_space<semaphore_mem>>
        %dma_start3A_368 = tpu.memref_squeeze %dma_start3A_367 : memref<1x!tpu.dma_semaphore, #tpu.memory_space<semaphore_mem>> -> memref<!tpu.dma_semaphore, #tpu.memory_space<semaphore_mem>>
        tpu.enqueue_indirect_dma source(%dma_start3A_366 : memref<10000x40xf32, #tpu.memory_space<hbm>>) target(%dma_start3A_360 : memref<128x40xf32, #tpu.memory_space<vmem>>) offsets(%dma_start3A_363 : memref<128xi32, #tpu.memory_space<vmem>>) semaphore(%dma_start3A_368 : memref<!tpu.dma_semaphore, #tpu.memory_space<semaphore_mem>>)
      } else {
      }
      %add3A_192 = arith.constant 1 : i32
      %add3A_193 = arith.addi %mul3A_172, %add3A_192 : i32
      %dma_wait3A_194 = arith.constant 1 : i32
      %dma_wait3A_195 = arith.constant 1 : i32
      %dma_wait3A_196 = arith.constant 0 : i32
      %dma_wait3A_197 = arith.constant 0 : i32
      %dma_wait3A_198 = tpu.memref_slice %arg12[%dma_wait3A_194, %dma_wait3A_196, %dma_wait3A_197] : memref<8x128x40xf32, #tpu.memory_space<vmem>> -> memref<1x128x40xf32, #tpu.memory_space<vmem>>
      %dma_wait3A_199 = tpu.memref_squeeze %dma_wait3A_198 : memref<1x128x40xf32, #tpu.memory_space<vmem>> -> memref<128x40xf32, #tpu.memory_space<vmem>>
      %dma_wait3A_200 = arith.constant 0 : i32
      %dma_wait3A_201 = tpu.memref_slice %arg10[%add3A_193, %dma_wait3A_200] : memref<120x128xi32, #tpu.memory_space<vmem>> -> memref<1x128xi32, #tpu.memory_space<vmem>>
      %dma_wait3A_202 = tpu.memref_squeeze %dma_wait3A_201 : memref<1x128xi32, #tpu.memory_space<vmem>> -> memref<128xi32, #tpu.memory_space<vmem>>
      %dma_wait3A_203 = arith.constant 0 : i32
      %dma_wait3A_204 = arith.constant 0 : i32
      %dma_wait3A_205 = tpu.memref_slice %arg2[%dma_wait3A_203, %dma_wait3A_204] : memref<10000x40xf32, #tpu.memory_space<hbm>> -> memref<10000x40xf32, #tpu.memory_space<hbm>>
      %dma_wait3A_206 = tpu.memref_slice %arg15[%dma_wait3A_195] : memref<8x!tpu.dma_semaphore, #tpu.memory_space<semaphore_mem>> -> memref<1x!tpu.dma_semaphore, #tpu.memory_space<semaphore_mem>>
      %dma_wait3A_207 = tpu.memref_squeeze %dma_wait3A_206 : memref<1x!tpu.dma_semaphore, #tpu.memory_space<semaphore_mem>> -> memref<!tpu.dma_semaphore, #tpu.memory_space<semaphore_mem>>
      tpu.wait_indirect_dma semaphore(%dma_wait3A_207 : memref<!tpu.dma_semaphore, #tpu.memory_space<semaphore_mem>>) src(%dma_wait3A_205 : memref<10000x40xf32, #tpu.memory_space<hbm>>) dst(%dma_wait3A_199 : memref<128x40xf32, #tpu.memory_space<vmem>>)
      %run_scoped3A_208 = arith.constant 1 : i32
      "tpu.region"() ({
        %run_scoped3A_353 = tpu.sem_alloc : memref<!tpu.dma_semaphore, #tpu.memory_space<semaphore_mem>>
        %dma_start3A_354 = arith.constant 0 : i32
        %dma_start3A_355 = arith.constant 0 : i32
        %dma_start3A_356 = tpu.memref_slice %arg12[%run_scoped3A_208, %dma_start3A_354, %dma_start3A_355] : memref<8x128x40xf32, #tpu.memory_space<vmem>> -> memref<1x128x40xf32, #tpu.memory_space<vmem>>
        %dma_start3A_357 = tpu.memref_squeeze %dma_start3A_356 : memref<1x128x40xf32, #tpu.memory_space<vmem>> -> memref<128x40xf32, #tpu.memory_space<vmem>>
        %dma_start3A_358 = arith.constant 0 : i32
        %dma_start3A_359 = tpu.memref_slice %arg11[%add3A_193, %dma_start3A_358] : memref<120x128xi32, #tpu.memory_space<vmem>> -> memref<1x128xi32, #tpu.memory_space<vmem>>
        %dma_start3A_360 = tpu.memref_squeeze %dma_start3A_359 : memref<1x128xi32, #tpu.memory_space<vmem>> -> memref<128xi32, #tpu.memory_space<vmem>>
        %dma_start3A_361 = arith.constant 0 : i32
        %dma_start3A_362 = arith.constant 0 : i32
        %dma_start3A_363 = tpu.memref_slice %arg14[%dma_start3A_361, %dma_start3A_362] : memref<10112x40xf32, #tpu.memory_space<vmem_shared>> -> memref<10112x40xf32, #tpu.memory_space<vmem_shared>>
        tpu.enqueue_indirect_dma source(%dma_start3A_357 : memref<128x40xf32, #tpu.memory_space<vmem>>) target(%dma_start3A_363 : memref<10112x40xf32, #tpu.memory_space<vmem_shared>>) offsets(%dma_start3A_360 : memref<128xi32, #tpu.memory_space<vmem>>) semaphore(%run_scoped3A_353 : memref<!tpu.dma_semaphore, #tpu.memory_space<semaphore_mem>>) {add = true}
        %dma_wait3A_364 = arith.constant 0 : i32
        %dma_wait3A_365 = arith.constant 0 : i32
        %dma_wait3A_366 = tpu.memref_slice %arg12[%run_scoped3A_208, %dma_wait3A_364, %dma_wait3A_365] : memref<8x128x40xf32, #tpu.memory_space<vmem>> -> memref<1x128x40xf32, #tpu.memory_space<vmem>>
        %dma_wait3A_367 = tpu.memref_squeeze %dma_wait3A_366 : memref<1x128x40xf32, #tpu.memory_space<vmem>> -> memref<128x40xf32, #tpu.memory_space<vmem>>
        %dma_wait3A_368 = arith.constant 0 : i32
        %dma_wait3A_369 = tpu.memref_slice %arg11[%add3A_193, %dma_wait3A_368] : memref<120x128xi32, #tpu.memory_space<vmem>> -> memref<1x128xi32, #tpu.memory_space<vmem>>
        %dma_wait3A_370 = tpu.memref_squeeze %dma_wait3A_369 : memref<1x128xi32, #tpu.memory_space<vmem>> -> memref<128xi32, #tpu.memory_space<vmem>>
        %dma_wait3A_371 = arith.constant 0 : i32
        %dma_wait3A_372 = arith.constant 0 : i32
        %dma_wait3A_373 = tpu.memref_slice %arg14[%dma_wait3A_371, %dma_wait3A_372] : memref<10112x40xf32, #tpu.memory_space<vmem_shared>> -> memref<10112x40xf32, #tpu.memory_space<vmem_shared>>
        tpu.wait_indirect_dma semaphore(%run_scoped3A_353 : memref<!tpu.dma_semaphore, #tpu.memory_space<semaphore_mem>>) src(%dma_wait3A_367 : memref<128x40xf32, #tpu.memory_space<vmem>>) dst(%dma_wait3A_373 : memref<10112x40xf32, #tpu.memory_space<vmem_shared>>)
        tpu.yield
      }) : () -> ()
      %add3A_209 = arith.constant 8 : i32
      %add3A_210 = arith.addi %add3A_193, %add3A_209 : i32
      %lt3A_211 = arith.cmpi slt, %add3A_210, %select_n3A : i32
      %convert_element_type3A_212 = arith.extui %lt3A_211 : i1 to i32
      %cond3A_213 = arith.constant 0 : i32
      %cond3A_214 = arith.cmpi ne, %convert_element_type3A_212, %cond3A_213 : i32
      scf.if %cond3A_214 {
        %add3A_353 = arith.constant 8 : i32
        %add3A_354 = arith.addi %add3A_193, %add3A_353 : i32
        %dma_start3A_355 = arith.constant 1 : i32
        %dma_start3A_356 = arith.constant 1 : i32
        %dma_start3A_357 = arith.constant 0 : i32
        %dma_start3A_358 = arith.constant 0 : i32
        %dma_start3A_359 = tpu.memref_slice %arg12[%dma_start3A_355, %dma_start3A_357, %dma_start3A_358] : memref<8x128x40xf32, #tpu.memory_space<vmem>> -> memref<1x128x40xf32, #tpu.memory_space<vmem>>
        %dma_start3A_360 = tpu.memref_squeeze %dma_start3A_359 : memref<1x128x40xf32, #tpu.memory_space<vmem>> -> memref<128x40xf32, #tpu.memory_space<vmem>>
        %dma_start3A_361 = arith.constant 0 : i32
        %dma_start3A_362 = tpu.memref_slice %arg10[%add3A_354, %dma_start3A_361] : memref<120x128xi32, #tpu.memory_space<vmem>> -> memref<1x128xi32, #tpu.memory_space<vmem>>
        %dma_start3A_363 = tpu.memref_squeeze %dma_start3A_362 : memref<1x128xi32, #tpu.memory_space<vmem>> -> memref<128xi32, #tpu.memory_space<vmem>>
        %dma_start3A_364 = arith.constant 0 : i32
        %dma_start3A_365 = arith.constant 0 : i32
        %dma_start3A_366 = tpu.memref_slice %arg2[%dma_start3A_364, %dma_start3A_365] : memref<10000x40xf32, #tpu.memory_space<hbm>> -> memref<10000x40xf32, #tpu.memory_space<hbm>>
        %dma_start3A_367 = tpu.memref_slice %arg15[%dma_start3A_356] : memref<8x!tpu.dma_semaphore, #tpu.memory_space<semaphore_mem>> -> memref<1x!tpu.dma_semaphore, #tpu.memory_space<semaphore_mem>>
        %dma_start3A_368 = tpu.memref_squeeze %dma_start3A_367 : memref<1x!tpu.dma_semaphore, #tpu.memory_space<semaphore_mem>> -> memref<!tpu.dma_semaphore, #tpu.memory_space<semaphore_mem>>
        tpu.enqueue_indirect_dma source(%dma_start3A_366 : memref<10000x40xf32, #tpu.memory_space<hbm>>) target(%dma_start3A_360 : memref<128x40xf32, #tpu.memory_space<vmem>>) offsets(%dma_start3A_363 : memref<128xi32, #tpu.memory_space<vmem>>) semaphore(%dma_start3A_368 : memref<!tpu.dma_semaphore, #tpu.memory_space<semaphore_mem>>)
      } else {
      }
      %add3A_215 = arith.constant 2 : i32
      %add3A_216 = arith.addi %mul3A_172, %add3A_215 : i32
      %dma_wait3A_217 = arith.constant 2 : i32
      %dma_wait3A_218 = arith.constant 2 : i32
      %dma_wait3A_219 = arith.constant 0 : i32
      %dma_wait3A_220 = arith.constant 0 : i32
      %dma_wait3A_221 = tpu.memref_slice %arg12[%dma_wait3A_217, %dma_wait3A_219, %dma_wait3A_220] : memref<8x128x40xf32, #tpu.memory_space<vmem>> -> memref<1x128x40xf32, #tpu.memory_space<vmem>>
      %dma_wait3A_222 = tpu.memref_squeeze %dma_wait3A_221 : memref<1x128x40xf32, #tpu.memory_space<vmem>> -> memref<128x40xf32, #tpu.memory_space<vmem>>
      %dma_wait3A_223 = arith.constant 0 : i32
      %dma_wait3A_224 = tpu.memref_slice %arg10[%add3A_216, %dma_wait3A_223] : memref<120x128xi32, #tpu.memory_space<vmem>> -> memref<1x128xi32, #tpu.memory_space<vmem>>
      %dma_wait3A_225 = tpu.memref_squeeze %dma_wait3A_224 : memref<1x128xi32, #tpu.memory_space<vmem>> -> memref<128xi32, #tpu.memory_space<vmem>>
      %dma_wait3A_226 = arith.constant 0 : i32
      %dma_wait3A_227 = arith.constant 0 : i32
      %dma_wait3A_228 = tpu.memref_slice %arg2[%dma_wait3A_226, %dma_wait3A_227] : memref<10000x40xf32, #tpu.memory_space<hbm>> -> memref<10000x40xf32, #tpu.memory_space<hbm>>
      %dma_wait3A_229 = tpu.memref_slice %arg15[%dma_wait3A_218] : memref<8x!tpu.dma_semaphore, #tpu.memory_space<semaphore_mem>> -> memref<1x!tpu.dma_semaphore, #tpu.memory_space<semaphore_mem>>
      %dma_wait3A_230 = tpu.memref_squeeze %dma_wait3A_229 : memref<1x!tpu.dma_semaphore, #tpu.memory_space<semaphore_mem>> -> memref<!tpu.dma_semaphore, #tpu.memory_space<semaphore_mem>>
      tpu.wait_indirect_dma semaphore(%dma_wait3A_230 : memref<!tpu.dma_semaphore, #tpu.memory_space<semaphore_mem>>) src(%dma_wait3A_228 : memref<10000x40xf32, #tpu.memory_space<hbm>>) dst(%dma_wait3A_222 : memref<128x40xf32, #tpu.memory_space<vmem>>)
      %run_scoped3A_231 = arith.constant 2 : i32
      "tpu.region"() ({
        %run_scoped3A_353 = tpu.sem_alloc : memref<!tpu.dma_semaphore, #tpu.memory_space<semaphore_mem>>
        %dma_start3A_354 = arith.constant 0 : i32
        %dma_start3A_355 = arith.constant 0 : i32
        %dma_start3A_356 = tpu.memref_slice %arg12[%run_scoped3A_231, %dma_start3A_354, %dma_start3A_355] : memref<8x128x40xf32, #tpu.memory_space<vmem>> -> memref<1x128x40xf32, #tpu.memory_space<vmem>>
        %dma_start3A_357 = tpu.memref_squeeze %dma_start3A_356 : memref<1x128x40xf32, #tpu.memory_space<vmem>> -> memref<128x40xf32, #tpu.memory_space<vmem>>
        %dma_start3A_358 = arith.constant 0 : i32
        %dma_start3A_359 = tpu.memref_slice %arg11[%add3A_216, %dma_start3A_358] : memref<120x128xi32, #tpu.memory_space<vmem>> -> memref<1x128xi32, #tpu.memory_space<vmem>>
        %dma_start3A_360 = tpu.memref_squeeze %dma_start3A_359 : memref<1x128xi32, #tpu.memory_space<vmem>> -> memref<128xi32, #tpu.memory_space<vmem>>
        %dma_start3A_361 = arith.constant 0 : i32
        %dma_start3A_362 = arith.constant 0 : i32
        %dma_start3A_363 = tpu.memref_slice %arg14[%dma_start3A_361, %dma_start3A_362] : memref<10112x40xf32, #tpu.memory_space<vmem_shared>> -> memref<10112x40xf32, #tpu.memory_space<vmem_shared>>
        tpu.enqueue_indirect_dma source(%dma_start3A_357 : memref<128x40xf32, #tpu.memory_space<vmem>>) target(%dma_start3A_363 : memref<10112x40xf32, #tpu.memory_space<vmem_shared>>) offsets(%dma_start3A_360 : memref<128xi32, #tpu.memory_space<vmem>>) semaphore(%run_scoped3A_353 : memref<!tpu.dma_semaphore, #tpu.memory_space<semaphore_mem>>) {add = true}
        %dma_wait3A_364 = arith.constant 0 : i32
        %dma_wait3A_365 = arith.constant 0 : i32
        %dma_wait3A_366 = tpu.memref_slice %arg12[%run_scoped3A_231, %dma_wait3A_364, %dma_wait3A_365] : memref<8x128x40xf32, #tpu.memory_space<vmem>> -> memref<1x128x40xf32, #tpu.memory_space<vmem>>
        %dma_wait3A_367 = tpu.memref_squeeze %dma_wait3A_366 : memref<1x128x40xf32, #tpu.memory_space<vmem>> -> memref<128x40xf32, #tpu.memory_space<vmem>>
        %dma_wait3A_368 = arith.constant 0 : i32
        %dma_wait3A_369 = tpu.memref_slice %arg11[%add3A_216, %dma_wait3A_368] : memref<120x128xi32, #tpu.memory_space<vmem>> -> memref<1x128xi32, #tpu.memory_space<vmem>>
        %dma_wait3A_370 = tpu.memref_squeeze %dma_wait3A_369 : memref<1x128xi32, #tpu.memory_space<vmem>> -> memref<128xi32, #tpu.memory_space<vmem>>
        %dma_wait3A_371 = arith.constant 0 : i32
        %dma_wait3A_372 = arith.constant 0 : i32
        %dma_wait3A_373 = tpu.memref_slice %arg14[%dma_wait3A_371, %dma_wait3A_372] : memref<10112x40xf32, #tpu.memory_space<vmem_shared>> -> memref<10112x40xf32, #tpu.memory_space<vmem_shared>>
        tpu.wait_indirect_dma semaphore(%run_scoped3A_353 : memref<!tpu.dma_semaphore, #tpu.memory_space<semaphore_mem>>) src(%dma_wait3A_367 : memref<128x40xf32, #tpu.memory_space<vmem>>) dst(%dma_wait3A_373 : memref<10112x40xf32, #tpu.memory_space<vmem_shared>>)
        tpu.yield
      }) : () -> ()
      %add3A_232 = arith.constant 8 : i32
      %add3A_233 = arith.addi %add3A_216, %add3A_232 : i32
      %lt3A_234 = arith.cmpi slt, %add3A_233, %select_n3A : i32
      %convert_element_type3A_235 = arith.extui %lt3A_234 : i1 to i32
      %cond3A_236 = arith.constant 0 : i32
      %cond3A_237 = arith.cmpi ne, %convert_element_type3A_235, %cond3A_236 : i32
      scf.if %cond3A_237 {
        %add3A_353 = arith.constant 8 : i32
        %add3A_354 = arith.addi %add3A_216, %add3A_353 : i32
        %dma_start3A_355 = arith.constant 2 : i32
        %dma_start3A_356 = arith.constant 2 : i32
        %dma_start3A_357 = arith.constant 0 : i32
        %dma_start3A_358 = arith.constant 0 : i32
        %dma_start3A_359 = tpu.memref_slice %arg12[%dma_start3A_355, %dma_start3A_357, %dma_start3A_358] : memref<8x128x40xf32, #tpu.memory_space<vmem>> -> memref<1x128x40xf32, #tpu.memory_space<vmem>>
        %dma_start3A_360 = tpu.memref_squeeze %dma_start3A_359 : memref<1x128x40xf32, #tpu.memory_space<vmem>> -> memref<128x40xf32, #tpu.memory_space<vmem>>
        %dma_start3A_361 = arith.constant 0 : i32
        %dma_start3A_362 = tpu.memref_slice %arg10[%add3A_354, %dma_start3A_361] : memref<120x128xi32, #tpu.memory_space<vmem>> -> memref<1x128xi32, #tpu.memory_space<vmem>>
        %dma_start3A_363 = tpu.memref_squeeze %dma_start3A_362 : memref<1x128xi32, #tpu.memory_space<vmem>> -> memref<128xi32, #tpu.memory_space<vmem>>
        %dma_start3A_364 = arith.constant 0 : i32
        %dma_start3A_365 = arith.constant 0 : i32
        %dma_start3A_366 = tpu.memref_slice %arg2[%dma_start3A_364, %dma_start3A_365] : memref<10000x40xf32, #tpu.memory_space<hbm>> -> memref<10000x40xf32, #tpu.memory_space<hbm>>
        %dma_start3A_367 = tpu.memref_slice %arg15[%dma_start3A_356] : memref<8x!tpu.dma_semaphore, #tpu.memory_space<semaphore_mem>> -> memref<1x!tpu.dma_semaphore, #tpu.memory_space<semaphore_mem>>
        %dma_start3A_368 = tpu.memref_squeeze %dma_start3A_367 : memref<1x!tpu.dma_semaphore, #tpu.memory_space<semaphore_mem>> -> memref<!tpu.dma_semaphore, #tpu.memory_space<semaphore_mem>>
        tpu.enqueue_indirect_dma source(%dma_start3A_366 : memref<10000x40xf32, #tpu.memory_space<hbm>>) target(%dma_start3A_360 : memref<128x40xf32, #tpu.memory_space<vmem>>) offsets(%dma_start3A_363 : memref<128xi32, #tpu.memory_space<vmem>>) semaphore(%dma_start3A_368 : memref<!tpu.dma_semaphore, #tpu.memory_space<semaphore_mem>>)
      } else {
      }
      %add3A_238 = arith.constant 3 : i32
      %add3A_239 = arith.addi %mul3A_172, %add3A_238 : i32
      %dma_wait3A_240 = arith.constant 3 : i32
      %dma_wait3A_241 = arith.constant 3 : i32
      %dma_wait3A_242 = arith.constant 0 : i32
      %dma_wait3A_243 = arith.constant 0 : i32
      %dma_wait3A_244 = tpu.memref_slice %arg12[%dma_wait3A_240, %dma_wait3A_242, %dma_wait3A_243] : memref<8x128x40xf32, #tpu.memory_space<vmem>> -> memref<1x128x40xf32, #tpu.memory_space<vmem>>
      %dma_wait3A_245 = tpu.memref_squeeze %dma_wait3A_244 : memref<1x128x40xf32, #tpu.memory_space<vmem>> -> memref<128x40xf32, #tpu.memory_space<vmem>>
      %dma_wait3A_246 = arith.constant 0 : i32
      %dma_wait3A_247 = tpu.memref_slice %arg10[%add3A_239, %dma_wait3A_246] : memref<120x128xi32, #tpu.memory_space<vmem>> -> memref<1x128xi32, #tpu.memory_space<vmem>>
      %dma_wait3A_248 = tpu.memref_squeeze %dma_wait3A_247 : memref<1x128xi32, #tpu.memory_space<vmem>> -> memref<128xi32, #tpu.memory_space<vmem>>
      %dma_wait3A_249 = arith.constant 0 : i32
      %dma_wait3A_250 = arith.constant 0 : i32
      %dma_wait3A_251 = tpu.memref_slice %arg2[%dma_wait3A_249, %dma_wait3A_250] : memref<10000x40xf32, #tpu.memory_space<hbm>> -> memref<10000x40xf32, #tpu.memory_space<hbm>>
      %dma_wait3A_252 = tpu.memref_slice %arg15[%dma_wait3A_241] : memref<8x!tpu.dma_semaphore, #tpu.memory_space<semaphore_mem>> -> memref<1x!tpu.dma_semaphore, #tpu.memory_space<semaphore_mem>>
      %dma_wait3A_253 = tpu.memref_squeeze %dma_wait3A_252 : memref<1x!tpu.dma_semaphore, #tpu.memory_space<semaphore_mem>> -> memref<!tpu.dma_semaphore, #tpu.memory_space<semaphore_mem>>
      tpu.wait_indirect_dma semaphore(%dma_wait3A_253 : memref<!tpu.dma_semaphore, #tpu.memory_space<semaphore_mem>>) src(%dma_wait3A_251 : memref<10000x40xf32, #tpu.memory_space<hbm>>) dst(%dma_wait3A_245 : memref<128x40xf32, #tpu.memory_space<vmem>>)
      %run_scoped3A_254 = arith.constant 3 : i32
      "tpu.region"() ({
        %run_scoped3A_353 = tpu.sem_alloc : memref<!tpu.dma_semaphore, #tpu.memory_space<semaphore_mem>>
        %dma_start3A_354 = arith.constant 0 : i32
        %dma_start3A_355 = arith.constant 0 : i32
        %dma_start3A_356 = tpu.memref_slice %arg12[%run_scoped3A_254, %dma_start3A_354, %dma_start3A_355] : memref<8x128x40xf32, #tpu.memory_space<vmem>> -> memref<1x128x40xf32, #tpu.memory_space<vmem>>
        %dma_start3A_357 = tpu.memref_squeeze %dma_start3A_356 : memref<1x128x40xf32, #tpu.memory_space<vmem>> -> memref<128x40xf32, #tpu.memory_space<vmem>>
        %dma_start3A_358 = arith.constant 0 : i32
        %dma_start3A_359 = tpu.memref_slice %arg11[%add3A_239, %dma_start3A_358] : memref<120x128xi32, #tpu.memory_space<vmem>> -> memref<1x128xi32, #tpu.memory_space<vmem>>
        %dma_start3A_360 = tpu.memref_squeeze %dma_start3A_359 : memref<1x128xi32, #tpu.memory_space<vmem>> -> memref<128xi32, #tpu.memory_space<vmem>>
        %dma_start3A_361 = arith.constant 0 : i32
        %dma_start3A_362 = arith.constant 0 : i32
        %dma_start3A_363 = tpu.memref_slice %arg14[%dma_start3A_361, %dma_start3A_362] : memref<10112x40xf32, #tpu.memory_space<vmem_shared>> -> memref<10112x40xf32, #tpu.memory_space<vmem_shared>>
        tpu.enqueue_indirect_dma source(%dma_start3A_357 : memref<128x40xf32, #tpu.memory_space<vmem>>) target(%dma_start3A_363 : memref<10112x40xf32, #tpu.memory_space<vmem_shared>>) offsets(%dma_start3A_360 : memref<128xi32, #tpu.memory_space<vmem>>) semaphore(%run_scoped3A_353 : memref<!tpu.dma_semaphore, #tpu.memory_space<semaphore_mem>>) {add = true}
        %dma_wait3A_364 = arith.constant 0 : i32
        %dma_wait3A_365 = arith.constant 0 : i32
        %dma_wait3A_366 = tpu.memref_slice %arg12[%run_scoped3A_254, %dma_wait3A_364, %dma_wait3A_365] : memref<8x128x40xf32, #tpu.memory_space<vmem>> -> memref<1x128x40xf32, #tpu.memory_space<vmem>>
        %dma_wait3A_367 = tpu.memref_squeeze %dma_wait3A_366 : memref<1x128x40xf32, #tpu.memory_space<vmem>> -> memref<128x40xf32, #tpu.memory_space<vmem>>
        %dma_wait3A_368 = arith.constant 0 : i32
        %dma_wait3A_369 = tpu.memref_slice %arg11[%add3A_239, %dma_wait3A_368] : memref<120x128xi32, #tpu.memory_space<vmem>> -> memref<1x128xi32, #tpu.memory_space<vmem>>
        %dma_wait3A_370 = tpu.memref_squeeze %dma_wait3A_369 : memref<1x128xi32, #tpu.memory_space<vmem>> -> memref<128xi32, #tpu.memory_space<vmem>>
        %dma_wait3A_371 = arith.constant 0 : i32
        %dma_wait3A_372 = arith.constant 0 : i32
        %dma_wait3A_373 = tpu.memref_slice %arg14[%dma_wait3A_371, %dma_wait3A_372] : memref<10112x40xf32, #tpu.memory_space<vmem_shared>> -> memref<10112x40xf32, #tpu.memory_space<vmem_shared>>
        tpu.wait_indirect_dma semaphore(%run_scoped3A_353 : memref<!tpu.dma_semaphore, #tpu.memory_space<semaphore_mem>>) src(%dma_wait3A_367 : memref<128x40xf32, #tpu.memory_space<vmem>>) dst(%dma_wait3A_373 : memref<10112x40xf32, #tpu.memory_space<vmem_shared>>)
        tpu.yield
      }) : () -> ()
      %add3A_255 = arith.constant 8 : i32
      %add3A_256 = arith.addi %add3A_239, %add3A_255 : i32
      %lt3A_257 = arith.cmpi slt, %add3A_256, %select_n3A : i32
      %convert_element_type3A_258 = arith.extui %lt3A_257 : i1 to i32
      %cond3A_259 = arith.constant 0 : i32
      %cond3A_260 = arith.cmpi ne, %convert_element_type3A_258, %cond3A_259 : i32
      scf.if %cond3A_260 {
        %add3A_353 = arith.constant 8 : i32
        %add3A_354 = arith.addi %add3A_239, %add3A_353 : i32
        %dma_start3A_355 = arith.constant 3 : i32
        %dma_start3A_356 = arith.constant 3 : i32
        %dma_start3A_357 = arith.constant 0 : i32
        %dma_start3A_358 = arith.constant 0 : i32
        %dma_start3A_359 = tpu.memref_slice %arg12[%dma_start3A_355, %dma_start3A_357, %dma_start3A_358] : memref<8x128x40xf32, #tpu.memory_space<vmem>> -> memref<1x128x40xf32, #tpu.memory_space<vmem>>
        %dma_start3A_360 = tpu.memref_squeeze %dma_start3A_359 : memref<1x128x40xf32, #tpu.memory_space<vmem>> -> memref<128x40xf32, #tpu.memory_space<vmem>>
        %dma_start3A_361 = arith.constant 0 : i32
        %dma_start3A_362 = tpu.memref_slice %arg10[%add3A_354, %dma_start3A_361] : memref<120x128xi32, #tpu.memory_space<vmem>> -> memref<1x128xi32, #tpu.memory_space<vmem>>
        %dma_start3A_363 = tpu.memref_squeeze %dma_start3A_362 : memref<1x128xi32, #tpu.memory_space<vmem>> -> memref<128xi32, #tpu.memory_space<vmem>>
        %dma_start3A_364 = arith.constant 0 : i32
        %dma_start3A_365 = arith.constant 0 : i32
        %dma_start3A_366 = tpu.memref_slice %arg2[%dma_start3A_364, %dma_start3A_365] : memref<10000x40xf32, #tpu.memory_space<hbm>> -> memref<10000x40xf32, #tpu.memory_space<hbm>>
        %dma_start3A_367 = tpu.memref_slice %arg15[%dma_start3A_356] : memref<8x!tpu.dma_semaphore, #tpu.memory_space<semaphore_mem>> -> memref<1x!tpu.dma_semaphore, #tpu.memory_space<semaphore_mem>>
        %dma_start3A_368 = tpu.memref_squeeze %dma_start3A_367 : memref<1x!tpu.dma_semaphore, #tpu.memory_space<semaphore_mem>> -> memref<!tpu.dma_semaphore, #tpu.memory_space<semaphore_mem>>
        tpu.enqueue_indirect_dma source(%dma_start3A_366 : memref<10000x40xf32, #tpu.memory_space<hbm>>) target(%dma_start3A_360 : memref<128x40xf32, #tpu.memory_space<vmem>>) offsets(%dma_start3A_363 : memref<128xi32, #tpu.memory_space<vmem>>) semaphore(%dma_start3A_368 : memref<!tpu.dma_semaphore, #tpu.memory_space<semaphore_mem>>)
      } else {
      }
      %add3A_261 = arith.constant 4 : i32
      %add3A_262 = arith.addi %mul3A_172, %add3A_261 : i32
      %dma_wait3A_263 = arith.constant 4 : i32
      %dma_wait3A_264 = arith.constant 4 : i32
      %dma_wait3A_265 = arith.constant 0 : i32
      %dma_wait3A_266 = arith.constant 0 : i32
      %dma_wait3A_267 = tpu.memref_slice %arg12[%dma_wait3A_263, %dma_wait3A_265, %dma_wait3A_266] : memref<8x128x40xf32, #tpu.memory_space<vmem>> -> memref<1x128x40xf32, #tpu.memory_space<vmem>>
      %dma_wait3A_268 = tpu.memref_squeeze %dma_wait3A_267 : memref<1x128x40xf32, #tpu.memory_space<vmem>> -> memref<128x40xf32, #tpu.memory_space<vmem>>
      %dma_wait3A_269 = arith.constant 0 : i32
      %dma_wait3A_270 = tpu.memref_slice %arg10[%add3A_262, %dma_wait3A_269] : memref<120x128xi32, #tpu.memory_space<vmem>> -> memref<1x128xi32, #tpu.memory_space<vmem>>
      %dma_wait3A_271 = tpu.memref_squeeze %dma_wait3A_270 : memref<1x128xi32, #tpu.memory_space<vmem>> -> memref<128xi32, #tpu.memory_space<vmem>>
      %dma_wait3A_272 = arith.constant 0 : i32
      %dma_wait3A_273 = arith.constant 0 : i32
      %dma_wait3A_274 = tpu.memref_slice %arg2[%dma_wait3A_272, %dma_wait3A_273] : memref<10000x40xf32, #tpu.memory_space<hbm>> -> memref<10000x40xf32, #tpu.memory_space<hbm>>
      %dma_wait3A_275 = tpu.memref_slice %arg15[%dma_wait3A_264] : memref<8x!tpu.dma_semaphore, #tpu.memory_space<semaphore_mem>> -> memref<1x!tpu.dma_semaphore, #tpu.memory_space<semaphore_mem>>
      %dma_wait3A_276 = tpu.memref_squeeze %dma_wait3A_275 : memref<1x!tpu.dma_semaphore, #tpu.memory_space<semaphore_mem>> -> memref<!tpu.dma_semaphore, #tpu.memory_space<semaphore_mem>>
      tpu.wait_indirect_dma semaphore(%dma_wait3A_276 : memref<!tpu.dma_semaphore, #tpu.memory_space<semaphore_mem>>) src(%dma_wait3A_274 : memref<10000x40xf32, #tpu.memory_space<hbm>>) dst(%dma_wait3A_268 : memref<128x40xf32, #tpu.memory_space<vmem>>)
      %run_scoped3A_277 = arith.constant 4 : i32
      "tpu.region"() ({
        %run_scoped3A_353 = tpu.sem_alloc : memref<!tpu.dma_semaphore, #tpu.memory_space<semaphore_mem>>
        %dma_start3A_354 = arith.constant 0 : i32
        %dma_start3A_355 = arith.constant 0 : i32
        %dma_start3A_356 = tpu.memref_slice %arg12[%run_scoped3A_277, %dma_start3A_354, %dma_start3A_355] : memref<8x128x40xf32, #tpu.memory_space<vmem>> -> memref<1x128x40xf32, #tpu.memory_space<vmem>>
        %dma_start3A_357 = tpu.memref_squeeze %dma_start3A_356 : memref<1x128x40xf32, #tpu.memory_space<vmem>> -> memref<128x40xf32, #tpu.memory_space<vmem>>
        %dma_start3A_358 = arith.constant 0 : i32
        %dma_start3A_359 = tpu.memref_slice %arg11[%add3A_262, %dma_start3A_358] : memref<120x128xi32, #tpu.memory_space<vmem>> -> memref<1x128xi32, #tpu.memory_space<vmem>>
        %dma_start3A_360 = tpu.memref_squeeze %dma_start3A_359 : memref<1x128xi32, #tpu.memory_space<vmem>> -> memref<128xi32, #tpu.memory_space<vmem>>
        %dma_start3A_361 = arith.constant 0 : i32
        %dma_start3A_362 = arith.constant 0 : i32
        %dma_start3A_363 = tpu.memref_slice %arg14[%dma_start3A_361, %dma_start3A_362] : memref<10112x40xf32, #tpu.memory_space<vmem_shared>> -> memref<10112x40xf32, #tpu.memory_space<vmem_shared>>
        tpu.enqueue_indirect_dma source(%dma_start3A_357 : memref<128x40xf32, #tpu.memory_space<vmem>>) target(%dma_start3A_363 : memref<10112x40xf32, #tpu.memory_space<vmem_shared>>) offsets(%dma_start3A_360 : memref<128xi32, #tpu.memory_space<vmem>>) semaphore(%run_scoped3A_353 : memref<!tpu.dma_semaphore, #tpu.memory_space<semaphore_mem>>) {add = true}
        %dma_wait3A_364 = arith.constant 0 : i32
        %dma_wait3A_365 = arith.constant 0 : i32
        %dma_wait3A_366 = tpu.memref_slice %arg12[%run_scoped3A_277, %dma_wait3A_364, %dma_wait3A_365] : memref<8x128x40xf32, #tpu.memory_space<vmem>> -> memref<1x128x40xf32, #tpu.memory_space<vmem>>
        %dma_wait3A_367 = tpu.memref_squeeze %dma_wait3A_366 : memref<1x128x40xf32, #tpu.memory_space<vmem>> -> memref<128x40xf32, #tpu.memory_space<vmem>>
        %dma_wait3A_368 = arith.constant 0 : i32
        %dma_wait3A_369 = tpu.memref_slice %arg11[%add3A_262, %dma_wait3A_368] : memref<120x128xi32, #tpu.memory_space<vmem>> -> memref<1x128xi32, #tpu.memory_space<vmem>>
        %dma_wait3A_370 = tpu.memref_squeeze %dma_wait3A_369 : memref<1x128xi32, #tpu.memory_space<vmem>> -> memref<128xi32, #tpu.memory_space<vmem>>
        %dma_wait3A_371 = arith.constant 0 : i32
        %dma_wait3A_372 = arith.constant 0 : i32
        %dma_wait3A_373 = tpu.memref_slice %arg14[%dma_wait3A_371, %dma_wait3A_372] : memref<10112x40xf32, #tpu.memory_space<vmem_shared>> -> memref<10112x40xf32, #tpu.memory_space<vmem_shared>>
        tpu.wait_indirect_dma semaphore(%run_scoped3A_353 : memref<!tpu.dma_semaphore, #tpu.memory_space<semaphore_mem>>) src(%dma_wait3A_367 : memref<128x40xf32, #tpu.memory_space<vmem>>) dst(%dma_wait3A_373 : memref<10112x40xf32, #tpu.memory_space<vmem_shared>>)
        tpu.yield
      }) : () -> ()
      %add3A_278 = arith.constant 8 : i32
      %add3A_279 = arith.addi %add3A_262, %add3A_278 : i32
      %lt3A_280 = arith.cmpi slt, %add3A_279, %select_n3A : i32
      %convert_element_type3A_281 = arith.extui %lt3A_280 : i1 to i32
      %cond3A_282 = arith.constant 0 : i32
      %cond3A_283 = arith.cmpi ne, %convert_element_type3A_281, %cond3A_282 : i32
      scf.if %cond3A_283 {
        %add3A_353 = arith.constant 8 : i32
        %add3A_354 = arith.addi %add3A_262, %add3A_353 : i32
        %dma_start3A_355 = arith.constant 4 : i32
        %dma_start3A_356 = arith.constant 4 : i32
        %dma_start3A_357 = arith.constant 0 : i32
        %dma_start3A_358 = arith.constant 0 : i32
        %dma_start3A_359 = tpu.memref_slice %arg12[%dma_start3A_355, %dma_start3A_357, %dma_start3A_358] : memref<8x128x40xf32, #tpu.memory_space<vmem>> -> memref<1x128x40xf32, #tpu.memory_space<vmem>>
        %dma_start3A_360 = tpu.memref_squeeze %dma_start3A_359 : memref<1x128x40xf32, #tpu.memory_space<vmem>> -> memref<128x40xf32, #tpu.memory_space<vmem>>
        %dma_start3A_361 = arith.constant 0 : i32
        %dma_start3A_362 = tpu.memref_slice %arg10[%add3A_354, %dma_start3A_361] : memref<120x128xi32, #tpu.memory_space<vmem>> -> memref<1x128xi32, #tpu.memory_space<vmem>>
        %dma_start3A_363 = tpu.memref_squeeze %dma_start3A_362 : memref<1x128xi32, #tpu.memory_space<vmem>> -> memref<128xi32, #tpu.memory_space<vmem>>
        %dma_start3A_364 = arith.constant 0 : i32
        %dma_start3A_365 = arith.constant 0 : i32
        %dma_start3A_366 = tpu.memref_slice %arg2[%dma_start3A_364, %dma_start3A_365] : memref<10000x40xf32, #tpu.memory_space<hbm>> -> memref<10000x40xf32, #tpu.memory_space<hbm>>
        %dma_start3A_367 = tpu.memref_slice %arg15[%dma_start3A_356] : memref<8x!tpu.dma_semaphore, #tpu.memory_space<semaphore_mem>> -> memref<1x!tpu.dma_semaphore, #tpu.memory_space<semaphore_mem>>
        %dma_start3A_368 = tpu.memref_squeeze %dma_start3A_367 : memref<1x!tpu.dma_semaphore, #tpu.memory_space<semaphore_mem>> -> memref<!tpu.dma_semaphore, #tpu.memory_space<semaphore_mem>>
        tpu.enqueue_indirect_dma source(%dma_start3A_366 : memref<10000x40xf32, #tpu.memory_space<hbm>>) target(%dma_start3A_360 : memref<128x40xf32, #tpu.memory_space<vmem>>) offsets(%dma_start3A_363 : memref<128xi32, #tpu.memory_space<vmem>>) semaphore(%dma_start3A_368 : memref<!tpu.dma_semaphore, #tpu.memory_space<semaphore_mem>>)
      } else {
      }
      %add3A_284 = arith.constant 5 : i32
      %add3A_285 = arith.addi %mul3A_172, %add3A_284 : i32
      %dma_wait3A_286 = arith.constant 5 : i32
      %dma_wait3A_287 = arith.constant 5 : i32
      %dma_wait3A_288 = arith.constant 0 : i32
      %dma_wait3A_289 = arith.constant 0 : i32
      %dma_wait3A_290 = tpu.memref_slice %arg12[%dma_wait3A_286, %dma_wait3A_288, %dma_wait3A_289] : memref<8x128x40xf32, #tpu.memory_space<vmem>> -> memref<1x128x40xf32, #tpu.memory_space<vmem>>
      %dma_wait3A_291 = tpu.memref_squeeze %dma_wait3A_290 : memref<1x128x40xf32, #tpu.memory_space<vmem>> -> memref<128x40xf32, #tpu.memory_space<vmem>>
      %dma_wait3A_292 = arith.constant 0 : i32
      %dma_wait3A_293 = tpu.memref_slice %arg10[%add3A_285, %dma_wait3A_292] : memref<120x128xi32, #tpu.memory_space<vmem>> -> memref<1x128xi32, #tpu.memory_space<vmem>>
      %dma_wait3A_294 = tpu.memref_squeeze %dma_wait3A_293 : memref<1x128xi32, #tpu.memory_space<vmem>> -> memref<128xi32, #tpu.memory_space<vmem>>
      %dma_wait3A_295 = arith.constant 0 : i32
      %dma_wait3A_296 = arith.constant 0 : i32
      %dma_wait3A_297 = tpu.memref_slice %arg2[%dma_wait3A_295, %dma_wait3A_296] : memref<10000x40xf32, #tpu.memory_space<hbm>> -> memref<10000x40xf32, #tpu.memory_space<hbm>>
      %dma_wait3A_298 = tpu.memref_slice %arg15[%dma_wait3A_287] : memref<8x!tpu.dma_semaphore, #tpu.memory_space<semaphore_mem>> -> memref<1x!tpu.dma_semaphore, #tpu.memory_space<semaphore_mem>>
      %dma_wait3A_299 = tpu.memref_squeeze %dma_wait3A_298 : memref<1x!tpu.dma_semaphore, #tpu.memory_space<semaphore_mem>> -> memref<!tpu.dma_semaphore, #tpu.memory_space<semaphore_mem>>
      tpu.wait_indirect_dma semaphore(%dma_wait3A_299 : memref<!tpu.dma_semaphore, #tpu.memory_space<semaphore_mem>>) src(%dma_wait3A_297 : memref<10000x40xf32, #tpu.memory_space<hbm>>) dst(%dma_wait3A_291 : memref<128x40xf32, #tpu.memory_space<vmem>>)
      %run_scoped3A_300 = arith.constant 5 : i32
      "tpu.region"() ({
        %run_scoped3A_353 = tpu.sem_alloc : memref<!tpu.dma_semaphore, #tpu.memory_space<semaphore_mem>>
        %dma_start3A_354 = arith.constant 0 : i32
        %dma_start3A_355 = arith.constant 0 : i32
        %dma_start3A_356 = tpu.memref_slice %arg12[%run_scoped3A_300, %dma_start3A_354, %dma_start3A_355] : memref<8x128x40xf32, #tpu.memory_space<vmem>> -> memref<1x128x40xf32, #tpu.memory_space<vmem>>
        %dma_start3A_357 = tpu.memref_squeeze %dma_start3A_356 : memref<1x128x40xf32, #tpu.memory_space<vmem>> -> memref<128x40xf32, #tpu.memory_space<vmem>>
        %dma_start3A_358 = arith.constant 0 : i32
        %dma_start3A_359 = tpu.memref_slice %arg11[%add3A_285, %dma_start3A_358] : memref<120x128xi32, #tpu.memory_space<vmem>> -> memref<1x128xi32, #tpu.memory_space<vmem>>
        %dma_start3A_360 = tpu.memref_squeeze %dma_start3A_359 : memref<1x128xi32, #tpu.memory_space<vmem>> -> memref<128xi32, #tpu.memory_space<vmem>>
        %dma_start3A_361 = arith.constant 0 : i32
        %dma_start3A_362 = arith.constant 0 : i32
        %dma_start3A_363 = tpu.memref_slice %arg14[%dma_start3A_361, %dma_start3A_362] : memref<10112x40xf32, #tpu.memory_space<vmem_shared>> -> memref<10112x40xf32, #tpu.memory_space<vmem_shared>>
        tpu.enqueue_indirect_dma source(%dma_start3A_357 : memref<128x40xf32, #tpu.memory_space<vmem>>) target(%dma_start3A_363 : memref<10112x40xf32, #tpu.memory_space<vmem_shared>>) offsets(%dma_start3A_360 : memref<128xi32, #tpu.memory_space<vmem>>) semaphore(%run_scoped3A_353 : memref<!tpu.dma_semaphore, #tpu.memory_space<semaphore_mem>>) {add = true}
        %dma_wait3A_364 = arith.constant 0 : i32
        %dma_wait3A_365 = arith.constant 0 : i32
        %dma_wait3A_366 = tpu.memref_slice %arg12[%run_scoped3A_300, %dma_wait3A_364, %dma_wait3A_365] : memref<8x128x40xf32, #tpu.memory_space<vmem>> -> memref<1x128x40xf32, #tpu.memory_space<vmem>>
        %dma_wait3A_367 = tpu.memref_squeeze %dma_wait3A_366 : memref<1x128x40xf32, #tpu.memory_space<vmem>> -> memref<128x40xf32, #tpu.memory_space<vmem>>
        %dma_wait3A_368 = arith.constant 0 : i32
        %dma_wait3A_369 = tpu.memref_slice %arg11[%add3A_285, %dma_wait3A_368] : memref<120x128xi32, #tpu.memory_space<vmem>> -> memref<1x128xi32, #tpu.memory_space<vmem>>
        %dma_wait3A_370 = tpu.memref_squeeze %dma_wait3A_369 : memref<1x128xi32, #tpu.memory_space<vmem>> -> memref<128xi32, #tpu.memory_space<vmem>>
        %dma_wait3A_371 = arith.constant 0 : i32
        %dma_wait3A_372 = arith.constant 0 : i32
        %dma_wait3A_373 = tpu.memref_slice %arg14[%dma_wait3A_371, %dma_wait3A_372] : memref<10112x40xf32, #tpu.memory_space<vmem_shared>> -> memref<10112x40xf32, #tpu.memory_space<vmem_shared>>
        tpu.wait_indirect_dma semaphore(%run_scoped3A_353 : memref<!tpu.dma_semaphore, #tpu.memory_space<semaphore_mem>>) src(%dma_wait3A_367 : memref<128x40xf32, #tpu.memory_space<vmem>>) dst(%dma_wait3A_373 : memref<10112x40xf32, #tpu.memory_space<vmem_shared>>)
        tpu.yield
      }) : () -> ()
      %add3A_301 = arith.constant 8 : i32
      %add3A_302 = arith.addi %add3A_285, %add3A_301 : i32
      %lt3A_303 = arith.cmpi slt, %add3A_302, %select_n3A : i32
      %convert_element_type3A_304 = arith.extui %lt3A_303 : i1 to i32
      %cond3A_305 = arith.constant 0 : i32
      %cond3A_306 = arith.cmpi ne, %convert_element_type3A_304, %cond3A_305 : i32
      scf.if %cond3A_306 {
        %add3A_353 = arith.constant 8 : i32
        %add3A_354 = arith.addi %add3A_285, %add3A_353 : i32
        %dma_start3A_355 = arith.constant 5 : i32
        %dma_start3A_356 = arith.constant 5 : i32
        %dma_start3A_357 = arith.constant 0 : i32
        %dma_start3A_358 = arith.constant 0 : i32
        %dma_start3A_359 = tpu.memref_slice %arg12[%dma_start3A_355, %dma_start3A_357, %dma_start3A_358] : memref<8x128x40xf32, #tpu.memory_space<vmem>> -> memref<1x128x40xf32, #tpu.memory_space<vmem>>
        %dma_start3A_360 = tpu.memref_squeeze %dma_start3A_359 : memref<1x128x40xf32, #tpu.memory_space<vmem>> -> memref<128x40xf32, #tpu.memory_space<vmem>>
        %dma_start3A_361 = arith.constant 0 : i32
        %dma_start3A_362 = tpu.memref_slice %arg10[%add3A_354, %dma_start3A_361] : memref<120x128xi32, #tpu.memory_space<vmem>> -> memref<1x128xi32, #tpu.memory_space<vmem>>
        %dma_start3A_363 = tpu.memref_squeeze %dma_start3A_362 : memref<1x128xi32, #tpu.memory_space<vmem>> -> memref<128xi32, #tpu.memory_space<vmem>>
        %dma_start3A_364 = arith.constant 0 : i32
        %dma_start3A_365 = arith.constant 0 : i32
        %dma_start3A_366 = tpu.memref_slice %arg2[%dma_start3A_364, %dma_start3A_365] : memref<10000x40xf32, #tpu.memory_space<hbm>> -> memref<10000x40xf32, #tpu.memory_space<hbm>>
        %dma_start3A_367 = tpu.memref_slice %arg15[%dma_start3A_356] : memref<8x!tpu.dma_semaphore, #tpu.memory_space<semaphore_mem>> -> memref<1x!tpu.dma_semaphore, #tpu.memory_space<semaphore_mem>>
        %dma_start3A_368 = tpu.memref_squeeze %dma_start3A_367 : memref<1x!tpu.dma_semaphore, #tpu.memory_space<semaphore_mem>> -> memref<!tpu.dma_semaphore, #tpu.memory_space<semaphore_mem>>
        tpu.enqueue_indirect_dma source(%dma_start3A_366 : memref<10000x40xf32, #tpu.memory_space<hbm>>) target(%dma_start3A_360 : memref<128x40xf32, #tpu.memory_space<vmem>>) offsets(%dma_start3A_363 : memref<128xi32, #tpu.memory_space<vmem>>) semaphore(%dma_start3A_368 : memref<!tpu.dma_semaphore, #tpu.memory_space<semaphore_mem>>)
      } else {
      }
      %add3A_307 = arith.constant 6 : i32
      %add3A_308 = arith.addi %mul3A_172, %add3A_307 : i32
      %dma_wait3A_309 = arith.constant 6 : i32
      %dma_wait3A_310 = arith.constant 6 : i32
      %dma_wait3A_311 = arith.constant 0 : i32
      %dma_wait3A_312 = arith.constant 0 : i32
      %dma_wait3A_313 = tpu.memref_slice %arg12[%dma_wait3A_309, %dma_wait3A_311, %dma_wait3A_312] : memref<8x128x40xf32, #tpu.memory_space<vmem>> -> memref<1x128x40xf32, #tpu.memory_space<vmem>>
      %dma_wait3A_314 = tpu.memref_squeeze %dma_wait3A_313 : memref<1x128x40xf32, #tpu.memory_space<vmem>> -> memref<128x40xf32, #tpu.memory_space<vmem>>
      %dma_wait3A_315 = arith.constant 0 : i32
      %dma_wait3A_316 = tpu.memref_slice %arg10[%add3A_308, %dma_wait3A_315] : memref<120x128xi32, #tpu.memory_space<vmem>> -> memref<1x128xi32, #tpu.memory_space<vmem>>
      %dma_wait3A_317 = tpu.memref_squeeze %dma_wait3A_316 : memref<1x128xi32, #tpu.memory_space<vmem>> -> memref<128xi32, #tpu.memory_space<vmem>>
      %dma_wait3A_318 = arith.constant 0 : i32
      %dma_wait3A_319 = arith.constant 0 : i32
      %dma_wait3A_320 = tpu.memref_slice %arg2[%dma_wait3A_318, %dma_wait3A_319] : memref<10000x40xf32, #tpu.memory_space<hbm>> -> memref<10000x40xf32, #tpu.memory_space<hbm>>
      %dma_wait3A_321 = tpu.memref_slice %arg15[%dma_wait3A_310] : memref<8x!tpu.dma_semaphore, #tpu.memory_space<semaphore_mem>> -> memref<1x!tpu.dma_semaphore, #tpu.memory_space<semaphore_mem>>
      %dma_wait3A_322 = tpu.memref_squeeze %dma_wait3A_321 : memref<1x!tpu.dma_semaphore, #tpu.memory_space<semaphore_mem>> -> memref<!tpu.dma_semaphore, #tpu.memory_space<semaphore_mem>>
      tpu.wait_indirect_dma semaphore(%dma_wait3A_322 : memref<!tpu.dma_semaphore, #tpu.memory_space<semaphore_mem>>) src(%dma_wait3A_320 : memref<10000x40xf32, #tpu.memory_space<hbm>>) dst(%dma_wait3A_314 : memref<128x40xf32, #tpu.memory_space<vmem>>)
      %run_scoped3A_323 = arith.constant 6 : i32
      "tpu.region"() ({
        %run_scoped3A_353 = tpu.sem_alloc : memref<!tpu.dma_semaphore, #tpu.memory_space<semaphore_mem>>
        %dma_start3A_354 = arith.constant 0 : i32
        %dma_start3A_355 = arith.constant 0 : i32
        %dma_start3A_356 = tpu.memref_slice %arg12[%run_scoped3A_323, %dma_start3A_354, %dma_start3A_355] : memref<8x128x40xf32, #tpu.memory_space<vmem>> -> memref<1x128x40xf32, #tpu.memory_space<vmem>>
        %dma_start3A_357 = tpu.memref_squeeze %dma_start3A_356 : memref<1x128x40xf32, #tpu.memory_space<vmem>> -> memref<128x40xf32, #tpu.memory_space<vmem>>
        %dma_start3A_358 = arith.constant 0 : i32
        %dma_start3A_359 = tpu.memref_slice %arg11[%add3A_308, %dma_start3A_358] : memref<120x128xi32, #tpu.memory_space<vmem>> -> memref<1x128xi32, #tpu.memory_space<vmem>>
        %dma_start3A_360 = tpu.memref_squeeze %dma_start3A_359 : memref<1x128xi32, #tpu.memory_space<vmem>> -> memref<128xi32, #tpu.memory_space<vmem>>
        %dma_start3A_361 = arith.constant 0 : i32
        %dma_start3A_362 = arith.constant 0 : i32
        %dma_start3A_363 = tpu.memref_slice %arg14[%dma_start3A_361, %dma_start3A_362] : memref<10112x40xf32, #tpu.memory_space<vmem_shared>> -> memref<10112x40xf32, #tpu.memory_space<vmem_shared>>
        tpu.enqueue_indirect_dma source(%dma_start3A_357 : memref<128x40xf32, #tpu.memory_space<vmem>>) target(%dma_start3A_363 : memref<10112x40xf32, #tpu.memory_space<vmem_shared>>) offsets(%dma_start3A_360 : memref<128xi32, #tpu.memory_space<vmem>>) semaphore(%run_scoped3A_353 : memref<!tpu.dma_semaphore, #tpu.memory_space<semaphore_mem>>) {add = true}
        %dma_wait3A_364 = arith.constant 0 : i32
        %dma_wait3A_365 = arith.constant 0 : i32
        %dma_wait3A_366 = tpu.memref_slice %arg12[%run_scoped3A_323, %dma_wait3A_364, %dma_wait3A_365] : memref<8x128x40xf32, #tpu.memory_space<vmem>> -> memref<1x128x40xf32, #tpu.memory_space<vmem>>
        %dma_wait3A_367 = tpu.memref_squeeze %dma_wait3A_366 : memref<1x128x40xf32, #tpu.memory_space<vmem>> -> memref<128x40xf32, #tpu.memory_space<vmem>>
        %dma_wait3A_368 = arith.constant 0 : i32
        %dma_wait3A_369 = tpu.memref_slice %arg11[%add3A_308, %dma_wait3A_368] : memref<120x128xi32, #tpu.memory_space<vmem>> -> memref<1x128xi32, #tpu.memory_space<vmem>>
        %dma_wait3A_370 = tpu.memref_squeeze %dma_wait3A_369 : memref<1x128xi32, #tpu.memory_space<vmem>> -> memref<128xi32, #tpu.memory_space<vmem>>
        %dma_wait3A_371 = arith.constant 0 : i32
        %dma_wait3A_372 = arith.constant 0 : i32
        %dma_wait3A_373 = tpu.memref_slice %arg14[%dma_wait3A_371, %dma_wait3A_372] : memref<10112x40xf32, #tpu.memory_space<vmem_shared>> -> memref<10112x40xf32, #tpu.memory_space<vmem_shared>>
        tpu.wait_indirect_dma semaphore(%run_scoped3A_353 : memref<!tpu.dma_semaphore, #tpu.memory_space<semaphore_mem>>) src(%dma_wait3A_367 : memref<128x40xf32, #tpu.memory_space<vmem>>) dst(%dma_wait3A_373 : memref<10112x40xf32, #tpu.memory_space<vmem_shared>>)
        tpu.yield
      }) : () -> ()
      %add3A_324 = arith.constant 8 : i32
      %add3A_325 = arith.addi %add3A_308, %add3A_324 : i32
      %lt3A_326 = arith.cmpi slt, %add3A_325, %select_n3A : i32
      %convert_element_type3A_327 = arith.extui %lt3A_326 : i1 to i32
      %cond3A_328 = arith.constant 0 : i32
      %cond3A_329 = arith.cmpi ne, %convert_element_type3A_327, %cond3A_328 : i32
      scf.if %cond3A_329 {
        %add3A_353 = arith.constant 8 : i32
        %add3A_354 = arith.addi %add3A_308, %add3A_353 : i32
        %dma_start3A_355 = arith.constant 6 : i32
        %dma_start3A_356 = arith.constant 6 : i32
        %dma_start3A_357 = arith.constant 0 : i32
        %dma_start3A_358 = arith.constant 0 : i32
        %dma_start3A_359 = tpu.memref_slice %arg12[%dma_start3A_355, %dma_start3A_357, %dma_start3A_358] : memref<8x128x40xf32, #tpu.memory_space<vmem>> -> memref<1x128x40xf32, #tpu.memory_space<vmem>>
        %dma_start3A_360 = tpu.memref_squeeze %dma_start3A_359 : memref<1x128x40xf32, #tpu.memory_space<vmem>> -> memref<128x40xf32, #tpu.memory_space<vmem>>
        %dma_start3A_361 = arith.constant 0 : i32
        %dma_start3A_362 = tpu.memref_slice %arg10[%add3A_354, %dma_start3A_361] : memref<120x128xi32, #tpu.memory_space<vmem>> -> memref<1x128xi32, #tpu.memory_space<vmem>>
        %dma_start3A_363 = tpu.memref_squeeze %dma_start3A_362 : memref<1x128xi32, #tpu.memory_space<vmem>> -> memref<128xi32, #tpu.memory_space<vmem>>
        %dma_start3A_364 = arith.constant 0 : i32
        %dma_start3A_365 = arith.constant 0 : i32
        %dma_start3A_366 = tpu.memref_slice %arg2[%dma_start3A_364, %dma_start3A_365] : memref<10000x40xf32, #tpu.memory_space<hbm>> -> memref<10000x40xf32, #tpu.memory_space<hbm>>
        %dma_start3A_367 = tpu.memref_slice %arg15[%dma_start3A_356] : memref<8x!tpu.dma_semaphore, #tpu.memory_space<semaphore_mem>> -> memref<1x!tpu.dma_semaphore, #tpu.memory_space<semaphore_mem>>
        %dma_start3A_368 = tpu.memref_squeeze %dma_start3A_367 : memref<1x!tpu.dma_semaphore, #tpu.memory_space<semaphore_mem>> -> memref<!tpu.dma_semaphore, #tpu.memory_space<semaphore_mem>>
        tpu.enqueue_indirect_dma source(%dma_start3A_366 : memref<10000x40xf32, #tpu.memory_space<hbm>>) target(%dma_start3A_360 : memref<128x40xf32, #tpu.memory_space<vmem>>) offsets(%dma_start3A_363 : memref<128xi32, #tpu.memory_space<vmem>>) semaphore(%dma_start3A_368 : memref<!tpu.dma_semaphore, #tpu.memory_space<semaphore_mem>>)
      } else {
      }
      %add3A_330 = arith.constant 7 : i32
      %add3A_331 = arith.addi %mul3A_172, %add3A_330 : i32
      %dma_wait3A_332 = arith.constant 7 : i32
      %dma_wait3A_333 = arith.constant 7 : i32
      %dma_wait3A_334 = arith.constant 0 : i32
      %dma_wait3A_335 = arith.constant 0 : i32
      %dma_wait3A_336 = tpu.memref_slice %arg12[%dma_wait3A_332, %dma_wait3A_334, %dma_wait3A_335] : memref<8x128x40xf32, #tpu.memory_space<vmem>> -> memref<1x128x40xf32, #tpu.memory_space<vmem>>
      %dma_wait3A_337 = tpu.memref_squeeze %dma_wait3A_336 : memref<1x128x40xf32, #tpu.memory_space<vmem>> -> memref<128x40xf32, #tpu.memory_space<vmem>>
      %dma_wait3A_338 = arith.constant 0 : i32
      %dma_wait3A_339 = tpu.memref_slice %arg10[%add3A_331, %dma_wait3A_338] : memref<120x128xi32, #tpu.memory_space<vmem>> -> memref<1x128xi32, #tpu.memory_space<vmem>>
      %dma_wait3A_340 = tpu.memref_squeeze %dma_wait3A_339 : memref<1x128xi32, #tpu.memory_space<vmem>> -> memref<128xi32, #tpu.memory_space<vmem>>
      %dma_wait3A_341 = arith.constant 0 : i32
      %dma_wait3A_342 = arith.constant 0 : i32
      %dma_wait3A_343 = tpu.memref_slice %arg2[%dma_wait3A_341, %dma_wait3A_342] : memref<10000x40xf32, #tpu.memory_space<hbm>> -> memref<10000x40xf32, #tpu.memory_space<hbm>>
      %dma_wait3A_344 = tpu.memref_slice %arg15[%dma_wait3A_333] : memref<8x!tpu.dma_semaphore, #tpu.memory_space<semaphore_mem>> -> memref<1x!tpu.dma_semaphore, #tpu.memory_space<semaphore_mem>>
      %dma_wait3A_345 = tpu.memref_squeeze %dma_wait3A_344 : memref<1x!tpu.dma_semaphore, #tpu.memory_space<semaphore_mem>> -> memref<!tpu.dma_semaphore, #tpu.memory_space<semaphore_mem>>
      tpu.wait_indirect_dma semaphore(%dma_wait3A_345 : memref<!tpu.dma_semaphore, #tpu.memory_space<semaphore_mem>>) src(%dma_wait3A_343 : memref<10000x40xf32, #tpu.memory_space<hbm>>) dst(%dma_wait3A_337 : memref<128x40xf32, #tpu.memory_space<vmem>>)
      %run_scoped3A_346 = arith.constant 7 : i32
      "tpu.region"() ({
        %run_scoped3A_353 = tpu.sem_alloc : memref<!tpu.dma_semaphore, #tpu.memory_space<semaphore_mem>>
        %dma_start3A_354 = arith.constant 0 : i32
        %dma_start3A_355 = arith.constant 0 : i32
        %dma_start3A_356 = tpu.memref_slice %arg12[%run_scoped3A_346, %dma_start3A_354, %dma_start3A_355] : memref<8x128x40xf32, #tpu.memory_space<vmem>> -> memref<1x128x40xf32, #tpu.memory_space<vmem>>
        %dma_start3A_357 = tpu.memref_squeeze %dma_start3A_356 : memref<1x128x40xf32, #tpu.memory_space<vmem>> -> memref<128x40xf32, #tpu.memory_space<vmem>>
        %dma_start3A_358 = arith.constant 0 : i32
        %dma_start3A_359 = tpu.memref_slice %arg11[%add3A_331, %dma_start3A_358] : memref<120x128xi32, #tpu.memory_space<vmem>> -> memref<1x128xi32, #tpu.memory_space<vmem>>
        %dma_start3A_360 = tpu.memref_squeeze %dma_start3A_359 : memref<1x128xi32, #tpu.memory_space<vmem>> -> memref<128xi32, #tpu.memory_space<vmem>>
        %dma_start3A_361 = arith.constant 0 : i32
        %dma_start3A_362 = arith.constant 0 : i32
        %dma_start3A_363 = tpu.memref_slice %arg14[%dma_start3A_361, %dma_start3A_362] : memref<10112x40xf32, #tpu.memory_space<vmem_shared>> -> memref<10112x40xf32, #tpu.memory_space<vmem_shared>>
        tpu.enqueue_indirect_dma source(%dma_start3A_357 : memref<128x40xf32, #tpu.memory_space<vmem>>) target(%dma_start3A_363 : memref<10112x40xf32, #tpu.memory_space<vmem_shared>>) offsets(%dma_start3A_360 : memref<128xi32, #tpu.memory_space<vmem>>) semaphore(%run_scoped3A_353 : memref<!tpu.dma_semaphore, #tpu.memory_space<semaphore_mem>>) {add = true}
        %dma_wait3A_364 = arith.constant 0 : i32
        %dma_wait3A_365 = arith.constant 0 : i32
        %dma_wait3A_366 = tpu.memref_slice %arg12[%run_scoped3A_346, %dma_wait3A_364, %dma_wait3A_365] : memref<8x128x40xf32, #tpu.memory_space<vmem>> -> memref<1x128x40xf32, #tpu.memory_space<vmem>>
        %dma_wait3A_367 = tpu.memref_squeeze %dma_wait3A_366 : memref<1x128x40xf32, #tpu.memory_space<vmem>> -> memref<128x40xf32, #tpu.memory_space<vmem>>
        %dma_wait3A_368 = arith.constant 0 : i32
        %dma_wait3A_369 = tpu.memref_slice %arg11[%add3A_331, %dma_wait3A_368] : memref<120x128xi32, #tpu.memory_space<vmem>> -> memref<1x128xi32, #tpu.memory_space<vmem>>
        %dma_wait3A_370 = tpu.memref_squeeze %dma_wait3A_369 : memref<1x128xi32, #tpu.memory_space<vmem>> -> memref<128xi32, #tpu.memory_space<vmem>>
        %dma_wait3A_371 = arith.constant 0 : i32
        %dma_wait3A_372 = arith.constant 0 : i32
        %dma_wait3A_373 = tpu.memref_slice %arg14[%dma_wait3A_371, %dma_wait3A_372] : memref<10112x40xf32, #tpu.memory_space<vmem_shared>> -> memref<10112x40xf32, #tpu.memory_space<vmem_shared>>
        tpu.wait_indirect_dma semaphore(%run_scoped3A_353 : memref<!tpu.dma_semaphore, #tpu.memory_space<semaphore_mem>>) src(%dma_wait3A_367 : memref<128x40xf32, #tpu.memory_space<vmem>>) dst(%dma_wait3A_373 : memref<10112x40xf32, #tpu.memory_space<vmem_shared>>)
        tpu.yield
      }) : () -> ()
      %add3A_347 = arith.constant 8 : i32
      %add3A_348 = arith.addi %add3A_331, %add3A_347 : i32
      %lt3A_349 = arith.cmpi slt, %add3A_348, %select_n3A : i32
      %convert_element_type3A_350 = arith.extui %lt3A_349 : i1 to i32
      %cond3A_351 = arith.constant 0 : i32
      %cond3A_352 = arith.cmpi ne, %convert_element_type3A_350, %cond3A_351 : i32
      scf.if %cond3A_352 {
        %add3A_353 = arith.constant 8 : i32
        %add3A_354 = arith.addi %add3A_331, %add3A_353 : i32
        %dma_start3A_355 = arith.constant 7 : i32
        %dma_start3A_356 = arith.constant 7 : i32
        %dma_start3A_357 = arith.constant 0 : i32
        %dma_start3A_358 = arith.constant 0 : i32
        %dma_start3A_359 = tpu.memref_slice %arg12[%dma_start3A_355, %dma_start3A_357, %dma_start3A_358] : memref<8x128x40xf32, #tpu.memory_space<vmem>> -> memref<1x128x40xf32, #tpu.memory_space<vmem>>
        %dma_start3A_360 = tpu.memref_squeeze %dma_start3A_359 : memref<1x128x40xf32, #tpu.memory_space<vmem>> -> memref<128x40xf32, #tpu.memory_space<vmem>>
        %dma_start3A_361 = arith.constant 0 : i32
        %dma_start3A_362 = tpu.memref_slice %arg10[%add3A_354, %dma_start3A_361] : memref<120x128xi32, #tpu.memory_space<vmem>> -> memref<1x128xi32, #tpu.memory_space<vmem>>
        %dma_start3A_363 = tpu.memref_squeeze %dma_start3A_362 : memref<1x128xi32, #tpu.memory_space<vmem>> -> memref<128xi32, #tpu.memory_space<vmem>>
        %dma_start3A_364 = arith.constant 0 : i32
        %dma_start3A_365 = arith.constant 0 : i32
        %dma_start3A_366 = tpu.memref_slice %arg2[%dma_start3A_364, %dma_start3A_365] : memref<10000x40xf32, #tpu.memory_space<hbm>> -> memref<10000x40xf32, #tpu.memory_space<hbm>>
        %dma_start3A_367 = tpu.memref_slice %arg15[%dma_start3A_356] : memref<8x!tpu.dma_semaphore, #tpu.memory_space<semaphore_mem>> -> memref<1x!tpu.dma_semaphore, #tpu.memory_space<semaphore_mem>>
        %dma_start3A_368 = tpu.memref_squeeze %dma_start3A_367 : memref<1x!tpu.dma_semaphore, #tpu.memory_space<semaphore_mem>> -> memref<!tpu.dma_semaphore, #tpu.memory_space<semaphore_mem>>
        tpu.enqueue_indirect_dma source(%dma_start3A_366 : memref<10000x40xf32, #tpu.memory_space<hbm>>) target(%dma_start3A_360 : memref<128x40xf32, #tpu.memory_space<vmem>>) offsets(%dma_start3A_363 : memref<128xi32, #tpu.memory_space<vmem>>) semaphore(%dma_start3A_368 : memref<!tpu.dma_semaphore, #tpu.memory_space<semaphore_mem>>)
      } else {
      }
    }
    %while3A_156 = arith.constant 1 : i32
    scf.for %while3A_170 = %while3A_154 to %while3A_150 step %while3A_156  : i32 {
      %mul3A_171 = arith.constant 8 : i32
      %mul3A_172 = arith.muli %while3A_170, %mul3A_171 : i32
      %add3A = arith.constant 0 : i32
      %add3A_173 = arith.addi %mul3A_172, %add3A : i32
      %dma_wait3A = arith.constant 0 : i32
      %dma_wait3A_174 = arith.constant 0 : i32
      %dma_wait3A_175 = arith.constant 0 : i32
      %dma_wait3A_176 = arith.constant 0 : i32
      %dma_wait3A_177 = tpu.memref_slice %arg12[%dma_wait3A, %dma_wait3A_175, %dma_wait3A_176] : memref<8x128x40xf32, #tpu.memory_space<vmem>> -> memref<1x128x40xf32, #tpu.memory_space<vmem>>
      %dma_wait3A_178 = tpu.memref_squeeze %dma_wait3A_177 : memref<1x128x40xf32, #tpu.memory_space<vmem>> -> memref<128x40xf32, #tpu.memory_space<vmem>>
      %dma_wait3A_179 = arith.constant 0 : i32
      %dma_wait3A_180 = tpu.memref_slice %arg10[%add3A_173, %dma_wait3A_179] : memref<120x128xi32, #tpu.memory_space<vmem>> -> memref<1x128xi32, #tpu.memory_space<vmem>>
      %dma_wait3A_181 = tpu.memref_squeeze %dma_wait3A_180 : memref<1x128xi32, #tpu.memory_space<vmem>> -> memref<128xi32, #tpu.memory_space<vmem>>
      %dma_wait3A_182 = arith.constant 0 : i32
      %dma_wait3A_183 = arith.constant 0 : i32
      %dma_wait3A_184 = tpu.memref_slice %arg2[%dma_wait3A_182, %dma_wait3A_183] : memref<10000x40xf32, #tpu.memory_space<hbm>> -> memref<10000x40xf32, #tpu.memory_space<hbm>>
      %dma_wait3A_185 = tpu.memref_slice %arg15[%dma_wait3A_174] : memref<8x!tpu.dma_semaphore, #tpu.memory_space<semaphore_mem>> -> memref<1x!tpu.dma_semaphore, #tpu.memory_space<semaphore_mem>>
      %dma_wait3A_186 = tpu.memref_squeeze %dma_wait3A_185 : memref<1x!tpu.dma_semaphore, #tpu.memory_space<semaphore_mem>> -> memref<!tpu.dma_semaphore, #tpu.memory_space<semaphore_mem>>
      tpu.wait_indirect_dma semaphore(%dma_wait3A_186 : memref<!tpu.dma_semaphore, #tpu.memory_space<semaphore_mem>>) src(%dma_wait3A_184 : memref<10000x40xf32, #tpu.memory_space<hbm>>) dst(%dma_wait3A_178 : memref<128x40xf32, #tpu.memory_space<vmem>>)
      %run_scoped3A = arith.constant 0 : i32
      "tpu.region"() ({
        %run_scoped3A_353 = tpu.sem_alloc : memref<!tpu.dma_semaphore, #tpu.memory_space<semaphore_mem>>
        %dma_start3A_354 = arith.constant 0 : i32
        %dma_start3A_355 = arith.constant 0 : i32
        %dma_start3A_356 = tpu.memref_slice %arg12[%run_scoped3A, %dma_start3A_354, %dma_start3A_355] : memref<8x128x40xf32, #tpu.memory_space<vmem>> -> memref<1x128x40xf32, #tpu.memory_space<vmem>>
        %dma_start3A_357 = tpu.memref_squeeze %dma_start3A_356 : memref<1x128x40xf32, #tpu.memory_space<vmem>> -> memref<128x40xf32, #tpu.memory_space<vmem>>
        %dma_start3A_358 = arith.constant 0 : i32
        %dma_start3A_359 = tpu.memref_slice %arg11[%add3A_173, %dma_start3A_358] : memref<120x128xi32, #tpu.memory_space<vmem>> -> memref<1x128xi32, #tpu.memory_space<vmem>>
        %dma_start3A_360 = tpu.memref_squeeze %dma_start3A_359 : memref<1x128xi32, #tpu.memory_space<vmem>> -> memref<128xi32, #tpu.memory_space<vmem>>
        %dma_start3A_361 = arith.constant 0 : i32
        %dma_start3A_362 = arith.constant 0 : i32
        %dma_start3A_363 = tpu.memref_slice %arg14[%dma_start3A_361, %dma_start3A_362] : memref<10112x40xf32, #tpu.memory_space<vmem_shared>> -> memref<10112x40xf32, #tpu.memory_space<vmem_shared>>
        tpu.enqueue_indirect_dma source(%dma_start3A_357 : memref<128x40xf32, #tpu.memory_space<vmem>>) target(%dma_start3A_363 : memref<10112x40xf32, #tpu.memory_space<vmem_shared>>) offsets(%dma_start3A_360 : memref<128xi32, #tpu.memory_space<vmem>>) semaphore(%run_scoped3A_353 : memref<!tpu.dma_semaphore, #tpu.memory_space<semaphore_mem>>) {add = true}
        %dma_wait3A_364 = arith.constant 0 : i32
        %dma_wait3A_365 = arith.constant 0 : i32
        %dma_wait3A_366 = tpu.memref_slice %arg12[%run_scoped3A, %dma_wait3A_364, %dma_wait3A_365] : memref<8x128x40xf32, #tpu.memory_space<vmem>> -> memref<1x128x40xf32, #tpu.memory_space<vmem>>
        %dma_wait3A_367 = tpu.memref_squeeze %dma_wait3A_366 : memref<1x128x40xf32, #tpu.memory_space<vmem>> -> memref<128x40xf32, #tpu.memory_space<vmem>>
        %dma_wait3A_368 = arith.constant 0 : i32
        %dma_wait3A_369 = tpu.memref_slice %arg11[%add3A_173, %dma_wait3A_368] : memref<120x128xi32, #tpu.memory_space<vmem>> -> memref<1x128xi32, #tpu.memory_space<vmem>>
        %dma_wait3A_370 = tpu.memref_squeeze %dma_wait3A_369 : memref<1x128xi32, #tpu.memory_space<vmem>> -> memref<128xi32, #tpu.memory_space<vmem>>
        %dma_wait3A_371 = arith.constant 0 : i32
        %dma_wait3A_372 = arith.constant 0 : i32
        %dma_wait3A_373 = tpu.memref_slice %arg14[%dma_wait3A_371, %dma_wait3A_372] : memref<10112x40xf32, #tpu.memory_space<vmem_shared>> -> memref<10112x40xf32, #tpu.memory_space<vmem_shared>>
        tpu.wait_indirect_dma semaphore(%run_scoped3A_353 : memref<!tpu.dma_semaphore, #tpu.memory_space<semaphore_mem>>) src(%dma_wait3A_367 : memref<128x40xf32, #tpu.memory_space<vmem>>) dst(%dma_wait3A_373 : memref<10112x40xf32, #tpu.memory_space<vmem_shared>>)
        tpu.yield
      }) : () -> ()
      %add3A_187 = arith.constant 8 : i32
      %add3A_188 = arith.addi %add3A_173, %add3A_187 : i32
      %lt3A = arith.cmpi slt, %add3A_188, %select_n3A : i32
      %convert_element_type3A_189 = arith.extui %lt3A : i1 to i32
      %cond3A_190 = arith.constant 0 : i32
      %cond3A_191 = arith.cmpi ne, %convert_element_type3A_189, %cond3A_190 : i32
      scf.if %cond3A_191 {
        %add3A_353 = arith.constant 8 : i32
        %add3A_354 = arith.addi %add3A_173, %add3A_353 : i32
        %dma_start3A_355 = arith.constant 0 : i32
        %dma_start3A_356 = arith.constant 0 : i32
        %dma_start3A_357 = arith.constant 0 : i32
        %dma_start3A_358 = arith.constant 0 : i32
        %dma_start3A_359 = tpu.memref_slice %arg12[%dma_start3A_355, %dma_start3A_357, %dma_start3A_358] : memref<8x128x40xf32, #tpu.memory_space<vmem>> -> memref<1x128x40xf32, #tpu.memory_space<vmem>>
        %dma_start3A_360 = tpu.memref_squeeze %dma_start3A_359 : memref<1x128x40xf32, #tpu.memory_space<vmem>> -> memref<128x40xf32, #tpu.memory_space<vmem>>
        %dma_start3A_361 = arith.constant 0 : i32
        %dma_start3A_362 = tpu.memref_slice %arg10[%add3A_354, %dma_start3A_361] : memref<120x128xi32, #tpu.memory_space<vmem>> -> memref<1x128xi32, #tpu.memory_space<vmem>>
        %dma_start3A_363 = tpu.memref_squeeze %dma_start3A_362 : memref<1x128xi32, #tpu.memory_space<vmem>> -> memref<128xi32, #tpu.memory_space<vmem>>
        %dma_start3A_364 = arith.constant 0 : i32
        %dma_start3A_365 = arith.constant 0 : i32
        %dma_start3A_366 = tpu.memref_slice %arg2[%dma_start3A_364, %dma_start3A_365] : memref<10000x40xf32, #tpu.memory_space<hbm>> -> memref<10000x40xf32, #tpu.memory_space<hbm>>
        %dma_start3A_367 = tpu.memref_slice %arg15[%dma_start3A_356] : memref<8x!tpu.dma_semaphore, #tpu.memory_space<semaphore_mem>> -> memref<1x!tpu.dma_semaphore, #tpu.memory_space<semaphore_mem>>
        %dma_start3A_368 = tpu.memref_squeeze %dma_start3A_367 : memref<1x!tpu.dma_semaphore, #tpu.memory_space<semaphore_mem>> -> memref<!tpu.dma_semaphore, #tpu.memory_space<semaphore_mem>>
        tpu.enqueue_indirect_dma source(%dma_start3A_366 : memref<10000x40xf32, #tpu.memory_space<hbm>>) target(%dma_start3A_360 : memref<128x40xf32, #tpu.memory_space<vmem>>) offsets(%dma_start3A_363 : memref<128xi32, #tpu.memory_space<vmem>>) semaphore(%dma_start3A_368 : memref<!tpu.dma_semaphore, #tpu.memory_space<semaphore_mem>>)
      } else {
      }
      %add3A_192 = arith.constant 1 : i32
      %add3A_193 = arith.addi %mul3A_172, %add3A_192 : i32
      %dma_wait3A_194 = arith.constant 1 : i32
      %dma_wait3A_195 = arith.constant 1 : i32
      %dma_wait3A_196 = arith.constant 0 : i32
      %dma_wait3A_197 = arith.constant 0 : i32
      %dma_wait3A_198 = tpu.memref_slice %arg12[%dma_wait3A_194, %dma_wait3A_196, %dma_wait3A_197] : memref<8x128x40xf32, #tpu.memory_space<vmem>> -> memref<1x128x40xf32, #tpu.memory_space<vmem>>
      %dma_wait3A_199 = tpu.memref_squeeze %dma_wait3A_198 : memref<1x128x40xf32, #tpu.memory_space<vmem>> -> memref<128x40xf32, #tpu.memory_space<vmem>>
      %dma_wait3A_200 = arith.constant 0 : i32
      %dma_wait3A_201 = tpu.memref_slice %arg10[%add3A_193, %dma_wait3A_200] : memref<120x128xi32, #tpu.memory_space<vmem>> -> memref<1x128xi32, #tpu.memory_space<vmem>>
      %dma_wait3A_202 = tpu.memref_squeeze %dma_wait3A_201 : memref<1x128xi32, #tpu.memory_space<vmem>> -> memref<128xi32, #tpu.memory_space<vmem>>
      %dma_wait3A_203 = arith.constant 0 : i32
      %dma_wait3A_204 = arith.constant 0 : i32
      %dma_wait3A_205 = tpu.memref_slice %arg2[%dma_wait3A_203, %dma_wait3A_204] : memref<10000x40xf32, #tpu.memory_space<hbm>> -> memref<10000x40xf32, #tpu.memory_space<hbm>>
      %dma_wait3A_206 = tpu.memref_slice %arg15[%dma_wait3A_195] : memref<8x!tpu.dma_semaphore, #tpu.memory_space<semaphore_mem>> -> memref<1x!tpu.dma_semaphore, #tpu.memory_space<semaphore_mem>>
      %dma_wait3A_207 = tpu.memref_squeeze %dma_wait3A_206 : memref<1x!tpu.dma_semaphore, #tpu.memory_space<semaphore_mem>> -> memref<!tpu.dma_semaphore, #tpu.memory_space<semaphore_mem>>
      tpu.wait_indirect_dma semaphore(%dma_wait3A_207 : memref<!tpu.dma_semaphore, #tpu.memory_space<semaphore_mem>>) src(%dma_wait3A_205 : memref<10000x40xf32, #tpu.memory_space<hbm>>) dst(%dma_wait3A_199 : memref<128x40xf32, #tpu.memory_space<vmem>>)
      %run_scoped3A_208 = arith.constant 1 : i32
      "tpu.region"() ({
        %run_scoped3A_353 = tpu.sem_alloc : memref<!tpu.dma_semaphore, #tpu.memory_space<semaphore_mem>>
        %dma_start3A_354 = arith.constant 0 : i32
        %dma_start3A_355 = arith.constant 0 : i32
        %dma_start3A_356 = tpu.memref_slice %arg12[%run_scoped3A_208, %dma_start3A_354, %dma_start3A_355] : memref<8x128x40xf32, #tpu.memory_space<vmem>> -> memref<1x128x40xf32, #tpu.memory_space<vmem>>
        %dma_start3A_357 = tpu.memref_squeeze %dma_start3A_356 : memref<1x128x40xf32, #tpu.memory_space<vmem>> -> memref<128x40xf32, #tpu.memory_space<vmem>>
        %dma_start3A_358 = arith.constant 0 : i32
        %dma_start3A_359 = tpu.memref_slice %arg11[%add3A_193, %dma_start3A_358] : memref<120x128xi32, #tpu.memory_space<vmem>> -> memref<1x128xi32, #tpu.memory_space<vmem>>
        %dma_start3A_360 = tpu.memref_squeeze %dma_start3A_359 : memref<1x128xi32, #tpu.memory_space<vmem>> -> memref<128xi32, #tpu.memory_space<vmem>>
        %dma_start3A_361 = arith.constant 0 : i32
        %dma_start3A_362 = arith.constant 0 : i32
        %dma_start3A_363 = tpu.memref_slice %arg14[%dma_start3A_361, %dma_start3A_362] : memref<10112x40xf32, #tpu.memory_space<vmem_shared>> -> memref<10112x40xf32, #tpu.memory_space<vmem_shared>>
        tpu.enqueue_indirect_dma source(%dma_start3A_357 : memref<128x40xf32, #tpu.memory_space<vmem>>) target(%dma_start3A_363 : memref<10112x40xf32, #tpu.memory_space<vmem_shared>>) offsets(%dma_start3A_360 : memref<128xi32, #tpu.memory_space<vmem>>) semaphore(%run_scoped3A_353 : memref<!tpu.dma_semaphore, #tpu.memory_space<semaphore_mem>>) {add = true}
        %dma_wait3A_364 = arith.constant 0 : i32
        %dma_wait3A_365 = arith.constant 0 : i32
        %dma_wait3A_366 = tpu.memref_slice %arg12[%run_scoped3A_208, %dma_wait3A_364, %dma_wait3A_365] : memref<8x128x40xf32, #tpu.memory_space<vmem>> -> memref<1x128x40xf32, #tpu.memory_space<vmem>>
        %dma_wait3A_367 = tpu.memref_squeeze %dma_wait3A_366 : memref<1x128x40xf32, #tpu.memory_space<vmem>> -> memref<128x40xf32, #tpu.memory_space<vmem>>
        %dma_wait3A_368 = arith.constant 0 : i32
        %dma_wait3A_369 = tpu.memref_slice %arg11[%add3A_193, %dma_wait3A_368] : memref<120x128xi32, #tpu.memory_space<vmem>> -> memref<1x128xi32, #tpu.memory_space<vmem>>
        %dma_wait3A_370 = tpu.memref_squeeze %dma_wait3A_369 : memref<1x128xi32, #tpu.memory_space<vmem>> -> memref<128xi32, #tpu.memory_space<vmem>>
        %dma_wait3A_371 = arith.constant 0 : i32
        %dma_wait3A_372 = arith.constant 0 : i32
        %dma_wait3A_373 = tpu.memref_slice %arg14[%dma_wait3A_371, %dma_wait3A_372] : memref<10112x40xf32, #tpu.memory_space<vmem_shared>> -> memref<10112x40xf32, #tpu.memory_space<vmem_shared>>
        tpu.wait_indirect_dma semaphore(%run_scoped3A_353 : memref<!tpu.dma_semaphore, #tpu.memory_space<semaphore_mem>>) src(%dma_wait3A_367 : memref<128x40xf32, #tpu.memory_space<vmem>>) dst(%dma_wait3A_373 : memref<10112x40xf32, #tpu.memory_space<vmem_shared>>)
        tpu.yield
      }) : () -> ()
      %add3A_209 = arith.constant 8 : i32
      %add3A_210 = arith.addi %add3A_193, %add3A_209 : i32
      %lt3A_211 = arith.cmpi slt, %add3A_210, %select_n3A : i32
      %convert_element_type3A_212 = arith.extui %lt3A_211 : i1 to i32
      %cond3A_213 = arith.constant 0 : i32
      %cond3A_214 = arith.cmpi ne, %convert_element_type3A_212, %cond3A_213 : i32
      scf.if %cond3A_214 {
        %add3A_353 = arith.constant 8 : i32
        %add3A_354 = arith.addi %add3A_193, %add3A_353 : i32
        %dma_start3A_355 = arith.constant 1 : i32
        %dma_start3A_356 = arith.constant 1 : i32
        %dma_start3A_357 = arith.constant 0 : i32
        %dma_start3A_358 = arith.constant 0 : i32
        %dma_start3A_359 = tpu.memref_slice %arg12[%dma_start3A_355, %dma_start3A_357, %dma_start3A_358] : memref<8x128x40xf32, #tpu.memory_space<vmem>> -> memref<1x128x40xf32, #tpu.memory_space<vmem>>
        %dma_start3A_360 = tpu.memref_squeeze %dma_start3A_359 : memref<1x128x40xf32, #tpu.memory_space<vmem>> -> memref<128x40xf32, #tpu.memory_space<vmem>>
        %dma_start3A_361 = arith.constant 0 : i32
        %dma_start3A_362 = tpu.memref_slice %arg10[%add3A_354, %dma_start3A_361] : memref<120x128xi32, #tpu.memory_space<vmem>> -> memref<1x128xi32, #tpu.memory_space<vmem>>
        %dma_start3A_363 = tpu.memref_squeeze %dma_start3A_362 : memref<1x128xi32, #tpu.memory_space<vmem>> -> memref<128xi32, #tpu.memory_space<vmem>>
        %dma_start3A_364 = arith.constant 0 : i32
        %dma_start3A_365 = arith.constant 0 : i32
        %dma_start3A_366 = tpu.memref_slice %arg2[%dma_start3A_364, %dma_start3A_365] : memref<10000x40xf32, #tpu.memory_space<hbm>> -> memref<10000x40xf32, #tpu.memory_space<hbm>>
        %dma_start3A_367 = tpu.memref_slice %arg15[%dma_start3A_356] : memref<8x!tpu.dma_semaphore, #tpu.memory_space<semaphore_mem>> -> memref<1x!tpu.dma_semaphore, #tpu.memory_space<semaphore_mem>>
        %dma_start3A_368 = tpu.memref_squeeze %dma_start3A_367 : memref<1x!tpu.dma_semaphore, #tpu.memory_space<semaphore_mem>> -> memref<!tpu.dma_semaphore, #tpu.memory_space<semaphore_mem>>
        tpu.enqueue_indirect_dma source(%dma_start3A_366 : memref<10000x40xf32, #tpu.memory_space<hbm>>) target(%dma_start3A_360 : memref<128x40xf32, #tpu.memory_space<vmem>>) offsets(%dma_start3A_363 : memref<128xi32, #tpu.memory_space<vmem>>) semaphore(%dma_start3A_368 : memref<!tpu.dma_semaphore, #tpu.memory_space<semaphore_mem>>)
      } else {
      }
      %add3A_215 = arith.constant 2 : i32
      %add3A_216 = arith.addi %mul3A_172, %add3A_215 : i32
      %dma_wait3A_217 = arith.constant 2 : i32
      %dma_wait3A_218 = arith.constant 2 : i32
      %dma_wait3A_219 = arith.constant 0 : i32
      %dma_wait3A_220 = arith.constant 0 : i32
      %dma_wait3A_221 = tpu.memref_slice %arg12[%dma_wait3A_217, %dma_wait3A_219, %dma_wait3A_220] : memref<8x128x40xf32, #tpu.memory_space<vmem>> -> memref<1x128x40xf32, #tpu.memory_space<vmem>>
      %dma_wait3A_222 = tpu.memref_squeeze %dma_wait3A_221 : memref<1x128x40xf32, #tpu.memory_space<vmem>> -> memref<128x40xf32, #tpu.memory_space<vmem>>
      %dma_wait3A_223 = arith.constant 0 : i32
      %dma_wait3A_224 = tpu.memref_slice %arg10[%add3A_216, %dma_wait3A_223] : memref<120x128xi32, #tpu.memory_space<vmem>> -> memref<1x128xi32, #tpu.memory_space<vmem>>
      %dma_wait3A_225 = tpu.memref_squeeze %dma_wait3A_224 : memref<1x128xi32, #tpu.memory_space<vmem>> -> memref<128xi32, #tpu.memory_space<vmem>>
      %dma_wait3A_226 = arith.constant 0 : i32
      %dma_wait3A_227 = arith.constant 0 : i32
      %dma_wait3A_228 = tpu.memref_slice %arg2[%dma_wait3A_226, %dma_wait3A_227] : memref<10000x40xf32, #tpu.memory_space<hbm>> -> memref<10000x40xf32, #tpu.memory_space<hbm>>
      %dma_wait3A_229 = tpu.memref_slice %arg15[%dma_wait3A_218] : memref<8x!tpu.dma_semaphore, #tpu.memory_space<semaphore_mem>> -> memref<1x!tpu.dma_semaphore, #tpu.memory_space<semaphore_mem>>
      %dma_wait3A_230 = tpu.memref_squeeze %dma_wait3A_229 : memref<1x!tpu.dma_semaphore, #tpu.memory_space<semaphore_mem>> -> memref<!tpu.dma_semaphore, #tpu.memory_space<semaphore_mem>>
      tpu.wait_indirect_dma semaphore(%dma_wait3A_230 : memref<!tpu.dma_semaphore, #tpu.memory_space<semaphore_mem>>) src(%dma_wait3A_228 : memref<10000x40xf32, #tpu.memory_space<hbm>>) dst(%dma_wait3A_222 : memref<128x40xf32, #tpu.memory_space<vmem>>)
      %run_scoped3A_231 = arith.constant 2 : i32
      "tpu.region"() ({
        %run_scoped3A_353 = tpu.sem_alloc : memref<!tpu.dma_semaphore, #tpu.memory_space<semaphore_mem>>
        %dma_start3A_354 = arith.constant 0 : i32
        %dma_start3A_355 = arith.constant 0 : i32
        %dma_start3A_356 = tpu.memref_slice %arg12[%run_scoped3A_231, %dma_start3A_354, %dma_start3A_355] : memref<8x128x40xf32, #tpu.memory_space<vmem>> -> memref<1x128x40xf32, #tpu.memory_space<vmem>>
        %dma_start3A_357 = tpu.memref_squeeze %dma_start3A_356 : memref<1x128x40xf32, #tpu.memory_space<vmem>> -> memref<128x40xf32, #tpu.memory_space<vmem>>
        %dma_start3A_358 = arith.constant 0 : i32
        %dma_start3A_359 = tpu.memref_slice %arg11[%add3A_216, %dma_start3A_358] : memref<120x128xi32, #tpu.memory_space<vmem>> -> memref<1x128xi32, #tpu.memory_space<vmem>>
        %dma_start3A_360 = tpu.memref_squeeze %dma_start3A_359 : memref<1x128xi32, #tpu.memory_space<vmem>> -> memref<128xi32, #tpu.memory_space<vmem>>
        %dma_start3A_361 = arith.constant 0 : i32
        %dma_start3A_362 = arith.constant 0 : i32
        %dma_start3A_363 = tpu.memref_slice %arg14[%dma_start3A_361, %dma_start3A_362] : memref<10112x40xf32, #tpu.memory_space<vmem_shared>> -> memref<10112x40xf32, #tpu.memory_space<vmem_shared>>
        tpu.enqueue_indirect_dma source(%dma_start3A_357 : memref<128x40xf32, #tpu.memory_space<vmem>>) target(%dma_start3A_363 : memref<10112x40xf32, #tpu.memory_space<vmem_shared>>) offsets(%dma_start3A_360 : memref<128xi32, #tpu.memory_space<vmem>>) semaphore(%run_scoped3A_353 : memref<!tpu.dma_semaphore, #tpu.memory_space<semaphore_mem>>) {add = true}
        %dma_wait3A_364 = arith.constant 0 : i32
        %dma_wait3A_365 = arith.constant 0 : i32
        %dma_wait3A_366 = tpu.memref_slice %arg12[%run_scoped3A_231, %dma_wait3A_364, %dma_wait3A_365] : memref<8x128x40xf32, #tpu.memory_space<vmem>> -> memref<1x128x40xf32, #tpu.memory_space<vmem>>
        %dma_wait3A_367 = tpu.memref_squeeze %dma_wait3A_366 : memref<1x128x40xf32, #tpu.memory_space<vmem>> -> memref<128x40xf32, #tpu.memory_space<vmem>>
        %dma_wait3A_368 = arith.constant 0 : i32
        %dma_wait3A_369 = tpu.memref_slice %arg11[%add3A_216, %dma_wait3A_368] : memref<120x128xi32, #tpu.memory_space<vmem>> -> memref<1x128xi32, #tpu.memory_space<vmem>>
        %dma_wait3A_370 = tpu.memref_squeeze %dma_wait3A_369 : memref<1x128xi32, #tpu.memory_space<vmem>> -> memref<128xi32, #tpu.memory_space<vmem>>
        %dma_wait3A_371 = arith.constant 0 : i32
        %dma_wait3A_372 = arith.constant 0 : i32
        %dma_wait3A_373 = tpu.memref_slice %arg14[%dma_wait3A_371, %dma_wait3A_372] : memref<10112x40xf32, #tpu.memory_space<vmem_shared>> -> memref<10112x40xf32, #tpu.memory_space<vmem_shared>>
        tpu.wait_indirect_dma semaphore(%run_scoped3A_353 : memref<!tpu.dma_semaphore, #tpu.memory_space<semaphore_mem>>) src(%dma_wait3A_367 : memref<128x40xf32, #tpu.memory_space<vmem>>) dst(%dma_wait3A_373 : memref<10112x40xf32, #tpu.memory_space<vmem_shared>>)
        tpu.yield
      }) : () -> ()
      %add3A_232 = arith.constant 8 : i32
      %add3A_233 = arith.addi %add3A_216, %add3A_232 : i32
      %lt3A_234 = arith.cmpi slt, %add3A_233, %select_n3A : i32
      %convert_element_type3A_235 = arith.extui %lt3A_234 : i1 to i32
      %cond3A_236 = arith.constant 0 : i32
      %cond3A_237 = arith.cmpi ne, %convert_element_type3A_235, %cond3A_236 : i32
      scf.if %cond3A_237 {
        %add3A_353 = arith.constant 8 : i32
        %add3A_354 = arith.addi %add3A_216, %add3A_353 : i32
        %dma_start3A_355 = arith.constant 2 : i32
        %dma_start3A_356 = arith.constant 2 : i32
        %dma_start3A_357 = arith.constant 0 : i32
        %dma_start3A_358 = arith.constant 0 : i32
        %dma_start3A_359 = tpu.memref_slice %arg12[%dma_start3A_355, %dma_start3A_357, %dma_start3A_358] : memref<8x128x40xf32, #tpu.memory_space<vmem>> -> memref<1x128x40xf32, #tpu.memory_space<vmem>>
        %dma_start3A_360 = tpu.memref_squeeze %dma_start3A_359 : memref<1x128x40xf32, #tpu.memory_space<vmem>> -> memref<128x40xf32, #tpu.memory_space<vmem>>
        %dma_start3A_361 = arith.constant 0 : i32
        %dma_start3A_362 = tpu.memref_slice %arg10[%add3A_354, %dma_start3A_361] : memref<120x128xi32, #tpu.memory_space<vmem>> -> memref<1x128xi32, #tpu.memory_space<vmem>>
        %dma_start3A_363 = tpu.memref_squeeze %dma_start3A_362 : memref<1x128xi32, #tpu.memory_space<vmem>> -> memref<128xi32, #tpu.memory_space<vmem>>
        %dma_start3A_364 = arith.constant 0 : i32
        %dma_start3A_365 = arith.constant 0 : i32
        %dma_start3A_366 = tpu.memref_slice %arg2[%dma_start3A_364, %dma_start3A_365] : memref<10000x40xf32, #tpu.memory_space<hbm>> -> memref<10000x40xf32, #tpu.memory_space<hbm>>
        %dma_start3A_367 = tpu.memref_slice %arg15[%dma_start3A_356] : memref<8x!tpu.dma_semaphore, #tpu.memory_space<semaphore_mem>> -> memref<1x!tpu.dma_semaphore, #tpu.memory_space<semaphore_mem>>
        %dma_start3A_368 = tpu.memref_squeeze %dma_start3A_367 : memref<1x!tpu.dma_semaphore, #tpu.memory_space<semaphore_mem>> -> memref<!tpu.dma_semaphore, #tpu.memory_space<semaphore_mem>>
        tpu.enqueue_indirect_dma source(%dma_start3A_366 : memref<10000x40xf32, #tpu.memory_space<hbm>>) target(%dma_start3A_360 : memref<128x40xf32, #tpu.memory_space<vmem>>) offsets(%dma_start3A_363 : memref<128xi32, #tpu.memory_space<vmem>>) semaphore(%dma_start3A_368 : memref<!tpu.dma_semaphore, #tpu.memory_space<semaphore_mem>>)
      } else {
      }
      %add3A_238 = arith.constant 3 : i32
      %add3A_239 = arith.addi %mul3A_172, %add3A_238 : i32
      %dma_wait3A_240 = arith.constant 3 : i32
      %dma_wait3A_241 = arith.constant 3 : i32
      %dma_wait3A_242 = arith.constant 0 : i32
      %dma_wait3A_243 = arith.constant 0 : i32
      %dma_wait3A_244 = tpu.memref_slice %arg12[%dma_wait3A_240, %dma_wait3A_242, %dma_wait3A_243] : memref<8x128x40xf32, #tpu.memory_space<vmem>> -> memref<1x128x40xf32, #tpu.memory_space<vmem>>
      %dma_wait3A_245 = tpu.memref_squeeze %dma_wait3A_244 : memref<1x128x40xf32, #tpu.memory_space<vmem>> -> memref<128x40xf32, #tpu.memory_space<vmem>>
      %dma_wait3A_246 = arith.constant 0 : i32
      %dma_wait3A_247 = tpu.memref_slice %arg10[%add3A_239, %dma_wait3A_246] : memref<120x128xi32, #tpu.memory_space<vmem>> -> memref<1x128xi32, #tpu.memory_space<vmem>>
      %dma_wait3A_248 = tpu.memref_squeeze %dma_wait3A_247 : memref<1x128xi32, #tpu.memory_space<vmem>> -> memref<128xi32, #tpu.memory_space<vmem>>
      %dma_wait3A_249 = arith.constant 0 : i32
      %dma_wait3A_250 = arith.constant 0 : i32
      %dma_wait3A_251 = tpu.memref_slice %arg2[%dma_wait3A_249, %dma_wait3A_250] : memref<10000x40xf32, #tpu.memory_space<hbm>> -> memref<10000x40xf32, #tpu.memory_space<hbm>>
      %dma_wait3A_252 = tpu.memref_slice %arg15[%dma_wait3A_241] : memref<8x!tpu.dma_semaphore, #tpu.memory_space<semaphore_mem>> -> memref<1x!tpu.dma_semaphore, #tpu.memory_space<semaphore_mem>>
      %dma_wait3A_253 = tpu.memref_squeeze %dma_wait3A_252 : memref<1x!tpu.dma_semaphore, #tpu.memory_space<semaphore_mem>> -> memref<!tpu.dma_semaphore, #tpu.memory_space<semaphore_mem>>
      tpu.wait_indirect_dma semaphore(%dma_wait3A_253 : memref<!tpu.dma_semaphore, #tpu.memory_space<semaphore_mem>>) src(%dma_wait3A_251 : memref<10000x40xf32, #tpu.memory_space<hbm>>) dst(%dma_wait3A_245 : memref<128x40xf32, #tpu.memory_space<vmem>>)
      %run_scoped3A_254 = arith.constant 3 : i32
      "tpu.region"() ({
        %run_scoped3A_353 = tpu.sem_alloc : memref<!tpu.dma_semaphore, #tpu.memory_space<semaphore_mem>>
        %dma_start3A_354 = arith.constant 0 : i32
        %dma_start3A_355 = arith.constant 0 : i32
        %dma_start3A_356 = tpu.memref_slice %arg12[%run_scoped3A_254, %dma_start3A_354, %dma_start3A_355] : memref<8x128x40xf32, #tpu.memory_space<vmem>> -> memref<1x128x40xf32, #tpu.memory_space<vmem>>
        %dma_start3A_357 = tpu.memref_squeeze %dma_start3A_356 : memref<1x128x40xf32, #tpu.memory_space<vmem>> -> memref<128x40xf32, #tpu.memory_space<vmem>>
        %dma_start3A_358 = arith.constant 0 : i32
        %dma_start3A_359 = tpu.memref_slice %arg11[%add3A_239, %dma_start3A_358] : memref<120x128xi32, #tpu.memory_space<vmem>> -> memref<1x128xi32, #tpu.memory_space<vmem>>
        %dma_start3A_360 = tpu.memref_squeeze %dma_start3A_359 : memref<1x128xi32, #tpu.memory_space<vmem>> -> memref<128xi32, #tpu.memory_space<vmem>>
        %dma_start3A_361 = arith.constant 0 : i32
        %dma_start3A_362 = arith.constant 0 : i32
        %dma_start3A_363 = tpu.memref_slice %arg14[%dma_start3A_361, %dma_start3A_362] : memref<10112x40xf32, #tpu.memory_space<vmem_shared>> -> memref<10112x40xf32, #tpu.memory_space<vmem_shared>>
        tpu.enqueue_indirect_dma source(%dma_start3A_357 : memref<128x40xf32, #tpu.memory_space<vmem>>) target(%dma_start3A_363 : memref<10112x40xf32, #tpu.memory_space<vmem_shared>>) offsets(%dma_start3A_360 : memref<128xi32, #tpu.memory_space<vmem>>) semaphore(%run_scoped3A_353 : memref<!tpu.dma_semaphore, #tpu.memory_space<semaphore_mem>>) {add = true}
        %dma_wait3A_364 = arith.constant 0 : i32
        %dma_wait3A_365 = arith.constant 0 : i32
        %dma_wait3A_366 = tpu.memref_slice %arg12[%run_scoped3A_254, %dma_wait3A_364, %dma_wait3A_365] : memref<8x128x40xf32, #tpu.memory_space<vmem>> -> memref<1x128x40xf32, #tpu.memory_space<vmem>>
        %dma_wait3A_367 = tpu.memref_squeeze %dma_wait3A_366 : memref<1x128x40xf32, #tpu.memory_space<vmem>> -> memref<128x40xf32, #tpu.memory_space<vmem>>
        %dma_wait3A_368 = arith.constant 0 : i32
        %dma_wait3A_369 = tpu.memref_slice %arg11[%add3A_239, %dma_wait3A_368] : memref<120x128xi32, #tpu.memory_space<vmem>> -> memref<1x128xi32, #tpu.memory_space<vmem>>
        %dma_wait3A_370 = tpu.memref_squeeze %dma_wait3A_369 : memref<1x128xi32, #tpu.memory_space<vmem>> -> memref<128xi32, #tpu.memory_space<vmem>>
        %dma_wait3A_371 = arith.constant 0 : i32
        %dma_wait3A_372 = arith.constant 0 : i32
        %dma_wait3A_373 = tpu.memref_slice %arg14[%dma_wait3A_371, %dma_wait3A_372] : memref<10112x40xf32, #tpu.memory_space<vmem_shared>> -> memref<10112x40xf32, #tpu.memory_space<vmem_shared>>
        tpu.wait_indirect_dma semaphore(%run_scoped3A_353 : memref<!tpu.dma_semaphore, #tpu.memory_space<semaphore_mem>>) src(%dma_wait3A_367 : memref<128x40xf32, #tpu.memory_space<vmem>>) dst(%dma_wait3A_373 : memref<10112x40xf32, #tpu.memory_space<vmem_shared>>)
        tpu.yield
      }) : () -> ()
      %add3A_255 = arith.constant 8 : i32
      %add3A_256 = arith.addi %add3A_239, %add3A_255 : i32
      %lt3A_257 = arith.cmpi slt, %add3A_256, %select_n3A : i32
      %convert_element_type3A_258 = arith.extui %lt3A_257 : i1 to i32
      %cond3A_259 = arith.constant 0 : i32
      %cond3A_260 = arith.cmpi ne, %convert_element_type3A_258, %cond3A_259 : i32
      scf.if %cond3A_260 {
        %add3A_353 = arith.constant 8 : i32
        %add3A_354 = arith.addi %add3A_239, %add3A_353 : i32
        %dma_start3A_355 = arith.constant 3 : i32
        %dma_start3A_356 = arith.constant 3 : i32
        %dma_start3A_357 = arith.constant 0 : i32
        %dma_start3A_358 = arith.constant 0 : i32
        %dma_start3A_359 = tpu.memref_slice %arg12[%dma_start3A_355, %dma_start3A_357, %dma_start3A_358] : memref<8x128x40xf32, #tpu.memory_space<vmem>> -> memref<1x128x40xf32, #tpu.memory_space<vmem>>
        %dma_start3A_360 = tpu.memref_squeeze %dma_start3A_359 : memref<1x128x40xf32, #tpu.memory_space<vmem>> -> memref<128x40xf32, #tpu.memory_space<vmem>>
        %dma_start3A_361 = arith.constant 0 : i32
        %dma_start3A_362 = tpu.memref_slice %arg10[%add3A_354, %dma_start3A_361] : memref<120x128xi32, #tpu.memory_space<vmem>> -> memref<1x128xi32, #tpu.memory_space<vmem>>
        %dma_start3A_363 = tpu.memref_squeeze %dma_start3A_362 : memref<1x128xi32, #tpu.memory_space<vmem>> -> memref<128xi32, #tpu.memory_space<vmem>>
        %dma_start3A_364 = arith.constant 0 : i32
        %dma_start3A_365 = arith.constant 0 : i32
        %dma_start3A_366 = tpu.memref_slice %arg2[%dma_start3A_364, %dma_start3A_365] : memref<10000x40xf32, #tpu.memory_space<hbm>> -> memref<10000x40xf32, #tpu.memory_space<hbm>>
        %dma_start3A_367 = tpu.memref_slice %arg15[%dma_start3A_356] : memref<8x!tpu.dma_semaphore, #tpu.memory_space<semaphore_mem>> -> memref<1x!tpu.dma_semaphore, #tpu.memory_space<semaphore_mem>>
        %dma_start3A_368 = tpu.memref_squeeze %dma_start3A_367 : memref<1x!tpu.dma_semaphore, #tpu.memory_space<semaphore_mem>> -> memref<!tpu.dma_semaphore, #tpu.memory_space<semaphore_mem>>
        tpu.enqueue_indirect_dma source(%dma_start3A_366 : memref<10000x40xf32, #tpu.memory_space<hbm>>) target(%dma_start3A_360 : memref<128x40xf32, #tpu.memory_space<vmem>>) offsets(%dma_start3A_363 : memref<128xi32, #tpu.memory_space<vmem>>) semaphore(%dma_start3A_368 : memref<!tpu.dma_semaphore, #tpu.memory_space<semaphore_mem>>)
      } else {
      }
      %add3A_261 = arith.constant 4 : i32
      %add3A_262 = arith.addi %mul3A_172, %add3A_261 : i32
      %dma_wait3A_263 = arith.constant 4 : i32
      %dma_wait3A_264 = arith.constant 4 : i32
      %dma_wait3A_265 = arith.constant 0 : i32
      %dma_wait3A_266 = arith.constant 0 : i32
      %dma_wait3A_267 = tpu.memref_slice %arg12[%dma_wait3A_263, %dma_wait3A_265, %dma_wait3A_266] : memref<8x128x40xf32, #tpu.memory_space<vmem>> -> memref<1x128x40xf32, #tpu.memory_space<vmem>>
      %dma_wait3A_268 = tpu.memref_squeeze %dma_wait3A_267 : memref<1x128x40xf32, #tpu.memory_space<vmem>> -> memref<128x40xf32, #tpu.memory_space<vmem>>
      %dma_wait3A_269 = arith.constant 0 : i32
      %dma_wait3A_270 = tpu.memref_slice %arg10[%add3A_262, %dma_wait3A_269] : memref<120x128xi32, #tpu.memory_space<vmem>> -> memref<1x128xi32, #tpu.memory_space<vmem>>
      %dma_wait3A_271 = tpu.memref_squeeze %dma_wait3A_270 : memref<1x128xi32, #tpu.memory_space<vmem>> -> memref<128xi32, #tpu.memory_space<vmem>>
      %dma_wait3A_272 = arith.constant 0 : i32
      %dma_wait3A_273 = arith.constant 0 : i32
      %dma_wait3A_274 = tpu.memref_slice %arg2[%dma_wait3A_272, %dma_wait3A_273] : memref<10000x40xf32, #tpu.memory_space<hbm>> -> memref<10000x40xf32, #tpu.memory_space<hbm>>
      %dma_wait3A_275 = tpu.memref_slice %arg15[%dma_wait3A_264] : memref<8x!tpu.dma_semaphore, #tpu.memory_space<semaphore_mem>> -> memref<1x!tpu.dma_semaphore, #tpu.memory_space<semaphore_mem>>
      %dma_wait3A_276 = tpu.memref_squeeze %dma_wait3A_275 : memref<1x!tpu.dma_semaphore, #tpu.memory_space<semaphore_mem>> -> memref<!tpu.dma_semaphore, #tpu.memory_space<semaphore_mem>>
      tpu.wait_indirect_dma semaphore(%dma_wait3A_276 : memref<!tpu.dma_semaphore, #tpu.memory_space<semaphore_mem>>) src(%dma_wait3A_274 : memref<10000x40xf32, #tpu.memory_space<hbm>>) dst(%dma_wait3A_268 : memref<128x40xf32, #tpu.memory_space<vmem>>)
      %run_scoped3A_277 = arith.constant 4 : i32
      "tpu.region"() ({
        %run_scoped3A_353 = tpu.sem_alloc : memref<!tpu.dma_semaphore, #tpu.memory_space<semaphore_mem>>
        %dma_start3A_354 = arith.constant 0 : i32
        %dma_start3A_355 = arith.constant 0 : i32
        %dma_start3A_356 = tpu.memref_slice %arg12[%run_scoped3A_277, %dma_start3A_354, %dma_start3A_355] : memref<8x128x40xf32, #tpu.memory_space<vmem>> -> memref<1x128x40xf32, #tpu.memory_space<vmem>>
        %dma_start3A_357 = tpu.memref_squeeze %dma_start3A_356 : memref<1x128x40xf32, #tpu.memory_space<vmem>> -> memref<128x40xf32, #tpu.memory_space<vmem>>
        %dma_start3A_358 = arith.constant 0 : i32
        %dma_start3A_359 = tpu.memref_slice %arg11[%add3A_262, %dma_start3A_358] : memref<120x128xi32, #tpu.memory_space<vmem>> -> memref<1x128xi32, #tpu.memory_space<vmem>>
        %dma_start3A_360 = tpu.memref_squeeze %dma_start3A_359 : memref<1x128xi32, #tpu.memory_space<vmem>> -> memref<128xi32, #tpu.memory_space<vmem>>
        %dma_start3A_361 = arith.constant 0 : i32
        %dma_start3A_362 = arith.constant 0 : i32
        %dma_start3A_363 = tpu.memref_slice %arg14[%dma_start3A_361, %dma_start3A_362] : memref<10112x40xf32, #tpu.memory_space<vmem_shared>> -> memref<10112x40xf32, #tpu.memory_space<vmem_shared>>
        tpu.enqueue_indirect_dma source(%dma_start3A_357 : memref<128x40xf32, #tpu.memory_space<vmem>>) target(%dma_start3A_363 : memref<10112x40xf32, #tpu.memory_space<vmem_shared>>) offsets(%dma_start3A_360 : memref<128xi32, #tpu.memory_space<vmem>>) semaphore(%run_scoped3A_353 : memref<!tpu.dma_semaphore, #tpu.memory_space<semaphore_mem>>) {add = true}
        %dma_wait3A_364 = arith.constant 0 : i32
        %dma_wait3A_365 = arith.constant 0 : i32
        %dma_wait3A_366 = tpu.memref_slice %arg12[%run_scoped3A_277, %dma_wait3A_364, %dma_wait3A_365] : memref<8x128x40xf32, #tpu.memory_space<vmem>> -> memref<1x128x40xf32, #tpu.memory_space<vmem>>
        %dma_wait3A_367 = tpu.memref_squeeze %dma_wait3A_366 : memref<1x128x40xf32, #tpu.memory_space<vmem>> -> memref<128x40xf32, #tpu.memory_space<vmem>>
        %dma_wait3A_368 = arith.constant 0 : i32
        %dma_wait3A_369 = tpu.memref_slice %arg11[%add3A_262, %dma_wait3A_368] : memref<120x128xi32, #tpu.memory_space<vmem>> -> memref<1x128xi32, #tpu.memory_space<vmem>>
        %dma_wait3A_370 = tpu.memref_squeeze %dma_wait3A_369 : memref<1x128xi32, #tpu.memory_space<vmem>> -> memref<128xi32, #tpu.memory_space<vmem>>
        %dma_wait3A_371 = arith.constant 0 : i32
        %dma_wait3A_372 = arith.constant 0 : i32
        %dma_wait3A_373 = tpu.memref_slice %arg14[%dma_wait3A_371, %dma_wait3A_372] : memref<10112x40xf32, #tpu.memory_space<vmem_shared>> -> memref<10112x40xf32, #tpu.memory_space<vmem_shared>>
        tpu.wait_indirect_dma semaphore(%run_scoped3A_353 : memref<!tpu.dma_semaphore, #tpu.memory_space<semaphore_mem>>) src(%dma_wait3A_367 : memref<128x40xf32, #tpu.memory_space<vmem>>) dst(%dma_wait3A_373 : memref<10112x40xf32, #tpu.memory_space<vmem_shared>>)
        tpu.yield
      }) : () -> ()
      %add3A_278 = arith.constant 8 : i32
      %add3A_279 = arith.addi %add3A_262, %add3A_278 : i32
      %lt3A_280 = arith.cmpi slt, %add3A_279, %select_n3A : i32
      %convert_element_type3A_281 = arith.extui %lt3A_280 : i1 to i32
      %cond3A_282 = arith.constant 0 : i32
      %cond3A_283 = arith.cmpi ne, %convert_element_type3A_281, %cond3A_282 : i32
      scf.if %cond3A_283 {
        %add3A_353 = arith.constant 8 : i32
        %add3A_354 = arith.addi %add3A_262, %add3A_353 : i32
        %dma_start3A_355 = arith.constant 4 : i32
        %dma_start3A_356 = arith.constant 4 : i32
        %dma_start3A_357 = arith.constant 0 : i32
        %dma_start3A_358 = arith.constant 0 : i32
        %dma_start3A_359 = tpu.memref_slice %arg12[%dma_start3A_355, %dma_start3A_357, %dma_start3A_358] : memref<8x128x40xf32, #tpu.memory_space<vmem>> -> memref<1x128x40xf32, #tpu.memory_space<vmem>>
        %dma_start3A_360 = tpu.memref_squeeze %dma_start3A_359 : memref<1x128x40xf32, #tpu.memory_space<vmem>> -> memref<128x40xf32, #tpu.memory_space<vmem>>
        %dma_start3A_361 = arith.constant 0 : i32
        %dma_start3A_362 = tpu.memref_slice %arg10[%add3A_354, %dma_start3A_361] : memref<120x128xi32, #tpu.memory_space<vmem>> -> memref<1x128xi32, #tpu.memory_space<vmem>>
        %dma_start3A_363 = tpu.memref_squeeze %dma_start3A_362 : memref<1x128xi32, #tpu.memory_space<vmem>> -> memref<128xi32, #tpu.memory_space<vmem>>
        %dma_start3A_364 = arith.constant 0 : i32
        %dma_start3A_365 = arith.constant 0 : i32
        %dma_start3A_366 = tpu.memref_slice %arg2[%dma_start3A_364, %dma_start3A_365] : memref<10000x40xf32, #tpu.memory_space<hbm>> -> memref<10000x40xf32, #tpu.memory_space<hbm>>
        %dma_start3A_367 = tpu.memref_slice %arg15[%dma_start3A_356] : memref<8x!tpu.dma_semaphore, #tpu.memory_space<semaphore_mem>> -> memref<1x!tpu.dma_semaphore, #tpu.memory_space<semaphore_mem>>
        %dma_start3A_368 = tpu.memref_squeeze %dma_start3A_367 : memref<1x!tpu.dma_semaphore, #tpu.memory_space<semaphore_mem>> -> memref<!tpu.dma_semaphore, #tpu.memory_space<semaphore_mem>>
        tpu.enqueue_indirect_dma source(%dma_start3A_366 : memref<10000x40xf32, #tpu.memory_space<hbm>>) target(%dma_start3A_360 : memref<128x40xf32, #tpu.memory_space<vmem>>) offsets(%dma_start3A_363 : memref<128xi32, #tpu.memory_space<vmem>>) semaphore(%dma_start3A_368 : memref<!tpu.dma_semaphore, #tpu.memory_space<semaphore_mem>>)
      } else {
      }
      %add3A_284 = arith.constant 5 : i32
      %add3A_285 = arith.addi %mul3A_172, %add3A_284 : i32
      %dma_wait3A_286 = arith.constant 5 : i32
      %dma_wait3A_287 = arith.constant 5 : i32
      %dma_wait3A_288 = arith.constant 0 : i32
      %dma_wait3A_289 = arith.constant 0 : i32
      %dma_wait3A_290 = tpu.memref_slice %arg12[%dma_wait3A_286, %dma_wait3A_288, %dma_wait3A_289] : memref<8x128x40xf32, #tpu.memory_space<vmem>> -> memref<1x128x40xf32, #tpu.memory_space<vmem>>
      %dma_wait3A_291 = tpu.memref_squeeze %dma_wait3A_290 : memref<1x128x40xf32, #tpu.memory_space<vmem>> -> memref<128x40xf32, #tpu.memory_space<vmem>>
      %dma_wait3A_292 = arith.constant 0 : i32
      %dma_wait3A_293 = tpu.memref_slice %arg10[%add3A_285, %dma_wait3A_292] : memref<120x128xi32, #tpu.memory_space<vmem>> -> memref<1x128xi32, #tpu.memory_space<vmem>>
      %dma_wait3A_294 = tpu.memref_squeeze %dma_wait3A_293 : memref<1x128xi32, #tpu.memory_space<vmem>> -> memref<128xi32, #tpu.memory_space<vmem>>
      %dma_wait3A_295 = arith.constant 0 : i32
      %dma_wait3A_296 = arith.constant 0 : i32
      %dma_wait3A_297 = tpu.memref_slice %arg2[%dma_wait3A_295, %dma_wait3A_296] : memref<10000x40xf32, #tpu.memory_space<hbm>> -> memref<10000x40xf32, #tpu.memory_space<hbm>>
      %dma_wait3A_298 = tpu.memref_slice %arg15[%dma_wait3A_287] : memref<8x!tpu.dma_semaphore, #tpu.memory_space<semaphore_mem>> -> memref<1x!tpu.dma_semaphore, #tpu.memory_space<semaphore_mem>>
      %dma_wait3A_299 = tpu.memref_squeeze %dma_wait3A_298 : memref<1x!tpu.dma_semaphore, #tpu.memory_space<semaphore_mem>> -> memref<!tpu.dma_semaphore, #tpu.memory_space<semaphore_mem>>
      tpu.wait_indirect_dma semaphore(%dma_wait3A_299 : memref<!tpu.dma_semaphore, #tpu.memory_space<semaphore_mem>>) src(%dma_wait3A_297 : memref<10000x40xf32, #tpu.memory_space<hbm>>) dst(%dma_wait3A_291 : memref<128x40xf32, #tpu.memory_space<vmem>>)
      %run_scoped3A_300 = arith.constant 5 : i32
      "tpu.region"() ({
        %run_scoped3A_353 = tpu.sem_alloc : memref<!tpu.dma_semaphore, #tpu.memory_space<semaphore_mem>>
        %dma_start3A_354 = arith.constant 0 : i32
        %dma_start3A_355 = arith.constant 0 : i32
        %dma_start3A_356 = tpu.memref_slice %arg12[%run_scoped3A_300, %dma_start3A_354, %dma_start3A_355] : memref<8x128x40xf32, #tpu.memory_space<vmem>> -> memref<1x128x40xf32, #tpu.memory_space<vmem>>
        %dma_start3A_357 = tpu.memref_squeeze %dma_start3A_356 : memref<1x128x40xf32, #tpu.memory_space<vmem>> -> memref<128x40xf32, #tpu.memory_space<vmem>>
        %dma_start3A_358 = arith.constant 0 : i32
        %dma_start3A_359 = tpu.memref_slice %arg11[%add3A_285, %dma_start3A_358] : memref<120x128xi32, #tpu.memory_space<vmem>> -> memref<1x128xi32, #tpu.memory_space<vmem>>
        %dma_start3A_360 = tpu.memref_squeeze %dma_start3A_359 : memref<1x128xi32, #tpu.memory_space<vmem>> -> memref<128xi32, #tpu.memory_space<vmem>>
        %dma_start3A_361 = arith.constant 0 : i32
        %dma_start3A_362 = arith.constant 0 : i32
        %dma_start3A_363 = tpu.memref_slice %arg14[%dma_start3A_361, %dma_start3A_362] : memref<10112x40xf32, #tpu.memory_space<vmem_shared>> -> memref<10112x40xf32, #tpu.memory_space<vmem_shared>>
        tpu.enqueue_indirect_dma source(%dma_start3A_357 : memref<128x40xf32, #tpu.memory_space<vmem>>) target(%dma_start3A_363 : memref<10112x40xf32, #tpu.memory_space<vmem_shared>>) offsets(%dma_start3A_360 : memref<128xi32, #tpu.memory_space<vmem>>) semaphore(%run_scoped3A_353 : memref<!tpu.dma_semaphore, #tpu.memory_space<semaphore_mem>>) {add = true}
        %dma_wait3A_364 = arith.constant 0 : i32
        %dma_wait3A_365 = arith.constant 0 : i32
        %dma_wait3A_366 = tpu.memref_slice %arg12[%run_scoped3A_300, %dma_wait3A_364, %dma_wait3A_365] : memref<8x128x40xf32, #tpu.memory_space<vmem>> -> memref<1x128x40xf32, #tpu.memory_space<vmem>>
        %dma_wait3A_367 = tpu.memref_squeeze %dma_wait3A_366 : memref<1x128x40xf32, #tpu.memory_space<vmem>> -> memref<128x40xf32, #tpu.memory_space<vmem>>
        %dma_wait3A_368 = arith.constant 0 : i32
        %dma_wait3A_369 = tpu.memref_slice %arg11[%add3A_285, %dma_wait3A_368] : memref<120x128xi32, #tpu.memory_space<vmem>> -> memref<1x128xi32, #tpu.memory_space<vmem>>
        %dma_wait3A_370 = tpu.memref_squeeze %dma_wait3A_369 : memref<1x128xi32, #tpu.memory_space<vmem>> -> memref<128xi32, #tpu.memory_space<vmem>>
        %dma_wait3A_371 = arith.constant 0 : i32
        %dma_wait3A_372 = arith.constant 0 : i32
        %dma_wait3A_373 = tpu.memref_slice %arg14[%dma_wait3A_371, %dma_wait3A_372] : memref<10112x40xf32, #tpu.memory_space<vmem_shared>> -> memref<10112x40xf32, #tpu.memory_space<vmem_shared>>
        tpu.wait_indirect_dma semaphore(%run_scoped3A_353 : memref<!tpu.dma_semaphore, #tpu.memory_space<semaphore_mem>>) src(%dma_wait3A_367 : memref<128x40xf32, #tpu.memory_space<vmem>>) dst(%dma_wait3A_373 : memref<10112x40xf32, #tpu.memory_space<vmem_shared>>)
        tpu.yield
      }) : () -> ()
      %add3A_301 = arith.constant 8 : i32
      %add3A_302 = arith.addi %add3A_285, %add3A_301 : i32
      %lt3A_303 = arith.cmpi slt, %add3A_302, %select_n3A : i32
      %convert_element_type3A_304 = arith.extui %lt3A_303 : i1 to i32
      %cond3A_305 = arith.constant 0 : i32
      %cond3A_306 = arith.cmpi ne, %convert_element_type3A_304, %cond3A_305 : i32
      scf.if %cond3A_306 {
        %add3A_353 = arith.constant 8 : i32
        %add3A_354 = arith.addi %add3A_285, %add3A_353 : i32
        %dma_start3A_355 = arith.constant 5 : i32
        %dma_start3A_356 = arith.constant 5 : i32
        %dma_start3A_357 = arith.constant 0 : i32
        %dma_start3A_358 = arith.constant 0 : i32
        %dma_start3A_359 = tpu.memref_slice %arg12[%dma_start3A_355, %dma_start3A_357, %dma_start3A_358] : memref<8x128x40xf32, #tpu.memory_space<vmem>> -> memref<1x128x40xf32, #tpu.memory_space<vmem>>
        %dma_start3A_360 = tpu.memref_squeeze %dma_start3A_359 : memref<1x128x40xf32, #tpu.memory_space<vmem>> -> memref<128x40xf32, #tpu.memory_space<vmem>>
        %dma_start3A_361 = arith.constant 0 : i32
        %dma_start3A_362 = tpu.memref_slice %arg10[%add3A_354, %dma_start3A_361] : memref<120x128xi32, #tpu.memory_space<vmem>> -> memref<1x128xi32, #tpu.memory_space<vmem>>
        %dma_start3A_363 = tpu.memref_squeeze %dma_start3A_362 : memref<1x128xi32, #tpu.memory_space<vmem>> -> memref<128xi32, #tpu.memory_space<vmem>>
        %dma_start3A_364 = arith.constant 0 : i32
        %dma_start3A_365 = arith.constant 0 : i32
        %dma_start3A_366 = tpu.memref_slice %arg2[%dma_start3A_364, %dma_start3A_365] : memref<10000x40xf32, #tpu.memory_space<hbm>> -> memref<10000x40xf32, #tpu.memory_space<hbm>>
        %dma_start3A_367 = tpu.memref_slice %arg15[%dma_start3A_356] : memref<8x!tpu.dma_semaphore, #tpu.memory_space<semaphore_mem>> -> memref<1x!tpu.dma_semaphore, #tpu.memory_space<semaphore_mem>>
        %dma_start3A_368 = tpu.memref_squeeze %dma_start3A_367 : memref<1x!tpu.dma_semaphore, #tpu.memory_space<semaphore_mem>> -> memref<!tpu.dma_semaphore, #tpu.memory_space<semaphore_mem>>
        tpu.enqueue_indirect_dma source(%dma_start3A_366 : memref<10000x40xf32, #tpu.memory_space<hbm>>) target(%dma_start3A_360 : memref<128x40xf32, #tpu.memory_space<vmem>>) offsets(%dma_start3A_363 : memref<128xi32, #tpu.memory_space<vmem>>) semaphore(%dma_start3A_368 : memref<!tpu.dma_semaphore, #tpu.memory_space<semaphore_mem>>)
      } else {
      }
      %add3A_307 = arith.constant 6 : i32
      %add3A_308 = arith.addi %mul3A_172, %add3A_307 : i32
      %dma_wait3A_309 = arith.constant 6 : i32
      %dma_wait3A_310 = arith.constant 6 : i32
      %dma_wait3A_311 = arith.constant 0 : i32
      %dma_wait3A_312 = arith.constant 0 : i32
      %dma_wait3A_313 = tpu.memref_slice %arg12[%dma_wait3A_309, %dma_wait3A_311, %dma_wait3A_312] : memref<8x128x40xf32, #tpu.memory_space<vmem>> -> memref<1x128x40xf32, #tpu.memory_space<vmem>>
      %dma_wait3A_314 = tpu.memref_squeeze %dma_wait3A_313 : memref<1x128x40xf32, #tpu.memory_space<vmem>> -> memref<128x40xf32, #tpu.memory_space<vmem>>
      %dma_wait3A_315 = arith.constant 0 : i32
      %dma_wait3A_316 = tpu.memref_slice %arg10[%add3A_308, %dma_wait3A_315] : memref<120x128xi32, #tpu.memory_space<vmem>> -> memref<1x128xi32, #tpu.memory_space<vmem>>
      %dma_wait3A_317 = tpu.memref_squeeze %dma_wait3A_316 : memref<1x128xi32, #tpu.memory_space<vmem>> -> memref<128xi32, #tpu.memory_space<vmem>>
      %dma_wait3A_318 = arith.constant 0 : i32
      %dma_wait3A_319 = arith.constant 0 : i32
      %dma_wait3A_320 = tpu.memref_slice %arg2[%dma_wait3A_318, %dma_wait3A_319] : memref<10000x40xf32, #tpu.memory_space<hbm>> -> memref<10000x40xf32, #tpu.memory_space<hbm>>
      %dma_wait3A_321 = tpu.memref_slice %arg15[%dma_wait3A_310] : memref<8x!tpu.dma_semaphore, #tpu.memory_space<semaphore_mem>> -> memref<1x!tpu.dma_semaphore, #tpu.memory_space<semaphore_mem>>
      %dma_wait3A_322 = tpu.memref_squeeze %dma_wait3A_321 : memref<1x!tpu.dma_semaphore, #tpu.memory_space<semaphore_mem>> -> memref<!tpu.dma_semaphore, #tpu.memory_space<semaphore_mem>>
      tpu.wait_indirect_dma semaphore(%dma_wait3A_322 : memref<!tpu.dma_semaphore, #tpu.memory_space<semaphore_mem>>) src(%dma_wait3A_320 : memref<10000x40xf32, #tpu.memory_space<hbm>>) dst(%dma_wait3A_314 : memref<128x40xf32, #tpu.memory_space<vmem>>)
      %run_scoped3A_323 = arith.constant 6 : i32
      "tpu.region"() ({
        %run_scoped3A_353 = tpu.sem_alloc : memref<!tpu.dma_semaphore, #tpu.memory_space<semaphore_mem>>
        %dma_start3A_354 = arith.constant 0 : i32
        %dma_start3A_355 = arith.constant 0 : i32
        %dma_start3A_356 = tpu.memref_slice %arg12[%run_scoped3A_323, %dma_start3A_354, %dma_start3A_355] : memref<8x128x40xf32, #tpu.memory_space<vmem>> -> memref<1x128x40xf32, #tpu.memory_space<vmem>>
        %dma_start3A_357 = tpu.memref_squeeze %dma_start3A_356 : memref<1x128x40xf32, #tpu.memory_space<vmem>> -> memref<128x40xf32, #tpu.memory_space<vmem>>
        %dma_start3A_358 = arith.constant 0 : i32
        %dma_start3A_359 = tpu.memref_slice %arg11[%add3A_308, %dma_start3A_358] : memref<120x128xi32, #tpu.memory_space<vmem>> -> memref<1x128xi32, #tpu.memory_space<vmem>>
        %dma_start3A_360 = tpu.memref_squeeze %dma_start3A_359 : memref<1x128xi32, #tpu.memory_space<vmem>> -> memref<128xi32, #tpu.memory_space<vmem>>
        %dma_start3A_361 = arith.constant 0 : i32
        %dma_start3A_362 = arith.constant 0 : i32
        %dma_start3A_363 = tpu.memref_slice %arg14[%dma_start3A_361, %dma_start3A_362] : memref<10112x40xf32, #tpu.memory_space<vmem_shared>> -> memref<10112x40xf32, #tpu.memory_space<vmem_shared>>
        tpu.enqueue_indirect_dma source(%dma_start3A_357 : memref<128x40xf32, #tpu.memory_space<vmem>>) target(%dma_start3A_363 : memref<10112x40xf32, #tpu.memory_space<vmem_shared>>) offsets(%dma_start3A_360 : memref<128xi32, #tpu.memory_space<vmem>>) semaphore(%run_scoped3A_353 : memref<!tpu.dma_semaphore, #tpu.memory_space<semaphore_mem>>) {add = true}
        %dma_wait3A_364 = arith.constant 0 : i32
        %dma_wait3A_365 = arith.constant 0 : i32
        %dma_wait3A_366 = tpu.memref_slice %arg12[%run_scoped3A_323, %dma_wait3A_364, %dma_wait3A_365] : memref<8x128x40xf32, #tpu.memory_space<vmem>> -> memref<1x128x40xf32, #tpu.memory_space<vmem>>
        %dma_wait3A_367 = tpu.memref_squeeze %dma_wait3A_366 : memref<1x128x40xf32, #tpu.memory_space<vmem>> -> memref<128x40xf32, #tpu.memory_space<vmem>>
        %dma_wait3A_368 = arith.constant 0 : i32
        %dma_wait3A_369 = tpu.memref_slice %arg11[%add3A_308, %dma_wait3A_368] : memref<120x128xi32, #tpu.memory_space<vmem>> -> memref<1x128xi32, #tpu.memory_space<vmem>>
        %dma_wait3A_370 = tpu.memref_squeeze %dma_wait3A_369 : memref<1x128xi32, #tpu.memory_space<vmem>> -> memref<128xi32, #tpu.memory_space<vmem>>
        %dma_wait3A_371 = arith.constant 0 : i32
        %dma_wait3A_372 = arith.constant 0 : i32
        %dma_wait3A_373 = tpu.memref_slice %arg14[%dma_wait3A_371, %dma_wait3A_372] : memref<10112x40xf32, #tpu.memory_space<vmem_shared>> -> memref<10112x40xf32, #tpu.memory_space<vmem_shared>>
        tpu.wait_indirect_dma semaphore(%run_scoped3A_353 : memref<!tpu.dma_semaphore, #tpu.memory_space<semaphore_mem>>) src(%dma_wait3A_367 : memref<128x40xf32, #tpu.memory_space<vmem>>) dst(%dma_wait3A_373 : memref<10112x40xf32, #tpu.memory_space<vmem_shared>>)
        tpu.yield
      }) : () -> ()
      %add3A_324 = arith.constant 8 : i32
      %add3A_325 = arith.addi %add3A_308, %add3A_324 : i32
      %lt3A_326 = arith.cmpi slt, %add3A_325, %select_n3A : i32
      %convert_element_type3A_327 = arith.extui %lt3A_326 : i1 to i32
      %cond3A_328 = arith.constant 0 : i32
      %cond3A_329 = arith.cmpi ne, %convert_element_type3A_327, %cond3A_328 : i32
      scf.if %cond3A_329 {
        %add3A_353 = arith.constant 8 : i32
        %add3A_354 = arith.addi %add3A_308, %add3A_353 : i32
        %dma_start3A_355 = arith.constant 6 : i32
        %dma_start3A_356 = arith.constant 6 : i32
        %dma_start3A_357 = arith.constant 0 : i32
        %dma_start3A_358 = arith.constant 0 : i32
        %dma_start3A_359 = tpu.memref_slice %arg12[%dma_start3A_355, %dma_start3A_357, %dma_start3A_358] : memref<8x128x40xf32, #tpu.memory_space<vmem>> -> memref<1x128x40xf32, #tpu.memory_space<vmem>>
        %dma_start3A_360 = tpu.memref_squeeze %dma_start3A_359 : memref<1x128x40xf32, #tpu.memory_space<vmem>> -> memref<128x40xf32, #tpu.memory_space<vmem>>
        %dma_start3A_361 = arith.constant 0 : i32
        %dma_start3A_362 = tpu.memref_slice %arg10[%add3A_354, %dma_start3A_361] : memref<120x128xi32, #tpu.memory_space<vmem>> -> memref<1x128xi32, #tpu.memory_space<vmem>>
        %dma_start3A_363 = tpu.memref_squeeze %dma_start3A_362 : memref<1x128xi32, #tpu.memory_space<vmem>> -> memref<128xi32, #tpu.memory_space<vmem>>
        %dma_start3A_364 = arith.constant 0 : i32
        %dma_start3A_365 = arith.constant 0 : i32
        %dma_start3A_366 = tpu.memref_slice %arg2[%dma_start3A_364, %dma_start3A_365] : memref<10000x40xf32, #tpu.memory_space<hbm>> -> memref<10000x40xf32, #tpu.memory_space<hbm>>
        %dma_start3A_367 = tpu.memref_slice %arg15[%dma_start3A_356] : memref<8x!tpu.dma_semaphore, #tpu.memory_space<semaphore_mem>> -> memref<1x!tpu.dma_semaphore, #tpu.memory_space<semaphore_mem>>
        %dma_start3A_368 = tpu.memref_squeeze %dma_start3A_367 : memref<1x!tpu.dma_semaphore, #tpu.memory_space<semaphore_mem>> -> memref<!tpu.dma_semaphore, #tpu.memory_space<semaphore_mem>>
        tpu.enqueue_indirect_dma source(%dma_start3A_366 : memref<10000x40xf32, #tpu.memory_space<hbm>>) target(%dma_start3A_360 : memref<128x40xf32, #tpu.memory_space<vmem>>) offsets(%dma_start3A_363 : memref<128xi32, #tpu.memory_space<vmem>>) semaphore(%dma_start3A_368 : memref<!tpu.dma_semaphore, #tpu.memory_space<semaphore_mem>>)
      } else {
      }
      %add3A_330 = arith.constant 7 : i32
      %add3A_331 = arith.addi %mul3A_172, %add3A_330 : i32
      %dma_wait3A_332 = arith.constant 7 : i32
      %dma_wait3A_333 = arith.constant 7 : i32
      %dma_wait3A_334 = arith.constant 0 : i32
      %dma_wait3A_335 = arith.constant 0 : i32
      %dma_wait3A_336 = tpu.memref_slice %arg12[%dma_wait3A_332, %dma_wait3A_334, %dma_wait3A_335] : memref<8x128x40xf32, #tpu.memory_space<vmem>> -> memref<1x128x40xf32, #tpu.memory_space<vmem>>
      %dma_wait3A_337 = tpu.memref_squeeze %dma_wait3A_336 : memref<1x128x40xf32, #tpu.memory_space<vmem>> -> memref<128x40xf32, #tpu.memory_space<vmem>>
      %dma_wait3A_338 = arith.constant 0 : i32
      %dma_wait3A_339 = tpu.memref_slice %arg10[%add3A_331, %dma_wait3A_338] : memref<120x128xi32, #tpu.memory_space<vmem>> -> memref<1x128xi32, #tpu.memory_space<vmem>>
      %dma_wait3A_340 = tpu.memref_squeeze %dma_wait3A_339 : memref<1x128xi32, #tpu.memory_space<vmem>> -> memref<128xi32, #tpu.memory_space<vmem>>
      %dma_wait3A_341 = arith.constant 0 : i32
      %dma_wait3A_342 = arith.constant 0 : i32
      %dma_wait3A_343 = tpu.memref_slice %arg2[%dma_wait3A_341, %dma_wait3A_342] : memref<10000x40xf32, #tpu.memory_space<hbm>> -> memref<10000x40xf32, #tpu.memory_space<hbm>>
      %dma_wait3A_344 = tpu.memref_slice %arg15[%dma_wait3A_333] : memref<8x!tpu.dma_semaphore, #tpu.memory_space<semaphore_mem>> -> memref<1x!tpu.dma_semaphore, #tpu.memory_space<semaphore_mem>>
      %dma_wait3A_345 = tpu.memref_squeeze %dma_wait3A_344 : memref<1x!tpu.dma_semaphore, #tpu.memory_space<semaphore_mem>> -> memref<!tpu.dma_semaphore, #tpu.memory_space<semaphore_mem>>
      tpu.wait_indirect_dma semaphore(%dma_wait3A_345 : memref<!tpu.dma_semaphore, #tpu.memory_space<semaphore_mem>>) src(%dma_wait3A_343 : memref<10000x40xf32, #tpu.memory_space<hbm>>) dst(%dma_wait3A_337 : memref<128x40xf32, #tpu.memory_space<vmem>>)
      %run_scoped3A_346 = arith.constant 7 : i32
      "tpu.region"() ({
        %run_scoped3A_353 = tpu.sem_alloc : memref<!tpu.dma_semaphore, #tpu.memory_space<semaphore_mem>>
        %dma_start3A_354 = arith.constant 0 : i32
        %dma_start3A_355 = arith.constant 0 : i32
        %dma_start3A_356 = tpu.memref_slice %arg12[%run_scoped3A_346, %dma_start3A_354, %dma_start3A_355] : memref<8x128x40xf32, #tpu.memory_space<vmem>> -> memref<1x128x40xf32, #tpu.memory_space<vmem>>
        %dma_start3A_357 = tpu.memref_squeeze %dma_start3A_356 : memref<1x128x40xf32, #tpu.memory_space<vmem>> -> memref<128x40xf32, #tpu.memory_space<vmem>>
        %dma_start3A_358 = arith.constant 0 : i32
        %dma_start3A_359 = tpu.memref_slice %arg11[%add3A_331, %dma_start3A_358] : memref<120x128xi32, #tpu.memory_space<vmem>> -> memref<1x128xi32, #tpu.memory_space<vmem>>
        %dma_start3A_360 = tpu.memref_squeeze %dma_start3A_359 : memref<1x128xi32, #tpu.memory_space<vmem>> -> memref<128xi32, #tpu.memory_space<vmem>>
        %dma_start3A_361 = arith.constant 0 : i32
        %dma_start3A_362 = arith.constant 0 : i32
        %dma_start3A_363 = tpu.memref_slice %arg14[%dma_start3A_361, %dma_start3A_362] : memref<10112x40xf32, #tpu.memory_space<vmem_shared>> -> memref<10112x40xf32, #tpu.memory_space<vmem_shared>>
        tpu.enqueue_indirect_dma source(%dma_start3A_357 : memref<128x40xf32, #tpu.memory_space<vmem>>) target(%dma_start3A_363 : memref<10112x40xf32, #tpu.memory_space<vmem_shared>>) offsets(%dma_start3A_360 : memref<128xi32, #tpu.memory_space<vmem>>) semaphore(%run_scoped3A_353 : memref<!tpu.dma_semaphore, #tpu.memory_space<semaphore_mem>>) {add = true}
        %dma_wait3A_364 = arith.constant 0 : i32
        %dma_wait3A_365 = arith.constant 0 : i32
        %dma_wait3A_366 = tpu.memref_slice %arg12[%run_scoped3A_346, %dma_wait3A_364, %dma_wait3A_365] : memref<8x128x40xf32, #tpu.memory_space<vmem>> -> memref<1x128x40xf32, #tpu.memory_space<vmem>>
        %dma_wait3A_367 = tpu.memref_squeeze %dma_wait3A_366 : memref<1x128x40xf32, #tpu.memory_space<vmem>> -> memref<128x40xf32, #tpu.memory_space<vmem>>
        %dma_wait3A_368 = arith.constant 0 : i32
        %dma_wait3A_369 = tpu.memref_slice %arg11[%add3A_331, %dma_wait3A_368] : memref<120x128xi32, #tpu.memory_space<vmem>> -> memref<1x128xi32, #tpu.memory_space<vmem>>
        %dma_wait3A_370 = tpu.memref_squeeze %dma_wait3A_369 : memref<1x128xi32, #tpu.memory_space<vmem>> -> memref<128xi32, #tpu.memory_space<vmem>>
        %dma_wait3A_371 = arith.constant 0 : i32
        %dma_wait3A_372 = arith.constant 0 : i32
        %dma_wait3A_373 = tpu.memref_slice %arg14[%dma_wait3A_371, %dma_wait3A_372] : memref<10112x40xf32, #tpu.memory_space<vmem_shared>> -> memref<10112x40xf32, #tpu.memory_space<vmem_shared>>
        tpu.wait_indirect_dma semaphore(%run_scoped3A_353 : memref<!tpu.dma_semaphore, #tpu.memory_space<semaphore_mem>>) src(%dma_wait3A_367 : memref<128x40xf32, #tpu.memory_space<vmem>>) dst(%dma_wait3A_373 : memref<10112x40xf32, #tpu.memory_space<vmem_shared>>)
        tpu.yield
      }) : () -> ()
      %add3A_347 = arith.constant 8 : i32
      %add3A_348 = arith.addi %add3A_331, %add3A_347 : i32
      %lt3A_349 = arith.cmpi slt, %add3A_348, %select_n3A : i32
      %convert_element_type3A_350 = arith.extui %lt3A_349 : i1 to i32
      %cond3A_351 = arith.constant 0 : i32
      %cond3A_352 = arith.cmpi ne, %convert_element_type3A_350, %cond3A_351 : i32
      scf.if %cond3A_352 {
        %add3A_353 = arith.constant 8 : i32
        %add3A_354 = arith.addi %add3A_331, %add3A_353 : i32
        %dma_start3A_355 = arith.constant 7 : i32
        %dma_start3A_356 = arith.constant 7 : i32
        %dma_start3A_357 = arith.constant 0 : i32
        %dma_start3A_358 = arith.constant 0 : i32
        %dma_start3A_359 = tpu.memref_slice %arg12[%dma_start3A_355, %dma_start3A_357, %dma_start3A_358] : memref<8x128x40xf32, #tpu.memory_space<vmem>> -> memref<1x128x40xf32, #tpu.memory_space<vmem>>
        %dma_start3A_360 = tpu.memref_squeeze %dma_start3A_359 : memref<1x128x40xf32, #tpu.memory_space<vmem>> -> memref<128x40xf32, #tpu.memory_space<vmem>>
        %dma_start3A_361 = arith.constant 0 : i32
        %dma_start3A_362 = tpu.memref_slice %arg10[%add3A_354, %dma_start3A_361] : memref<120x128xi32, #tpu.memory_space<vmem>> -> memref<1x128xi32, #tpu.memory_space<vmem>>
        %dma_start3A_363 = tpu.memref_squeeze %dma_start3A_362 : memref<1x128xi32, #tpu.memory_space<vmem>> -> memref<128xi32, #tpu.memory_space<vmem>>
        %dma_start3A_364 = arith.constant 0 : i32
        %dma_start3A_365 = arith.constant 0 : i32
        %dma_start3A_366 = tpu.memref_slice %arg2[%dma_start3A_364, %dma_start3A_365] : memref<10000x40xf32, #tpu.memory_space<hbm>> -> memref<10000x40xf32, #tpu.memory_space<hbm>>
        %dma_start3A_367 = tpu.memref_slice %arg15[%dma_start3A_356] : memref<8x!tpu.dma_semaphore, #tpu.memory_space<semaphore_mem>> -> memref<1x!tpu.dma_semaphore, #tpu.memory_space<semaphore_mem>>
        %dma_start3A_368 = tpu.memref_squeeze %dma_start3A_367 : memref<1x!tpu.dma_semaphore, #tpu.memory_space<semaphore_mem>> -> memref<!tpu.dma_semaphore, #tpu.memory_space<semaphore_mem>>
        tpu.enqueue_indirect_dma source(%dma_start3A_366 : memref<10000x40xf32, #tpu.memory_space<hbm>>) target(%dma_start3A_360 : memref<128x40xf32, #tpu.memory_space<vmem>>) offsets(%dma_start3A_363 : memref<128xi32, #tpu.memory_space<vmem>>) semaphore(%dma_start3A_368 : memref<!tpu.dma_semaphore, #tpu.memory_space<semaphore_mem>>)
      } else {
      }
    }
    %barrier3A_157 = arith.constant 0 : index
    tpu.barrier barrier_id(%barrier3A_157)
    %mul3A_158 = arith.constant 632 : i32
    %mul3A_159 = arith.muli %arg1, %mul3A_158 : i32
    "tpu.region"() ({
      %run_scoped3A = tpu.sem_alloc : memref<!tpu.dma_semaphore, #tpu.memory_space<semaphore_mem>>
      %dma_start3A_170 = arith.constant 0 : i32
      %dma_start3A_171 = tpu.memref_slice %arg14[%mul3A_159, %dma_start3A_170] : memref<10112x40xf32, #tpu.memory_space<vmem_shared>> -> memref<632x40xf32, #tpu.memory_space<vmem_shared>>
      %dma_start3A_172 = arith.constant 0 : i32
      %dma_start3A_173 = tpu.memref_slice %arg14[%mul3A_159, %dma_start3A_172] : memref<10112x40xf32, #tpu.memory_space<vmem_shared>> -> memref<632x40xf32, #tpu.memory_space<vmem_shared>>
      tpu.enqueue_dma source(%dma_start3A_173 : memref<632x40xf32, #tpu.memory_space<vmem_shared>>) target(%arg13 : memref<632x40xf32, #tpu.memory_space<vmem>>) target_semaphore(%run_scoped3A : memref<!tpu.dma_semaphore, #tpu.memory_space<semaphore_mem>>)
      %dma_wait3A = arith.constant 0 : i32
      %dma_wait3A_174 = tpu.memref_slice %arg14[%mul3A_159, %dma_wait3A] : memref<10112x40xf32, #tpu.memory_space<vmem_shared>> -> memref<632x40xf32, #tpu.memory_space<vmem_shared>>
      %dma_wait3A_175 = arith.constant 0 : i32
      %dma_wait3A_176 = tpu.memref_slice %arg14[%mul3A_159, %dma_wait3A_175] : memref<10112x40xf32, #tpu.memory_space<vmem_shared>> -> memref<632x40xf32, #tpu.memory_space<vmem_shared>>
      tpu.wait_dma2 semaphore(%run_scoped3A : memref<!tpu.dma_semaphore, #tpu.memory_space<semaphore_mem>>) src(%dma_wait3A_176 : memref<632x40xf32, #tpu.memory_space<vmem_shared>>) dst(%arg13 : memref<632x40xf32, #tpu.memory_space<vmem>>)
      tpu.yield
    }) : () -> ()
    %eq3A_160 = arith.constant 0 : i32
    %eq3A_161 = arith.cmpi eq, %arg0, %eq3A_160 : i32
    %convert_element_type3A_162 = arith.extui %eq3A_161 : i1 to i32
    %cond3A_163 = arith.constant 0 : i32
    %cond3A_164 = arith.cmpi ne, %convert_element_type3A_162, %cond3A_163 : i32
    scf.if %cond3A_164 {
      %mul3A_170 = arith.constant 632 : i32
      %mul3A_171 = arith.muli %arg1, %mul3A_170 : i32
      "tpu.region"() ({
        %run_scoped3A = tpu.sem_alloc : memref<!tpu.dma_semaphore, #tpu.memory_space<semaphore_mem>>
        %dma_start3A_172 = arith.constant 0 : i32
        %dma_start3A_173 = tpu.memref_slice %arg8[%mul3A_171, %dma_start3A_172] : memref<10112x40xf32, #tpu.memory_space<hbm>> -> memref<632x40xf32, #tpu.memory_space<hbm>>
        %dma_start3A_174 = arith.constant 0 : i32
        %dma_start3A_175 = tpu.memref_slice %arg8[%mul3A_171, %dma_start3A_174] : memref<10112x40xf32, #tpu.memory_space<hbm>> -> memref<632x40xf32, #tpu.memory_space<hbm>>
        tpu.enqueue_dma source(%arg13 : memref<632x40xf32, #tpu.memory_space<vmem>>) target(%dma_start3A_175 : memref<632x40xf32, #tpu.memory_space<hbm>>) target_semaphore(%run_scoped3A : memref<!tpu.dma_semaphore, #tpu.memory_space<semaphore_mem>>)
        %dma_wait3A = arith.constant 0 : i32
        %dma_wait3A_176 = tpu.memref_slice %arg8[%mul3A_171, %dma_wait3A] : memref<10112x40xf32, #tpu.memory_space<hbm>> -> memref<632x40xf32, #tpu.memory_space<hbm>>
        %dma_wait3A_177 = arith.constant 0 : i32
        %dma_wait3A_178 = tpu.memref_slice %arg8[%mul3A_171, %dma_wait3A_177] : memref<10112x40xf32, #tpu.memory_space<hbm>> -> memref<632x40xf32, #tpu.memory_space<hbm>>
        tpu.wait_dma2 semaphore(%run_scoped3A : memref<!tpu.dma_semaphore, #tpu.memory_space<semaphore_mem>>) src(%arg13 : memref<632x40xf32, #tpu.memory_space<vmem>>) dst(%dma_wait3A_178 : memref<632x40xf32, #tpu.memory_space<hbm>>)
        tpu.yield
      }) : () -> ()
    } else {
    }
    %eq3A_165 = arith.constant 1 : i32
    %eq3A_166 = arith.cmpi eq, %arg0, %eq3A_165 : i32
    %convert_element_type3A_167 = arith.extui %eq3A_166 : i1 to i32
    %cond3A_168 = arith.constant 0 : i32
    %cond3A_169 = arith.cmpi ne, %convert_element_type3A_167, %cond3A_168 : i32
    scf.if %cond3A_169 {
      %mul3A_170 = arith.constant 632 : i32
      %mul3A_171 = arith.muli %arg1, %mul3A_170 : i32
      "tpu.region"() ({
        %run_scoped3A = tpu.sem_alloc : memref<!tpu.dma_semaphore, #tpu.memory_space<semaphore_mem>>
        %dma_start3A_172 = arith.constant 0 : i32
        %dma_start3A_173 = tpu.memref_slice %arg9[%mul3A_171, %dma_start3A_172] : memref<10112x40xf32, #tpu.memory_space<hbm>> -> memref<632x40xf32, #tpu.memory_space<hbm>>
        %dma_start3A_174 = arith.constant 0 : i32
        %dma_start3A_175 = tpu.memref_slice %arg9[%mul3A_171, %dma_start3A_174] : memref<10112x40xf32, #tpu.memory_space<hbm>> -> memref<632x40xf32, #tpu.memory_space<hbm>>
        tpu.enqueue_dma source(%arg13 : memref<632x40xf32, #tpu.memory_space<vmem>>) target(%dma_start3A_175 : memref<632x40xf32, #tpu.memory_space<hbm>>) target_semaphore(%run_scoped3A : memref<!tpu.dma_semaphore, #tpu.memory_space<semaphore_mem>>)
        %dma_wait3A = arith.constant 0 : i32
        %dma_wait3A_176 = tpu.memref_slice %arg9[%mul3A_171, %dma_wait3A] : memref<10112x40xf32, #tpu.memory_space<hbm>> -> memref<632x40xf32, #tpu.memory_space<hbm>>
        %dma_wait3A_177 = arith.constant 0 : i32
        %dma_wait3A_178 = tpu.memref_slice %arg9[%mul3A_171, %dma_wait3A_177] : memref<10112x40xf32, #tpu.memory_space<hbm>> -> memref<632x40xf32, #tpu.memory_space<hbm>>
        tpu.wait_dma2 semaphore(%run_scoped3A : memref<!tpu.dma_semaphore, #tpu.memory_space<semaphore_mem>>) src(%arg13 : memref<632x40xf32, #tpu.memory_space<vmem>>) dst(%dma_wait3A_178 : memref<632x40xf32, #tpu.memory_space<hbm>>)
        tpu.yield
      }) : () -> ()
    } else {
    }
    return
  }
}

#map = affine_map<(d0, d1) -> (0, 0)>
#map1 = affine_map<(d0, d1) -> (0, 0, 0)>
module attributes {stable_mosaic.version = 14 : i64} {
  func.func @agg_kernel(%arg0: i32, %arg1: i32, %arg2: memref<10000x16xf32, #tpu.memory_space<hbm>>, %arg3: memref<16x120x128xi32, #tpu.memory_space<hbm>>, %arg4: memref<16x120x128xi32, #tpu.memory_space<hbm>>, %arg5: memref<16x40x128xi32, #tpu.memory_space<hbm>>, %arg6: memref<16x40x128xi32, #tpu.memory_space<hbm>>, %arg7: memref<632x16xf32, #tpu.memory_space<hbm>>, %arg8: memref<10112x16xf32, #tpu.memory_space<hbm>>, %arg9: memref<10112x16xf32, #tpu.memory_space<hbm>>, %arg10: memref<120x128xi32, #tpu.memory_space<vmem>>, %arg11: memref<120x128xi32, #tpu.memory_space<vmem>>, %arg12: memref<8x128x16xf32, #tpu.memory_space<vmem>>, %arg13: memref<632x16xf32, #tpu.memory_space<vmem>>, %arg14: memref<10112x16xf32, #tpu.memory_space<vmem_shared>>, %arg15: memref<8x!tpu.dma_semaphore, #tpu.memory_space<semaphore_mem>>) attributes {dimension_semantics = [#tpu.dimension_semantics<core_parallel>, #tpu.dimension_semantics<subcore_parallel>], iteration_bounds = array<i64: 2, 16>, scalar_prefetch = 0 : i64, scratch_operands = 6 : i64, tpu.core_type = #tpu.core_type<sc_vector_subcore>, window_params = [{transform_indices = #map}, {transform_indices = #map1}, {transform_indices = #map1}, {transform_indices = #map1}, {transform_indices = #map1}, {transform_indices = #map}, {transform_indices = #map}, {transform_indices = #map}]} {
    "tpu.region"() ({
      %run_scoped3A = tpu.sem_alloc : memref<!tpu.dma_semaphore, #tpu.memory_space<semaphore_mem>>
      tpu.enqueue_dma source(%arg7 : memref<632x16xf32, #tpu.memory_space<hbm>>) target(%arg13 : memref<632x16xf32, #tpu.memory_space<vmem>>) target_semaphore(%run_scoped3A : memref<!tpu.dma_semaphore, #tpu.memory_space<semaphore_mem>>)
      tpu.wait_dma2 semaphore(%run_scoped3A : memref<!tpu.dma_semaphore, #tpu.memory_space<semaphore_mem>>) src(%arg7 : memref<632x16xf32, #tpu.memory_space<hbm>>) dst(%arg13 : memref<632x16xf32, #tpu.memory_space<vmem>>)
      tpu.yield
    }) : () -> ()
    %mul3A = arith.constant 632 : i32
    %mul3A_0 = arith.muli %arg1, %mul3A : i32
    "tpu.region"() ({
      %run_scoped3A = tpu.sem_alloc : memref<!tpu.dma_semaphore, #tpu.memory_space<semaphore_mem>>
      %dma_start3A_170 = arith.constant 0 : i32
      %dma_start3A_171 = tpu.memref_slice %arg14[%mul3A_0, %dma_start3A_170] : memref<10112x16xf32, #tpu.memory_space<vmem_shared>> -> memref<632x16xf32, #tpu.memory_space<vmem_shared>>
      %dma_start3A_172 = arith.constant 0 : i32
      %dma_start3A_173 = tpu.memref_slice %arg14[%mul3A_0, %dma_start3A_172] : memref<10112x16xf32, #tpu.memory_space<vmem_shared>> -> memref<632x16xf32, #tpu.memory_space<vmem_shared>>
      tpu.enqueue_dma source(%arg13 : memref<632x16xf32, #tpu.memory_space<vmem>>) target(%dma_start3A_173 : memref<632x16xf32, #tpu.memory_space<vmem_shared>>) target_semaphore(%run_scoped3A : memref<!tpu.dma_semaphore, #tpu.memory_space<semaphore_mem>>)
      %dma_wait3A = arith.constant 0 : i32
      %dma_wait3A_174 = tpu.memref_slice %arg14[%mul3A_0, %dma_wait3A] : memref<10112x16xf32, #tpu.memory_space<vmem_shared>> -> memref<632x16xf32, #tpu.memory_space<vmem_shared>>
      %dma_wait3A_175 = arith.constant 0 : i32
      %dma_wait3A_176 = tpu.memref_slice %arg14[%mul3A_0, %dma_wait3A_175] : memref<10112x16xf32, #tpu.memory_space<vmem_shared>> -> memref<632x16xf32, #tpu.memory_space<vmem_shared>>
      tpu.wait_dma2 semaphore(%run_scoped3A : memref<!tpu.dma_semaphore, #tpu.memory_space<semaphore_mem>>) src(%arg13 : memref<632x16xf32, #tpu.memory_space<vmem>>) dst(%dma_wait3A_176 : memref<632x16xf32, #tpu.memory_space<vmem_shared>>)
      tpu.yield
    }) : () -> ()
    %eq3A = arith.constant 0 : i32
    %eq3A_1 = arith.cmpi eq, %arg0, %eq3A : i32
    %convert_element_type3A = arith.extui %eq3A_1 : i1 to i32
    %cond3A = arith.constant 0 : i32
    %cond3A_2 = arith.cmpi ne, %convert_element_type3A, %cond3A : i32
    scf.if %cond3A_2 {
      "tpu.region"() ({
        %run_scoped3A = tpu.sem_alloc : memref<!tpu.dma_semaphore, #tpu.memory_space<semaphore_mem>>
        %dma_start3A_170 = arith.constant 0 : i32
        %dma_start3A_171 = arith.constant 0 : i32
        %dma_start3A_172 = tpu.memref_slice %arg10[%dma_start3A_170, %dma_start3A_171] : memref<120x128xi32, #tpu.memory_space<vmem>> -> memref<120x128xi32, #tpu.memory_space<vmem>>
        %dma_start3A_173 = arith.constant 0 : i32
        %dma_start3A_174 = arith.constant 0 : i32
        %dma_start3A_175 = tpu.memref_slice %arg3[%arg1, %dma_start3A_173, %dma_start3A_174] : memref<16x120x128xi32, #tpu.memory_space<hbm>> -> memref<1x120x128xi32, #tpu.memory_space<hbm>>
        %dma_start3A_176 = tpu.memref_squeeze %dma_start3A_175 : memref<1x120x128xi32, #tpu.memory_space<hbm>> -> memref<120x128xi32, #tpu.memory_space<hbm>>
        %dma_start3A_177 = arith.constant 0 : i32
        %dma_start3A_178 = arith.constant 0 : i32
        %dma_start3A_179 = tpu.memref_slice %arg10[%dma_start3A_177, %dma_start3A_178] : memref<120x128xi32, #tpu.memory_space<vmem>> -> memref<120x128xi32, #tpu.memory_space<vmem>>
        %dma_start3A_180 = arith.constant 0 : i32
        %dma_start3A_181 = arith.constant 0 : i32
        %dma_start3A_182 = tpu.memref_slice %arg3[%arg1, %dma_start3A_180, %dma_start3A_181] : memref<16x120x128xi32, #tpu.memory_space<hbm>> -> memref<1x120x128xi32, #tpu.memory_space<hbm>>
        %dma_start3A_183 = tpu.memref_squeeze %dma_start3A_182 : memref<1x120x128xi32, #tpu.memory_space<hbm>> -> memref<120x128xi32, #tpu.memory_space<hbm>>
        tpu.enqueue_dma source(%dma_start3A_183 : memref<120x128xi32, #tpu.memory_space<hbm>>) target(%dma_start3A_179 : memref<120x128xi32, #tpu.memory_space<vmem>>) target_semaphore(%run_scoped3A : memref<!tpu.dma_semaphore, #tpu.memory_space<semaphore_mem>>)
        %dma_wait3A = arith.constant 0 : i32
        %dma_wait3A_184 = arith.constant 0 : i32
        %dma_wait3A_185 = tpu.memref_slice %arg10[%dma_wait3A, %dma_wait3A_184] : memref<120x128xi32, #tpu.memory_space<vmem>> -> memref<120x128xi32, #tpu.memory_space<vmem>>
        %dma_wait3A_186 = arith.constant 0 : i32
        %dma_wait3A_187 = arith.constant 0 : i32
        %dma_wait3A_188 = tpu.memref_slice %arg3[%arg1, %dma_wait3A_186, %dma_wait3A_187] : memref<16x120x128xi32, #tpu.memory_space<hbm>> -> memref<1x120x128xi32, #tpu.memory_space<hbm>>
        %dma_wait3A_189 = tpu.memref_squeeze %dma_wait3A_188 : memref<1x120x128xi32, #tpu.memory_space<hbm>> -> memref<120x128xi32, #tpu.memory_space<hbm>>
        %dma_wait3A_190 = arith.constant 0 : i32
        %dma_wait3A_191 = arith.constant 0 : i32
        %dma_wait3A_192 = tpu.memref_slice %arg10[%dma_wait3A_190, %dma_wait3A_191] : memref<120x128xi32, #tpu.memory_space<vmem>> -> memref<120x128xi32, #tpu.memory_space<vmem>>
        %dma_wait3A_193 = arith.constant 0 : i32
        %dma_wait3A_194 = arith.constant 0 : i32
        %dma_wait3A_195 = tpu.memref_slice %arg3[%arg1, %dma_wait3A_193, %dma_wait3A_194] : memref<16x120x128xi32, #tpu.memory_space<hbm>> -> memref<1x120x128xi32, #tpu.memory_space<hbm>>
        %dma_wait3A_196 = tpu.memref_squeeze %dma_wait3A_195 : memref<1x120x128xi32, #tpu.memory_space<hbm>> -> memref<120x128xi32, #tpu.memory_space<hbm>>
        tpu.wait_dma2 semaphore(%run_scoped3A : memref<!tpu.dma_semaphore, #tpu.memory_space<semaphore_mem>>) src(%dma_wait3A_196 : memref<120x128xi32, #tpu.memory_space<hbm>>) dst(%dma_wait3A_192 : memref<120x128xi32, #tpu.memory_space<vmem>>)
        tpu.yield
      }) : () -> ()
      "tpu.region"() ({
        %run_scoped3A = tpu.sem_alloc : memref<!tpu.dma_semaphore, #tpu.memory_space<semaphore_mem>>
        %dma_start3A_170 = arith.constant 0 : i32
        %dma_start3A_171 = arith.constant 0 : i32
        %dma_start3A_172 = tpu.memref_slice %arg11[%dma_start3A_170, %dma_start3A_171] : memref<120x128xi32, #tpu.memory_space<vmem>> -> memref<120x128xi32, #tpu.memory_space<vmem>>
        %dma_start3A_173 = arith.constant 0 : i32
        %dma_start3A_174 = arith.constant 0 : i32
        %dma_start3A_175 = tpu.memref_slice %arg4[%arg1, %dma_start3A_173, %dma_start3A_174] : memref<16x120x128xi32, #tpu.memory_space<hbm>> -> memref<1x120x128xi32, #tpu.memory_space<hbm>>
        %dma_start3A_176 = tpu.memref_squeeze %dma_start3A_175 : memref<1x120x128xi32, #tpu.memory_space<hbm>> -> memref<120x128xi32, #tpu.memory_space<hbm>>
        %dma_start3A_177 = arith.constant 0 : i32
        %dma_start3A_178 = arith.constant 0 : i32
        %dma_start3A_179 = tpu.memref_slice %arg11[%dma_start3A_177, %dma_start3A_178] : memref<120x128xi32, #tpu.memory_space<vmem>> -> memref<120x128xi32, #tpu.memory_space<vmem>>
        %dma_start3A_180 = arith.constant 0 : i32
        %dma_start3A_181 = arith.constant 0 : i32
        %dma_start3A_182 = tpu.memref_slice %arg4[%arg1, %dma_start3A_180, %dma_start3A_181] : memref<16x120x128xi32, #tpu.memory_space<hbm>> -> memref<1x120x128xi32, #tpu.memory_space<hbm>>
        %dma_start3A_183 = tpu.memref_squeeze %dma_start3A_182 : memref<1x120x128xi32, #tpu.memory_space<hbm>> -> memref<120x128xi32, #tpu.memory_space<hbm>>
        tpu.enqueue_dma source(%dma_start3A_183 : memref<120x128xi32, #tpu.memory_space<hbm>>) target(%dma_start3A_179 : memref<120x128xi32, #tpu.memory_space<vmem>>) target_semaphore(%run_scoped3A : memref<!tpu.dma_semaphore, #tpu.memory_space<semaphore_mem>>)
        %dma_wait3A = arith.constant 0 : i32
        %dma_wait3A_184 = arith.constant 0 : i32
        %dma_wait3A_185 = tpu.memref_slice %arg11[%dma_wait3A, %dma_wait3A_184] : memref<120x128xi32, #tpu.memory_space<vmem>> -> memref<120x128xi32, #tpu.memory_space<vmem>>
        %dma_wait3A_186 = arith.constant 0 : i32
        %dma_wait3A_187 = arith.constant 0 : i32
        %dma_wait3A_188 = tpu.memref_slice %arg4[%arg1, %dma_wait3A_186, %dma_wait3A_187] : memref<16x120x128xi32, #tpu.memory_space<hbm>> -> memref<1x120x128xi32, #tpu.memory_space<hbm>>
        %dma_wait3A_189 = tpu.memref_squeeze %dma_wait3A_188 : memref<1x120x128xi32, #tpu.memory_space<hbm>> -> memref<120x128xi32, #tpu.memory_space<hbm>>
        %dma_wait3A_190 = arith.constant 0 : i32
        %dma_wait3A_191 = arith.constant 0 : i32
        %dma_wait3A_192 = tpu.memref_slice %arg11[%dma_wait3A_190, %dma_wait3A_191] : memref<120x128xi32, #tpu.memory_space<vmem>> -> memref<120x128xi32, #tpu.memory_space<vmem>>
        %dma_wait3A_193 = arith.constant 0 : i32
        %dma_wait3A_194 = arith.constant 0 : i32
        %dma_wait3A_195 = tpu.memref_slice %arg4[%arg1, %dma_wait3A_193, %dma_wait3A_194] : memref<16x120x128xi32, #tpu.memory_space<hbm>> -> memref<1x120x128xi32, #tpu.memory_space<hbm>>
        %dma_wait3A_196 = tpu.memref_squeeze %dma_wait3A_195 : memref<1x120x128xi32, #tpu.memory_space<hbm>> -> memref<120x128xi32, #tpu.memory_space<hbm>>
        tpu.wait_dma2 semaphore(%run_scoped3A : memref<!tpu.dma_semaphore, #tpu.memory_space<semaphore_mem>>) src(%dma_wait3A_196 : memref<120x128xi32, #tpu.memory_space<hbm>>) dst(%dma_wait3A_192 : memref<120x128xi32, #tpu.memory_space<vmem>>)
        tpu.yield
      }) : () -> ()
    } else {
    }
    %eq3A_3 = arith.constant 1 : i32
    %eq3A_4 = arith.cmpi eq, %arg0, %eq3A_3 : i32
    %convert_element_type3A_5 = arith.extui %eq3A_4 : i1 to i32
    %cond3A_6 = arith.constant 0 : i32
    %cond3A_7 = arith.cmpi ne, %convert_element_type3A_5, %cond3A_6 : i32
    scf.if %cond3A_7 {
      "tpu.region"() ({
        %run_scoped3A = tpu.sem_alloc : memref<!tpu.dma_semaphore, #tpu.memory_space<semaphore_mem>>
        %dma_start3A_170 = arith.constant 0 : i32
        %dma_start3A_171 = arith.constant 0 : i32
        %dma_start3A_172 = tpu.memref_slice %arg10[%dma_start3A_170, %dma_start3A_171] : memref<120x128xi32, #tpu.memory_space<vmem>> -> memref<40x128xi32, #tpu.memory_space<vmem>>
        %dma_start3A_173 = arith.constant 0 : i32
        %dma_start3A_174 = arith.constant 0 : i32
        %dma_start3A_175 = tpu.memref_slice %arg5[%arg1, %dma_start3A_173, %dma_start3A_174] : memref<16x40x128xi32, #tpu.memory_space<hbm>> -> memref<1x40x128xi32, #tpu.memory_space<hbm>>
        %dma_start3A_176 = tpu.memref_squeeze %dma_start3A_175 : memref<1x40x128xi32, #tpu.memory_space<hbm>> -> memref<40x128xi32, #tpu.memory_space<hbm>>
        %dma_start3A_177 = arith.constant 0 : i32
        %dma_start3A_178 = arith.constant 0 : i32
        %dma_start3A_179 = tpu.memref_slice %arg10[%dma_start3A_177, %dma_start3A_178] : memref<120x128xi32, #tpu.memory_space<vmem>> -> memref<40x128xi32, #tpu.memory_space<vmem>>
        %dma_start3A_180 = arith.constant 0 : i32
        %dma_start3A_181 = arith.constant 0 : i32
        %dma_start3A_182 = tpu.memref_slice %arg5[%arg1, %dma_start3A_180, %dma_start3A_181] : memref<16x40x128xi32, #tpu.memory_space<hbm>> -> memref<1x40x128xi32, #tpu.memory_space<hbm>>
        %dma_start3A_183 = tpu.memref_squeeze %dma_start3A_182 : memref<1x40x128xi32, #tpu.memory_space<hbm>> -> memref<40x128xi32, #tpu.memory_space<hbm>>
        tpu.enqueue_dma source(%dma_start3A_183 : memref<40x128xi32, #tpu.memory_space<hbm>>) target(%dma_start3A_179 : memref<40x128xi32, #tpu.memory_space<vmem>>) target_semaphore(%run_scoped3A : memref<!tpu.dma_semaphore, #tpu.memory_space<semaphore_mem>>)
        %dma_wait3A = arith.constant 0 : i32
        %dma_wait3A_184 = arith.constant 0 : i32
        %dma_wait3A_185 = tpu.memref_slice %arg10[%dma_wait3A, %dma_wait3A_184] : memref<120x128xi32, #tpu.memory_space<vmem>> -> memref<40x128xi32, #tpu.memory_space<vmem>>
        %dma_wait3A_186 = arith.constant 0 : i32
        %dma_wait3A_187 = arith.constant 0 : i32
        %dma_wait3A_188 = tpu.memref_slice %arg5[%arg1, %dma_wait3A_186, %dma_wait3A_187] : memref<16x40x128xi32, #tpu.memory_space<hbm>> -> memref<1x40x128xi32, #tpu.memory_space<hbm>>
        %dma_wait3A_189 = tpu.memref_squeeze %dma_wait3A_188 : memref<1x40x128xi32, #tpu.memory_space<hbm>> -> memref<40x128xi32, #tpu.memory_space<hbm>>
        %dma_wait3A_190 = arith.constant 0 : i32
        %dma_wait3A_191 = arith.constant 0 : i32
        %dma_wait3A_192 = tpu.memref_slice %arg10[%dma_wait3A_190, %dma_wait3A_191] : memref<120x128xi32, #tpu.memory_space<vmem>> -> memref<40x128xi32, #tpu.memory_space<vmem>>
        %dma_wait3A_193 = arith.constant 0 : i32
        %dma_wait3A_194 = arith.constant 0 : i32
        %dma_wait3A_195 = tpu.memref_slice %arg5[%arg1, %dma_wait3A_193, %dma_wait3A_194] : memref<16x40x128xi32, #tpu.memory_space<hbm>> -> memref<1x40x128xi32, #tpu.memory_space<hbm>>
        %dma_wait3A_196 = tpu.memref_squeeze %dma_wait3A_195 : memref<1x40x128xi32, #tpu.memory_space<hbm>> -> memref<40x128xi32, #tpu.memory_space<hbm>>
        tpu.wait_dma2 semaphore(%run_scoped3A : memref<!tpu.dma_semaphore, #tpu.memory_space<semaphore_mem>>) src(%dma_wait3A_196 : memref<40x128xi32, #tpu.memory_space<hbm>>) dst(%dma_wait3A_192 : memref<40x128xi32, #tpu.memory_space<vmem>>)
        tpu.yield
      }) : () -> ()
      "tpu.region"() ({
        %run_scoped3A = tpu.sem_alloc : memref<!tpu.dma_semaphore, #tpu.memory_space<semaphore_mem>>
        %dma_start3A_170 = arith.constant 0 : i32
        %dma_start3A_171 = arith.constant 0 : i32
        %dma_start3A_172 = tpu.memref_slice %arg11[%dma_start3A_170, %dma_start3A_171] : memref<120x128xi32, #tpu.memory_space<vmem>> -> memref<40x128xi32, #tpu.memory_space<vmem>>
        %dma_start3A_173 = arith.constant 0 : i32
        %dma_start3A_174 = arith.constant 0 : i32
        %dma_start3A_175 = tpu.memref_slice %arg6[%arg1, %dma_start3A_173, %dma_start3A_174] : memref<16x40x128xi32, #tpu.memory_space<hbm>> -> memref<1x40x128xi32, #tpu.memory_space<hbm>>
        %dma_start3A_176 = tpu.memref_squeeze %dma_start3A_175 : memref<1x40x128xi32, #tpu.memory_space<hbm>> -> memref<40x128xi32, #tpu.memory_space<hbm>>
        %dma_start3A_177 = arith.constant 0 : i32
        %dma_start3A_178 = arith.constant 0 : i32
        %dma_start3A_179 = tpu.memref_slice %arg11[%dma_start3A_177, %dma_start3A_178] : memref<120x128xi32, #tpu.memory_space<vmem>> -> memref<40x128xi32, #tpu.memory_space<vmem>>
        %dma_start3A_180 = arith.constant 0 : i32
        %dma_start3A_181 = arith.constant 0 : i32
        %dma_start3A_182 = tpu.memref_slice %arg6[%arg1, %dma_start3A_180, %dma_start3A_181] : memref<16x40x128xi32, #tpu.memory_space<hbm>> -> memref<1x40x128xi32, #tpu.memory_space<hbm>>
        %dma_start3A_183 = tpu.memref_squeeze %dma_start3A_182 : memref<1x40x128xi32, #tpu.memory_space<hbm>> -> memref<40x128xi32, #tpu.memory_space<hbm>>
        tpu.enqueue_dma source(%dma_start3A_183 : memref<40x128xi32, #tpu.memory_space<hbm>>) target(%dma_start3A_179 : memref<40x128xi32, #tpu.memory_space<vmem>>) target_semaphore(%run_scoped3A : memref<!tpu.dma_semaphore, #tpu.memory_space<semaphore_mem>>)
        %dma_wait3A = arith.constant 0 : i32
        %dma_wait3A_184 = arith.constant 0 : i32
        %dma_wait3A_185 = tpu.memref_slice %arg11[%dma_wait3A, %dma_wait3A_184] : memref<120x128xi32, #tpu.memory_space<vmem>> -> memref<40x128xi32, #tpu.memory_space<vmem>>
        %dma_wait3A_186 = arith.constant 0 : i32
        %dma_wait3A_187 = arith.constant 0 : i32
        %dma_wait3A_188 = tpu.memref_slice %arg6[%arg1, %dma_wait3A_186, %dma_wait3A_187] : memref<16x40x128xi32, #tpu.memory_space<hbm>> -> memref<1x40x128xi32, #tpu.memory_space<hbm>>
        %dma_wait3A_189 = tpu.memref_squeeze %dma_wait3A_188 : memref<1x40x128xi32, #tpu.memory_space<hbm>> -> memref<40x128xi32, #tpu.memory_space<hbm>>
        %dma_wait3A_190 = arith.constant 0 : i32
        %dma_wait3A_191 = arith.constant 0 : i32
        %dma_wait3A_192 = tpu.memref_slice %arg11[%dma_wait3A_190, %dma_wait3A_191] : memref<120x128xi32, #tpu.memory_space<vmem>> -> memref<40x128xi32, #tpu.memory_space<vmem>>
        %dma_wait3A_193 = arith.constant 0 : i32
        %dma_wait3A_194 = arith.constant 0 : i32
        %dma_wait3A_195 = tpu.memref_slice %arg6[%arg1, %dma_wait3A_193, %dma_wait3A_194] : memref<16x40x128xi32, #tpu.memory_space<hbm>> -> memref<1x40x128xi32, #tpu.memory_space<hbm>>
        %dma_wait3A_196 = tpu.memref_squeeze %dma_wait3A_195 : memref<1x40x128xi32, #tpu.memory_space<hbm>> -> memref<40x128xi32, #tpu.memory_space<hbm>>
        tpu.wait_dma2 semaphore(%run_scoped3A : memref<!tpu.dma_semaphore, #tpu.memory_space<semaphore_mem>>) src(%dma_wait3A_196 : memref<40x128xi32, #tpu.memory_space<hbm>>) dst(%dma_wait3A_192 : memref<40x128xi32, #tpu.memory_space<vmem>>)
        tpu.yield
      }) : () -> ()
    } else {
    }
    %eq3A_8 = arith.constant 0 : i32
    %eq3A_9 = arith.cmpi eq, %arg0, %eq3A_8 : i32
    %jit3A = arith.constant 120 : i32
    %jit3A_10 = arith.constant 40 : i32
    %select_n3A = arith.select %eq3A_9, %jit3A, %jit3A_10 : i32
    %barrier3A = arith.constant 0 : index
    tpu.barrier barrier_id(%barrier3A)
    %dma_start3A = arith.constant 0 : i32
    %dma_start3A_11 = arith.constant 0 : i32
    %dma_start3A_12 = arith.constant 0 : i32
    %dma_start3A_13 = arith.constant 0 : i32
    %dma_start3A_14 = arith.constant 0 : i32
    %dma_start3A_15 = tpu.memref_slice %arg12[%dma_start3A_11, %dma_start3A_13, %dma_start3A_14] : memref<8x128x16xf32, #tpu.memory_space<vmem>> -> memref<1x128x16xf32, #tpu.memory_space<vmem>>
    %dma_start3A_16 = tpu.memref_squeeze %dma_start3A_15 : memref<1x128x16xf32, #tpu.memory_space<vmem>> -> memref<128x16xf32, #tpu.memory_space<vmem>>
    %dma_start3A_17 = arith.constant 0 : i32
    %dma_start3A_18 = tpu.memref_slice %arg10[%dma_start3A, %dma_start3A_17] : memref<120x128xi32, #tpu.memory_space<vmem>> -> memref<1x128xi32, #tpu.memory_space<vmem>>
    %dma_start3A_19 = tpu.memref_squeeze %dma_start3A_18 : memref<1x128xi32, #tpu.memory_space<vmem>> -> memref<128xi32, #tpu.memory_space<vmem>>
    %dma_start3A_20 = arith.constant 0 : i32
    %dma_start3A_21 = arith.constant 0 : i32
    %dma_start3A_22 = tpu.memref_slice %arg2[%dma_start3A_20, %dma_start3A_21] : memref<10000x16xf32, #tpu.memory_space<hbm>> -> memref<10000x16xf32, #tpu.memory_space<hbm>>
    %dma_start3A_23 = tpu.memref_slice %arg15[%dma_start3A_12] : memref<8x!tpu.dma_semaphore, #tpu.memory_space<semaphore_mem>> -> memref<1x!tpu.dma_semaphore, #tpu.memory_space<semaphore_mem>>
    %dma_start3A_24 = tpu.memref_squeeze %dma_start3A_23 : memref<1x!tpu.dma_semaphore, #tpu.memory_space<semaphore_mem>> -> memref<!tpu.dma_semaphore, #tpu.memory_space<semaphore_mem>>
    tpu.enqueue_indirect_dma source(%dma_start3A_22 : memref<10000x16xf32, #tpu.memory_space<hbm>>) target(%dma_start3A_16 : memref<128x16xf32, #tpu.memory_space<vmem>>) offsets(%dma_start3A_19 : memref<128xi32, #tpu.memory_space<vmem>>) semaphore(%dma_start3A_24 : memref<!tpu.dma_semaphore, #tpu.memory_space<semaphore_mem>>)
    %dma_start3A_25 = arith.constant 1 : i32
    %dma_start3A_26 = arith.constant 1 : i32
    %dma_start3A_27 = arith.constant 1 : i32
    %dma_start3A_28 = arith.constant 0 : i32
    %dma_start3A_29 = arith.constant 0 : i32
    %dma_start3A_30 = tpu.memref_slice %arg12[%dma_start3A_26, %dma_start3A_28, %dma_start3A_29] : memref<8x128x16xf32, #tpu.memory_space<vmem>> -> memref<1x128x16xf32, #tpu.memory_space<vmem>>
    %dma_start3A_31 = tpu.memref_squeeze %dma_start3A_30 : memref<1x128x16xf32, #tpu.memory_space<vmem>> -> memref<128x16xf32, #tpu.memory_space<vmem>>
    %dma_start3A_32 = arith.constant 0 : i32
    %dma_start3A_33 = tpu.memref_slice %arg10[%dma_start3A_25, %dma_start3A_32] : memref<120x128xi32, #tpu.memory_space<vmem>> -> memref<1x128xi32, #tpu.memory_space<vmem>>
    %dma_start3A_34 = tpu.memref_squeeze %dma_start3A_33 : memref<1x128xi32, #tpu.memory_space<vmem>> -> memref<128xi32, #tpu.memory_space<vmem>>
    %dma_start3A_35 = arith.constant 0 : i32
    %dma_start3A_36 = arith.constant 0 : i32
    %dma_start3A_37 = tpu.memref_slice %arg2[%dma_start3A_35, %dma_start3A_36] : memref<10000x16xf32, #tpu.memory_space<hbm>> -> memref<10000x16xf32, #tpu.memory_space<hbm>>
    %dma_start3A_38 = tpu.memref_slice %arg15[%dma_start3A_27] : memref<8x!tpu.dma_semaphore, #tpu.memory_space<semaphore_mem>> -> memref<1x!tpu.dma_semaphore, #tpu.memory_space<semaphore_mem>>
    %dma_start3A_39 = tpu.memref_squeeze %dma_start3A_38 : memref<1x!tpu.dma_semaphore, #tpu.memory_space<semaphore_mem>> -> memref<!tpu.dma_semaphore, #tpu.memory_space<semaphore_mem>>
    tpu.enqueue_indirect_dma source(%dma_start3A_37 : memref<10000x16xf32, #tpu.memory_space<hbm>>) target(%dma_start3A_31 : memref<128x16xf32, #tpu.memory_space<vmem>>) offsets(%dma_start3A_34 : memref<128xi32, #tpu.memory_space<vmem>>) semaphore(%dma_start3A_39 : memref<!tpu.dma_semaphore, #tpu.memory_space<semaphore_mem>>)
    %dma_start3A_40 = arith.constant 2 : i32
    %dma_start3A_41 = arith.constant 2 : i32
    %dma_start3A_42 = arith.constant 2 : i32
    %dma_start3A_43 = arith.constant 0 : i32
    %dma_start3A_44 = arith.constant 0 : i32
    %dma_start3A_45 = tpu.memref_slice %arg12[%dma_start3A_41, %dma_start3A_43, %dma_start3A_44] : memref<8x128x16xf32, #tpu.memory_space<vmem>> -> memref<1x128x16xf32, #tpu.memory_space<vmem>>
    %dma_start3A_46 = tpu.memref_squeeze %dma_start3A_45 : memref<1x128x16xf32, #tpu.memory_space<vmem>> -> memref<128x16xf32, #tpu.memory_space<vmem>>
    %dma_start3A_47 = arith.constant 0 : i32
    %dma_start3A_48 = tpu.memref_slice %arg10[%dma_start3A_40, %dma_start3A_47] : memref<120x128xi32, #tpu.memory_space<vmem>> -> memref<1x128xi32, #tpu.memory_space<vmem>>
    %dma_start3A_49 = tpu.memref_squeeze %dma_start3A_48 : memref<1x128xi32, #tpu.memory_space<vmem>> -> memref<128xi32, #tpu.memory_space<vmem>>
    %dma_start3A_50 = arith.constant 0 : i32
    %dma_start3A_51 = arith.constant 0 : i32
    %dma_start3A_52 = tpu.memref_slice %arg2[%dma_start3A_50, %dma_start3A_51] : memref<10000x16xf32, #tpu.memory_space<hbm>> -> memref<10000x16xf32, #tpu.memory_space<hbm>>
    %dma_start3A_53 = tpu.memref_slice %arg15[%dma_start3A_42] : memref<8x!tpu.dma_semaphore, #tpu.memory_space<semaphore_mem>> -> memref<1x!tpu.dma_semaphore, #tpu.memory_space<semaphore_mem>>
    %dma_start3A_54 = tpu.memref_squeeze %dma_start3A_53 : memref<1x!tpu.dma_semaphore, #tpu.memory_space<semaphore_mem>> -> memref<!tpu.dma_semaphore, #tpu.memory_space<semaphore_mem>>
    tpu.enqueue_indirect_dma source(%dma_start3A_52 : memref<10000x16xf32, #tpu.memory_space<hbm>>) target(%dma_start3A_46 : memref<128x16xf32, #tpu.memory_space<vmem>>) offsets(%dma_start3A_49 : memref<128xi32, #tpu.memory_space<vmem>>) semaphore(%dma_start3A_54 : memref<!tpu.dma_semaphore, #tpu.memory_space<semaphore_mem>>)
    %dma_start3A_55 = arith.constant 3 : i32
    %dma_start3A_56 = arith.constant 3 : i32
    %dma_start3A_57 = arith.constant 3 : i32
    %dma_start3A_58 = arith.constant 0 : i32
    %dma_start3A_59 = arith.constant 0 : i32
    %dma_start3A_60 = tpu.memref_slice %arg12[%dma_start3A_56, %dma_start3A_58, %dma_start3A_59] : memref<8x128x16xf32, #tpu.memory_space<vmem>> -> memref<1x128x16xf32, #tpu.memory_space<vmem>>
    %dma_start3A_61 = tpu.memref_squeeze %dma_start3A_60 : memref<1x128x16xf32, #tpu.memory_space<vmem>> -> memref<128x16xf32, #tpu.memory_space<vmem>>
    %dma_start3A_62 = arith.constant 0 : i32
    %dma_start3A_63 = tpu.memref_slice %arg10[%dma_start3A_55, %dma_start3A_62] : memref<120x128xi32, #tpu.memory_space<vmem>> -> memref<1x128xi32, #tpu.memory_space<vmem>>
    %dma_start3A_64 = tpu.memref_squeeze %dma_start3A_63 : memref<1x128xi32, #tpu.memory_space<vmem>> -> memref<128xi32, #tpu.memory_space<vmem>>
    %dma_start3A_65 = arith.constant 0 : i32
    %dma_start3A_66 = arith.constant 0 : i32
    %dma_start3A_67 = tpu.memref_slice %arg2[%dma_start3A_65, %dma_start3A_66] : memref<10000x16xf32, #tpu.memory_space<hbm>> -> memref<10000x16xf32, #tpu.memory_space<hbm>>
    %dma_start3A_68 = tpu.memref_slice %arg15[%dma_start3A_57] : memref<8x!tpu.dma_semaphore, #tpu.memory_space<semaphore_mem>> -> memref<1x!tpu.dma_semaphore, #tpu.memory_space<semaphore_mem>>
    %dma_start3A_69 = tpu.memref_squeeze %dma_start3A_68 : memref<1x!tpu.dma_semaphore, #tpu.memory_space<semaphore_mem>> -> memref<!tpu.dma_semaphore, #tpu.memory_space<semaphore_mem>>
    tpu.enqueue_indirect_dma source(%dma_start3A_67 : memref<10000x16xf32, #tpu.memory_space<hbm>>) target(%dma_start3A_61 : memref<128x16xf32, #tpu.memory_space<vmem>>) offsets(%dma_start3A_64 : memref<128xi32, #tpu.memory_space<vmem>>) semaphore(%dma_start3A_69 : memref<!tpu.dma_semaphore, #tpu.memory_space<semaphore_mem>>)
    %dma_start3A_70 = arith.constant 4 : i32
    %dma_start3A_71 = arith.constant 4 : i32
    %dma_start3A_72 = arith.constant 4 : i32
    %dma_start3A_73 = arith.constant 0 : i32
    %dma_start3A_74 = arith.constant 0 : i32
    %dma_start3A_75 = tpu.memref_slice %arg12[%dma_start3A_71, %dma_start3A_73, %dma_start3A_74] : memref<8x128x16xf32, #tpu.memory_space<vmem>> -> memref<1x128x16xf32, #tpu.memory_space<vmem>>
    %dma_start3A_76 = tpu.memref_squeeze %dma_start3A_75 : memref<1x128x16xf32, #tpu.memory_space<vmem>> -> memref<128x16xf32, #tpu.memory_space<vmem>>
    %dma_start3A_77 = arith.constant 0 : i32
    %dma_start3A_78 = tpu.memref_slice %arg10[%dma_start3A_70, %dma_start3A_77] : memref<120x128xi32, #tpu.memory_space<vmem>> -> memref<1x128xi32, #tpu.memory_space<vmem>>
    %dma_start3A_79 = tpu.memref_squeeze %dma_start3A_78 : memref<1x128xi32, #tpu.memory_space<vmem>> -> memref<128xi32, #tpu.memory_space<vmem>>
    %dma_start3A_80 = arith.constant 0 : i32
    %dma_start3A_81 = arith.constant 0 : i32
    %dma_start3A_82 = tpu.memref_slice %arg2[%dma_start3A_80, %dma_start3A_81] : memref<10000x16xf32, #tpu.memory_space<hbm>> -> memref<10000x16xf32, #tpu.memory_space<hbm>>
    %dma_start3A_83 = tpu.memref_slice %arg15[%dma_start3A_72] : memref<8x!tpu.dma_semaphore, #tpu.memory_space<semaphore_mem>> -> memref<1x!tpu.dma_semaphore, #tpu.memory_space<semaphore_mem>>
    %dma_start3A_84 = tpu.memref_squeeze %dma_start3A_83 : memref<1x!tpu.dma_semaphore, #tpu.memory_space<semaphore_mem>> -> memref<!tpu.dma_semaphore, #tpu.memory_space<semaphore_mem>>
    tpu.enqueue_indirect_dma source(%dma_start3A_82 : memref<10000x16xf32, #tpu.memory_space<hbm>>) target(%dma_start3A_76 : memref<128x16xf32, #tpu.memory_space<vmem>>) offsets(%dma_start3A_79 : memref<128xi32, #tpu.memory_space<vmem>>) semaphore(%dma_start3A_84 : memref<!tpu.dma_semaphore, #tpu.memory_space<semaphore_mem>>)
    %dma_start3A_85 = arith.constant 5 : i32
    %dma_start3A_86 = arith.constant 5 : i32
    %dma_start3A_87 = arith.constant 5 : i32
    %dma_start3A_88 = arith.constant 0 : i32
    %dma_start3A_89 = arith.constant 0 : i32
    %dma_start3A_90 = tpu.memref_slice %arg12[%dma_start3A_86, %dma_start3A_88, %dma_start3A_89] : memref<8x128x16xf32, #tpu.memory_space<vmem>> -> memref<1x128x16xf32, #tpu.memory_space<vmem>>
    %dma_start3A_91 = tpu.memref_squeeze %dma_start3A_90 : memref<1x128x16xf32, #tpu.memory_space<vmem>> -> memref<128x16xf32, #tpu.memory_space<vmem>>
    %dma_start3A_92 = arith.constant 0 : i32
    %dma_start3A_93 = tpu.memref_slice %arg10[%dma_start3A_85, %dma_start3A_92] : memref<120x128xi32, #tpu.memory_space<vmem>> -> memref<1x128xi32, #tpu.memory_space<vmem>>
    %dma_start3A_94 = tpu.memref_squeeze %dma_start3A_93 : memref<1x128xi32, #tpu.memory_space<vmem>> -> memref<128xi32, #tpu.memory_space<vmem>>
    %dma_start3A_95 = arith.constant 0 : i32
    %dma_start3A_96 = arith.constant 0 : i32
    %dma_start3A_97 = tpu.memref_slice %arg2[%dma_start3A_95, %dma_start3A_96] : memref<10000x16xf32, #tpu.memory_space<hbm>> -> memref<10000x16xf32, #tpu.memory_space<hbm>>
    %dma_start3A_98 = tpu.memref_slice %arg15[%dma_start3A_87] : memref<8x!tpu.dma_semaphore, #tpu.memory_space<semaphore_mem>> -> memref<1x!tpu.dma_semaphore, #tpu.memory_space<semaphore_mem>>
    %dma_start3A_99 = tpu.memref_squeeze %dma_start3A_98 : memref<1x!tpu.dma_semaphore, #tpu.memory_space<semaphore_mem>> -> memref<!tpu.dma_semaphore, #tpu.memory_space<semaphore_mem>>
    tpu.enqueue_indirect_dma source(%dma_start3A_97 : memref<10000x16xf32, #tpu.memory_space<hbm>>) target(%dma_start3A_91 : memref<128x16xf32, #tpu.memory_space<vmem>>) offsets(%dma_start3A_94 : memref<128xi32, #tpu.memory_space<vmem>>) semaphore(%dma_start3A_99 : memref<!tpu.dma_semaphore, #tpu.memory_space<semaphore_mem>>)
    %dma_start3A_100 = arith.constant 6 : i32
    %dma_start3A_101 = arith.constant 6 : i32
    %dma_start3A_102 = arith.constant 6 : i32
    %dma_start3A_103 = arith.constant 0 : i32
    %dma_start3A_104 = arith.constant 0 : i32
    %dma_start3A_105 = tpu.memref_slice %arg12[%dma_start3A_101, %dma_start3A_103, %dma_start3A_104] : memref<8x128x16xf32, #tpu.memory_space<vmem>> -> memref<1x128x16xf32, #tpu.memory_space<vmem>>
    %dma_start3A_106 = tpu.memref_squeeze %dma_start3A_105 : memref<1x128x16xf32, #tpu.memory_space<vmem>> -> memref<128x16xf32, #tpu.memory_space<vmem>>
    %dma_start3A_107 = arith.constant 0 : i32
    %dma_start3A_108 = tpu.memref_slice %arg10[%dma_start3A_100, %dma_start3A_107] : memref<120x128xi32, #tpu.memory_space<vmem>> -> memref<1x128xi32, #tpu.memory_space<vmem>>
    %dma_start3A_109 = tpu.memref_squeeze %dma_start3A_108 : memref<1x128xi32, #tpu.memory_space<vmem>> -> memref<128xi32, #tpu.memory_space<vmem>>
    %dma_start3A_110 = arith.constant 0 : i32
    %dma_start3A_111 = arith.constant 0 : i32
    %dma_start3A_112 = tpu.memref_slice %arg2[%dma_start3A_110, %dma_start3A_111] : memref<10000x16xf32, #tpu.memory_space<hbm>> -> memref<10000x16xf32, #tpu.memory_space<hbm>>
    %dma_start3A_113 = tpu.memref_slice %arg15[%dma_start3A_102] : memref<8x!tpu.dma_semaphore, #tpu.memory_space<semaphore_mem>> -> memref<1x!tpu.dma_semaphore, #tpu.memory_space<semaphore_mem>>
    %dma_start3A_114 = tpu.memref_squeeze %dma_start3A_113 : memref<1x!tpu.dma_semaphore, #tpu.memory_space<semaphore_mem>> -> memref<!tpu.dma_semaphore, #tpu.memory_space<semaphore_mem>>
    tpu.enqueue_indirect_dma source(%dma_start3A_112 : memref<10000x16xf32, #tpu.memory_space<hbm>>) target(%dma_start3A_106 : memref<128x16xf32, #tpu.memory_space<vmem>>) offsets(%dma_start3A_109 : memref<128xi32, #tpu.memory_space<vmem>>) semaphore(%dma_start3A_114 : memref<!tpu.dma_semaphore, #tpu.memory_space<semaphore_mem>>)
    %dma_start3A_115 = arith.constant 7 : i32
    %dma_start3A_116 = arith.constant 7 : i32
    %dma_start3A_117 = arith.constant 7 : i32
    %dma_start3A_118 = arith.constant 0 : i32
    %dma_start3A_119 = arith.constant 0 : i32
    %dma_start3A_120 = tpu.memref_slice %arg12[%dma_start3A_116, %dma_start3A_118, %dma_start3A_119] : memref<8x128x16xf32, #tpu.memory_space<vmem>> -> memref<1x128x16xf32, #tpu.memory_space<vmem>>
    %dma_start3A_121 = tpu.memref_squeeze %dma_start3A_120 : memref<1x128x16xf32, #tpu.memory_space<vmem>> -> memref<128x16xf32, #tpu.memory_space<vmem>>
    %dma_start3A_122 = arith.constant 0 : i32
    %dma_start3A_123 = tpu.memref_slice %arg10[%dma_start3A_115, %dma_start3A_122] : memref<120x128xi32, #tpu.memory_space<vmem>> -> memref<1x128xi32, #tpu.memory_space<vmem>>
    %dma_start3A_124 = tpu.memref_squeeze %dma_start3A_123 : memref<1x128xi32, #tpu.memory_space<vmem>> -> memref<128xi32, #tpu.memory_space<vmem>>
    %dma_start3A_125 = arith.constant 0 : i32
    %dma_start3A_126 = arith.constant 0 : i32
    %dma_start3A_127 = tpu.memref_slice %arg2[%dma_start3A_125, %dma_start3A_126] : memref<10000x16xf32, #tpu.memory_space<hbm>> -> memref<10000x16xf32, #tpu.memory_space<hbm>>
    %dma_start3A_128 = tpu.memref_slice %arg15[%dma_start3A_117] : memref<8x!tpu.dma_semaphore, #tpu.memory_space<semaphore_mem>> -> memref<1x!tpu.dma_semaphore, #tpu.memory_space<semaphore_mem>>
    %dma_start3A_129 = tpu.memref_squeeze %dma_start3A_128 : memref<1x!tpu.dma_semaphore, #tpu.memory_space<semaphore_mem>> -> memref<!tpu.dma_semaphore, #tpu.memory_space<semaphore_mem>>
    tpu.enqueue_indirect_dma source(%dma_start3A_127 : memref<10000x16xf32, #tpu.memory_space<hbm>>) target(%dma_start3A_121 : memref<128x16xf32, #tpu.memory_space<vmem>>) offsets(%dma_start3A_124 : memref<128xi32, #tpu.memory_space<vmem>>) semaphore(%dma_start3A_129 : memref<!tpu.dma_semaphore, #tpu.memory_space<semaphore_mem>>)
    %jit3A_130 = arith.constant 8 : i32
    %div3A = arith.divsi %select_n3A, %jit3A_130 : i32
    %sign3A = arith.constant 0 : i32
    %sign3A_131 = arith.cmpi sgt, %select_n3A, %sign3A : i32
    %sign3A_132 = arith.extui %sign3A_131 : i1 to i32
    %sign3A_133 = arith.constant 0 : i32
    %sign3A_134 = arith.cmpi slt, %select_n3A, %sign3A_133 : i32
    %sign3A_135 = arith.extui %sign3A_134 : i1 to i32
    %sign3A_136 = arith.subi %sign3A_132, %sign3A_135 : i32
    %sign3A_137 = arith.constant 0 : i32
    %sign3A_138 = arith.cmpi sgt, %jit3A_130, %sign3A_137 : i32
    %sign3A_139 = arith.extui %sign3A_138 : i1 to i32
    %sign3A_140 = arith.constant 0 : i32
    %sign3A_141 = arith.cmpi slt, %jit3A_130, %sign3A_140 : i32
    %sign3A_142 = arith.extui %sign3A_141 : i1 to i32
    %sign3A_143 = arith.subi %sign3A_139, %sign3A_142 : i32
    %ne3A = arith.cmpi ne, %sign3A_136, %sign3A_143 : i32
    %rem3A = arith.remsi %select_n3A, %jit3A_130 : i32
    %ne3A_144 = arith.constant 0 : i32
    %ne3A_145 = arith.cmpi ne, %rem3A, %ne3A_144 : i32
    %and3A = arith.andi %ne3A, %ne3A_145 : i1
    %sub3A = arith.constant 1 : i32
    %sub3A_146 = arith.subi %div3A, %sub3A : i32
    %select_n3A_147 = arith.select %and3A, %sub3A_146, %div3A : i32
    %while3A = arith.constant 0 : i32
    %while3A_148 = arith.constant 0 : i32
    %while3A_149 = arith.subi %select_n3A_147, %while3A_148 : i32
    %while3A_150 = arith.addi %while3A_148, %while3A_149 : i32
    %while3A_151 = arith.constant 1 : i32
    %while3A_152 = arith.divsi %while3A_149, %while3A_151 : i32
    %while3A_153 = arith.muli %while3A_152, %while3A_151 : i32
    %while3A_154 = arith.addi %while3A_148, %while3A_153 : i32
    %while3A_155 = arith.constant 1 : i32
    scf.for %while3A_170 = %while3A_148 to %while3A_154 step %while3A_155  : i32 {
      %mul3A_171 = arith.constant 8 : i32
      %mul3A_172 = arith.muli %while3A_170, %mul3A_171 : i32
      %add3A = arith.constant 0 : i32
      %add3A_173 = arith.addi %mul3A_172, %add3A : i32
      %dma_wait3A = arith.constant 0 : i32
      %dma_wait3A_174 = arith.constant 0 : i32
      %dma_wait3A_175 = arith.constant 0 : i32
      %dma_wait3A_176 = arith.constant 0 : i32
      %dma_wait3A_177 = tpu.memref_slice %arg12[%dma_wait3A, %dma_wait3A_175, %dma_wait3A_176] : memref<8x128x16xf32, #tpu.memory_space<vmem>> -> memref<1x128x16xf32, #tpu.memory_space<vmem>>
      %dma_wait3A_178 = tpu.memref_squeeze %dma_wait3A_177 : memref<1x128x16xf32, #tpu.memory_space<vmem>> -> memref<128x16xf32, #tpu.memory_space<vmem>>
      %dma_wait3A_179 = arith.constant 0 : i32
      %dma_wait3A_180 = tpu.memref_slice %arg10[%add3A_173, %dma_wait3A_179] : memref<120x128xi32, #tpu.memory_space<vmem>> -> memref<1x128xi32, #tpu.memory_space<vmem>>
      %dma_wait3A_181 = tpu.memref_squeeze %dma_wait3A_180 : memref<1x128xi32, #tpu.memory_space<vmem>> -> memref<128xi32, #tpu.memory_space<vmem>>
      %dma_wait3A_182 = arith.constant 0 : i32
      %dma_wait3A_183 = arith.constant 0 : i32
      %dma_wait3A_184 = tpu.memref_slice %arg2[%dma_wait3A_182, %dma_wait3A_183] : memref<10000x16xf32, #tpu.memory_space<hbm>> -> memref<10000x16xf32, #tpu.memory_space<hbm>>
      %dma_wait3A_185 = tpu.memref_slice %arg15[%dma_wait3A_174] : memref<8x!tpu.dma_semaphore, #tpu.memory_space<semaphore_mem>> -> memref<1x!tpu.dma_semaphore, #tpu.memory_space<semaphore_mem>>
      %dma_wait3A_186 = tpu.memref_squeeze %dma_wait3A_185 : memref<1x!tpu.dma_semaphore, #tpu.memory_space<semaphore_mem>> -> memref<!tpu.dma_semaphore, #tpu.memory_space<semaphore_mem>>
      tpu.wait_indirect_dma semaphore(%dma_wait3A_186 : memref<!tpu.dma_semaphore, #tpu.memory_space<semaphore_mem>>) src(%dma_wait3A_184 : memref<10000x16xf32, #tpu.memory_space<hbm>>) dst(%dma_wait3A_178 : memref<128x16xf32, #tpu.memory_space<vmem>>)
      %run_scoped3A = arith.constant 0 : i32
      "tpu.region"() ({
        %run_scoped3A_353 = tpu.sem_alloc : memref<!tpu.dma_semaphore, #tpu.memory_space<semaphore_mem>>
        %dma_start3A_354 = arith.constant 0 : i32
        %dma_start3A_355 = arith.constant 0 : i32
        %dma_start3A_356 = tpu.memref_slice %arg12[%run_scoped3A, %dma_start3A_354, %dma_start3A_355] : memref<8x128x16xf32, #tpu.memory_space<vmem>> -> memref<1x128x16xf32, #tpu.memory_space<vmem>>
        %dma_start3A_357 = tpu.memref_squeeze %dma_start3A_356 : memref<1x128x16xf32, #tpu.memory_space<vmem>> -> memref<128x16xf32, #tpu.memory_space<vmem>>
        %dma_start3A_358 = arith.constant 0 : i32
        %dma_start3A_359 = tpu.memref_slice %arg11[%add3A_173, %dma_start3A_358] : memref<120x128xi32, #tpu.memory_space<vmem>> -> memref<1x128xi32, #tpu.memory_space<vmem>>
        %dma_start3A_360 = tpu.memref_squeeze %dma_start3A_359 : memref<1x128xi32, #tpu.memory_space<vmem>> -> memref<128xi32, #tpu.memory_space<vmem>>
        %dma_start3A_361 = arith.constant 0 : i32
        %dma_start3A_362 = arith.constant 0 : i32
        %dma_start3A_363 = tpu.memref_slice %arg14[%dma_start3A_361, %dma_start3A_362] : memref<10112x16xf32, #tpu.memory_space<vmem_shared>> -> memref<10112x16xf32, #tpu.memory_space<vmem_shared>>
        tpu.enqueue_indirect_dma source(%dma_start3A_357 : memref<128x16xf32, #tpu.memory_space<vmem>>) target(%dma_start3A_363 : memref<10112x16xf32, #tpu.memory_space<vmem_shared>>) offsets(%dma_start3A_360 : memref<128xi32, #tpu.memory_space<vmem>>) semaphore(%run_scoped3A_353 : memref<!tpu.dma_semaphore, #tpu.memory_space<semaphore_mem>>) {add = true}
        %dma_wait3A_364 = arith.constant 0 : i32
        %dma_wait3A_365 = arith.constant 0 : i32
        %dma_wait3A_366 = tpu.memref_slice %arg12[%run_scoped3A, %dma_wait3A_364, %dma_wait3A_365] : memref<8x128x16xf32, #tpu.memory_space<vmem>> -> memref<1x128x16xf32, #tpu.memory_space<vmem>>
        %dma_wait3A_367 = tpu.memref_squeeze %dma_wait3A_366 : memref<1x128x16xf32, #tpu.memory_space<vmem>> -> memref<128x16xf32, #tpu.memory_space<vmem>>
        %dma_wait3A_368 = arith.constant 0 : i32
        %dma_wait3A_369 = tpu.memref_slice %arg11[%add3A_173, %dma_wait3A_368] : memref<120x128xi32, #tpu.memory_space<vmem>> -> memref<1x128xi32, #tpu.memory_space<vmem>>
        %dma_wait3A_370 = tpu.memref_squeeze %dma_wait3A_369 : memref<1x128xi32, #tpu.memory_space<vmem>> -> memref<128xi32, #tpu.memory_space<vmem>>
        %dma_wait3A_371 = arith.constant 0 : i32
        %dma_wait3A_372 = arith.constant 0 : i32
        %dma_wait3A_373 = tpu.memref_slice %arg14[%dma_wait3A_371, %dma_wait3A_372] : memref<10112x16xf32, #tpu.memory_space<vmem_shared>> -> memref<10112x16xf32, #tpu.memory_space<vmem_shared>>
        tpu.wait_indirect_dma semaphore(%run_scoped3A_353 : memref<!tpu.dma_semaphore, #tpu.memory_space<semaphore_mem>>) src(%dma_wait3A_367 : memref<128x16xf32, #tpu.memory_space<vmem>>) dst(%dma_wait3A_373 : memref<10112x16xf32, #tpu.memory_space<vmem_shared>>)
        tpu.yield
      }) : () -> ()
      %add3A_187 = arith.constant 8 : i32
      %add3A_188 = arith.addi %add3A_173, %add3A_187 : i32
      %lt3A = arith.cmpi slt, %add3A_188, %select_n3A : i32
      %convert_element_type3A_189 = arith.extui %lt3A : i1 to i32
      %cond3A_190 = arith.constant 0 : i32
      %cond3A_191 = arith.cmpi ne, %convert_element_type3A_189, %cond3A_190 : i32
      scf.if %cond3A_191 {
        %add3A_353 = arith.constant 8 : i32
        %add3A_354 = arith.addi %add3A_173, %add3A_353 : i32
        %dma_start3A_355 = arith.constant 0 : i32
        %dma_start3A_356 = arith.constant 0 : i32
        %dma_start3A_357 = arith.constant 0 : i32
        %dma_start3A_358 = arith.constant 0 : i32
        %dma_start3A_359 = tpu.memref_slice %arg12[%dma_start3A_355, %dma_start3A_357, %dma_start3A_358] : memref<8x128x16xf32, #tpu.memory_space<vmem>> -> memref<1x128x16xf32, #tpu.memory_space<vmem>>
        %dma_start3A_360 = tpu.memref_squeeze %dma_start3A_359 : memref<1x128x16xf32, #tpu.memory_space<vmem>> -> memref<128x16xf32, #tpu.memory_space<vmem>>
        %dma_start3A_361 = arith.constant 0 : i32
        %dma_start3A_362 = tpu.memref_slice %arg10[%add3A_354, %dma_start3A_361] : memref<120x128xi32, #tpu.memory_space<vmem>> -> memref<1x128xi32, #tpu.memory_space<vmem>>
        %dma_start3A_363 = tpu.memref_squeeze %dma_start3A_362 : memref<1x128xi32, #tpu.memory_space<vmem>> -> memref<128xi32, #tpu.memory_space<vmem>>
        %dma_start3A_364 = arith.constant 0 : i32
        %dma_start3A_365 = arith.constant 0 : i32
        %dma_start3A_366 = tpu.memref_slice %arg2[%dma_start3A_364, %dma_start3A_365] : memref<10000x16xf32, #tpu.memory_space<hbm>> -> memref<10000x16xf32, #tpu.memory_space<hbm>>
        %dma_start3A_367 = tpu.memref_slice %arg15[%dma_start3A_356] : memref<8x!tpu.dma_semaphore, #tpu.memory_space<semaphore_mem>> -> memref<1x!tpu.dma_semaphore, #tpu.memory_space<semaphore_mem>>
        %dma_start3A_368 = tpu.memref_squeeze %dma_start3A_367 : memref<1x!tpu.dma_semaphore, #tpu.memory_space<semaphore_mem>> -> memref<!tpu.dma_semaphore, #tpu.memory_space<semaphore_mem>>
        tpu.enqueue_indirect_dma source(%dma_start3A_366 : memref<10000x16xf32, #tpu.memory_space<hbm>>) target(%dma_start3A_360 : memref<128x16xf32, #tpu.memory_space<vmem>>) offsets(%dma_start3A_363 : memref<128xi32, #tpu.memory_space<vmem>>) semaphore(%dma_start3A_368 : memref<!tpu.dma_semaphore, #tpu.memory_space<semaphore_mem>>)
      } else {
      }
      %add3A_192 = arith.constant 1 : i32
      %add3A_193 = arith.addi %mul3A_172, %add3A_192 : i32
      %dma_wait3A_194 = arith.constant 1 : i32
      %dma_wait3A_195 = arith.constant 1 : i32
      %dma_wait3A_196 = arith.constant 0 : i32
      %dma_wait3A_197 = arith.constant 0 : i32
      %dma_wait3A_198 = tpu.memref_slice %arg12[%dma_wait3A_194, %dma_wait3A_196, %dma_wait3A_197] : memref<8x128x16xf32, #tpu.memory_space<vmem>> -> memref<1x128x16xf32, #tpu.memory_space<vmem>>
      %dma_wait3A_199 = tpu.memref_squeeze %dma_wait3A_198 : memref<1x128x16xf32, #tpu.memory_space<vmem>> -> memref<128x16xf32, #tpu.memory_space<vmem>>
      %dma_wait3A_200 = arith.constant 0 : i32
      %dma_wait3A_201 = tpu.memref_slice %arg10[%add3A_193, %dma_wait3A_200] : memref<120x128xi32, #tpu.memory_space<vmem>> -> memref<1x128xi32, #tpu.memory_space<vmem>>
      %dma_wait3A_202 = tpu.memref_squeeze %dma_wait3A_201 : memref<1x128xi32, #tpu.memory_space<vmem>> -> memref<128xi32, #tpu.memory_space<vmem>>
      %dma_wait3A_203 = arith.constant 0 : i32
      %dma_wait3A_204 = arith.constant 0 : i32
      %dma_wait3A_205 = tpu.memref_slice %arg2[%dma_wait3A_203, %dma_wait3A_204] : memref<10000x16xf32, #tpu.memory_space<hbm>> -> memref<10000x16xf32, #tpu.memory_space<hbm>>
      %dma_wait3A_206 = tpu.memref_slice %arg15[%dma_wait3A_195] : memref<8x!tpu.dma_semaphore, #tpu.memory_space<semaphore_mem>> -> memref<1x!tpu.dma_semaphore, #tpu.memory_space<semaphore_mem>>
      %dma_wait3A_207 = tpu.memref_squeeze %dma_wait3A_206 : memref<1x!tpu.dma_semaphore, #tpu.memory_space<semaphore_mem>> -> memref<!tpu.dma_semaphore, #tpu.memory_space<semaphore_mem>>
      tpu.wait_indirect_dma semaphore(%dma_wait3A_207 : memref<!tpu.dma_semaphore, #tpu.memory_space<semaphore_mem>>) src(%dma_wait3A_205 : memref<10000x16xf32, #tpu.memory_space<hbm>>) dst(%dma_wait3A_199 : memref<128x16xf32, #tpu.memory_space<vmem>>)
      %run_scoped3A_208 = arith.constant 1 : i32
      "tpu.region"() ({
        %run_scoped3A_353 = tpu.sem_alloc : memref<!tpu.dma_semaphore, #tpu.memory_space<semaphore_mem>>
        %dma_start3A_354 = arith.constant 0 : i32
        %dma_start3A_355 = arith.constant 0 : i32
        %dma_start3A_356 = tpu.memref_slice %arg12[%run_scoped3A_208, %dma_start3A_354, %dma_start3A_355] : memref<8x128x16xf32, #tpu.memory_space<vmem>> -> memref<1x128x16xf32, #tpu.memory_space<vmem>>
        %dma_start3A_357 = tpu.memref_squeeze %dma_start3A_356 : memref<1x128x16xf32, #tpu.memory_space<vmem>> -> memref<128x16xf32, #tpu.memory_space<vmem>>
        %dma_start3A_358 = arith.constant 0 : i32
        %dma_start3A_359 = tpu.memref_slice %arg11[%add3A_193, %dma_start3A_358] : memref<120x128xi32, #tpu.memory_space<vmem>> -> memref<1x128xi32, #tpu.memory_space<vmem>>
        %dma_start3A_360 = tpu.memref_squeeze %dma_start3A_359 : memref<1x128xi32, #tpu.memory_space<vmem>> -> memref<128xi32, #tpu.memory_space<vmem>>
        %dma_start3A_361 = arith.constant 0 : i32
        %dma_start3A_362 = arith.constant 0 : i32
        %dma_start3A_363 = tpu.memref_slice %arg14[%dma_start3A_361, %dma_start3A_362] : memref<10112x16xf32, #tpu.memory_space<vmem_shared>> -> memref<10112x16xf32, #tpu.memory_space<vmem_shared>>
        tpu.enqueue_indirect_dma source(%dma_start3A_357 : memref<128x16xf32, #tpu.memory_space<vmem>>) target(%dma_start3A_363 : memref<10112x16xf32, #tpu.memory_space<vmem_shared>>) offsets(%dma_start3A_360 : memref<128xi32, #tpu.memory_space<vmem>>) semaphore(%run_scoped3A_353 : memref<!tpu.dma_semaphore, #tpu.memory_space<semaphore_mem>>) {add = true}
        %dma_wait3A_364 = arith.constant 0 : i32
        %dma_wait3A_365 = arith.constant 0 : i32
        %dma_wait3A_366 = tpu.memref_slice %arg12[%run_scoped3A_208, %dma_wait3A_364, %dma_wait3A_365] : memref<8x128x16xf32, #tpu.memory_space<vmem>> -> memref<1x128x16xf32, #tpu.memory_space<vmem>>
        %dma_wait3A_367 = tpu.memref_squeeze %dma_wait3A_366 : memref<1x128x16xf32, #tpu.memory_space<vmem>> -> memref<128x16xf32, #tpu.memory_space<vmem>>
        %dma_wait3A_368 = arith.constant 0 : i32
        %dma_wait3A_369 = tpu.memref_slice %arg11[%add3A_193, %dma_wait3A_368] : memref<120x128xi32, #tpu.memory_space<vmem>> -> memref<1x128xi32, #tpu.memory_space<vmem>>
        %dma_wait3A_370 = tpu.memref_squeeze %dma_wait3A_369 : memref<1x128xi32, #tpu.memory_space<vmem>> -> memref<128xi32, #tpu.memory_space<vmem>>
        %dma_wait3A_371 = arith.constant 0 : i32
        %dma_wait3A_372 = arith.constant 0 : i32
        %dma_wait3A_373 = tpu.memref_slice %arg14[%dma_wait3A_371, %dma_wait3A_372] : memref<10112x16xf32, #tpu.memory_space<vmem_shared>> -> memref<10112x16xf32, #tpu.memory_space<vmem_shared>>
        tpu.wait_indirect_dma semaphore(%run_scoped3A_353 : memref<!tpu.dma_semaphore, #tpu.memory_space<semaphore_mem>>) src(%dma_wait3A_367 : memref<128x16xf32, #tpu.memory_space<vmem>>) dst(%dma_wait3A_373 : memref<10112x16xf32, #tpu.memory_space<vmem_shared>>)
        tpu.yield
      }) : () -> ()
      %add3A_209 = arith.constant 8 : i32
      %add3A_210 = arith.addi %add3A_193, %add3A_209 : i32
      %lt3A_211 = arith.cmpi slt, %add3A_210, %select_n3A : i32
      %convert_element_type3A_212 = arith.extui %lt3A_211 : i1 to i32
      %cond3A_213 = arith.constant 0 : i32
      %cond3A_214 = arith.cmpi ne, %convert_element_type3A_212, %cond3A_213 : i32
      scf.if %cond3A_214 {
        %add3A_353 = arith.constant 8 : i32
        %add3A_354 = arith.addi %add3A_193, %add3A_353 : i32
        %dma_start3A_355 = arith.constant 1 : i32
        %dma_start3A_356 = arith.constant 1 : i32
        %dma_start3A_357 = arith.constant 0 : i32
        %dma_start3A_358 = arith.constant 0 : i32
        %dma_start3A_359 = tpu.memref_slice %arg12[%dma_start3A_355, %dma_start3A_357, %dma_start3A_358] : memref<8x128x16xf32, #tpu.memory_space<vmem>> -> memref<1x128x16xf32, #tpu.memory_space<vmem>>
        %dma_start3A_360 = tpu.memref_squeeze %dma_start3A_359 : memref<1x128x16xf32, #tpu.memory_space<vmem>> -> memref<128x16xf32, #tpu.memory_space<vmem>>
        %dma_start3A_361 = arith.constant 0 : i32
        %dma_start3A_362 = tpu.memref_slice %arg10[%add3A_354, %dma_start3A_361] : memref<120x128xi32, #tpu.memory_space<vmem>> -> memref<1x128xi32, #tpu.memory_space<vmem>>
        %dma_start3A_363 = tpu.memref_squeeze %dma_start3A_362 : memref<1x128xi32, #tpu.memory_space<vmem>> -> memref<128xi32, #tpu.memory_space<vmem>>
        %dma_start3A_364 = arith.constant 0 : i32
        %dma_start3A_365 = arith.constant 0 : i32
        %dma_start3A_366 = tpu.memref_slice %arg2[%dma_start3A_364, %dma_start3A_365] : memref<10000x16xf32, #tpu.memory_space<hbm>> -> memref<10000x16xf32, #tpu.memory_space<hbm>>
        %dma_start3A_367 = tpu.memref_slice %arg15[%dma_start3A_356] : memref<8x!tpu.dma_semaphore, #tpu.memory_space<semaphore_mem>> -> memref<1x!tpu.dma_semaphore, #tpu.memory_space<semaphore_mem>>
        %dma_start3A_368 = tpu.memref_squeeze %dma_start3A_367 : memref<1x!tpu.dma_semaphore, #tpu.memory_space<semaphore_mem>> -> memref<!tpu.dma_semaphore, #tpu.memory_space<semaphore_mem>>
        tpu.enqueue_indirect_dma source(%dma_start3A_366 : memref<10000x16xf32, #tpu.memory_space<hbm>>) target(%dma_start3A_360 : memref<128x16xf32, #tpu.memory_space<vmem>>) offsets(%dma_start3A_363 : memref<128xi32, #tpu.memory_space<vmem>>) semaphore(%dma_start3A_368 : memref<!tpu.dma_semaphore, #tpu.memory_space<semaphore_mem>>)
      } else {
      }
      %add3A_215 = arith.constant 2 : i32
      %add3A_216 = arith.addi %mul3A_172, %add3A_215 : i32
      %dma_wait3A_217 = arith.constant 2 : i32
      %dma_wait3A_218 = arith.constant 2 : i32
      %dma_wait3A_219 = arith.constant 0 : i32
      %dma_wait3A_220 = arith.constant 0 : i32
      %dma_wait3A_221 = tpu.memref_slice %arg12[%dma_wait3A_217, %dma_wait3A_219, %dma_wait3A_220] : memref<8x128x16xf32, #tpu.memory_space<vmem>> -> memref<1x128x16xf32, #tpu.memory_space<vmem>>
      %dma_wait3A_222 = tpu.memref_squeeze %dma_wait3A_221 : memref<1x128x16xf32, #tpu.memory_space<vmem>> -> memref<128x16xf32, #tpu.memory_space<vmem>>
      %dma_wait3A_223 = arith.constant 0 : i32
      %dma_wait3A_224 = tpu.memref_slice %arg10[%add3A_216, %dma_wait3A_223] : memref<120x128xi32, #tpu.memory_space<vmem>> -> memref<1x128xi32, #tpu.memory_space<vmem>>
      %dma_wait3A_225 = tpu.memref_squeeze %dma_wait3A_224 : memref<1x128xi32, #tpu.memory_space<vmem>> -> memref<128xi32, #tpu.memory_space<vmem>>
      %dma_wait3A_226 = arith.constant 0 : i32
      %dma_wait3A_227 = arith.constant 0 : i32
      %dma_wait3A_228 = tpu.memref_slice %arg2[%dma_wait3A_226, %dma_wait3A_227] : memref<10000x16xf32, #tpu.memory_space<hbm>> -> memref<10000x16xf32, #tpu.memory_space<hbm>>
      %dma_wait3A_229 = tpu.memref_slice %arg15[%dma_wait3A_218] : memref<8x!tpu.dma_semaphore, #tpu.memory_space<semaphore_mem>> -> memref<1x!tpu.dma_semaphore, #tpu.memory_space<semaphore_mem>>
      %dma_wait3A_230 = tpu.memref_squeeze %dma_wait3A_229 : memref<1x!tpu.dma_semaphore, #tpu.memory_space<semaphore_mem>> -> memref<!tpu.dma_semaphore, #tpu.memory_space<semaphore_mem>>
      tpu.wait_indirect_dma semaphore(%dma_wait3A_230 : memref<!tpu.dma_semaphore, #tpu.memory_space<semaphore_mem>>) src(%dma_wait3A_228 : memref<10000x16xf32, #tpu.memory_space<hbm>>) dst(%dma_wait3A_222 : memref<128x16xf32, #tpu.memory_space<vmem>>)
      %run_scoped3A_231 = arith.constant 2 : i32
      "tpu.region"() ({
        %run_scoped3A_353 = tpu.sem_alloc : memref<!tpu.dma_semaphore, #tpu.memory_space<semaphore_mem>>
        %dma_start3A_354 = arith.constant 0 : i32
        %dma_start3A_355 = arith.constant 0 : i32
        %dma_start3A_356 = tpu.memref_slice %arg12[%run_scoped3A_231, %dma_start3A_354, %dma_start3A_355] : memref<8x128x16xf32, #tpu.memory_space<vmem>> -> memref<1x128x16xf32, #tpu.memory_space<vmem>>
        %dma_start3A_357 = tpu.memref_squeeze %dma_start3A_356 : memref<1x128x16xf32, #tpu.memory_space<vmem>> -> memref<128x16xf32, #tpu.memory_space<vmem>>
        %dma_start3A_358 = arith.constant 0 : i32
        %dma_start3A_359 = tpu.memref_slice %arg11[%add3A_216, %dma_start3A_358] : memref<120x128xi32, #tpu.memory_space<vmem>> -> memref<1x128xi32, #tpu.memory_space<vmem>>
        %dma_start3A_360 = tpu.memref_squeeze %dma_start3A_359 : memref<1x128xi32, #tpu.memory_space<vmem>> -> memref<128xi32, #tpu.memory_space<vmem>>
        %dma_start3A_361 = arith.constant 0 : i32
        %dma_start3A_362 = arith.constant 0 : i32
        %dma_start3A_363 = tpu.memref_slice %arg14[%dma_start3A_361, %dma_start3A_362] : memref<10112x16xf32, #tpu.memory_space<vmem_shared>> -> memref<10112x16xf32, #tpu.memory_space<vmem_shared>>
        tpu.enqueue_indirect_dma source(%dma_start3A_357 : memref<128x16xf32, #tpu.memory_space<vmem>>) target(%dma_start3A_363 : memref<10112x16xf32, #tpu.memory_space<vmem_shared>>) offsets(%dma_start3A_360 : memref<128xi32, #tpu.memory_space<vmem>>) semaphore(%run_scoped3A_353 : memref<!tpu.dma_semaphore, #tpu.memory_space<semaphore_mem>>) {add = true}
        %dma_wait3A_364 = arith.constant 0 : i32
        %dma_wait3A_365 = arith.constant 0 : i32
        %dma_wait3A_366 = tpu.memref_slice %arg12[%run_scoped3A_231, %dma_wait3A_364, %dma_wait3A_365] : memref<8x128x16xf32, #tpu.memory_space<vmem>> -> memref<1x128x16xf32, #tpu.memory_space<vmem>>
        %dma_wait3A_367 = tpu.memref_squeeze %dma_wait3A_366 : memref<1x128x16xf32, #tpu.memory_space<vmem>> -> memref<128x16xf32, #tpu.memory_space<vmem>>
        %dma_wait3A_368 = arith.constant 0 : i32
        %dma_wait3A_369 = tpu.memref_slice %arg11[%add3A_216, %dma_wait3A_368] : memref<120x128xi32, #tpu.memory_space<vmem>> -> memref<1x128xi32, #tpu.memory_space<vmem>>
        %dma_wait3A_370 = tpu.memref_squeeze %dma_wait3A_369 : memref<1x128xi32, #tpu.memory_space<vmem>> -> memref<128xi32, #tpu.memory_space<vmem>>
        %dma_wait3A_371 = arith.constant 0 : i32
        %dma_wait3A_372 = arith.constant 0 : i32
        %dma_wait3A_373 = tpu.memref_slice %arg14[%dma_wait3A_371, %dma_wait3A_372] : memref<10112x16xf32, #tpu.memory_space<vmem_shared>> -> memref<10112x16xf32, #tpu.memory_space<vmem_shared>>
        tpu.wait_indirect_dma semaphore(%run_scoped3A_353 : memref<!tpu.dma_semaphore, #tpu.memory_space<semaphore_mem>>) src(%dma_wait3A_367 : memref<128x16xf32, #tpu.memory_space<vmem>>) dst(%dma_wait3A_373 : memref<10112x16xf32, #tpu.memory_space<vmem_shared>>)
        tpu.yield
      }) : () -> ()
      %add3A_232 = arith.constant 8 : i32
      %add3A_233 = arith.addi %add3A_216, %add3A_232 : i32
      %lt3A_234 = arith.cmpi slt, %add3A_233, %select_n3A : i32
      %convert_element_type3A_235 = arith.extui %lt3A_234 : i1 to i32
      %cond3A_236 = arith.constant 0 : i32
      %cond3A_237 = arith.cmpi ne, %convert_element_type3A_235, %cond3A_236 : i32
      scf.if %cond3A_237 {
        %add3A_353 = arith.constant 8 : i32
        %add3A_354 = arith.addi %add3A_216, %add3A_353 : i32
        %dma_start3A_355 = arith.constant 2 : i32
        %dma_start3A_356 = arith.constant 2 : i32
        %dma_start3A_357 = arith.constant 0 : i32
        %dma_start3A_358 = arith.constant 0 : i32
        %dma_start3A_359 = tpu.memref_slice %arg12[%dma_start3A_355, %dma_start3A_357, %dma_start3A_358] : memref<8x128x16xf32, #tpu.memory_space<vmem>> -> memref<1x128x16xf32, #tpu.memory_space<vmem>>
        %dma_start3A_360 = tpu.memref_squeeze %dma_start3A_359 : memref<1x128x16xf32, #tpu.memory_space<vmem>> -> memref<128x16xf32, #tpu.memory_space<vmem>>
        %dma_start3A_361 = arith.constant 0 : i32
        %dma_start3A_362 = tpu.memref_slice %arg10[%add3A_354, %dma_start3A_361] : memref<120x128xi32, #tpu.memory_space<vmem>> -> memref<1x128xi32, #tpu.memory_space<vmem>>
        %dma_start3A_363 = tpu.memref_squeeze %dma_start3A_362 : memref<1x128xi32, #tpu.memory_space<vmem>> -> memref<128xi32, #tpu.memory_space<vmem>>
        %dma_start3A_364 = arith.constant 0 : i32
        %dma_start3A_365 = arith.constant 0 : i32
        %dma_start3A_366 = tpu.memref_slice %arg2[%dma_start3A_364, %dma_start3A_365] : memref<10000x16xf32, #tpu.memory_space<hbm>> -> memref<10000x16xf32, #tpu.memory_space<hbm>>
        %dma_start3A_367 = tpu.memref_slice %arg15[%dma_start3A_356] : memref<8x!tpu.dma_semaphore, #tpu.memory_space<semaphore_mem>> -> memref<1x!tpu.dma_semaphore, #tpu.memory_space<semaphore_mem>>
        %dma_start3A_368 = tpu.memref_squeeze %dma_start3A_367 : memref<1x!tpu.dma_semaphore, #tpu.memory_space<semaphore_mem>> -> memref<!tpu.dma_semaphore, #tpu.memory_space<semaphore_mem>>
        tpu.enqueue_indirect_dma source(%dma_start3A_366 : memref<10000x16xf32, #tpu.memory_space<hbm>>) target(%dma_start3A_360 : memref<128x16xf32, #tpu.memory_space<vmem>>) offsets(%dma_start3A_363 : memref<128xi32, #tpu.memory_space<vmem>>) semaphore(%dma_start3A_368 : memref<!tpu.dma_semaphore, #tpu.memory_space<semaphore_mem>>)
      } else {
      }
      %add3A_238 = arith.constant 3 : i32
      %add3A_239 = arith.addi %mul3A_172, %add3A_238 : i32
      %dma_wait3A_240 = arith.constant 3 : i32
      %dma_wait3A_241 = arith.constant 3 : i32
      %dma_wait3A_242 = arith.constant 0 : i32
      %dma_wait3A_243 = arith.constant 0 : i32
      %dma_wait3A_244 = tpu.memref_slice %arg12[%dma_wait3A_240, %dma_wait3A_242, %dma_wait3A_243] : memref<8x128x16xf32, #tpu.memory_space<vmem>> -> memref<1x128x16xf32, #tpu.memory_space<vmem>>
      %dma_wait3A_245 = tpu.memref_squeeze %dma_wait3A_244 : memref<1x128x16xf32, #tpu.memory_space<vmem>> -> memref<128x16xf32, #tpu.memory_space<vmem>>
      %dma_wait3A_246 = arith.constant 0 : i32
      %dma_wait3A_247 = tpu.memref_slice %arg10[%add3A_239, %dma_wait3A_246] : memref<120x128xi32, #tpu.memory_space<vmem>> -> memref<1x128xi32, #tpu.memory_space<vmem>>
      %dma_wait3A_248 = tpu.memref_squeeze %dma_wait3A_247 : memref<1x128xi32, #tpu.memory_space<vmem>> -> memref<128xi32, #tpu.memory_space<vmem>>
      %dma_wait3A_249 = arith.constant 0 : i32
      %dma_wait3A_250 = arith.constant 0 : i32
      %dma_wait3A_251 = tpu.memref_slice %arg2[%dma_wait3A_249, %dma_wait3A_250] : memref<10000x16xf32, #tpu.memory_space<hbm>> -> memref<10000x16xf32, #tpu.memory_space<hbm>>
      %dma_wait3A_252 = tpu.memref_slice %arg15[%dma_wait3A_241] : memref<8x!tpu.dma_semaphore, #tpu.memory_space<semaphore_mem>> -> memref<1x!tpu.dma_semaphore, #tpu.memory_space<semaphore_mem>>
      %dma_wait3A_253 = tpu.memref_squeeze %dma_wait3A_252 : memref<1x!tpu.dma_semaphore, #tpu.memory_space<semaphore_mem>> -> memref<!tpu.dma_semaphore, #tpu.memory_space<semaphore_mem>>
      tpu.wait_indirect_dma semaphore(%dma_wait3A_253 : memref<!tpu.dma_semaphore, #tpu.memory_space<semaphore_mem>>) src(%dma_wait3A_251 : memref<10000x16xf32, #tpu.memory_space<hbm>>) dst(%dma_wait3A_245 : memref<128x16xf32, #tpu.memory_space<vmem>>)
      %run_scoped3A_254 = arith.constant 3 : i32
      "tpu.region"() ({
        %run_scoped3A_353 = tpu.sem_alloc : memref<!tpu.dma_semaphore, #tpu.memory_space<semaphore_mem>>
        %dma_start3A_354 = arith.constant 0 : i32
        %dma_start3A_355 = arith.constant 0 : i32
        %dma_start3A_356 = tpu.memref_slice %arg12[%run_scoped3A_254, %dma_start3A_354, %dma_start3A_355] : memref<8x128x16xf32, #tpu.memory_space<vmem>> -> memref<1x128x16xf32, #tpu.memory_space<vmem>>
        %dma_start3A_357 = tpu.memref_squeeze %dma_start3A_356 : memref<1x128x16xf32, #tpu.memory_space<vmem>> -> memref<128x16xf32, #tpu.memory_space<vmem>>
        %dma_start3A_358 = arith.constant 0 : i32
        %dma_start3A_359 = tpu.memref_slice %arg11[%add3A_239, %dma_start3A_358] : memref<120x128xi32, #tpu.memory_space<vmem>> -> memref<1x128xi32, #tpu.memory_space<vmem>>
        %dma_start3A_360 = tpu.memref_squeeze %dma_start3A_359 : memref<1x128xi32, #tpu.memory_space<vmem>> -> memref<128xi32, #tpu.memory_space<vmem>>
        %dma_start3A_361 = arith.constant 0 : i32
        %dma_start3A_362 = arith.constant 0 : i32
        %dma_start3A_363 = tpu.memref_slice %arg14[%dma_start3A_361, %dma_start3A_362] : memref<10112x16xf32, #tpu.memory_space<vmem_shared>> -> memref<10112x16xf32, #tpu.memory_space<vmem_shared>>
        tpu.enqueue_indirect_dma source(%dma_start3A_357 : memref<128x16xf32, #tpu.memory_space<vmem>>) target(%dma_start3A_363 : memref<10112x16xf32, #tpu.memory_space<vmem_shared>>) offsets(%dma_start3A_360 : memref<128xi32, #tpu.memory_space<vmem>>) semaphore(%run_scoped3A_353 : memref<!tpu.dma_semaphore, #tpu.memory_space<semaphore_mem>>) {add = true}
        %dma_wait3A_364 = arith.constant 0 : i32
        %dma_wait3A_365 = arith.constant 0 : i32
        %dma_wait3A_366 = tpu.memref_slice %arg12[%run_scoped3A_254, %dma_wait3A_364, %dma_wait3A_365] : memref<8x128x16xf32, #tpu.memory_space<vmem>> -> memref<1x128x16xf32, #tpu.memory_space<vmem>>
        %dma_wait3A_367 = tpu.memref_squeeze %dma_wait3A_366 : memref<1x128x16xf32, #tpu.memory_space<vmem>> -> memref<128x16xf32, #tpu.memory_space<vmem>>
        %dma_wait3A_368 = arith.constant 0 : i32
        %dma_wait3A_369 = tpu.memref_slice %arg11[%add3A_239, %dma_wait3A_368] : memref<120x128xi32, #tpu.memory_space<vmem>> -> memref<1x128xi32, #tpu.memory_space<vmem>>
        %dma_wait3A_370 = tpu.memref_squeeze %dma_wait3A_369 : memref<1x128xi32, #tpu.memory_space<vmem>> -> memref<128xi32, #tpu.memory_space<vmem>>
        %dma_wait3A_371 = arith.constant 0 : i32
        %dma_wait3A_372 = arith.constant 0 : i32
        %dma_wait3A_373 = tpu.memref_slice %arg14[%dma_wait3A_371, %dma_wait3A_372] : memref<10112x16xf32, #tpu.memory_space<vmem_shared>> -> memref<10112x16xf32, #tpu.memory_space<vmem_shared>>
        tpu.wait_indirect_dma semaphore(%run_scoped3A_353 : memref<!tpu.dma_semaphore, #tpu.memory_space<semaphore_mem>>) src(%dma_wait3A_367 : memref<128x16xf32, #tpu.memory_space<vmem>>) dst(%dma_wait3A_373 : memref<10112x16xf32, #tpu.memory_space<vmem_shared>>)
        tpu.yield
      }) : () -> ()
      %add3A_255 = arith.constant 8 : i32
      %add3A_256 = arith.addi %add3A_239, %add3A_255 : i32
      %lt3A_257 = arith.cmpi slt, %add3A_256, %select_n3A : i32
      %convert_element_type3A_258 = arith.extui %lt3A_257 : i1 to i32
      %cond3A_259 = arith.constant 0 : i32
      %cond3A_260 = arith.cmpi ne, %convert_element_type3A_258, %cond3A_259 : i32
      scf.if %cond3A_260 {
        %add3A_353 = arith.constant 8 : i32
        %add3A_354 = arith.addi %add3A_239, %add3A_353 : i32
        %dma_start3A_355 = arith.constant 3 : i32
        %dma_start3A_356 = arith.constant 3 : i32
        %dma_start3A_357 = arith.constant 0 : i32
        %dma_start3A_358 = arith.constant 0 : i32
        %dma_start3A_359 = tpu.memref_slice %arg12[%dma_start3A_355, %dma_start3A_357, %dma_start3A_358] : memref<8x128x16xf32, #tpu.memory_space<vmem>> -> memref<1x128x16xf32, #tpu.memory_space<vmem>>
        %dma_start3A_360 = tpu.memref_squeeze %dma_start3A_359 : memref<1x128x16xf32, #tpu.memory_space<vmem>> -> memref<128x16xf32, #tpu.memory_space<vmem>>
        %dma_start3A_361 = arith.constant 0 : i32
        %dma_start3A_362 = tpu.memref_slice %arg10[%add3A_354, %dma_start3A_361] : memref<120x128xi32, #tpu.memory_space<vmem>> -> memref<1x128xi32, #tpu.memory_space<vmem>>
        %dma_start3A_363 = tpu.memref_squeeze %dma_start3A_362 : memref<1x128xi32, #tpu.memory_space<vmem>> -> memref<128xi32, #tpu.memory_space<vmem>>
        %dma_start3A_364 = arith.constant 0 : i32
        %dma_start3A_365 = arith.constant 0 : i32
        %dma_start3A_366 = tpu.memref_slice %arg2[%dma_start3A_364, %dma_start3A_365] : memref<10000x16xf32, #tpu.memory_space<hbm>> -> memref<10000x16xf32, #tpu.memory_space<hbm>>
        %dma_start3A_367 = tpu.memref_slice %arg15[%dma_start3A_356] : memref<8x!tpu.dma_semaphore, #tpu.memory_space<semaphore_mem>> -> memref<1x!tpu.dma_semaphore, #tpu.memory_space<semaphore_mem>>
        %dma_start3A_368 = tpu.memref_squeeze %dma_start3A_367 : memref<1x!tpu.dma_semaphore, #tpu.memory_space<semaphore_mem>> -> memref<!tpu.dma_semaphore, #tpu.memory_space<semaphore_mem>>
        tpu.enqueue_indirect_dma source(%dma_start3A_366 : memref<10000x16xf32, #tpu.memory_space<hbm>>) target(%dma_start3A_360 : memref<128x16xf32, #tpu.memory_space<vmem>>) offsets(%dma_start3A_363 : memref<128xi32, #tpu.memory_space<vmem>>) semaphore(%dma_start3A_368 : memref<!tpu.dma_semaphore, #tpu.memory_space<semaphore_mem>>)
      } else {
      }
      %add3A_261 = arith.constant 4 : i32
      %add3A_262 = arith.addi %mul3A_172, %add3A_261 : i32
      %dma_wait3A_263 = arith.constant 4 : i32
      %dma_wait3A_264 = arith.constant 4 : i32
      %dma_wait3A_265 = arith.constant 0 : i32
      %dma_wait3A_266 = arith.constant 0 : i32
      %dma_wait3A_267 = tpu.memref_slice %arg12[%dma_wait3A_263, %dma_wait3A_265, %dma_wait3A_266] : memref<8x128x16xf32, #tpu.memory_space<vmem>> -> memref<1x128x16xf32, #tpu.memory_space<vmem>>
      %dma_wait3A_268 = tpu.memref_squeeze %dma_wait3A_267 : memref<1x128x16xf32, #tpu.memory_space<vmem>> -> memref<128x16xf32, #tpu.memory_space<vmem>>
      %dma_wait3A_269 = arith.constant 0 : i32
      %dma_wait3A_270 = tpu.memref_slice %arg10[%add3A_262, %dma_wait3A_269] : memref<120x128xi32, #tpu.memory_space<vmem>> -> memref<1x128xi32, #tpu.memory_space<vmem>>
      %dma_wait3A_271 = tpu.memref_squeeze %dma_wait3A_270 : memref<1x128xi32, #tpu.memory_space<vmem>> -> memref<128xi32, #tpu.memory_space<vmem>>
      %dma_wait3A_272 = arith.constant 0 : i32
      %dma_wait3A_273 = arith.constant 0 : i32
      %dma_wait3A_274 = tpu.memref_slice %arg2[%dma_wait3A_272, %dma_wait3A_273] : memref<10000x16xf32, #tpu.memory_space<hbm>> -> memref<10000x16xf32, #tpu.memory_space<hbm>>
      %dma_wait3A_275 = tpu.memref_slice %arg15[%dma_wait3A_264] : memref<8x!tpu.dma_semaphore, #tpu.memory_space<semaphore_mem>> -> memref<1x!tpu.dma_semaphore, #tpu.memory_space<semaphore_mem>>
      %dma_wait3A_276 = tpu.memref_squeeze %dma_wait3A_275 : memref<1x!tpu.dma_semaphore, #tpu.memory_space<semaphore_mem>> -> memref<!tpu.dma_semaphore, #tpu.memory_space<semaphore_mem>>
      tpu.wait_indirect_dma semaphore(%dma_wait3A_276 : memref<!tpu.dma_semaphore, #tpu.memory_space<semaphore_mem>>) src(%dma_wait3A_274 : memref<10000x16xf32, #tpu.memory_space<hbm>>) dst(%dma_wait3A_268 : memref<128x16xf32, #tpu.memory_space<vmem>>)
      %run_scoped3A_277 = arith.constant 4 : i32
      "tpu.region"() ({
        %run_scoped3A_353 = tpu.sem_alloc : memref<!tpu.dma_semaphore, #tpu.memory_space<semaphore_mem>>
        %dma_start3A_354 = arith.constant 0 : i32
        %dma_start3A_355 = arith.constant 0 : i32
        %dma_start3A_356 = tpu.memref_slice %arg12[%run_scoped3A_277, %dma_start3A_354, %dma_start3A_355] : memref<8x128x16xf32, #tpu.memory_space<vmem>> -> memref<1x128x16xf32, #tpu.memory_space<vmem>>
        %dma_start3A_357 = tpu.memref_squeeze %dma_start3A_356 : memref<1x128x16xf32, #tpu.memory_space<vmem>> -> memref<128x16xf32, #tpu.memory_space<vmem>>
        %dma_start3A_358 = arith.constant 0 : i32
        %dma_start3A_359 = tpu.memref_slice %arg11[%add3A_262, %dma_start3A_358] : memref<120x128xi32, #tpu.memory_space<vmem>> -> memref<1x128xi32, #tpu.memory_space<vmem>>
        %dma_start3A_360 = tpu.memref_squeeze %dma_start3A_359 : memref<1x128xi32, #tpu.memory_space<vmem>> -> memref<128xi32, #tpu.memory_space<vmem>>
        %dma_start3A_361 = arith.constant 0 : i32
        %dma_start3A_362 = arith.constant 0 : i32
        %dma_start3A_363 = tpu.memref_slice %arg14[%dma_start3A_361, %dma_start3A_362] : memref<10112x16xf32, #tpu.memory_space<vmem_shared>> -> memref<10112x16xf32, #tpu.memory_space<vmem_shared>>
        tpu.enqueue_indirect_dma source(%dma_start3A_357 : memref<128x16xf32, #tpu.memory_space<vmem>>) target(%dma_start3A_363 : memref<10112x16xf32, #tpu.memory_space<vmem_shared>>) offsets(%dma_start3A_360 : memref<128xi32, #tpu.memory_space<vmem>>) semaphore(%run_scoped3A_353 : memref<!tpu.dma_semaphore, #tpu.memory_space<semaphore_mem>>) {add = true}
        %dma_wait3A_364 = arith.constant 0 : i32
        %dma_wait3A_365 = arith.constant 0 : i32
        %dma_wait3A_366 = tpu.memref_slice %arg12[%run_scoped3A_277, %dma_wait3A_364, %dma_wait3A_365] : memref<8x128x16xf32, #tpu.memory_space<vmem>> -> memref<1x128x16xf32, #tpu.memory_space<vmem>>
        %dma_wait3A_367 = tpu.memref_squeeze %dma_wait3A_366 : memref<1x128x16xf32, #tpu.memory_space<vmem>> -> memref<128x16xf32, #tpu.memory_space<vmem>>
        %dma_wait3A_368 = arith.constant 0 : i32
        %dma_wait3A_369 = tpu.memref_slice %arg11[%add3A_262, %dma_wait3A_368] : memref<120x128xi32, #tpu.memory_space<vmem>> -> memref<1x128xi32, #tpu.memory_space<vmem>>
        %dma_wait3A_370 = tpu.memref_squeeze %dma_wait3A_369 : memref<1x128xi32, #tpu.memory_space<vmem>> -> memref<128xi32, #tpu.memory_space<vmem>>
        %dma_wait3A_371 = arith.constant 0 : i32
        %dma_wait3A_372 = arith.constant 0 : i32
        %dma_wait3A_373 = tpu.memref_slice %arg14[%dma_wait3A_371, %dma_wait3A_372] : memref<10112x16xf32, #tpu.memory_space<vmem_shared>> -> memref<10112x16xf32, #tpu.memory_space<vmem_shared>>
        tpu.wait_indirect_dma semaphore(%run_scoped3A_353 : memref<!tpu.dma_semaphore, #tpu.memory_space<semaphore_mem>>) src(%dma_wait3A_367 : memref<128x16xf32, #tpu.memory_space<vmem>>) dst(%dma_wait3A_373 : memref<10112x16xf32, #tpu.memory_space<vmem_shared>>)
        tpu.yield
      }) : () -> ()
      %add3A_278 = arith.constant 8 : i32
      %add3A_279 = arith.addi %add3A_262, %add3A_278 : i32
      %lt3A_280 = arith.cmpi slt, %add3A_279, %select_n3A : i32
      %convert_element_type3A_281 = arith.extui %lt3A_280 : i1 to i32
      %cond3A_282 = arith.constant 0 : i32
      %cond3A_283 = arith.cmpi ne, %convert_element_type3A_281, %cond3A_282 : i32
      scf.if %cond3A_283 {
        %add3A_353 = arith.constant 8 : i32
        %add3A_354 = arith.addi %add3A_262, %add3A_353 : i32
        %dma_start3A_355 = arith.constant 4 : i32
        %dma_start3A_356 = arith.constant 4 : i32
        %dma_start3A_357 = arith.constant 0 : i32
        %dma_start3A_358 = arith.constant 0 : i32
        %dma_start3A_359 = tpu.memref_slice %arg12[%dma_start3A_355, %dma_start3A_357, %dma_start3A_358] : memref<8x128x16xf32, #tpu.memory_space<vmem>> -> memref<1x128x16xf32, #tpu.memory_space<vmem>>
        %dma_start3A_360 = tpu.memref_squeeze %dma_start3A_359 : memref<1x128x16xf32, #tpu.memory_space<vmem>> -> memref<128x16xf32, #tpu.memory_space<vmem>>
        %dma_start3A_361 = arith.constant 0 : i32
        %dma_start3A_362 = tpu.memref_slice %arg10[%add3A_354, %dma_start3A_361] : memref<120x128xi32, #tpu.memory_space<vmem>> -> memref<1x128xi32, #tpu.memory_space<vmem>>
        %dma_start3A_363 = tpu.memref_squeeze %dma_start3A_362 : memref<1x128xi32, #tpu.memory_space<vmem>> -> memref<128xi32, #tpu.memory_space<vmem>>
        %dma_start3A_364 = arith.constant 0 : i32
        %dma_start3A_365 = arith.constant 0 : i32
        %dma_start3A_366 = tpu.memref_slice %arg2[%dma_start3A_364, %dma_start3A_365] : memref<10000x16xf32, #tpu.memory_space<hbm>> -> memref<10000x16xf32, #tpu.memory_space<hbm>>
        %dma_start3A_367 = tpu.memref_slice %arg15[%dma_start3A_356] : memref<8x!tpu.dma_semaphore, #tpu.memory_space<semaphore_mem>> -> memref<1x!tpu.dma_semaphore, #tpu.memory_space<semaphore_mem>>
        %dma_start3A_368 = tpu.memref_squeeze %dma_start3A_367 : memref<1x!tpu.dma_semaphore, #tpu.memory_space<semaphore_mem>> -> memref<!tpu.dma_semaphore, #tpu.memory_space<semaphore_mem>>
        tpu.enqueue_indirect_dma source(%dma_start3A_366 : memref<10000x16xf32, #tpu.memory_space<hbm>>) target(%dma_start3A_360 : memref<128x16xf32, #tpu.memory_space<vmem>>) offsets(%dma_start3A_363 : memref<128xi32, #tpu.memory_space<vmem>>) semaphore(%dma_start3A_368 : memref<!tpu.dma_semaphore, #tpu.memory_space<semaphore_mem>>)
      } else {
      }
      %add3A_284 = arith.constant 5 : i32
      %add3A_285 = arith.addi %mul3A_172, %add3A_284 : i32
      %dma_wait3A_286 = arith.constant 5 : i32
      %dma_wait3A_287 = arith.constant 5 : i32
      %dma_wait3A_288 = arith.constant 0 : i32
      %dma_wait3A_289 = arith.constant 0 : i32
      %dma_wait3A_290 = tpu.memref_slice %arg12[%dma_wait3A_286, %dma_wait3A_288, %dma_wait3A_289] : memref<8x128x16xf32, #tpu.memory_space<vmem>> -> memref<1x128x16xf32, #tpu.memory_space<vmem>>
      %dma_wait3A_291 = tpu.memref_squeeze %dma_wait3A_290 : memref<1x128x16xf32, #tpu.memory_space<vmem>> -> memref<128x16xf32, #tpu.memory_space<vmem>>
      %dma_wait3A_292 = arith.constant 0 : i32
      %dma_wait3A_293 = tpu.memref_slice %arg10[%add3A_285, %dma_wait3A_292] : memref<120x128xi32, #tpu.memory_space<vmem>> -> memref<1x128xi32, #tpu.memory_space<vmem>>
      %dma_wait3A_294 = tpu.memref_squeeze %dma_wait3A_293 : memref<1x128xi32, #tpu.memory_space<vmem>> -> memref<128xi32, #tpu.memory_space<vmem>>
      %dma_wait3A_295 = arith.constant 0 : i32
      %dma_wait3A_296 = arith.constant 0 : i32
      %dma_wait3A_297 = tpu.memref_slice %arg2[%dma_wait3A_295, %dma_wait3A_296] : memref<10000x16xf32, #tpu.memory_space<hbm>> -> memref<10000x16xf32, #tpu.memory_space<hbm>>
      %dma_wait3A_298 = tpu.memref_slice %arg15[%dma_wait3A_287] : memref<8x!tpu.dma_semaphore, #tpu.memory_space<semaphore_mem>> -> memref<1x!tpu.dma_semaphore, #tpu.memory_space<semaphore_mem>>
      %dma_wait3A_299 = tpu.memref_squeeze %dma_wait3A_298 : memref<1x!tpu.dma_semaphore, #tpu.memory_space<semaphore_mem>> -> memref<!tpu.dma_semaphore, #tpu.memory_space<semaphore_mem>>
      tpu.wait_indirect_dma semaphore(%dma_wait3A_299 : memref<!tpu.dma_semaphore, #tpu.memory_space<semaphore_mem>>) src(%dma_wait3A_297 : memref<10000x16xf32, #tpu.memory_space<hbm>>) dst(%dma_wait3A_291 : memref<128x16xf32, #tpu.memory_space<vmem>>)
      %run_scoped3A_300 = arith.constant 5 : i32
      "tpu.region"() ({
        %run_scoped3A_353 = tpu.sem_alloc : memref<!tpu.dma_semaphore, #tpu.memory_space<semaphore_mem>>
        %dma_start3A_354 = arith.constant 0 : i32
        %dma_start3A_355 = arith.constant 0 : i32
        %dma_start3A_356 = tpu.memref_slice %arg12[%run_scoped3A_300, %dma_start3A_354, %dma_start3A_355] : memref<8x128x16xf32, #tpu.memory_space<vmem>> -> memref<1x128x16xf32, #tpu.memory_space<vmem>>
        %dma_start3A_357 = tpu.memref_squeeze %dma_start3A_356 : memref<1x128x16xf32, #tpu.memory_space<vmem>> -> memref<128x16xf32, #tpu.memory_space<vmem>>
        %dma_start3A_358 = arith.constant 0 : i32
        %dma_start3A_359 = tpu.memref_slice %arg11[%add3A_285, %dma_start3A_358] : memref<120x128xi32, #tpu.memory_space<vmem>> -> memref<1x128xi32, #tpu.memory_space<vmem>>
        %dma_start3A_360 = tpu.memref_squeeze %dma_start3A_359 : memref<1x128xi32, #tpu.memory_space<vmem>> -> memref<128xi32, #tpu.memory_space<vmem>>
        %dma_start3A_361 = arith.constant 0 : i32
        %dma_start3A_362 = arith.constant 0 : i32
        %dma_start3A_363 = tpu.memref_slice %arg14[%dma_start3A_361, %dma_start3A_362] : memref<10112x16xf32, #tpu.memory_space<vmem_shared>> -> memref<10112x16xf32, #tpu.memory_space<vmem_shared>>
        tpu.enqueue_indirect_dma source(%dma_start3A_357 : memref<128x16xf32, #tpu.memory_space<vmem>>) target(%dma_start3A_363 : memref<10112x16xf32, #tpu.memory_space<vmem_shared>>) offsets(%dma_start3A_360 : memref<128xi32, #tpu.memory_space<vmem>>) semaphore(%run_scoped3A_353 : memref<!tpu.dma_semaphore, #tpu.memory_space<semaphore_mem>>) {add = true}
        %dma_wait3A_364 = arith.constant 0 : i32
        %dma_wait3A_365 = arith.constant 0 : i32
        %dma_wait3A_366 = tpu.memref_slice %arg12[%run_scoped3A_300, %dma_wait3A_364, %dma_wait3A_365] : memref<8x128x16xf32, #tpu.memory_space<vmem>> -> memref<1x128x16xf32, #tpu.memory_space<vmem>>
        %dma_wait3A_367 = tpu.memref_squeeze %dma_wait3A_366 : memref<1x128x16xf32, #tpu.memory_space<vmem>> -> memref<128x16xf32, #tpu.memory_space<vmem>>
        %dma_wait3A_368 = arith.constant 0 : i32
        %dma_wait3A_369 = tpu.memref_slice %arg11[%add3A_285, %dma_wait3A_368] : memref<120x128xi32, #tpu.memory_space<vmem>> -> memref<1x128xi32, #tpu.memory_space<vmem>>
        %dma_wait3A_370 = tpu.memref_squeeze %dma_wait3A_369 : memref<1x128xi32, #tpu.memory_space<vmem>> -> memref<128xi32, #tpu.memory_space<vmem>>
        %dma_wait3A_371 = arith.constant 0 : i32
        %dma_wait3A_372 = arith.constant 0 : i32
        %dma_wait3A_373 = tpu.memref_slice %arg14[%dma_wait3A_371, %dma_wait3A_372] : memref<10112x16xf32, #tpu.memory_space<vmem_shared>> -> memref<10112x16xf32, #tpu.memory_space<vmem_shared>>
        tpu.wait_indirect_dma semaphore(%run_scoped3A_353 : memref<!tpu.dma_semaphore, #tpu.memory_space<semaphore_mem>>) src(%dma_wait3A_367 : memref<128x16xf32, #tpu.memory_space<vmem>>) dst(%dma_wait3A_373 : memref<10112x16xf32, #tpu.memory_space<vmem_shared>>)
        tpu.yield
      }) : () -> ()
      %add3A_301 = arith.constant 8 : i32
      %add3A_302 = arith.addi %add3A_285, %add3A_301 : i32
      %lt3A_303 = arith.cmpi slt, %add3A_302, %select_n3A : i32
      %convert_element_type3A_304 = arith.extui %lt3A_303 : i1 to i32
      %cond3A_305 = arith.constant 0 : i32
      %cond3A_306 = arith.cmpi ne, %convert_element_type3A_304, %cond3A_305 : i32
      scf.if %cond3A_306 {
        %add3A_353 = arith.constant 8 : i32
        %add3A_354 = arith.addi %add3A_285, %add3A_353 : i32
        %dma_start3A_355 = arith.constant 5 : i32
        %dma_start3A_356 = arith.constant 5 : i32
        %dma_start3A_357 = arith.constant 0 : i32
        %dma_start3A_358 = arith.constant 0 : i32
        %dma_start3A_359 = tpu.memref_slice %arg12[%dma_start3A_355, %dma_start3A_357, %dma_start3A_358] : memref<8x128x16xf32, #tpu.memory_space<vmem>> -> memref<1x128x16xf32, #tpu.memory_space<vmem>>
        %dma_start3A_360 = tpu.memref_squeeze %dma_start3A_359 : memref<1x128x16xf32, #tpu.memory_space<vmem>> -> memref<128x16xf32, #tpu.memory_space<vmem>>
        %dma_start3A_361 = arith.constant 0 : i32
        %dma_start3A_362 = tpu.memref_slice %arg10[%add3A_354, %dma_start3A_361] : memref<120x128xi32, #tpu.memory_space<vmem>> -> memref<1x128xi32, #tpu.memory_space<vmem>>
        %dma_start3A_363 = tpu.memref_squeeze %dma_start3A_362 : memref<1x128xi32, #tpu.memory_space<vmem>> -> memref<128xi32, #tpu.memory_space<vmem>>
        %dma_start3A_364 = arith.constant 0 : i32
        %dma_start3A_365 = arith.constant 0 : i32
        %dma_start3A_366 = tpu.memref_slice %arg2[%dma_start3A_364, %dma_start3A_365] : memref<10000x16xf32, #tpu.memory_space<hbm>> -> memref<10000x16xf32, #tpu.memory_space<hbm>>
        %dma_start3A_367 = tpu.memref_slice %arg15[%dma_start3A_356] : memref<8x!tpu.dma_semaphore, #tpu.memory_space<semaphore_mem>> -> memref<1x!tpu.dma_semaphore, #tpu.memory_space<semaphore_mem>>
        %dma_start3A_368 = tpu.memref_squeeze %dma_start3A_367 : memref<1x!tpu.dma_semaphore, #tpu.memory_space<semaphore_mem>> -> memref<!tpu.dma_semaphore, #tpu.memory_space<semaphore_mem>>
        tpu.enqueue_indirect_dma source(%dma_start3A_366 : memref<10000x16xf32, #tpu.memory_space<hbm>>) target(%dma_start3A_360 : memref<128x16xf32, #tpu.memory_space<vmem>>) offsets(%dma_start3A_363 : memref<128xi32, #tpu.memory_space<vmem>>) semaphore(%dma_start3A_368 : memref<!tpu.dma_semaphore, #tpu.memory_space<semaphore_mem>>)
      } else {
      }
      %add3A_307 = arith.constant 6 : i32
      %add3A_308 = arith.addi %mul3A_172, %add3A_307 : i32
      %dma_wait3A_309 = arith.constant 6 : i32
      %dma_wait3A_310 = arith.constant 6 : i32
      %dma_wait3A_311 = arith.constant 0 : i32
      %dma_wait3A_312 = arith.constant 0 : i32
      %dma_wait3A_313 = tpu.memref_slice %arg12[%dma_wait3A_309, %dma_wait3A_311, %dma_wait3A_312] : memref<8x128x16xf32, #tpu.memory_space<vmem>> -> memref<1x128x16xf32, #tpu.memory_space<vmem>>
      %dma_wait3A_314 = tpu.memref_squeeze %dma_wait3A_313 : memref<1x128x16xf32, #tpu.memory_space<vmem>> -> memref<128x16xf32, #tpu.memory_space<vmem>>
      %dma_wait3A_315 = arith.constant 0 : i32
      %dma_wait3A_316 = tpu.memref_slice %arg10[%add3A_308, %dma_wait3A_315] : memref<120x128xi32, #tpu.memory_space<vmem>> -> memref<1x128xi32, #tpu.memory_space<vmem>>
      %dma_wait3A_317 = tpu.memref_squeeze %dma_wait3A_316 : memref<1x128xi32, #tpu.memory_space<vmem>> -> memref<128xi32, #tpu.memory_space<vmem>>
      %dma_wait3A_318 = arith.constant 0 : i32
      %dma_wait3A_319 = arith.constant 0 : i32
      %dma_wait3A_320 = tpu.memref_slice %arg2[%dma_wait3A_318, %dma_wait3A_319] : memref<10000x16xf32, #tpu.memory_space<hbm>> -> memref<10000x16xf32, #tpu.memory_space<hbm>>
      %dma_wait3A_321 = tpu.memref_slice %arg15[%dma_wait3A_310] : memref<8x!tpu.dma_semaphore, #tpu.memory_space<semaphore_mem>> -> memref<1x!tpu.dma_semaphore, #tpu.memory_space<semaphore_mem>>
      %dma_wait3A_322 = tpu.memref_squeeze %dma_wait3A_321 : memref<1x!tpu.dma_semaphore, #tpu.memory_space<semaphore_mem>> -> memref<!tpu.dma_semaphore, #tpu.memory_space<semaphore_mem>>
      tpu.wait_indirect_dma semaphore(%dma_wait3A_322 : memref<!tpu.dma_semaphore, #tpu.memory_space<semaphore_mem>>) src(%dma_wait3A_320 : memref<10000x16xf32, #tpu.memory_space<hbm>>) dst(%dma_wait3A_314 : memref<128x16xf32, #tpu.memory_space<vmem>>)
      %run_scoped3A_323 = arith.constant 6 : i32
      "tpu.region"() ({
        %run_scoped3A_353 = tpu.sem_alloc : memref<!tpu.dma_semaphore, #tpu.memory_space<semaphore_mem>>
        %dma_start3A_354 = arith.constant 0 : i32
        %dma_start3A_355 = arith.constant 0 : i32
        %dma_start3A_356 = tpu.memref_slice %arg12[%run_scoped3A_323, %dma_start3A_354, %dma_start3A_355] : memref<8x128x16xf32, #tpu.memory_space<vmem>> -> memref<1x128x16xf32, #tpu.memory_space<vmem>>
        %dma_start3A_357 = tpu.memref_squeeze %dma_start3A_356 : memref<1x128x16xf32, #tpu.memory_space<vmem>> -> memref<128x16xf32, #tpu.memory_space<vmem>>
        %dma_start3A_358 = arith.constant 0 : i32
        %dma_start3A_359 = tpu.memref_slice %arg11[%add3A_308, %dma_start3A_358] : memref<120x128xi32, #tpu.memory_space<vmem>> -> memref<1x128xi32, #tpu.memory_space<vmem>>
        %dma_start3A_360 = tpu.memref_squeeze %dma_start3A_359 : memref<1x128xi32, #tpu.memory_space<vmem>> -> memref<128xi32, #tpu.memory_space<vmem>>
        %dma_start3A_361 = arith.constant 0 : i32
        %dma_start3A_362 = arith.constant 0 : i32
        %dma_start3A_363 = tpu.memref_slice %arg14[%dma_start3A_361, %dma_start3A_362] : memref<10112x16xf32, #tpu.memory_space<vmem_shared>> -> memref<10112x16xf32, #tpu.memory_space<vmem_shared>>
        tpu.enqueue_indirect_dma source(%dma_start3A_357 : memref<128x16xf32, #tpu.memory_space<vmem>>) target(%dma_start3A_363 : memref<10112x16xf32, #tpu.memory_space<vmem_shared>>) offsets(%dma_start3A_360 : memref<128xi32, #tpu.memory_space<vmem>>) semaphore(%run_scoped3A_353 : memref<!tpu.dma_semaphore, #tpu.memory_space<semaphore_mem>>) {add = true}
        %dma_wait3A_364 = arith.constant 0 : i32
        %dma_wait3A_365 = arith.constant 0 : i32
        %dma_wait3A_366 = tpu.memref_slice %arg12[%run_scoped3A_323, %dma_wait3A_364, %dma_wait3A_365] : memref<8x128x16xf32, #tpu.memory_space<vmem>> -> memref<1x128x16xf32, #tpu.memory_space<vmem>>
        %dma_wait3A_367 = tpu.memref_squeeze %dma_wait3A_366 : memref<1x128x16xf32, #tpu.memory_space<vmem>> -> memref<128x16xf32, #tpu.memory_space<vmem>>
        %dma_wait3A_368 = arith.constant 0 : i32
        %dma_wait3A_369 = tpu.memref_slice %arg11[%add3A_308, %dma_wait3A_368] : memref<120x128xi32, #tpu.memory_space<vmem>> -> memref<1x128xi32, #tpu.memory_space<vmem>>
        %dma_wait3A_370 = tpu.memref_squeeze %dma_wait3A_369 : memref<1x128xi32, #tpu.memory_space<vmem>> -> memref<128xi32, #tpu.memory_space<vmem>>
        %dma_wait3A_371 = arith.constant 0 : i32
        %dma_wait3A_372 = arith.constant 0 : i32
        %dma_wait3A_373 = tpu.memref_slice %arg14[%dma_wait3A_371, %dma_wait3A_372] : memref<10112x16xf32, #tpu.memory_space<vmem_shared>> -> memref<10112x16xf32, #tpu.memory_space<vmem_shared>>
        tpu.wait_indirect_dma semaphore(%run_scoped3A_353 : memref<!tpu.dma_semaphore, #tpu.memory_space<semaphore_mem>>) src(%dma_wait3A_367 : memref<128x16xf32, #tpu.memory_space<vmem>>) dst(%dma_wait3A_373 : memref<10112x16xf32, #tpu.memory_space<vmem_shared>>)
        tpu.yield
      }) : () -> ()
      %add3A_324 = arith.constant 8 : i32
      %add3A_325 = arith.addi %add3A_308, %add3A_324 : i32
      %lt3A_326 = arith.cmpi slt, %add3A_325, %select_n3A : i32
      %convert_element_type3A_327 = arith.extui %lt3A_326 : i1 to i32
      %cond3A_328 = arith.constant 0 : i32
      %cond3A_329 = arith.cmpi ne, %convert_element_type3A_327, %cond3A_328 : i32
      scf.if %cond3A_329 {
        %add3A_353 = arith.constant 8 : i32
        %add3A_354 = arith.addi %add3A_308, %add3A_353 : i32
        %dma_start3A_355 = arith.constant 6 : i32
        %dma_start3A_356 = arith.constant 6 : i32
        %dma_start3A_357 = arith.constant 0 : i32
        %dma_start3A_358 = arith.constant 0 : i32
        %dma_start3A_359 = tpu.memref_slice %arg12[%dma_start3A_355, %dma_start3A_357, %dma_start3A_358] : memref<8x128x16xf32, #tpu.memory_space<vmem>> -> memref<1x128x16xf32, #tpu.memory_space<vmem>>
        %dma_start3A_360 = tpu.memref_squeeze %dma_start3A_359 : memref<1x128x16xf32, #tpu.memory_space<vmem>> -> memref<128x16xf32, #tpu.memory_space<vmem>>
        %dma_start3A_361 = arith.constant 0 : i32
        %dma_start3A_362 = tpu.memref_slice %arg10[%add3A_354, %dma_start3A_361] : memref<120x128xi32, #tpu.memory_space<vmem>> -> memref<1x128xi32, #tpu.memory_space<vmem>>
        %dma_start3A_363 = tpu.memref_squeeze %dma_start3A_362 : memref<1x128xi32, #tpu.memory_space<vmem>> -> memref<128xi32, #tpu.memory_space<vmem>>
        %dma_start3A_364 = arith.constant 0 : i32
        %dma_start3A_365 = arith.constant 0 : i32
        %dma_start3A_366 = tpu.memref_slice %arg2[%dma_start3A_364, %dma_start3A_365] : memref<10000x16xf32, #tpu.memory_space<hbm>> -> memref<10000x16xf32, #tpu.memory_space<hbm>>
        %dma_start3A_367 = tpu.memref_slice %arg15[%dma_start3A_356] : memref<8x!tpu.dma_semaphore, #tpu.memory_space<semaphore_mem>> -> memref<1x!tpu.dma_semaphore, #tpu.memory_space<semaphore_mem>>
        %dma_start3A_368 = tpu.memref_squeeze %dma_start3A_367 : memref<1x!tpu.dma_semaphore, #tpu.memory_space<semaphore_mem>> -> memref<!tpu.dma_semaphore, #tpu.memory_space<semaphore_mem>>
        tpu.enqueue_indirect_dma source(%dma_start3A_366 : memref<10000x16xf32, #tpu.memory_space<hbm>>) target(%dma_start3A_360 : memref<128x16xf32, #tpu.memory_space<vmem>>) offsets(%dma_start3A_363 : memref<128xi32, #tpu.memory_space<vmem>>) semaphore(%dma_start3A_368 : memref<!tpu.dma_semaphore, #tpu.memory_space<semaphore_mem>>)
      } else {
      }
      %add3A_330 = arith.constant 7 : i32
      %add3A_331 = arith.addi %mul3A_172, %add3A_330 : i32
      %dma_wait3A_332 = arith.constant 7 : i32
      %dma_wait3A_333 = arith.constant 7 : i32
      %dma_wait3A_334 = arith.constant 0 : i32
      %dma_wait3A_335 = arith.constant 0 : i32
      %dma_wait3A_336 = tpu.memref_slice %arg12[%dma_wait3A_332, %dma_wait3A_334, %dma_wait3A_335] : memref<8x128x16xf32, #tpu.memory_space<vmem>> -> memref<1x128x16xf32, #tpu.memory_space<vmem>>
      %dma_wait3A_337 = tpu.memref_squeeze %dma_wait3A_336 : memref<1x128x16xf32, #tpu.memory_space<vmem>> -> memref<128x16xf32, #tpu.memory_space<vmem>>
      %dma_wait3A_338 = arith.constant 0 : i32
      %dma_wait3A_339 = tpu.memref_slice %arg10[%add3A_331, %dma_wait3A_338] : memref<120x128xi32, #tpu.memory_space<vmem>> -> memref<1x128xi32, #tpu.memory_space<vmem>>
      %dma_wait3A_340 = tpu.memref_squeeze %dma_wait3A_339 : memref<1x128xi32, #tpu.memory_space<vmem>> -> memref<128xi32, #tpu.memory_space<vmem>>
      %dma_wait3A_341 = arith.constant 0 : i32
      %dma_wait3A_342 = arith.constant 0 : i32
      %dma_wait3A_343 = tpu.memref_slice %arg2[%dma_wait3A_341, %dma_wait3A_342] : memref<10000x16xf32, #tpu.memory_space<hbm>> -> memref<10000x16xf32, #tpu.memory_space<hbm>>
      %dma_wait3A_344 = tpu.memref_slice %arg15[%dma_wait3A_333] : memref<8x!tpu.dma_semaphore, #tpu.memory_space<semaphore_mem>> -> memref<1x!tpu.dma_semaphore, #tpu.memory_space<semaphore_mem>>
      %dma_wait3A_345 = tpu.memref_squeeze %dma_wait3A_344 : memref<1x!tpu.dma_semaphore, #tpu.memory_space<semaphore_mem>> -> memref<!tpu.dma_semaphore, #tpu.memory_space<semaphore_mem>>
      tpu.wait_indirect_dma semaphore(%dma_wait3A_345 : memref<!tpu.dma_semaphore, #tpu.memory_space<semaphore_mem>>) src(%dma_wait3A_343 : memref<10000x16xf32, #tpu.memory_space<hbm>>) dst(%dma_wait3A_337 : memref<128x16xf32, #tpu.memory_space<vmem>>)
      %run_scoped3A_346 = arith.constant 7 : i32
      "tpu.region"() ({
        %run_scoped3A_353 = tpu.sem_alloc : memref<!tpu.dma_semaphore, #tpu.memory_space<semaphore_mem>>
        %dma_start3A_354 = arith.constant 0 : i32
        %dma_start3A_355 = arith.constant 0 : i32
        %dma_start3A_356 = tpu.memref_slice %arg12[%run_scoped3A_346, %dma_start3A_354, %dma_start3A_355] : memref<8x128x16xf32, #tpu.memory_space<vmem>> -> memref<1x128x16xf32, #tpu.memory_space<vmem>>
        %dma_start3A_357 = tpu.memref_squeeze %dma_start3A_356 : memref<1x128x16xf32, #tpu.memory_space<vmem>> -> memref<128x16xf32, #tpu.memory_space<vmem>>
        %dma_start3A_358 = arith.constant 0 : i32
        %dma_start3A_359 = tpu.memref_slice %arg11[%add3A_331, %dma_start3A_358] : memref<120x128xi32, #tpu.memory_space<vmem>> -> memref<1x128xi32, #tpu.memory_space<vmem>>
        %dma_start3A_360 = tpu.memref_squeeze %dma_start3A_359 : memref<1x128xi32, #tpu.memory_space<vmem>> -> memref<128xi32, #tpu.memory_space<vmem>>
        %dma_start3A_361 = arith.constant 0 : i32
        %dma_start3A_362 = arith.constant 0 : i32
        %dma_start3A_363 = tpu.memref_slice %arg14[%dma_start3A_361, %dma_start3A_362] : memref<10112x16xf32, #tpu.memory_space<vmem_shared>> -> memref<10112x16xf32, #tpu.memory_space<vmem_shared>>
        tpu.enqueue_indirect_dma source(%dma_start3A_357 : memref<128x16xf32, #tpu.memory_space<vmem>>) target(%dma_start3A_363 : memref<10112x16xf32, #tpu.memory_space<vmem_shared>>) offsets(%dma_start3A_360 : memref<128xi32, #tpu.memory_space<vmem>>) semaphore(%run_scoped3A_353 : memref<!tpu.dma_semaphore, #tpu.memory_space<semaphore_mem>>) {add = true}
        %dma_wait3A_364 = arith.constant 0 : i32
        %dma_wait3A_365 = arith.constant 0 : i32
        %dma_wait3A_366 = tpu.memref_slice %arg12[%run_scoped3A_346, %dma_wait3A_364, %dma_wait3A_365] : memref<8x128x16xf32, #tpu.memory_space<vmem>> -> memref<1x128x16xf32, #tpu.memory_space<vmem>>
        %dma_wait3A_367 = tpu.memref_squeeze %dma_wait3A_366 : memref<1x128x16xf32, #tpu.memory_space<vmem>> -> memref<128x16xf32, #tpu.memory_space<vmem>>
        %dma_wait3A_368 = arith.constant 0 : i32
        %dma_wait3A_369 = tpu.memref_slice %arg11[%add3A_331, %dma_wait3A_368] : memref<120x128xi32, #tpu.memory_space<vmem>> -> memref<1x128xi32, #tpu.memory_space<vmem>>
        %dma_wait3A_370 = tpu.memref_squeeze %dma_wait3A_369 : memref<1x128xi32, #tpu.memory_space<vmem>> -> memref<128xi32, #tpu.memory_space<vmem>>
        %dma_wait3A_371 = arith.constant 0 : i32
        %dma_wait3A_372 = arith.constant 0 : i32
        %dma_wait3A_373 = tpu.memref_slice %arg14[%dma_wait3A_371, %dma_wait3A_372] : memref<10112x16xf32, #tpu.memory_space<vmem_shared>> -> memref<10112x16xf32, #tpu.memory_space<vmem_shared>>
        tpu.wait_indirect_dma semaphore(%run_scoped3A_353 : memref<!tpu.dma_semaphore, #tpu.memory_space<semaphore_mem>>) src(%dma_wait3A_367 : memref<128x16xf32, #tpu.memory_space<vmem>>) dst(%dma_wait3A_373 : memref<10112x16xf32, #tpu.memory_space<vmem_shared>>)
        tpu.yield
      }) : () -> ()
      %add3A_347 = arith.constant 8 : i32
      %add3A_348 = arith.addi %add3A_331, %add3A_347 : i32
      %lt3A_349 = arith.cmpi slt, %add3A_348, %select_n3A : i32
      %convert_element_type3A_350 = arith.extui %lt3A_349 : i1 to i32
      %cond3A_351 = arith.constant 0 : i32
      %cond3A_352 = arith.cmpi ne, %convert_element_type3A_350, %cond3A_351 : i32
      scf.if %cond3A_352 {
        %add3A_353 = arith.constant 8 : i32
        %add3A_354 = arith.addi %add3A_331, %add3A_353 : i32
        %dma_start3A_355 = arith.constant 7 : i32
        %dma_start3A_356 = arith.constant 7 : i32
        %dma_start3A_357 = arith.constant 0 : i32
        %dma_start3A_358 = arith.constant 0 : i32
        %dma_start3A_359 = tpu.memref_slice %arg12[%dma_start3A_355, %dma_start3A_357, %dma_start3A_358] : memref<8x128x16xf32, #tpu.memory_space<vmem>> -> memref<1x128x16xf32, #tpu.memory_space<vmem>>
        %dma_start3A_360 = tpu.memref_squeeze %dma_start3A_359 : memref<1x128x16xf32, #tpu.memory_space<vmem>> -> memref<128x16xf32, #tpu.memory_space<vmem>>
        %dma_start3A_361 = arith.constant 0 : i32
        %dma_start3A_362 = tpu.memref_slice %arg10[%add3A_354, %dma_start3A_361] : memref<120x128xi32, #tpu.memory_space<vmem>> -> memref<1x128xi32, #tpu.memory_space<vmem>>
        %dma_start3A_363 = tpu.memref_squeeze %dma_start3A_362 : memref<1x128xi32, #tpu.memory_space<vmem>> -> memref<128xi32, #tpu.memory_space<vmem>>
        %dma_start3A_364 = arith.constant 0 : i32
        %dma_start3A_365 = arith.constant 0 : i32
        %dma_start3A_366 = tpu.memref_slice %arg2[%dma_start3A_364, %dma_start3A_365] : memref<10000x16xf32, #tpu.memory_space<hbm>> -> memref<10000x16xf32, #tpu.memory_space<hbm>>
        %dma_start3A_367 = tpu.memref_slice %arg15[%dma_start3A_356] : memref<8x!tpu.dma_semaphore, #tpu.memory_space<semaphore_mem>> -> memref<1x!tpu.dma_semaphore, #tpu.memory_space<semaphore_mem>>
        %dma_start3A_368 = tpu.memref_squeeze %dma_start3A_367 : memref<1x!tpu.dma_semaphore, #tpu.memory_space<semaphore_mem>> -> memref<!tpu.dma_semaphore, #tpu.memory_space<semaphore_mem>>
        tpu.enqueue_indirect_dma source(%dma_start3A_366 : memref<10000x16xf32, #tpu.memory_space<hbm>>) target(%dma_start3A_360 : memref<128x16xf32, #tpu.memory_space<vmem>>) offsets(%dma_start3A_363 : memref<128xi32, #tpu.memory_space<vmem>>) semaphore(%dma_start3A_368 : memref<!tpu.dma_semaphore, #tpu.memory_space<semaphore_mem>>)
      } else {
      }
    }
    %while3A_156 = arith.constant 1 : i32
    scf.for %while3A_170 = %while3A_154 to %while3A_150 step %while3A_156  : i32 {
      %mul3A_171 = arith.constant 8 : i32
      %mul3A_172 = arith.muli %while3A_170, %mul3A_171 : i32
      %add3A = arith.constant 0 : i32
      %add3A_173 = arith.addi %mul3A_172, %add3A : i32
      %dma_wait3A = arith.constant 0 : i32
      %dma_wait3A_174 = arith.constant 0 : i32
      %dma_wait3A_175 = arith.constant 0 : i32
      %dma_wait3A_176 = arith.constant 0 : i32
      %dma_wait3A_177 = tpu.memref_slice %arg12[%dma_wait3A, %dma_wait3A_175, %dma_wait3A_176] : memref<8x128x16xf32, #tpu.memory_space<vmem>> -> memref<1x128x16xf32, #tpu.memory_space<vmem>>
      %dma_wait3A_178 = tpu.memref_squeeze %dma_wait3A_177 : memref<1x128x16xf32, #tpu.memory_space<vmem>> -> memref<128x16xf32, #tpu.memory_space<vmem>>
      %dma_wait3A_179 = arith.constant 0 : i32
      %dma_wait3A_180 = tpu.memref_slice %arg10[%add3A_173, %dma_wait3A_179] : memref<120x128xi32, #tpu.memory_space<vmem>> -> memref<1x128xi32, #tpu.memory_space<vmem>>
      %dma_wait3A_181 = tpu.memref_squeeze %dma_wait3A_180 : memref<1x128xi32, #tpu.memory_space<vmem>> -> memref<128xi32, #tpu.memory_space<vmem>>
      %dma_wait3A_182 = arith.constant 0 : i32
      %dma_wait3A_183 = arith.constant 0 : i32
      %dma_wait3A_184 = tpu.memref_slice %arg2[%dma_wait3A_182, %dma_wait3A_183] : memref<10000x16xf32, #tpu.memory_space<hbm>> -> memref<10000x16xf32, #tpu.memory_space<hbm>>
      %dma_wait3A_185 = tpu.memref_slice %arg15[%dma_wait3A_174] : memref<8x!tpu.dma_semaphore, #tpu.memory_space<semaphore_mem>> -> memref<1x!tpu.dma_semaphore, #tpu.memory_space<semaphore_mem>>
      %dma_wait3A_186 = tpu.memref_squeeze %dma_wait3A_185 : memref<1x!tpu.dma_semaphore, #tpu.memory_space<semaphore_mem>> -> memref<!tpu.dma_semaphore, #tpu.memory_space<semaphore_mem>>
      tpu.wait_indirect_dma semaphore(%dma_wait3A_186 : memref<!tpu.dma_semaphore, #tpu.memory_space<semaphore_mem>>) src(%dma_wait3A_184 : memref<10000x16xf32, #tpu.memory_space<hbm>>) dst(%dma_wait3A_178 : memref<128x16xf32, #tpu.memory_space<vmem>>)
      %run_scoped3A = arith.constant 0 : i32
      "tpu.region"() ({
        %run_scoped3A_353 = tpu.sem_alloc : memref<!tpu.dma_semaphore, #tpu.memory_space<semaphore_mem>>
        %dma_start3A_354 = arith.constant 0 : i32
        %dma_start3A_355 = arith.constant 0 : i32
        %dma_start3A_356 = tpu.memref_slice %arg12[%run_scoped3A, %dma_start3A_354, %dma_start3A_355] : memref<8x128x16xf32, #tpu.memory_space<vmem>> -> memref<1x128x16xf32, #tpu.memory_space<vmem>>
        %dma_start3A_357 = tpu.memref_squeeze %dma_start3A_356 : memref<1x128x16xf32, #tpu.memory_space<vmem>> -> memref<128x16xf32, #tpu.memory_space<vmem>>
        %dma_start3A_358 = arith.constant 0 : i32
        %dma_start3A_359 = tpu.memref_slice %arg11[%add3A_173, %dma_start3A_358] : memref<120x128xi32, #tpu.memory_space<vmem>> -> memref<1x128xi32, #tpu.memory_space<vmem>>
        %dma_start3A_360 = tpu.memref_squeeze %dma_start3A_359 : memref<1x128xi32, #tpu.memory_space<vmem>> -> memref<128xi32, #tpu.memory_space<vmem>>
        %dma_start3A_361 = arith.constant 0 : i32
        %dma_start3A_362 = arith.constant 0 : i32
        %dma_start3A_363 = tpu.memref_slice %arg14[%dma_start3A_361, %dma_start3A_362] : memref<10112x16xf32, #tpu.memory_space<vmem_shared>> -> memref<10112x16xf32, #tpu.memory_space<vmem_shared>>
        tpu.enqueue_indirect_dma source(%dma_start3A_357 : memref<128x16xf32, #tpu.memory_space<vmem>>) target(%dma_start3A_363 : memref<10112x16xf32, #tpu.memory_space<vmem_shared>>) offsets(%dma_start3A_360 : memref<128xi32, #tpu.memory_space<vmem>>) semaphore(%run_scoped3A_353 : memref<!tpu.dma_semaphore, #tpu.memory_space<semaphore_mem>>) {add = true}
        %dma_wait3A_364 = arith.constant 0 : i32
        %dma_wait3A_365 = arith.constant 0 : i32
        %dma_wait3A_366 = tpu.memref_slice %arg12[%run_scoped3A, %dma_wait3A_364, %dma_wait3A_365] : memref<8x128x16xf32, #tpu.memory_space<vmem>> -> memref<1x128x16xf32, #tpu.memory_space<vmem>>
        %dma_wait3A_367 = tpu.memref_squeeze %dma_wait3A_366 : memref<1x128x16xf32, #tpu.memory_space<vmem>> -> memref<128x16xf32, #tpu.memory_space<vmem>>
        %dma_wait3A_368 = arith.constant 0 : i32
        %dma_wait3A_369 = tpu.memref_slice %arg11[%add3A_173, %dma_wait3A_368] : memref<120x128xi32, #tpu.memory_space<vmem>> -> memref<1x128xi32, #tpu.memory_space<vmem>>
        %dma_wait3A_370 = tpu.memref_squeeze %dma_wait3A_369 : memref<1x128xi32, #tpu.memory_space<vmem>> -> memref<128xi32, #tpu.memory_space<vmem>>
        %dma_wait3A_371 = arith.constant 0 : i32
        %dma_wait3A_372 = arith.constant 0 : i32
        %dma_wait3A_373 = tpu.memref_slice %arg14[%dma_wait3A_371, %dma_wait3A_372] : memref<10112x16xf32, #tpu.memory_space<vmem_shared>> -> memref<10112x16xf32, #tpu.memory_space<vmem_shared>>
        tpu.wait_indirect_dma semaphore(%run_scoped3A_353 : memref<!tpu.dma_semaphore, #tpu.memory_space<semaphore_mem>>) src(%dma_wait3A_367 : memref<128x16xf32, #tpu.memory_space<vmem>>) dst(%dma_wait3A_373 : memref<10112x16xf32, #tpu.memory_space<vmem_shared>>)
        tpu.yield
      }) : () -> ()
      %add3A_187 = arith.constant 8 : i32
      %add3A_188 = arith.addi %add3A_173, %add3A_187 : i32
      %lt3A = arith.cmpi slt, %add3A_188, %select_n3A : i32
      %convert_element_type3A_189 = arith.extui %lt3A : i1 to i32
      %cond3A_190 = arith.constant 0 : i32
      %cond3A_191 = arith.cmpi ne, %convert_element_type3A_189, %cond3A_190 : i32
      scf.if %cond3A_191 {
        %add3A_353 = arith.constant 8 : i32
        %add3A_354 = arith.addi %add3A_173, %add3A_353 : i32
        %dma_start3A_355 = arith.constant 0 : i32
        %dma_start3A_356 = arith.constant 0 : i32
        %dma_start3A_357 = arith.constant 0 : i32
        %dma_start3A_358 = arith.constant 0 : i32
        %dma_start3A_359 = tpu.memref_slice %arg12[%dma_start3A_355, %dma_start3A_357, %dma_start3A_358] : memref<8x128x16xf32, #tpu.memory_space<vmem>> -> memref<1x128x16xf32, #tpu.memory_space<vmem>>
        %dma_start3A_360 = tpu.memref_squeeze %dma_start3A_359 : memref<1x128x16xf32, #tpu.memory_space<vmem>> -> memref<128x16xf32, #tpu.memory_space<vmem>>
        %dma_start3A_361 = arith.constant 0 : i32
        %dma_start3A_362 = tpu.memref_slice %arg10[%add3A_354, %dma_start3A_361] : memref<120x128xi32, #tpu.memory_space<vmem>> -> memref<1x128xi32, #tpu.memory_space<vmem>>
        %dma_start3A_363 = tpu.memref_squeeze %dma_start3A_362 : memref<1x128xi32, #tpu.memory_space<vmem>> -> memref<128xi32, #tpu.memory_space<vmem>>
        %dma_start3A_364 = arith.constant 0 : i32
        %dma_start3A_365 = arith.constant 0 : i32
        %dma_start3A_366 = tpu.memref_slice %arg2[%dma_start3A_364, %dma_start3A_365] : memref<10000x16xf32, #tpu.memory_space<hbm>> -> memref<10000x16xf32, #tpu.memory_space<hbm>>
        %dma_start3A_367 = tpu.memref_slice %arg15[%dma_start3A_356] : memref<8x!tpu.dma_semaphore, #tpu.memory_space<semaphore_mem>> -> memref<1x!tpu.dma_semaphore, #tpu.memory_space<semaphore_mem>>
        %dma_start3A_368 = tpu.memref_squeeze %dma_start3A_367 : memref<1x!tpu.dma_semaphore, #tpu.memory_space<semaphore_mem>> -> memref<!tpu.dma_semaphore, #tpu.memory_space<semaphore_mem>>
        tpu.enqueue_indirect_dma source(%dma_start3A_366 : memref<10000x16xf32, #tpu.memory_space<hbm>>) target(%dma_start3A_360 : memref<128x16xf32, #tpu.memory_space<vmem>>) offsets(%dma_start3A_363 : memref<128xi32, #tpu.memory_space<vmem>>) semaphore(%dma_start3A_368 : memref<!tpu.dma_semaphore, #tpu.memory_space<semaphore_mem>>)
      } else {
      }
      %add3A_192 = arith.constant 1 : i32
      %add3A_193 = arith.addi %mul3A_172, %add3A_192 : i32
      %dma_wait3A_194 = arith.constant 1 : i32
      %dma_wait3A_195 = arith.constant 1 : i32
      %dma_wait3A_196 = arith.constant 0 : i32
      %dma_wait3A_197 = arith.constant 0 : i32
      %dma_wait3A_198 = tpu.memref_slice %arg12[%dma_wait3A_194, %dma_wait3A_196, %dma_wait3A_197] : memref<8x128x16xf32, #tpu.memory_space<vmem>> -> memref<1x128x16xf32, #tpu.memory_space<vmem>>
      %dma_wait3A_199 = tpu.memref_squeeze %dma_wait3A_198 : memref<1x128x16xf32, #tpu.memory_space<vmem>> -> memref<128x16xf32, #tpu.memory_space<vmem>>
      %dma_wait3A_200 = arith.constant 0 : i32
      %dma_wait3A_201 = tpu.memref_slice %arg10[%add3A_193, %dma_wait3A_200] : memref<120x128xi32, #tpu.memory_space<vmem>> -> memref<1x128xi32, #tpu.memory_space<vmem>>
      %dma_wait3A_202 = tpu.memref_squeeze %dma_wait3A_201 : memref<1x128xi32, #tpu.memory_space<vmem>> -> memref<128xi32, #tpu.memory_space<vmem>>
      %dma_wait3A_203 = arith.constant 0 : i32
      %dma_wait3A_204 = arith.constant 0 : i32
      %dma_wait3A_205 = tpu.memref_slice %arg2[%dma_wait3A_203, %dma_wait3A_204] : memref<10000x16xf32, #tpu.memory_space<hbm>> -> memref<10000x16xf32, #tpu.memory_space<hbm>>
      %dma_wait3A_206 = tpu.memref_slice %arg15[%dma_wait3A_195] : memref<8x!tpu.dma_semaphore, #tpu.memory_space<semaphore_mem>> -> memref<1x!tpu.dma_semaphore, #tpu.memory_space<semaphore_mem>>
      %dma_wait3A_207 = tpu.memref_squeeze %dma_wait3A_206 : memref<1x!tpu.dma_semaphore, #tpu.memory_space<semaphore_mem>> -> memref<!tpu.dma_semaphore, #tpu.memory_space<semaphore_mem>>
      tpu.wait_indirect_dma semaphore(%dma_wait3A_207 : memref<!tpu.dma_semaphore, #tpu.memory_space<semaphore_mem>>) src(%dma_wait3A_205 : memref<10000x16xf32, #tpu.memory_space<hbm>>) dst(%dma_wait3A_199 : memref<128x16xf32, #tpu.memory_space<vmem>>)
      %run_scoped3A_208 = arith.constant 1 : i32
      "tpu.region"() ({
        %run_scoped3A_353 = tpu.sem_alloc : memref<!tpu.dma_semaphore, #tpu.memory_space<semaphore_mem>>
        %dma_start3A_354 = arith.constant 0 : i32
        %dma_start3A_355 = arith.constant 0 : i32
        %dma_start3A_356 = tpu.memref_slice %arg12[%run_scoped3A_208, %dma_start3A_354, %dma_start3A_355] : memref<8x128x16xf32, #tpu.memory_space<vmem>> -> memref<1x128x16xf32, #tpu.memory_space<vmem>>
        %dma_start3A_357 = tpu.memref_squeeze %dma_start3A_356 : memref<1x128x16xf32, #tpu.memory_space<vmem>> -> memref<128x16xf32, #tpu.memory_space<vmem>>
        %dma_start3A_358 = arith.constant 0 : i32
        %dma_start3A_359 = tpu.memref_slice %arg11[%add3A_193, %dma_start3A_358] : memref<120x128xi32, #tpu.memory_space<vmem>> -> memref<1x128xi32, #tpu.memory_space<vmem>>
        %dma_start3A_360 = tpu.memref_squeeze %dma_start3A_359 : memref<1x128xi32, #tpu.memory_space<vmem>> -> memref<128xi32, #tpu.memory_space<vmem>>
        %dma_start3A_361 = arith.constant 0 : i32
        %dma_start3A_362 = arith.constant 0 : i32
        %dma_start3A_363 = tpu.memref_slice %arg14[%dma_start3A_361, %dma_start3A_362] : memref<10112x16xf32, #tpu.memory_space<vmem_shared>> -> memref<10112x16xf32, #tpu.memory_space<vmem_shared>>
        tpu.enqueue_indirect_dma source(%dma_start3A_357 : memref<128x16xf32, #tpu.memory_space<vmem>>) target(%dma_start3A_363 : memref<10112x16xf32, #tpu.memory_space<vmem_shared>>) offsets(%dma_start3A_360 : memref<128xi32, #tpu.memory_space<vmem>>) semaphore(%run_scoped3A_353 : memref<!tpu.dma_semaphore, #tpu.memory_space<semaphore_mem>>) {add = true}
        %dma_wait3A_364 = arith.constant 0 : i32
        %dma_wait3A_365 = arith.constant 0 : i32
        %dma_wait3A_366 = tpu.memref_slice %arg12[%run_scoped3A_208, %dma_wait3A_364, %dma_wait3A_365] : memref<8x128x16xf32, #tpu.memory_space<vmem>> -> memref<1x128x16xf32, #tpu.memory_space<vmem>>
        %dma_wait3A_367 = tpu.memref_squeeze %dma_wait3A_366 : memref<1x128x16xf32, #tpu.memory_space<vmem>> -> memref<128x16xf32, #tpu.memory_space<vmem>>
        %dma_wait3A_368 = arith.constant 0 : i32
        %dma_wait3A_369 = tpu.memref_slice %arg11[%add3A_193, %dma_wait3A_368] : memref<120x128xi32, #tpu.memory_space<vmem>> -> memref<1x128xi32, #tpu.memory_space<vmem>>
        %dma_wait3A_370 = tpu.memref_squeeze %dma_wait3A_369 : memref<1x128xi32, #tpu.memory_space<vmem>> -> memref<128xi32, #tpu.memory_space<vmem>>
        %dma_wait3A_371 = arith.constant 0 : i32
        %dma_wait3A_372 = arith.constant 0 : i32
        %dma_wait3A_373 = tpu.memref_slice %arg14[%dma_wait3A_371, %dma_wait3A_372] : memref<10112x16xf32, #tpu.memory_space<vmem_shared>> -> memref<10112x16xf32, #tpu.memory_space<vmem_shared>>
        tpu.wait_indirect_dma semaphore(%run_scoped3A_353 : memref<!tpu.dma_semaphore, #tpu.memory_space<semaphore_mem>>) src(%dma_wait3A_367 : memref<128x16xf32, #tpu.memory_space<vmem>>) dst(%dma_wait3A_373 : memref<10112x16xf32, #tpu.memory_space<vmem_shared>>)
        tpu.yield
      }) : () -> ()
      %add3A_209 = arith.constant 8 : i32
      %add3A_210 = arith.addi %add3A_193, %add3A_209 : i32
      %lt3A_211 = arith.cmpi slt, %add3A_210, %select_n3A : i32
      %convert_element_type3A_212 = arith.extui %lt3A_211 : i1 to i32
      %cond3A_213 = arith.constant 0 : i32
      %cond3A_214 = arith.cmpi ne, %convert_element_type3A_212, %cond3A_213 : i32
      scf.if %cond3A_214 {
        %add3A_353 = arith.constant 8 : i32
        %add3A_354 = arith.addi %add3A_193, %add3A_353 : i32
        %dma_start3A_355 = arith.constant 1 : i32
        %dma_start3A_356 = arith.constant 1 : i32
        %dma_start3A_357 = arith.constant 0 : i32
        %dma_start3A_358 = arith.constant 0 : i32
        %dma_start3A_359 = tpu.memref_slice %arg12[%dma_start3A_355, %dma_start3A_357, %dma_start3A_358] : memref<8x128x16xf32, #tpu.memory_space<vmem>> -> memref<1x128x16xf32, #tpu.memory_space<vmem>>
        %dma_start3A_360 = tpu.memref_squeeze %dma_start3A_359 : memref<1x128x16xf32, #tpu.memory_space<vmem>> -> memref<128x16xf32, #tpu.memory_space<vmem>>
        %dma_start3A_361 = arith.constant 0 : i32
        %dma_start3A_362 = tpu.memref_slice %arg10[%add3A_354, %dma_start3A_361] : memref<120x128xi32, #tpu.memory_space<vmem>> -> memref<1x128xi32, #tpu.memory_space<vmem>>
        %dma_start3A_363 = tpu.memref_squeeze %dma_start3A_362 : memref<1x128xi32, #tpu.memory_space<vmem>> -> memref<128xi32, #tpu.memory_space<vmem>>
        %dma_start3A_364 = arith.constant 0 : i32
        %dma_start3A_365 = arith.constant 0 : i32
        %dma_start3A_366 = tpu.memref_slice %arg2[%dma_start3A_364, %dma_start3A_365] : memref<10000x16xf32, #tpu.memory_space<hbm>> -> memref<10000x16xf32, #tpu.memory_space<hbm>>
        %dma_start3A_367 = tpu.memref_slice %arg15[%dma_start3A_356] : memref<8x!tpu.dma_semaphore, #tpu.memory_space<semaphore_mem>> -> memref<1x!tpu.dma_semaphore, #tpu.memory_space<semaphore_mem>>
        %dma_start3A_368 = tpu.memref_squeeze %dma_start3A_367 : memref<1x!tpu.dma_semaphore, #tpu.memory_space<semaphore_mem>> -> memref<!tpu.dma_semaphore, #tpu.memory_space<semaphore_mem>>
        tpu.enqueue_indirect_dma source(%dma_start3A_366 : memref<10000x16xf32, #tpu.memory_space<hbm>>) target(%dma_start3A_360 : memref<128x16xf32, #tpu.memory_space<vmem>>) offsets(%dma_start3A_363 : memref<128xi32, #tpu.memory_space<vmem>>) semaphore(%dma_start3A_368 : memref<!tpu.dma_semaphore, #tpu.memory_space<semaphore_mem>>)
      } else {
      }
      %add3A_215 = arith.constant 2 : i32
      %add3A_216 = arith.addi %mul3A_172, %add3A_215 : i32
      %dma_wait3A_217 = arith.constant 2 : i32
      %dma_wait3A_218 = arith.constant 2 : i32
      %dma_wait3A_219 = arith.constant 0 : i32
      %dma_wait3A_220 = arith.constant 0 : i32
      %dma_wait3A_221 = tpu.memref_slice %arg12[%dma_wait3A_217, %dma_wait3A_219, %dma_wait3A_220] : memref<8x128x16xf32, #tpu.memory_space<vmem>> -> memref<1x128x16xf32, #tpu.memory_space<vmem>>
      %dma_wait3A_222 = tpu.memref_squeeze %dma_wait3A_221 : memref<1x128x16xf32, #tpu.memory_space<vmem>> -> memref<128x16xf32, #tpu.memory_space<vmem>>
      %dma_wait3A_223 = arith.constant 0 : i32
      %dma_wait3A_224 = tpu.memref_slice %arg10[%add3A_216, %dma_wait3A_223] : memref<120x128xi32, #tpu.memory_space<vmem>> -> memref<1x128xi32, #tpu.memory_space<vmem>>
      %dma_wait3A_225 = tpu.memref_squeeze %dma_wait3A_224 : memref<1x128xi32, #tpu.memory_space<vmem>> -> memref<128xi32, #tpu.memory_space<vmem>>
      %dma_wait3A_226 = arith.constant 0 : i32
      %dma_wait3A_227 = arith.constant 0 : i32
      %dma_wait3A_228 = tpu.memref_slice %arg2[%dma_wait3A_226, %dma_wait3A_227] : memref<10000x16xf32, #tpu.memory_space<hbm>> -> memref<10000x16xf32, #tpu.memory_space<hbm>>
      %dma_wait3A_229 = tpu.memref_slice %arg15[%dma_wait3A_218] : memref<8x!tpu.dma_semaphore, #tpu.memory_space<semaphore_mem>> -> memref<1x!tpu.dma_semaphore, #tpu.memory_space<semaphore_mem>>
      %dma_wait3A_230 = tpu.memref_squeeze %dma_wait3A_229 : memref<1x!tpu.dma_semaphore, #tpu.memory_space<semaphore_mem>> -> memref<!tpu.dma_semaphore, #tpu.memory_space<semaphore_mem>>
      tpu.wait_indirect_dma semaphore(%dma_wait3A_230 : memref<!tpu.dma_semaphore, #tpu.memory_space<semaphore_mem>>) src(%dma_wait3A_228 : memref<10000x16xf32, #tpu.memory_space<hbm>>) dst(%dma_wait3A_222 : memref<128x16xf32, #tpu.memory_space<vmem>>)
      %run_scoped3A_231 = arith.constant 2 : i32
      "tpu.region"() ({
        %run_scoped3A_353 = tpu.sem_alloc : memref<!tpu.dma_semaphore, #tpu.memory_space<semaphore_mem>>
        %dma_start3A_354 = arith.constant 0 : i32
        %dma_start3A_355 = arith.constant 0 : i32
        %dma_start3A_356 = tpu.memref_slice %arg12[%run_scoped3A_231, %dma_start3A_354, %dma_start3A_355] : memref<8x128x16xf32, #tpu.memory_space<vmem>> -> memref<1x128x16xf32, #tpu.memory_space<vmem>>
        %dma_start3A_357 = tpu.memref_squeeze %dma_start3A_356 : memref<1x128x16xf32, #tpu.memory_space<vmem>> -> memref<128x16xf32, #tpu.memory_space<vmem>>
        %dma_start3A_358 = arith.constant 0 : i32
        %dma_start3A_359 = tpu.memref_slice %arg11[%add3A_216, %dma_start3A_358] : memref<120x128xi32, #tpu.memory_space<vmem>> -> memref<1x128xi32, #tpu.memory_space<vmem>>
        %dma_start3A_360 = tpu.memref_squeeze %dma_start3A_359 : memref<1x128xi32, #tpu.memory_space<vmem>> -> memref<128xi32, #tpu.memory_space<vmem>>
        %dma_start3A_361 = arith.constant 0 : i32
        %dma_start3A_362 = arith.constant 0 : i32
        %dma_start3A_363 = tpu.memref_slice %arg14[%dma_start3A_361, %dma_start3A_362] : memref<10112x16xf32, #tpu.memory_space<vmem_shared>> -> memref<10112x16xf32, #tpu.memory_space<vmem_shared>>
        tpu.enqueue_indirect_dma source(%dma_start3A_357 : memref<128x16xf32, #tpu.memory_space<vmem>>) target(%dma_start3A_363 : memref<10112x16xf32, #tpu.memory_space<vmem_shared>>) offsets(%dma_start3A_360 : memref<128xi32, #tpu.memory_space<vmem>>) semaphore(%run_scoped3A_353 : memref<!tpu.dma_semaphore, #tpu.memory_space<semaphore_mem>>) {add = true}
        %dma_wait3A_364 = arith.constant 0 : i32
        %dma_wait3A_365 = arith.constant 0 : i32
        %dma_wait3A_366 = tpu.memref_slice %arg12[%run_scoped3A_231, %dma_wait3A_364, %dma_wait3A_365] : memref<8x128x16xf32, #tpu.memory_space<vmem>> -> memref<1x128x16xf32, #tpu.memory_space<vmem>>
        %dma_wait3A_367 = tpu.memref_squeeze %dma_wait3A_366 : memref<1x128x16xf32, #tpu.memory_space<vmem>> -> memref<128x16xf32, #tpu.memory_space<vmem>>
        %dma_wait3A_368 = arith.constant 0 : i32
        %dma_wait3A_369 = tpu.memref_slice %arg11[%add3A_216, %dma_wait3A_368] : memref<120x128xi32, #tpu.memory_space<vmem>> -> memref<1x128xi32, #tpu.memory_space<vmem>>
        %dma_wait3A_370 = tpu.memref_squeeze %dma_wait3A_369 : memref<1x128xi32, #tpu.memory_space<vmem>> -> memref<128xi32, #tpu.memory_space<vmem>>
        %dma_wait3A_371 = arith.constant 0 : i32
        %dma_wait3A_372 = arith.constant 0 : i32
        %dma_wait3A_373 = tpu.memref_slice %arg14[%dma_wait3A_371, %dma_wait3A_372] : memref<10112x16xf32, #tpu.memory_space<vmem_shared>> -> memref<10112x16xf32, #tpu.memory_space<vmem_shared>>
        tpu.wait_indirect_dma semaphore(%run_scoped3A_353 : memref<!tpu.dma_semaphore, #tpu.memory_space<semaphore_mem>>) src(%dma_wait3A_367 : memref<128x16xf32, #tpu.memory_space<vmem>>) dst(%dma_wait3A_373 : memref<10112x16xf32, #tpu.memory_space<vmem_shared>>)
        tpu.yield
      }) : () -> ()
      %add3A_232 = arith.constant 8 : i32
      %add3A_233 = arith.addi %add3A_216, %add3A_232 : i32
      %lt3A_234 = arith.cmpi slt, %add3A_233, %select_n3A : i32
      %convert_element_type3A_235 = arith.extui %lt3A_234 : i1 to i32
      %cond3A_236 = arith.constant 0 : i32
      %cond3A_237 = arith.cmpi ne, %convert_element_type3A_235, %cond3A_236 : i32
      scf.if %cond3A_237 {
        %add3A_353 = arith.constant 8 : i32
        %add3A_354 = arith.addi %add3A_216, %add3A_353 : i32
        %dma_start3A_355 = arith.constant 2 : i32
        %dma_start3A_356 = arith.constant 2 : i32
        %dma_start3A_357 = arith.constant 0 : i32
        %dma_start3A_358 = arith.constant 0 : i32
        %dma_start3A_359 = tpu.memref_slice %arg12[%dma_start3A_355, %dma_start3A_357, %dma_start3A_358] : memref<8x128x16xf32, #tpu.memory_space<vmem>> -> memref<1x128x16xf32, #tpu.memory_space<vmem>>
        %dma_start3A_360 = tpu.memref_squeeze %dma_start3A_359 : memref<1x128x16xf32, #tpu.memory_space<vmem>> -> memref<128x16xf32, #tpu.memory_space<vmem>>
        %dma_start3A_361 = arith.constant 0 : i32
        %dma_start3A_362 = tpu.memref_slice %arg10[%add3A_354, %dma_start3A_361] : memref<120x128xi32, #tpu.memory_space<vmem>> -> memref<1x128xi32, #tpu.memory_space<vmem>>
        %dma_start3A_363 = tpu.memref_squeeze %dma_start3A_362 : memref<1x128xi32, #tpu.memory_space<vmem>> -> memref<128xi32, #tpu.memory_space<vmem>>
        %dma_start3A_364 = arith.constant 0 : i32
        %dma_start3A_365 = arith.constant 0 : i32
        %dma_start3A_366 = tpu.memref_slice %arg2[%dma_start3A_364, %dma_start3A_365] : memref<10000x16xf32, #tpu.memory_space<hbm>> -> memref<10000x16xf32, #tpu.memory_space<hbm>>
        %dma_start3A_367 = tpu.memref_slice %arg15[%dma_start3A_356] : memref<8x!tpu.dma_semaphore, #tpu.memory_space<semaphore_mem>> -> memref<1x!tpu.dma_semaphore, #tpu.memory_space<semaphore_mem>>
        %dma_start3A_368 = tpu.memref_squeeze %dma_start3A_367 : memref<1x!tpu.dma_semaphore, #tpu.memory_space<semaphore_mem>> -> memref<!tpu.dma_semaphore, #tpu.memory_space<semaphore_mem>>
        tpu.enqueue_indirect_dma source(%dma_start3A_366 : memref<10000x16xf32, #tpu.memory_space<hbm>>) target(%dma_start3A_360 : memref<128x16xf32, #tpu.memory_space<vmem>>) offsets(%dma_start3A_363 : memref<128xi32, #tpu.memory_space<vmem>>) semaphore(%dma_start3A_368 : memref<!tpu.dma_semaphore, #tpu.memory_space<semaphore_mem>>)
      } else {
      }
      %add3A_238 = arith.constant 3 : i32
      %add3A_239 = arith.addi %mul3A_172, %add3A_238 : i32
      %dma_wait3A_240 = arith.constant 3 : i32
      %dma_wait3A_241 = arith.constant 3 : i32
      %dma_wait3A_242 = arith.constant 0 : i32
      %dma_wait3A_243 = arith.constant 0 : i32
      %dma_wait3A_244 = tpu.memref_slice %arg12[%dma_wait3A_240, %dma_wait3A_242, %dma_wait3A_243] : memref<8x128x16xf32, #tpu.memory_space<vmem>> -> memref<1x128x16xf32, #tpu.memory_space<vmem>>
      %dma_wait3A_245 = tpu.memref_squeeze %dma_wait3A_244 : memref<1x128x16xf32, #tpu.memory_space<vmem>> -> memref<128x16xf32, #tpu.memory_space<vmem>>
      %dma_wait3A_246 = arith.constant 0 : i32
      %dma_wait3A_247 = tpu.memref_slice %arg10[%add3A_239, %dma_wait3A_246] : memref<120x128xi32, #tpu.memory_space<vmem>> -> memref<1x128xi32, #tpu.memory_space<vmem>>
      %dma_wait3A_248 = tpu.memref_squeeze %dma_wait3A_247 : memref<1x128xi32, #tpu.memory_space<vmem>> -> memref<128xi32, #tpu.memory_space<vmem>>
      %dma_wait3A_249 = arith.constant 0 : i32
      %dma_wait3A_250 = arith.constant 0 : i32
      %dma_wait3A_251 = tpu.memref_slice %arg2[%dma_wait3A_249, %dma_wait3A_250] : memref<10000x16xf32, #tpu.memory_space<hbm>> -> memref<10000x16xf32, #tpu.memory_space<hbm>>
      %dma_wait3A_252 = tpu.memref_slice %arg15[%dma_wait3A_241] : memref<8x!tpu.dma_semaphore, #tpu.memory_space<semaphore_mem>> -> memref<1x!tpu.dma_semaphore, #tpu.memory_space<semaphore_mem>>
      %dma_wait3A_253 = tpu.memref_squeeze %dma_wait3A_252 : memref<1x!tpu.dma_semaphore, #tpu.memory_space<semaphore_mem>> -> memref<!tpu.dma_semaphore, #tpu.memory_space<semaphore_mem>>
      tpu.wait_indirect_dma semaphore(%dma_wait3A_253 : memref<!tpu.dma_semaphore, #tpu.memory_space<semaphore_mem>>) src(%dma_wait3A_251 : memref<10000x16xf32, #tpu.memory_space<hbm>>) dst(%dma_wait3A_245 : memref<128x16xf32, #tpu.memory_space<vmem>>)
      %run_scoped3A_254 = arith.constant 3 : i32
      "tpu.region"() ({
        %run_scoped3A_353 = tpu.sem_alloc : memref<!tpu.dma_semaphore, #tpu.memory_space<semaphore_mem>>
        %dma_start3A_354 = arith.constant 0 : i32
        %dma_start3A_355 = arith.constant 0 : i32
        %dma_start3A_356 = tpu.memref_slice %arg12[%run_scoped3A_254, %dma_start3A_354, %dma_start3A_355] : memref<8x128x16xf32, #tpu.memory_space<vmem>> -> memref<1x128x16xf32, #tpu.memory_space<vmem>>
        %dma_start3A_357 = tpu.memref_squeeze %dma_start3A_356 : memref<1x128x16xf32, #tpu.memory_space<vmem>> -> memref<128x16xf32, #tpu.memory_space<vmem>>
        %dma_start3A_358 = arith.constant 0 : i32
        %dma_start3A_359 = tpu.memref_slice %arg11[%add3A_239, %dma_start3A_358] : memref<120x128xi32, #tpu.memory_space<vmem>> -> memref<1x128xi32, #tpu.memory_space<vmem>>
        %dma_start3A_360 = tpu.memref_squeeze %dma_start3A_359 : memref<1x128xi32, #tpu.memory_space<vmem>> -> memref<128xi32, #tpu.memory_space<vmem>>
        %dma_start3A_361 = arith.constant 0 : i32
        %dma_start3A_362 = arith.constant 0 : i32
        %dma_start3A_363 = tpu.memref_slice %arg14[%dma_start3A_361, %dma_start3A_362] : memref<10112x16xf32, #tpu.memory_space<vmem_shared>> -> memref<10112x16xf32, #tpu.memory_space<vmem_shared>>
        tpu.enqueue_indirect_dma source(%dma_start3A_357 : memref<128x16xf32, #tpu.memory_space<vmem>>) target(%dma_start3A_363 : memref<10112x16xf32, #tpu.memory_space<vmem_shared>>) offsets(%dma_start3A_360 : memref<128xi32, #tpu.memory_space<vmem>>) semaphore(%run_scoped3A_353 : memref<!tpu.dma_semaphore, #tpu.memory_space<semaphore_mem>>) {add = true}
        %dma_wait3A_364 = arith.constant 0 : i32
        %dma_wait3A_365 = arith.constant 0 : i32
        %dma_wait3A_366 = tpu.memref_slice %arg12[%run_scoped3A_254, %dma_wait3A_364, %dma_wait3A_365] : memref<8x128x16xf32, #tpu.memory_space<vmem>> -> memref<1x128x16xf32, #tpu.memory_space<vmem>>
        %dma_wait3A_367 = tpu.memref_squeeze %dma_wait3A_366 : memref<1x128x16xf32, #tpu.memory_space<vmem>> -> memref<128x16xf32, #tpu.memory_space<vmem>>
        %dma_wait3A_368 = arith.constant 0 : i32
        %dma_wait3A_369 = tpu.memref_slice %arg11[%add3A_239, %dma_wait3A_368] : memref<120x128xi32, #tpu.memory_space<vmem>> -> memref<1x128xi32, #tpu.memory_space<vmem>>
        %dma_wait3A_370 = tpu.memref_squeeze %dma_wait3A_369 : memref<1x128xi32, #tpu.memory_space<vmem>> -> memref<128xi32, #tpu.memory_space<vmem>>
        %dma_wait3A_371 = arith.constant 0 : i32
        %dma_wait3A_372 = arith.constant 0 : i32
        %dma_wait3A_373 = tpu.memref_slice %arg14[%dma_wait3A_371, %dma_wait3A_372] : memref<10112x16xf32, #tpu.memory_space<vmem_shared>> -> memref<10112x16xf32, #tpu.memory_space<vmem_shared>>
        tpu.wait_indirect_dma semaphore(%run_scoped3A_353 : memref<!tpu.dma_semaphore, #tpu.memory_space<semaphore_mem>>) src(%dma_wait3A_367 : memref<128x16xf32, #tpu.memory_space<vmem>>) dst(%dma_wait3A_373 : memref<10112x16xf32, #tpu.memory_space<vmem_shared>>)
        tpu.yield
      }) : () -> ()
      %add3A_255 = arith.constant 8 : i32
      %add3A_256 = arith.addi %add3A_239, %add3A_255 : i32
      %lt3A_257 = arith.cmpi slt, %add3A_256, %select_n3A : i32
      %convert_element_type3A_258 = arith.extui %lt3A_257 : i1 to i32
      %cond3A_259 = arith.constant 0 : i32
      %cond3A_260 = arith.cmpi ne, %convert_element_type3A_258, %cond3A_259 : i32
      scf.if %cond3A_260 {
        %add3A_353 = arith.constant 8 : i32
        %add3A_354 = arith.addi %add3A_239, %add3A_353 : i32
        %dma_start3A_355 = arith.constant 3 : i32
        %dma_start3A_356 = arith.constant 3 : i32
        %dma_start3A_357 = arith.constant 0 : i32
        %dma_start3A_358 = arith.constant 0 : i32
        %dma_start3A_359 = tpu.memref_slice %arg12[%dma_start3A_355, %dma_start3A_357, %dma_start3A_358] : memref<8x128x16xf32, #tpu.memory_space<vmem>> -> memref<1x128x16xf32, #tpu.memory_space<vmem>>
        %dma_start3A_360 = tpu.memref_squeeze %dma_start3A_359 : memref<1x128x16xf32, #tpu.memory_space<vmem>> -> memref<128x16xf32, #tpu.memory_space<vmem>>
        %dma_start3A_361 = arith.constant 0 : i32
        %dma_start3A_362 = tpu.memref_slice %arg10[%add3A_354, %dma_start3A_361] : memref<120x128xi32, #tpu.memory_space<vmem>> -> memref<1x128xi32, #tpu.memory_space<vmem>>
        %dma_start3A_363 = tpu.memref_squeeze %dma_start3A_362 : memref<1x128xi32, #tpu.memory_space<vmem>> -> memref<128xi32, #tpu.memory_space<vmem>>
        %dma_start3A_364 = arith.constant 0 : i32
        %dma_start3A_365 = arith.constant 0 : i32
        %dma_start3A_366 = tpu.memref_slice %arg2[%dma_start3A_364, %dma_start3A_365] : memref<10000x16xf32, #tpu.memory_space<hbm>> -> memref<10000x16xf32, #tpu.memory_space<hbm>>
        %dma_start3A_367 = tpu.memref_slice %arg15[%dma_start3A_356] : memref<8x!tpu.dma_semaphore, #tpu.memory_space<semaphore_mem>> -> memref<1x!tpu.dma_semaphore, #tpu.memory_space<semaphore_mem>>
        %dma_start3A_368 = tpu.memref_squeeze %dma_start3A_367 : memref<1x!tpu.dma_semaphore, #tpu.memory_space<semaphore_mem>> -> memref<!tpu.dma_semaphore, #tpu.memory_space<semaphore_mem>>
        tpu.enqueue_indirect_dma source(%dma_start3A_366 : memref<10000x16xf32, #tpu.memory_space<hbm>>) target(%dma_start3A_360 : memref<128x16xf32, #tpu.memory_space<vmem>>) offsets(%dma_start3A_363 : memref<128xi32, #tpu.memory_space<vmem>>) semaphore(%dma_start3A_368 : memref<!tpu.dma_semaphore, #tpu.memory_space<semaphore_mem>>)
      } else {
      }
      %add3A_261 = arith.constant 4 : i32
      %add3A_262 = arith.addi %mul3A_172, %add3A_261 : i32
      %dma_wait3A_263 = arith.constant 4 : i32
      %dma_wait3A_264 = arith.constant 4 : i32
      %dma_wait3A_265 = arith.constant 0 : i32
      %dma_wait3A_266 = arith.constant 0 : i32
      %dma_wait3A_267 = tpu.memref_slice %arg12[%dma_wait3A_263, %dma_wait3A_265, %dma_wait3A_266] : memref<8x128x16xf32, #tpu.memory_space<vmem>> -> memref<1x128x16xf32, #tpu.memory_space<vmem>>
      %dma_wait3A_268 = tpu.memref_squeeze %dma_wait3A_267 : memref<1x128x16xf32, #tpu.memory_space<vmem>> -> memref<128x16xf32, #tpu.memory_space<vmem>>
      %dma_wait3A_269 = arith.constant 0 : i32
      %dma_wait3A_270 = tpu.memref_slice %arg10[%add3A_262, %dma_wait3A_269] : memref<120x128xi32, #tpu.memory_space<vmem>> -> memref<1x128xi32, #tpu.memory_space<vmem>>
      %dma_wait3A_271 = tpu.memref_squeeze %dma_wait3A_270 : memref<1x128xi32, #tpu.memory_space<vmem>> -> memref<128xi32, #tpu.memory_space<vmem>>
      %dma_wait3A_272 = arith.constant 0 : i32
      %dma_wait3A_273 = arith.constant 0 : i32
      %dma_wait3A_274 = tpu.memref_slice %arg2[%dma_wait3A_272, %dma_wait3A_273] : memref<10000x16xf32, #tpu.memory_space<hbm>> -> memref<10000x16xf32, #tpu.memory_space<hbm>>
      %dma_wait3A_275 = tpu.memref_slice %arg15[%dma_wait3A_264] : memref<8x!tpu.dma_semaphore, #tpu.memory_space<semaphore_mem>> -> memref<1x!tpu.dma_semaphore, #tpu.memory_space<semaphore_mem>>
      %dma_wait3A_276 = tpu.memref_squeeze %dma_wait3A_275 : memref<1x!tpu.dma_semaphore, #tpu.memory_space<semaphore_mem>> -> memref<!tpu.dma_semaphore, #tpu.memory_space<semaphore_mem>>
      tpu.wait_indirect_dma semaphore(%dma_wait3A_276 : memref<!tpu.dma_semaphore, #tpu.memory_space<semaphore_mem>>) src(%dma_wait3A_274 : memref<10000x16xf32, #tpu.memory_space<hbm>>) dst(%dma_wait3A_268 : memref<128x16xf32, #tpu.memory_space<vmem>>)
      %run_scoped3A_277 = arith.constant 4 : i32
      "tpu.region"() ({
        %run_scoped3A_353 = tpu.sem_alloc : memref<!tpu.dma_semaphore, #tpu.memory_space<semaphore_mem>>
        %dma_start3A_354 = arith.constant 0 : i32
        %dma_start3A_355 = arith.constant 0 : i32
        %dma_start3A_356 = tpu.memref_slice %arg12[%run_scoped3A_277, %dma_start3A_354, %dma_start3A_355] : memref<8x128x16xf32, #tpu.memory_space<vmem>> -> memref<1x128x16xf32, #tpu.memory_space<vmem>>
        %dma_start3A_357 = tpu.memref_squeeze %dma_start3A_356 : memref<1x128x16xf32, #tpu.memory_space<vmem>> -> memref<128x16xf32, #tpu.memory_space<vmem>>
        %dma_start3A_358 = arith.constant 0 : i32
        %dma_start3A_359 = tpu.memref_slice %arg11[%add3A_262, %dma_start3A_358] : memref<120x128xi32, #tpu.memory_space<vmem>> -> memref<1x128xi32, #tpu.memory_space<vmem>>
        %dma_start3A_360 = tpu.memref_squeeze %dma_start3A_359 : memref<1x128xi32, #tpu.memory_space<vmem>> -> memref<128xi32, #tpu.memory_space<vmem>>
        %dma_start3A_361 = arith.constant 0 : i32
        %dma_start3A_362 = arith.constant 0 : i32
        %dma_start3A_363 = tpu.memref_slice %arg14[%dma_start3A_361, %dma_start3A_362] : memref<10112x16xf32, #tpu.memory_space<vmem_shared>> -> memref<10112x16xf32, #tpu.memory_space<vmem_shared>>
        tpu.enqueue_indirect_dma source(%dma_start3A_357 : memref<128x16xf32, #tpu.memory_space<vmem>>) target(%dma_start3A_363 : memref<10112x16xf32, #tpu.memory_space<vmem_shared>>) offsets(%dma_start3A_360 : memref<128xi32, #tpu.memory_space<vmem>>) semaphore(%run_scoped3A_353 : memref<!tpu.dma_semaphore, #tpu.memory_space<semaphore_mem>>) {add = true}
        %dma_wait3A_364 = arith.constant 0 : i32
        %dma_wait3A_365 = arith.constant 0 : i32
        %dma_wait3A_366 = tpu.memref_slice %arg12[%run_scoped3A_277, %dma_wait3A_364, %dma_wait3A_365] : memref<8x128x16xf32, #tpu.memory_space<vmem>> -> memref<1x128x16xf32, #tpu.memory_space<vmem>>
        %dma_wait3A_367 = tpu.memref_squeeze %dma_wait3A_366 : memref<1x128x16xf32, #tpu.memory_space<vmem>> -> memref<128x16xf32, #tpu.memory_space<vmem>>
        %dma_wait3A_368 = arith.constant 0 : i32
        %dma_wait3A_369 = tpu.memref_slice %arg11[%add3A_262, %dma_wait3A_368] : memref<120x128xi32, #tpu.memory_space<vmem>> -> memref<1x128xi32, #tpu.memory_space<vmem>>
        %dma_wait3A_370 = tpu.memref_squeeze %dma_wait3A_369 : memref<1x128xi32, #tpu.memory_space<vmem>> -> memref<128xi32, #tpu.memory_space<vmem>>
        %dma_wait3A_371 = arith.constant 0 : i32
        %dma_wait3A_372 = arith.constant 0 : i32
        %dma_wait3A_373 = tpu.memref_slice %arg14[%dma_wait3A_371, %dma_wait3A_372] : memref<10112x16xf32, #tpu.memory_space<vmem_shared>> -> memref<10112x16xf32, #tpu.memory_space<vmem_shared>>
        tpu.wait_indirect_dma semaphore(%run_scoped3A_353 : memref<!tpu.dma_semaphore, #tpu.memory_space<semaphore_mem>>) src(%dma_wait3A_367 : memref<128x16xf32, #tpu.memory_space<vmem>>) dst(%dma_wait3A_373 : memref<10112x16xf32, #tpu.memory_space<vmem_shared>>)
        tpu.yield
      }) : () -> ()
      %add3A_278 = arith.constant 8 : i32
      %add3A_279 = arith.addi %add3A_262, %add3A_278 : i32
      %lt3A_280 = arith.cmpi slt, %add3A_279, %select_n3A : i32
      %convert_element_type3A_281 = arith.extui %lt3A_280 : i1 to i32
      %cond3A_282 = arith.constant 0 : i32
      %cond3A_283 = arith.cmpi ne, %convert_element_type3A_281, %cond3A_282 : i32
      scf.if %cond3A_283 {
        %add3A_353 = arith.constant 8 : i32
        %add3A_354 = arith.addi %add3A_262, %add3A_353 : i32
        %dma_start3A_355 = arith.constant 4 : i32
        %dma_start3A_356 = arith.constant 4 : i32
        %dma_start3A_357 = arith.constant 0 : i32
        %dma_start3A_358 = arith.constant 0 : i32
        %dma_start3A_359 = tpu.memref_slice %arg12[%dma_start3A_355, %dma_start3A_357, %dma_start3A_358] : memref<8x128x16xf32, #tpu.memory_space<vmem>> -> memref<1x128x16xf32, #tpu.memory_space<vmem>>
        %dma_start3A_360 = tpu.memref_squeeze %dma_start3A_359 : memref<1x128x16xf32, #tpu.memory_space<vmem>> -> memref<128x16xf32, #tpu.memory_space<vmem>>
        %dma_start3A_361 = arith.constant 0 : i32
        %dma_start3A_362 = tpu.memref_slice %arg10[%add3A_354, %dma_start3A_361] : memref<120x128xi32, #tpu.memory_space<vmem>> -> memref<1x128xi32, #tpu.memory_space<vmem>>
        %dma_start3A_363 = tpu.memref_squeeze %dma_start3A_362 : memref<1x128xi32, #tpu.memory_space<vmem>> -> memref<128xi32, #tpu.memory_space<vmem>>
        %dma_start3A_364 = arith.constant 0 : i32
        %dma_start3A_365 = arith.constant 0 : i32
        %dma_start3A_366 = tpu.memref_slice %arg2[%dma_start3A_364, %dma_start3A_365] : memref<10000x16xf32, #tpu.memory_space<hbm>> -> memref<10000x16xf32, #tpu.memory_space<hbm>>
        %dma_start3A_367 = tpu.memref_slice %arg15[%dma_start3A_356] : memref<8x!tpu.dma_semaphore, #tpu.memory_space<semaphore_mem>> -> memref<1x!tpu.dma_semaphore, #tpu.memory_space<semaphore_mem>>
        %dma_start3A_368 = tpu.memref_squeeze %dma_start3A_367 : memref<1x!tpu.dma_semaphore, #tpu.memory_space<semaphore_mem>> -> memref<!tpu.dma_semaphore, #tpu.memory_space<semaphore_mem>>
        tpu.enqueue_indirect_dma source(%dma_start3A_366 : memref<10000x16xf32, #tpu.memory_space<hbm>>) target(%dma_start3A_360 : memref<128x16xf32, #tpu.memory_space<vmem>>) offsets(%dma_start3A_363 : memref<128xi32, #tpu.memory_space<vmem>>) semaphore(%dma_start3A_368 : memref<!tpu.dma_semaphore, #tpu.memory_space<semaphore_mem>>)
      } else {
      }
      %add3A_284 = arith.constant 5 : i32
      %add3A_285 = arith.addi %mul3A_172, %add3A_284 : i32
      %dma_wait3A_286 = arith.constant 5 : i32
      %dma_wait3A_287 = arith.constant 5 : i32
      %dma_wait3A_288 = arith.constant 0 : i32
      %dma_wait3A_289 = arith.constant 0 : i32
      %dma_wait3A_290 = tpu.memref_slice %arg12[%dma_wait3A_286, %dma_wait3A_288, %dma_wait3A_289] : memref<8x128x16xf32, #tpu.memory_space<vmem>> -> memref<1x128x16xf32, #tpu.memory_space<vmem>>
      %dma_wait3A_291 = tpu.memref_squeeze %dma_wait3A_290 : memref<1x128x16xf32, #tpu.memory_space<vmem>> -> memref<128x16xf32, #tpu.memory_space<vmem>>
      %dma_wait3A_292 = arith.constant 0 : i32
      %dma_wait3A_293 = tpu.memref_slice %arg10[%add3A_285, %dma_wait3A_292] : memref<120x128xi32, #tpu.memory_space<vmem>> -> memref<1x128xi32, #tpu.memory_space<vmem>>
      %dma_wait3A_294 = tpu.memref_squeeze %dma_wait3A_293 : memref<1x128xi32, #tpu.memory_space<vmem>> -> memref<128xi32, #tpu.memory_space<vmem>>
      %dma_wait3A_295 = arith.constant 0 : i32
      %dma_wait3A_296 = arith.constant 0 : i32
      %dma_wait3A_297 = tpu.memref_slice %arg2[%dma_wait3A_295, %dma_wait3A_296] : memref<10000x16xf32, #tpu.memory_space<hbm>> -> memref<10000x16xf32, #tpu.memory_space<hbm>>
      %dma_wait3A_298 = tpu.memref_slice %arg15[%dma_wait3A_287] : memref<8x!tpu.dma_semaphore, #tpu.memory_space<semaphore_mem>> -> memref<1x!tpu.dma_semaphore, #tpu.memory_space<semaphore_mem>>
      %dma_wait3A_299 = tpu.memref_squeeze %dma_wait3A_298 : memref<1x!tpu.dma_semaphore, #tpu.memory_space<semaphore_mem>> -> memref<!tpu.dma_semaphore, #tpu.memory_space<semaphore_mem>>
      tpu.wait_indirect_dma semaphore(%dma_wait3A_299 : memref<!tpu.dma_semaphore, #tpu.memory_space<semaphore_mem>>) src(%dma_wait3A_297 : memref<10000x16xf32, #tpu.memory_space<hbm>>) dst(%dma_wait3A_291 : memref<128x16xf32, #tpu.memory_space<vmem>>)
      %run_scoped3A_300 = arith.constant 5 : i32
      "tpu.region"() ({
        %run_scoped3A_353 = tpu.sem_alloc : memref<!tpu.dma_semaphore, #tpu.memory_space<semaphore_mem>>
        %dma_start3A_354 = arith.constant 0 : i32
        %dma_start3A_355 = arith.constant 0 : i32
        %dma_start3A_356 = tpu.memref_slice %arg12[%run_scoped3A_300, %dma_start3A_354, %dma_start3A_355] : memref<8x128x16xf32, #tpu.memory_space<vmem>> -> memref<1x128x16xf32, #tpu.memory_space<vmem>>
        %dma_start3A_357 = tpu.memref_squeeze %dma_start3A_356 : memref<1x128x16xf32, #tpu.memory_space<vmem>> -> memref<128x16xf32, #tpu.memory_space<vmem>>
        %dma_start3A_358 = arith.constant 0 : i32
        %dma_start3A_359 = tpu.memref_slice %arg11[%add3A_285, %dma_start3A_358] : memref<120x128xi32, #tpu.memory_space<vmem>> -> memref<1x128xi32, #tpu.memory_space<vmem>>
        %dma_start3A_360 = tpu.memref_squeeze %dma_start3A_359 : memref<1x128xi32, #tpu.memory_space<vmem>> -> memref<128xi32, #tpu.memory_space<vmem>>
        %dma_start3A_361 = arith.constant 0 : i32
        %dma_start3A_362 = arith.constant 0 : i32
        %dma_start3A_363 = tpu.memref_slice %arg14[%dma_start3A_361, %dma_start3A_362] : memref<10112x16xf32, #tpu.memory_space<vmem_shared>> -> memref<10112x16xf32, #tpu.memory_space<vmem_shared>>
        tpu.enqueue_indirect_dma source(%dma_start3A_357 : memref<128x16xf32, #tpu.memory_space<vmem>>) target(%dma_start3A_363 : memref<10112x16xf32, #tpu.memory_space<vmem_shared>>) offsets(%dma_start3A_360 : memref<128xi32, #tpu.memory_space<vmem>>) semaphore(%run_scoped3A_353 : memref<!tpu.dma_semaphore, #tpu.memory_space<semaphore_mem>>) {add = true}
        %dma_wait3A_364 = arith.constant 0 : i32
        %dma_wait3A_365 = arith.constant 0 : i32
        %dma_wait3A_366 = tpu.memref_slice %arg12[%run_scoped3A_300, %dma_wait3A_364, %dma_wait3A_365] : memref<8x128x16xf32, #tpu.memory_space<vmem>> -> memref<1x128x16xf32, #tpu.memory_space<vmem>>
        %dma_wait3A_367 = tpu.memref_squeeze %dma_wait3A_366 : memref<1x128x16xf32, #tpu.memory_space<vmem>> -> memref<128x16xf32, #tpu.memory_space<vmem>>
        %dma_wait3A_368 = arith.constant 0 : i32
        %dma_wait3A_369 = tpu.memref_slice %arg11[%add3A_285, %dma_wait3A_368] : memref<120x128xi32, #tpu.memory_space<vmem>> -> memref<1x128xi32, #tpu.memory_space<vmem>>
        %dma_wait3A_370 = tpu.memref_squeeze %dma_wait3A_369 : memref<1x128xi32, #tpu.memory_space<vmem>> -> memref<128xi32, #tpu.memory_space<vmem>>
        %dma_wait3A_371 = arith.constant 0 : i32
        %dma_wait3A_372 = arith.constant 0 : i32
        %dma_wait3A_373 = tpu.memref_slice %arg14[%dma_wait3A_371, %dma_wait3A_372] : memref<10112x16xf32, #tpu.memory_space<vmem_shared>> -> memref<10112x16xf32, #tpu.memory_space<vmem_shared>>
        tpu.wait_indirect_dma semaphore(%run_scoped3A_353 : memref<!tpu.dma_semaphore, #tpu.memory_space<semaphore_mem>>) src(%dma_wait3A_367 : memref<128x16xf32, #tpu.memory_space<vmem>>) dst(%dma_wait3A_373 : memref<10112x16xf32, #tpu.memory_space<vmem_shared>>)
        tpu.yield
      }) : () -> ()
      %add3A_301 = arith.constant 8 : i32
      %add3A_302 = arith.addi %add3A_285, %add3A_301 : i32
      %lt3A_303 = arith.cmpi slt, %add3A_302, %select_n3A : i32
      %convert_element_type3A_304 = arith.extui %lt3A_303 : i1 to i32
      %cond3A_305 = arith.constant 0 : i32
      %cond3A_306 = arith.cmpi ne, %convert_element_type3A_304, %cond3A_305 : i32
      scf.if %cond3A_306 {
        %add3A_353 = arith.constant 8 : i32
        %add3A_354 = arith.addi %add3A_285, %add3A_353 : i32
        %dma_start3A_355 = arith.constant 5 : i32
        %dma_start3A_356 = arith.constant 5 : i32
        %dma_start3A_357 = arith.constant 0 : i32
        %dma_start3A_358 = arith.constant 0 : i32
        %dma_start3A_359 = tpu.memref_slice %arg12[%dma_start3A_355, %dma_start3A_357, %dma_start3A_358] : memref<8x128x16xf32, #tpu.memory_space<vmem>> -> memref<1x128x16xf32, #tpu.memory_space<vmem>>
        %dma_start3A_360 = tpu.memref_squeeze %dma_start3A_359 : memref<1x128x16xf32, #tpu.memory_space<vmem>> -> memref<128x16xf32, #tpu.memory_space<vmem>>
        %dma_start3A_361 = arith.constant 0 : i32
        %dma_start3A_362 = tpu.memref_slice %arg10[%add3A_354, %dma_start3A_361] : memref<120x128xi32, #tpu.memory_space<vmem>> -> memref<1x128xi32, #tpu.memory_space<vmem>>
        %dma_start3A_363 = tpu.memref_squeeze %dma_start3A_362 : memref<1x128xi32, #tpu.memory_space<vmem>> -> memref<128xi32, #tpu.memory_space<vmem>>
        %dma_start3A_364 = arith.constant 0 : i32
        %dma_start3A_365 = arith.constant 0 : i32
        %dma_start3A_366 = tpu.memref_slice %arg2[%dma_start3A_364, %dma_start3A_365] : memref<10000x16xf32, #tpu.memory_space<hbm>> -> memref<10000x16xf32, #tpu.memory_space<hbm>>
        %dma_start3A_367 = tpu.memref_slice %arg15[%dma_start3A_356] : memref<8x!tpu.dma_semaphore, #tpu.memory_space<semaphore_mem>> -> memref<1x!tpu.dma_semaphore, #tpu.memory_space<semaphore_mem>>
        %dma_start3A_368 = tpu.memref_squeeze %dma_start3A_367 : memref<1x!tpu.dma_semaphore, #tpu.memory_space<semaphore_mem>> -> memref<!tpu.dma_semaphore, #tpu.memory_space<semaphore_mem>>
        tpu.enqueue_indirect_dma source(%dma_start3A_366 : memref<10000x16xf32, #tpu.memory_space<hbm>>) target(%dma_start3A_360 : memref<128x16xf32, #tpu.memory_space<vmem>>) offsets(%dma_start3A_363 : memref<128xi32, #tpu.memory_space<vmem>>) semaphore(%dma_start3A_368 : memref<!tpu.dma_semaphore, #tpu.memory_space<semaphore_mem>>)
      } else {
      }
      %add3A_307 = arith.constant 6 : i32
      %add3A_308 = arith.addi %mul3A_172, %add3A_307 : i32
      %dma_wait3A_309 = arith.constant 6 : i32
      %dma_wait3A_310 = arith.constant 6 : i32
      %dma_wait3A_311 = arith.constant 0 : i32
      %dma_wait3A_312 = arith.constant 0 : i32
      %dma_wait3A_313 = tpu.memref_slice %arg12[%dma_wait3A_309, %dma_wait3A_311, %dma_wait3A_312] : memref<8x128x16xf32, #tpu.memory_space<vmem>> -> memref<1x128x16xf32, #tpu.memory_space<vmem>>
      %dma_wait3A_314 = tpu.memref_squeeze %dma_wait3A_313 : memref<1x128x16xf32, #tpu.memory_space<vmem>> -> memref<128x16xf32, #tpu.memory_space<vmem>>
      %dma_wait3A_315 = arith.constant 0 : i32
      %dma_wait3A_316 = tpu.memref_slice %arg10[%add3A_308, %dma_wait3A_315] : memref<120x128xi32, #tpu.memory_space<vmem>> -> memref<1x128xi32, #tpu.memory_space<vmem>>
      %dma_wait3A_317 = tpu.memref_squeeze %dma_wait3A_316 : memref<1x128xi32, #tpu.memory_space<vmem>> -> memref<128xi32, #tpu.memory_space<vmem>>
      %dma_wait3A_318 = arith.constant 0 : i32
      %dma_wait3A_319 = arith.constant 0 : i32
      %dma_wait3A_320 = tpu.memref_slice %arg2[%dma_wait3A_318, %dma_wait3A_319] : memref<10000x16xf32, #tpu.memory_space<hbm>> -> memref<10000x16xf32, #tpu.memory_space<hbm>>
      %dma_wait3A_321 = tpu.memref_slice %arg15[%dma_wait3A_310] : memref<8x!tpu.dma_semaphore, #tpu.memory_space<semaphore_mem>> -> memref<1x!tpu.dma_semaphore, #tpu.memory_space<semaphore_mem>>
      %dma_wait3A_322 = tpu.memref_squeeze %dma_wait3A_321 : memref<1x!tpu.dma_semaphore, #tpu.memory_space<semaphore_mem>> -> memref<!tpu.dma_semaphore, #tpu.memory_space<semaphore_mem>>
      tpu.wait_indirect_dma semaphore(%dma_wait3A_322 : memref<!tpu.dma_semaphore, #tpu.memory_space<semaphore_mem>>) src(%dma_wait3A_320 : memref<10000x16xf32, #tpu.memory_space<hbm>>) dst(%dma_wait3A_314 : memref<128x16xf32, #tpu.memory_space<vmem>>)
      %run_scoped3A_323 = arith.constant 6 : i32
      "tpu.region"() ({
        %run_scoped3A_353 = tpu.sem_alloc : memref<!tpu.dma_semaphore, #tpu.memory_space<semaphore_mem>>
        %dma_start3A_354 = arith.constant 0 : i32
        %dma_start3A_355 = arith.constant 0 : i32
        %dma_start3A_356 = tpu.memref_slice %arg12[%run_scoped3A_323, %dma_start3A_354, %dma_start3A_355] : memref<8x128x16xf32, #tpu.memory_space<vmem>> -> memref<1x128x16xf32, #tpu.memory_space<vmem>>
        %dma_start3A_357 = tpu.memref_squeeze %dma_start3A_356 : memref<1x128x16xf32, #tpu.memory_space<vmem>> -> memref<128x16xf32, #tpu.memory_space<vmem>>
        %dma_start3A_358 = arith.constant 0 : i32
        %dma_start3A_359 = tpu.memref_slice %arg11[%add3A_308, %dma_start3A_358] : memref<120x128xi32, #tpu.memory_space<vmem>> -> memref<1x128xi32, #tpu.memory_space<vmem>>
        %dma_start3A_360 = tpu.memref_squeeze %dma_start3A_359 : memref<1x128xi32, #tpu.memory_space<vmem>> -> memref<128xi32, #tpu.memory_space<vmem>>
        %dma_start3A_361 = arith.constant 0 : i32
        %dma_start3A_362 = arith.constant 0 : i32
        %dma_start3A_363 = tpu.memref_slice %arg14[%dma_start3A_361, %dma_start3A_362] : memref<10112x16xf32, #tpu.memory_space<vmem_shared>> -> memref<10112x16xf32, #tpu.memory_space<vmem_shared>>
        tpu.enqueue_indirect_dma source(%dma_start3A_357 : memref<128x16xf32, #tpu.memory_space<vmem>>) target(%dma_start3A_363 : memref<10112x16xf32, #tpu.memory_space<vmem_shared>>) offsets(%dma_start3A_360 : memref<128xi32, #tpu.memory_space<vmem>>) semaphore(%run_scoped3A_353 : memref<!tpu.dma_semaphore, #tpu.memory_space<semaphore_mem>>) {add = true}
        %dma_wait3A_364 = arith.constant 0 : i32
        %dma_wait3A_365 = arith.constant 0 : i32
        %dma_wait3A_366 = tpu.memref_slice %arg12[%run_scoped3A_323, %dma_wait3A_364, %dma_wait3A_365] : memref<8x128x16xf32, #tpu.memory_space<vmem>> -> memref<1x128x16xf32, #tpu.memory_space<vmem>>
        %dma_wait3A_367 = tpu.memref_squeeze %dma_wait3A_366 : memref<1x128x16xf32, #tpu.memory_space<vmem>> -> memref<128x16xf32, #tpu.memory_space<vmem>>
        %dma_wait3A_368 = arith.constant 0 : i32
        %dma_wait3A_369 = tpu.memref_slice %arg11[%add3A_308, %dma_wait3A_368] : memref<120x128xi32, #tpu.memory_space<vmem>> -> memref<1x128xi32, #tpu.memory_space<vmem>>
        %dma_wait3A_370 = tpu.memref_squeeze %dma_wait3A_369 : memref<1x128xi32, #tpu.memory_space<vmem>> -> memref<128xi32, #tpu.memory_space<vmem>>
        %dma_wait3A_371 = arith.constant 0 : i32
        %dma_wait3A_372 = arith.constant 0 : i32
        %dma_wait3A_373 = tpu.memref_slice %arg14[%dma_wait3A_371, %dma_wait3A_372] : memref<10112x16xf32, #tpu.memory_space<vmem_shared>> -> memref<10112x16xf32, #tpu.memory_space<vmem_shared>>
        tpu.wait_indirect_dma semaphore(%run_scoped3A_353 : memref<!tpu.dma_semaphore, #tpu.memory_space<semaphore_mem>>) src(%dma_wait3A_367 : memref<128x16xf32, #tpu.memory_space<vmem>>) dst(%dma_wait3A_373 : memref<10112x16xf32, #tpu.memory_space<vmem_shared>>)
        tpu.yield
      }) : () -> ()
      %add3A_324 = arith.constant 8 : i32
      %add3A_325 = arith.addi %add3A_308, %add3A_324 : i32
      %lt3A_326 = arith.cmpi slt, %add3A_325, %select_n3A : i32
      %convert_element_type3A_327 = arith.extui %lt3A_326 : i1 to i32
      %cond3A_328 = arith.constant 0 : i32
      %cond3A_329 = arith.cmpi ne, %convert_element_type3A_327, %cond3A_328 : i32
      scf.if %cond3A_329 {
        %add3A_353 = arith.constant 8 : i32
        %add3A_354 = arith.addi %add3A_308, %add3A_353 : i32
        %dma_start3A_355 = arith.constant 6 : i32
        %dma_start3A_356 = arith.constant 6 : i32
        %dma_start3A_357 = arith.constant 0 : i32
        %dma_start3A_358 = arith.constant 0 : i32
        %dma_start3A_359 = tpu.memref_slice %arg12[%dma_start3A_355, %dma_start3A_357, %dma_start3A_358] : memref<8x128x16xf32, #tpu.memory_space<vmem>> -> memref<1x128x16xf32, #tpu.memory_space<vmem>>
        %dma_start3A_360 = tpu.memref_squeeze %dma_start3A_359 : memref<1x128x16xf32, #tpu.memory_space<vmem>> -> memref<128x16xf32, #tpu.memory_space<vmem>>
        %dma_start3A_361 = arith.constant 0 : i32
        %dma_start3A_362 = tpu.memref_slice %arg10[%add3A_354, %dma_start3A_361] : memref<120x128xi32, #tpu.memory_space<vmem>> -> memref<1x128xi32, #tpu.memory_space<vmem>>
        %dma_start3A_363 = tpu.memref_squeeze %dma_start3A_362 : memref<1x128xi32, #tpu.memory_space<vmem>> -> memref<128xi32, #tpu.memory_space<vmem>>
        %dma_start3A_364 = arith.constant 0 : i32
        %dma_start3A_365 = arith.constant 0 : i32
        %dma_start3A_366 = tpu.memref_slice %arg2[%dma_start3A_364, %dma_start3A_365] : memref<10000x16xf32, #tpu.memory_space<hbm>> -> memref<10000x16xf32, #tpu.memory_space<hbm>>
        %dma_start3A_367 = tpu.memref_slice %arg15[%dma_start3A_356] : memref<8x!tpu.dma_semaphore, #tpu.memory_space<semaphore_mem>> -> memref<1x!tpu.dma_semaphore, #tpu.memory_space<semaphore_mem>>
        %dma_start3A_368 = tpu.memref_squeeze %dma_start3A_367 : memref<1x!tpu.dma_semaphore, #tpu.memory_space<semaphore_mem>> -> memref<!tpu.dma_semaphore, #tpu.memory_space<semaphore_mem>>
        tpu.enqueue_indirect_dma source(%dma_start3A_366 : memref<10000x16xf32, #tpu.memory_space<hbm>>) target(%dma_start3A_360 : memref<128x16xf32, #tpu.memory_space<vmem>>) offsets(%dma_start3A_363 : memref<128xi32, #tpu.memory_space<vmem>>) semaphore(%dma_start3A_368 : memref<!tpu.dma_semaphore, #tpu.memory_space<semaphore_mem>>)
      } else {
      }
      %add3A_330 = arith.constant 7 : i32
      %add3A_331 = arith.addi %mul3A_172, %add3A_330 : i32
      %dma_wait3A_332 = arith.constant 7 : i32
      %dma_wait3A_333 = arith.constant 7 : i32
      %dma_wait3A_334 = arith.constant 0 : i32
      %dma_wait3A_335 = arith.constant 0 : i32
      %dma_wait3A_336 = tpu.memref_slice %arg12[%dma_wait3A_332, %dma_wait3A_334, %dma_wait3A_335] : memref<8x128x16xf32, #tpu.memory_space<vmem>> -> memref<1x128x16xf32, #tpu.memory_space<vmem>>
      %dma_wait3A_337 = tpu.memref_squeeze %dma_wait3A_336 : memref<1x128x16xf32, #tpu.memory_space<vmem>> -> memref<128x16xf32, #tpu.memory_space<vmem>>
      %dma_wait3A_338 = arith.constant 0 : i32
      %dma_wait3A_339 = tpu.memref_slice %arg10[%add3A_331, %dma_wait3A_338] : memref<120x128xi32, #tpu.memory_space<vmem>> -> memref<1x128xi32, #tpu.memory_space<vmem>>
      %dma_wait3A_340 = tpu.memref_squeeze %dma_wait3A_339 : memref<1x128xi32, #tpu.memory_space<vmem>> -> memref<128xi32, #tpu.memory_space<vmem>>
      %dma_wait3A_341 = arith.constant 0 : i32
      %dma_wait3A_342 = arith.constant 0 : i32
      %dma_wait3A_343 = tpu.memref_slice %arg2[%dma_wait3A_341, %dma_wait3A_342] : memref<10000x16xf32, #tpu.memory_space<hbm>> -> memref<10000x16xf32, #tpu.memory_space<hbm>>
      %dma_wait3A_344 = tpu.memref_slice %arg15[%dma_wait3A_333] : memref<8x!tpu.dma_semaphore, #tpu.memory_space<semaphore_mem>> -> memref<1x!tpu.dma_semaphore, #tpu.memory_space<semaphore_mem>>
      %dma_wait3A_345 = tpu.memref_squeeze %dma_wait3A_344 : memref<1x!tpu.dma_semaphore, #tpu.memory_space<semaphore_mem>> -> memref<!tpu.dma_semaphore, #tpu.memory_space<semaphore_mem>>
      tpu.wait_indirect_dma semaphore(%dma_wait3A_345 : memref<!tpu.dma_semaphore, #tpu.memory_space<semaphore_mem>>) src(%dma_wait3A_343 : memref<10000x16xf32, #tpu.memory_space<hbm>>) dst(%dma_wait3A_337 : memref<128x16xf32, #tpu.memory_space<vmem>>)
      %run_scoped3A_346 = arith.constant 7 : i32
      "tpu.region"() ({
        %run_scoped3A_353 = tpu.sem_alloc : memref<!tpu.dma_semaphore, #tpu.memory_space<semaphore_mem>>
        %dma_start3A_354 = arith.constant 0 : i32
        %dma_start3A_355 = arith.constant 0 : i32
        %dma_start3A_356 = tpu.memref_slice %arg12[%run_scoped3A_346, %dma_start3A_354, %dma_start3A_355] : memref<8x128x16xf32, #tpu.memory_space<vmem>> -> memref<1x128x16xf32, #tpu.memory_space<vmem>>
        %dma_start3A_357 = tpu.memref_squeeze %dma_start3A_356 : memref<1x128x16xf32, #tpu.memory_space<vmem>> -> memref<128x16xf32, #tpu.memory_space<vmem>>
        %dma_start3A_358 = arith.constant 0 : i32
        %dma_start3A_359 = tpu.memref_slice %arg11[%add3A_331, %dma_start3A_358] : memref<120x128xi32, #tpu.memory_space<vmem>> -> memref<1x128xi32, #tpu.memory_space<vmem>>
        %dma_start3A_360 = tpu.memref_squeeze %dma_start3A_359 : memref<1x128xi32, #tpu.memory_space<vmem>> -> memref<128xi32, #tpu.memory_space<vmem>>
        %dma_start3A_361 = arith.constant 0 : i32
        %dma_start3A_362 = arith.constant 0 : i32
        %dma_start3A_363 = tpu.memref_slice %arg14[%dma_start3A_361, %dma_start3A_362] : memref<10112x16xf32, #tpu.memory_space<vmem_shared>> -> memref<10112x16xf32, #tpu.memory_space<vmem_shared>>
        tpu.enqueue_indirect_dma source(%dma_start3A_357 : memref<128x16xf32, #tpu.memory_space<vmem>>) target(%dma_start3A_363 : memref<10112x16xf32, #tpu.memory_space<vmem_shared>>) offsets(%dma_start3A_360 : memref<128xi32, #tpu.memory_space<vmem>>) semaphore(%run_scoped3A_353 : memref<!tpu.dma_semaphore, #tpu.memory_space<semaphore_mem>>) {add = true}
        %dma_wait3A_364 = arith.constant 0 : i32
        %dma_wait3A_365 = arith.constant 0 : i32
        %dma_wait3A_366 = tpu.memref_slice %arg12[%run_scoped3A_346, %dma_wait3A_364, %dma_wait3A_365] : memref<8x128x16xf32, #tpu.memory_space<vmem>> -> memref<1x128x16xf32, #tpu.memory_space<vmem>>
        %dma_wait3A_367 = tpu.memref_squeeze %dma_wait3A_366 : memref<1x128x16xf32, #tpu.memory_space<vmem>> -> memref<128x16xf32, #tpu.memory_space<vmem>>
        %dma_wait3A_368 = arith.constant 0 : i32
        %dma_wait3A_369 = tpu.memref_slice %arg11[%add3A_331, %dma_wait3A_368] : memref<120x128xi32, #tpu.memory_space<vmem>> -> memref<1x128xi32, #tpu.memory_space<vmem>>
        %dma_wait3A_370 = tpu.memref_squeeze %dma_wait3A_369 : memref<1x128xi32, #tpu.memory_space<vmem>> -> memref<128xi32, #tpu.memory_space<vmem>>
        %dma_wait3A_371 = arith.constant 0 : i32
        %dma_wait3A_372 = arith.constant 0 : i32
        %dma_wait3A_373 = tpu.memref_slice %arg14[%dma_wait3A_371, %dma_wait3A_372] : memref<10112x16xf32, #tpu.memory_space<vmem_shared>> -> memref<10112x16xf32, #tpu.memory_space<vmem_shared>>
        tpu.wait_indirect_dma semaphore(%run_scoped3A_353 : memref<!tpu.dma_semaphore, #tpu.memory_space<semaphore_mem>>) src(%dma_wait3A_367 : memref<128x16xf32, #tpu.memory_space<vmem>>) dst(%dma_wait3A_373 : memref<10112x16xf32, #tpu.memory_space<vmem_shared>>)
        tpu.yield
      }) : () -> ()
      %add3A_347 = arith.constant 8 : i32
      %add3A_348 = arith.addi %add3A_331, %add3A_347 : i32
      %lt3A_349 = arith.cmpi slt, %add3A_348, %select_n3A : i32
      %convert_element_type3A_350 = arith.extui %lt3A_349 : i1 to i32
      %cond3A_351 = arith.constant 0 : i32
      %cond3A_352 = arith.cmpi ne, %convert_element_type3A_350, %cond3A_351 : i32
      scf.if %cond3A_352 {
        %add3A_353 = arith.constant 8 : i32
        %add3A_354 = arith.addi %add3A_331, %add3A_353 : i32
        %dma_start3A_355 = arith.constant 7 : i32
        %dma_start3A_356 = arith.constant 7 : i32
        %dma_start3A_357 = arith.constant 0 : i32
        %dma_start3A_358 = arith.constant 0 : i32
        %dma_start3A_359 = tpu.memref_slice %arg12[%dma_start3A_355, %dma_start3A_357, %dma_start3A_358] : memref<8x128x16xf32, #tpu.memory_space<vmem>> -> memref<1x128x16xf32, #tpu.memory_space<vmem>>
        %dma_start3A_360 = tpu.memref_squeeze %dma_start3A_359 : memref<1x128x16xf32, #tpu.memory_space<vmem>> -> memref<128x16xf32, #tpu.memory_space<vmem>>
        %dma_start3A_361 = arith.constant 0 : i32
        %dma_start3A_362 = tpu.memref_slice %arg10[%add3A_354, %dma_start3A_361] : memref<120x128xi32, #tpu.memory_space<vmem>> -> memref<1x128xi32, #tpu.memory_space<vmem>>
        %dma_start3A_363 = tpu.memref_squeeze %dma_start3A_362 : memref<1x128xi32, #tpu.memory_space<vmem>> -> memref<128xi32, #tpu.memory_space<vmem>>
        %dma_start3A_364 = arith.constant 0 : i32
        %dma_start3A_365 = arith.constant 0 : i32
        %dma_start3A_366 = tpu.memref_slice %arg2[%dma_start3A_364, %dma_start3A_365] : memref<10000x16xf32, #tpu.memory_space<hbm>> -> memref<10000x16xf32, #tpu.memory_space<hbm>>
        %dma_start3A_367 = tpu.memref_slice %arg15[%dma_start3A_356] : memref<8x!tpu.dma_semaphore, #tpu.memory_space<semaphore_mem>> -> memref<1x!tpu.dma_semaphore, #tpu.memory_space<semaphore_mem>>
        %dma_start3A_368 = tpu.memref_squeeze %dma_start3A_367 : memref<1x!tpu.dma_semaphore, #tpu.memory_space<semaphore_mem>> -> memref<!tpu.dma_semaphore, #tpu.memory_space<semaphore_mem>>
        tpu.enqueue_indirect_dma source(%dma_start3A_366 : memref<10000x16xf32, #tpu.memory_space<hbm>>) target(%dma_start3A_360 : memref<128x16xf32, #tpu.memory_space<vmem>>) offsets(%dma_start3A_363 : memref<128xi32, #tpu.memory_space<vmem>>) semaphore(%dma_start3A_368 : memref<!tpu.dma_semaphore, #tpu.memory_space<semaphore_mem>>)
      } else {
      }
    }
    %barrier3A_157 = arith.constant 0 : index
    tpu.barrier barrier_id(%barrier3A_157)
    %mul3A_158 = arith.constant 632 : i32
    %mul3A_159 = arith.muli %arg1, %mul3A_158 : i32
    "tpu.region"() ({
      %run_scoped3A = tpu.sem_alloc : memref<!tpu.dma_semaphore, #tpu.memory_space<semaphore_mem>>
      %dma_start3A_170 = arith.constant 0 : i32
      %dma_start3A_171 = tpu.memref_slice %arg14[%mul3A_159, %dma_start3A_170] : memref<10112x16xf32, #tpu.memory_space<vmem_shared>> -> memref<632x16xf32, #tpu.memory_space<vmem_shared>>
      %dma_start3A_172 = arith.constant 0 : i32
      %dma_start3A_173 = tpu.memref_slice %arg14[%mul3A_159, %dma_start3A_172] : memref<10112x16xf32, #tpu.memory_space<vmem_shared>> -> memref<632x16xf32, #tpu.memory_space<vmem_shared>>
      tpu.enqueue_dma source(%dma_start3A_173 : memref<632x16xf32, #tpu.memory_space<vmem_shared>>) target(%arg13 : memref<632x16xf32, #tpu.memory_space<vmem>>) target_semaphore(%run_scoped3A : memref<!tpu.dma_semaphore, #tpu.memory_space<semaphore_mem>>)
      %dma_wait3A = arith.constant 0 : i32
      %dma_wait3A_174 = tpu.memref_slice %arg14[%mul3A_159, %dma_wait3A] : memref<10112x16xf32, #tpu.memory_space<vmem_shared>> -> memref<632x16xf32, #tpu.memory_space<vmem_shared>>
      %dma_wait3A_175 = arith.constant 0 : i32
      %dma_wait3A_176 = tpu.memref_slice %arg14[%mul3A_159, %dma_wait3A_175] : memref<10112x16xf32, #tpu.memory_space<vmem_shared>> -> memref<632x16xf32, #tpu.memory_space<vmem_shared>>
      tpu.wait_dma2 semaphore(%run_scoped3A : memref<!tpu.dma_semaphore, #tpu.memory_space<semaphore_mem>>) src(%dma_wait3A_176 : memref<632x16xf32, #tpu.memory_space<vmem_shared>>) dst(%arg13 : memref<632x16xf32, #tpu.memory_space<vmem>>)
      tpu.yield
    }) : () -> ()
    %eq3A_160 = arith.constant 0 : i32
    %eq3A_161 = arith.cmpi eq, %arg0, %eq3A_160 : i32
    %convert_element_type3A_162 = arith.extui %eq3A_161 : i1 to i32
    %cond3A_163 = arith.constant 0 : i32
    %cond3A_164 = arith.cmpi ne, %convert_element_type3A_162, %cond3A_163 : i32
    scf.if %cond3A_164 {
      %mul3A_170 = arith.constant 632 : i32
      %mul3A_171 = arith.muli %arg1, %mul3A_170 : i32
      "tpu.region"() ({
        %run_scoped3A = tpu.sem_alloc : memref<!tpu.dma_semaphore, #tpu.memory_space<semaphore_mem>>
        %dma_start3A_172 = arith.constant 0 : i32
        %dma_start3A_173 = tpu.memref_slice %arg8[%mul3A_171, %dma_start3A_172] : memref<10112x16xf32, #tpu.memory_space<hbm>> -> memref<632x16xf32, #tpu.memory_space<hbm>>
        %dma_start3A_174 = arith.constant 0 : i32
        %dma_start3A_175 = tpu.memref_slice %arg8[%mul3A_171, %dma_start3A_174] : memref<10112x16xf32, #tpu.memory_space<hbm>> -> memref<632x16xf32, #tpu.memory_space<hbm>>
        tpu.enqueue_dma source(%arg13 : memref<632x16xf32, #tpu.memory_space<vmem>>) target(%dma_start3A_175 : memref<632x16xf32, #tpu.memory_space<hbm>>) target_semaphore(%run_scoped3A : memref<!tpu.dma_semaphore, #tpu.memory_space<semaphore_mem>>)
        %dma_wait3A = arith.constant 0 : i32
        %dma_wait3A_176 = tpu.memref_slice %arg8[%mul3A_171, %dma_wait3A] : memref<10112x16xf32, #tpu.memory_space<hbm>> -> memref<632x16xf32, #tpu.memory_space<hbm>>
        %dma_wait3A_177 = arith.constant 0 : i32
        %dma_wait3A_178 = tpu.memref_slice %arg8[%mul3A_171, %dma_wait3A_177] : memref<10112x16xf32, #tpu.memory_space<hbm>> -> memref<632x16xf32, #tpu.memory_space<hbm>>
        tpu.wait_dma2 semaphore(%run_scoped3A : memref<!tpu.dma_semaphore, #tpu.memory_space<semaphore_mem>>) src(%arg13 : memref<632x16xf32, #tpu.memory_space<vmem>>) dst(%dma_wait3A_178 : memref<632x16xf32, #tpu.memory_space<hbm>>)
        tpu.yield
      }) : () -> ()
    } else {
    }
    %eq3A_165 = arith.constant 1 : i32
    %eq3A_166 = arith.cmpi eq, %arg0, %eq3A_165 : i32
    %convert_element_type3A_167 = arith.extui %eq3A_166 : i1 to i32
    %cond3A_168 = arith.constant 0 : i32
    %cond3A_169 = arith.cmpi ne, %convert_element_type3A_167, %cond3A_168 : i32
    scf.if %cond3A_169 {
      %mul3A_170 = arith.constant 632 : i32
      %mul3A_171 = arith.muli %arg1, %mul3A_170 : i32
      "tpu.region"() ({
        %run_scoped3A = tpu.sem_alloc : memref<!tpu.dma_semaphore, #tpu.memory_space<semaphore_mem>>
        %dma_start3A_172 = arith.constant 0 : i32
        %dma_start3A_173 = tpu.memref_slice %arg9[%mul3A_171, %dma_start3A_172] : memref<10112x16xf32, #tpu.memory_space<hbm>> -> memref<632x16xf32, #tpu.memory_space<hbm>>
        %dma_start3A_174 = arith.constant 0 : i32
        %dma_start3A_175 = tpu.memref_slice %arg9[%mul3A_171, %dma_start3A_174] : memref<10112x16xf32, #tpu.memory_space<hbm>> -> memref<632x16xf32, #tpu.memory_space<hbm>>
        tpu.enqueue_dma source(%arg13 : memref<632x16xf32, #tpu.memory_space<vmem>>) target(%dma_start3A_175 : memref<632x16xf32, #tpu.memory_space<hbm>>) target_semaphore(%run_scoped3A : memref<!tpu.dma_semaphore, #tpu.memory_space<semaphore_mem>>)
        %dma_wait3A = arith.constant 0 : i32
        %dma_wait3A_176 = tpu.memref_slice %arg9[%mul3A_171, %dma_wait3A] : memref<10112x16xf32, #tpu.memory_space<hbm>> -> memref<632x16xf32, #tpu.memory_space<hbm>>
        %dma_wait3A_177 = arith.constant 0 : i32
        %dma_wait3A_178 = tpu.memref_slice %arg9[%mul3A_171, %dma_wait3A_177] : memref<10112x16xf32, #tpu.memory_space<hbm>> -> memref<632x16xf32, #tpu.memory_space<hbm>>
        tpu.wait_dma2 semaphore(%run_scoped3A : memref<!tpu.dma_semaphore, #tpu.memory_space<semaphore_mem>>) src(%arg13 : memref<632x16xf32, #tpu.memory_space<vmem>>) dst(%dma_wait3A_178 : memref<632x16xf32, #tpu.memory_space<hbm>>)
        tpu.yield
      }) : () -> ()
    } else {
    }
    return
  }
}

module attributes {stable_mosaic.version = 14 : i64} {
  func.func @body(%arg0: i32, %arg1: memref<2000x2xf32, #tpu.memory_space<vmem>>, %arg2: memref<2000x128xf32, #tpu.memory_space<vmem>>, %arg3: memref<128x16xf32, #tpu.memory_space<vmem>>, %arg4: memref<2000x16xf32, #tpu.memory_space<vmem>>) attributes {dimension_semantics = [#tpu.dimension_semantics<arbitrary>], iteration_bounds = array<i64: 5>, scalar_prefetch = 0 : i64, scratch_operands = 0 : i64, tpu.core_type = #tpu.core_type<tc>, window_params = [{transform_indices = @transform_0, window_bounds = array<i64: 2000, 2>}, {transform_indices = @transform_1, window_bounds = array<i64: 2000, 128>}, {pipeline_mode = #tpu.pipeline_mode<synchronous>, transform_indices = @transform_2, window_bounds = array<i64: 128, 16>}, {transform_indices = @transform_3, window_bounds = array<i64: 2000, 16>}]} {
    %get3A = arith.constant 0 : index
    %get3A_0 = arith.constant 0 : index
    %get3A_1 = vector.load %arg1[%get3A, %get3A_0] : memref<2000x2xf32, #tpu.memory_space<vmem>>, vector<2000x1xf32>
    %get3A_2 = vector.shape_cast %get3A_1 : vector<2000x1xf32> to vector<2000xf32>
    %get3A_3 = arith.constant 0 : index
    %get3A_4 = arith.constant 1 : index
    %get3A_5 = vector.load %arg1[%get3A_3, %get3A_4] : memref<2000x2xf32, #tpu.memory_space<vmem>>, vector<2000x1xf32>
    %get3A_6 = vector.shape_cast %get3A_5 : vector<2000x1xf32> to vector<2000xf32>
    %add3A = arith.addf %get3A_2, %get3A_6 : vector<2000xf32>
    %add3A_7 = arith.constant 1.000000e+00 : f32
    %add3A_8 = vector.broadcast %add3A_7 : f32 to vector<2000xf32>
    %add3A_9 = arith.addf %add3A, %add3A_8 : vector<2000xf32>
    %rsqrt3A = math.rsqrt %add3A_9 : vector<2000xf32>
    %broadcast_in_dim3A = vector.shape_cast %rsqrt3A : vector<2000xf32> to vector<2000x1xf32>
    %get3A_10 = arith.constant 0 : index
    %get3A_11 = arith.constant 0 : index
    %get3A_12 = vector.load %arg2[%get3A_10, %get3A_11] : memref<2000x128xf32, #tpu.memory_space<vmem>>, vector<2000x128xf32>
    %get3A_13 = arith.constant 0 : index
    %get3A_14 = arith.constant 0 : index
    %get3A_15 = vector.load %arg3[%get3A_13, %get3A_14] : memref<128x16xf32, #tpu.memory_space<vmem>>, vector<128x16xf32>
    %dot_general3A = arith.constant dense<0.000000e+00> : vector<2000x16xf32>
    %dot_general3A_16 = tpu.matmul %get3A_12, %get3A_15, %dot_general3A {dimension_numbers = #tpu.dot_dimension_numbers<[1], [0], [0], [1], [0, 0, 1, 1], [], []>, transpose_lhs_hint = false} : vector<2000x128xf32>, vector<128x16xf32>, vector<2000x16xf32> -> vector<2000x16xf32>
    %mul3A = vector.broadcast %broadcast_in_dim3A : vector<2000x1xf32> to vector<2000x16xf32>
    %mul3A_17 = arith.mulf %dot_general3A_16, %mul3A : vector<2000x16xf32>
    %swap3A = arith.constant 0 : index
    %swap3A_18 = arith.constant 0 : index
    %swap3A_19 = vector.load %arg4[%swap3A, %swap3A_18] : memref<2000x16xf32, #tpu.memory_space<vmem>>, vector<2000x16xf32>
    tpu.vector_store %arg4[%swap3A, %swap3A_18], %mul3A_17 {strides = array<i32>} : memref<2000x16xf32, #tpu.memory_space<vmem>>, vector<2000x16xf32>,
    return
  }
  func.func @transform_0(%arg0: i32) -> (i32, i32) {
    %c0_i32 = arith.constant 0 : i32
    %c0_i32_0 = arith.constant 0 : i32
    return %arg0, %c0_i32 : i32, i32
  }
  func.func @transform_1(%arg0: i32) -> (i32, i32) {
    %c0_i32 = arith.constant 0 : i32
    %c0_i32_0 = arith.constant 0 : i32
    return %arg0, %c0_i32 : i32, i32
  }
  func.func @transform_2(%arg0: i32) -> (i32, i32) {
    %c0_i32 = arith.constant 0 : i32
    %c0_i32_0 = arith.constant 0 : i32
    %c0_i32_1 = arith.constant 0 : i32
    return %c0_i32, %c0_i32_0 : i32, i32
  }
  func.func @transform_3(%arg0: i32) -> (i32, i32) {
    %c0_i32 = arith.constant 0 : i32
    %c0_i32_0 = arith.constant 0 : i32
    return %arg0, %c0_i32 : i32, i32
  }
}

module attributes {stable_mosaic.version = 14 : i64} {
  func.func @body(%arg0: i32, %arg1: memref<2000x2xf32, #tpu.memory_space<vmem>>, %arg2: memref<2000x16xf32, #tpu.memory_space<vmem>>, %arg3: memref<2000x16xf32, #tpu.memory_space<vmem>>, %arg4: memref<2000x16xf32, #tpu.memory_space<vmem>>, %arg5: memref<1x16xf32, #tpu.memory_space<vmem>>, %arg6: memref<16x40xf32, #tpu.memory_space<vmem>>, %arg7: memref<2000x40xf32, #tpu.memory_space<vmem>>) attributes {dimension_semantics = [#tpu.dimension_semantics<arbitrary>], iteration_bounds = array<i64: 5>, scalar_prefetch = 0 : i64, scratch_operands = 0 : i64, tpu.core_type = #tpu.core_type<tc>, window_params = [{transform_indices = @transform_0, window_bounds = array<i64: 2000, 2>}, {transform_indices = @transform_1, window_bounds = array<i64: 2000, 16>}, {transform_indices = @transform_2, window_bounds = array<i64: 2000, 16>}, {transform_indices = @transform_3, window_bounds = array<i64: 2000, 16>}, {pipeline_mode = #tpu.pipeline_mode<synchronous>, transform_indices = @transform_4, window_bounds = array<i64: 1, 16>}, {pipeline_mode = #tpu.pipeline_mode<synchronous>, transform_indices = @transform_5, window_bounds = array<i64: 16, 40>}, {transform_indices = @transform_6, window_bounds = array<i64: 2000, 40>}]} {
    %get3A = arith.constant 0 : index
    %get3A_0 = arith.constant 0 : index
    %get3A_1 = vector.load %arg1[%get3A, %get3A_0] : memref<2000x2xf32, #tpu.memory_space<vmem>>, vector<2000x1xf32>
    %get3A_2 = vector.shape_cast %get3A_1 : vector<2000x1xf32> to vector<2000xf32>
    %get3A_3 = arith.constant 0 : index
    %get3A_4 = arith.constant 1 : index
    %get3A_5 = vector.load %arg1[%get3A_3, %get3A_4] : memref<2000x2xf32, #tpu.memory_space<vmem>>, vector<2000x1xf32>
    %get3A_6 = vector.shape_cast %get3A_5 : vector<2000x1xf32> to vector<2000xf32>
    %add3A = arith.addf %get3A_2, %get3A_6 : vector<2000xf32>
    %add3A_7 = arith.constant 1.000000e+00 : f32
    %add3A_8 = vector.broadcast %add3A_7 : f32 to vector<2000xf32>
    %add3A_9 = arith.addf %add3A, %add3A_8 : vector<2000xf32>
    %rsqrt3A = math.rsqrt %add3A_9 : vector<2000xf32>
    %broadcast_in_dim3A = vector.shape_cast %rsqrt3A : vector<2000xf32> to vector<2000x1xf32>
    %get3A_10 = arith.constant 0 : index
    %get3A_11 = arith.constant 0 : index
    %get3A_12 = vector.load %arg2[%get3A_10, %get3A_11] : memref<2000x16xf32, #tpu.memory_space<vmem>>, vector<2000x16xf32>
    %get3A_13 = arith.constant 0 : index
    %get3A_14 = arith.constant 0 : index
    %get3A_15 = vector.load %arg3[%get3A_13, %get3A_14] : memref<2000x16xf32, #tpu.memory_space<vmem>>, vector<2000x16xf32>
    %add3A_16 = arith.addf %get3A_12, %get3A_15 : vector<2000x16xf32>
    %get3A_17 = arith.constant 0 : index
    %get3A_18 = arith.constant 0 : index
    %get3A_19 = vector.load %arg4[%get3A_17, %get3A_18] : memref<2000x16xf32, #tpu.memory_space<vmem>>, vector<2000x16xf32>
    %add3A_20 = arith.addf %add3A_16, %get3A_19 : vector<2000x16xf32>
    %mul3A = vector.broadcast %broadcast_in_dim3A : vector<2000x1xf32> to vector<2000x16xf32>
    %mul3A_21 = arith.mulf %add3A_20, %mul3A : vector<2000x16xf32>
    %get3A_22 = arith.constant 0 : index
    %get3A_23 = arith.constant 0 : index
    %get3A_24 = vector.load %arg5[%get3A_22, %get3A_23] : memref<1x16xf32, #tpu.memory_space<vmem>>, vector<1x16xf32>
    %get3A_25 = vector.shape_cast %get3A_24 : vector<1x16xf32> to vector<16xf32>
    %broadcast_in_dim3A_26 = vector.shape_cast %get3A_25 : vector<16xf32> to vector<1x16xf32>
    %add3A_27 = vector.broadcast %broadcast_in_dim3A_26 : vector<1x16xf32> to vector<2000x16xf32>
    %add3A_28 = arith.addf %mul3A_21, %add3A_27 : vector<2000x16xf32>
    %max3A = arith.constant 0.000000e+00 : f32
    %max3A_29 = vector.broadcast %max3A : f32 to vector<2000x16xf32>
    %max3A_30 = arith.maximumf %add3A_28, %max3A_29 : vector<2000x16xf32>
    %get3A_31 = arith.constant 0 : index
    %get3A_32 = arith.constant 0 : index
    %get3A_33 = vector.load %arg6[%get3A_31, %get3A_32] : memref<16x40xf32, #tpu.memory_space<vmem>>, vector<16x40xf32>
    %dot_general3A = arith.constant dense<0.000000e+00> : vector<2000x40xf32>
    %dot_general3A_34 = tpu.matmul %max3A_30, %get3A_33, %dot_general3A {dimension_numbers = #tpu.dot_dimension_numbers<[1], [0], [0], [1], [0, 0, 1, 1], [], []>, transpose_lhs_hint = false} : vector<2000x16xf32>, vector<16x40xf32>, vector<2000x40xf32> -> vector<2000x40xf32>
    %mul3A_35 = vector.broadcast %broadcast_in_dim3A : vector<2000x1xf32> to vector<2000x40xf32>
    %mul3A_36 = arith.mulf %dot_general3A_34, %mul3A_35 : vector<2000x40xf32>
    %swap3A = arith.constant 0 : index
    %swap3A_37 = arith.constant 0 : index
    %swap3A_38 = vector.load %arg7[%swap3A, %swap3A_37] : memref<2000x40xf32, #tpu.memory_space<vmem>>, vector<2000x40xf32>
    tpu.vector_store %arg7[%swap3A, %swap3A_37], %mul3A_36 {strides = array<i32>} : memref<2000x40xf32, #tpu.memory_space<vmem>>, vector<2000x40xf32>,
    return
  }
  func.func @transform_0(%arg0: i32) -> (i32, i32) {
    %c0_i32 = arith.constant 0 : i32
    %c0_i32_0 = arith.constant 0 : i32
    return %arg0, %c0_i32 : i32, i32
  }
  func.func @transform_1(%arg0: i32) -> (i32, i32) {
    %c0_i32 = arith.constant 0 : i32
    %c0_i32_0 = arith.constant 0 : i32
    return %arg0, %c0_i32 : i32, i32
  }
  func.func @transform_2(%arg0: i32) -> (i32, i32) {
    %c0_i32 = arith.constant 0 : i32
    %c0_i32_0 = arith.constant 0 : i32
    return %arg0, %c0_i32 : i32, i32
  }
  func.func @transform_3(%arg0: i32) -> (i32, i32) {
    %c0_i32 = arith.constant 0 : i32
    %c0_i32_0 = arith.constant 0 : i32
    return %arg0, %c0_i32 : i32, i32
  }
  func.func @transform_4(%arg0: i32) -> (i32, i32) {
    %c0_i32 = arith.constant 0 : i32
    %c0_i32_0 = arith.constant 0 : i32
    %c0_i32_1 = arith.constant 0 : i32
    return %c0_i32, %c0_i32_0 : i32, i32
  }
  func.func @transform_5(%arg0: i32) -> (i32, i32) {
    %c0_i32 = arith.constant 0 : i32
    %c0_i32_0 = arith.constant 0 : i32
    %c0_i32_1 = arith.constant 0 : i32
    return %c0_i32, %c0_i32_0 : i32, i32
  }
  func.func @transform_6(%arg0: i32) -> (i32, i32) {
    %c0_i32 = arith.constant 0 : i32
    %c0_i32_0 = arith.constant 0 : i32
    return %arg0, %c0_i32 : i32, i32
  }
}

module attributes {stable_mosaic.version = 14 : i64} {
  func.func @body(%arg0: i32, %arg1: memref<2000x2xf32, #tpu.memory_space<vmem>>, %arg2: memref<2000x40xf32, #tpu.memory_space<vmem>>, %arg3: memref<2000x40xf32, #tpu.memory_space<vmem>>, %arg4: memref<2000x40xf32, #tpu.memory_space<vmem>>, %arg5: memref<1x40xf32, #tpu.memory_space<vmem>>, %arg6: memref<2000x40xf32, #tpu.memory_space<vmem>>) attributes {dimension_semantics = [#tpu.dimension_semantics<arbitrary>], iteration_bounds = array<i64: 5>, scalar_prefetch = 0 : i64, scratch_operands = 0 : i64, tpu.core_type = #tpu.core_type<tc>, window_params = [{transform_indices = @transform_0, window_bounds = array<i64: 2000, 2>}, {transform_indices = @transform_1, window_bounds = array<i64: 2000, 40>}, {transform_indices = @transform_2, window_bounds = array<i64: 2000, 40>}, {transform_indices = @transform_3, window_bounds = array<i64: 2000, 40>}, {pipeline_mode = #tpu.pipeline_mode<synchronous>, transform_indices = @transform_4, window_bounds = array<i64: 1, 40>}, {transform_indices = @transform_5, window_bounds = array<i64: 2000, 40>}]} {
    %get3A = arith.constant 0 : index
    %get3A_0 = arith.constant 0 : index
    %get3A_1 = vector.load %arg1[%get3A, %get3A_0] : memref<2000x2xf32, #tpu.memory_space<vmem>>, vector<2000x1xf32>
    %get3A_2 = vector.shape_cast %get3A_1 : vector<2000x1xf32> to vector<2000xf32>
    %get3A_3 = arith.constant 0 : index
    %get3A_4 = arith.constant 1 : index
    %get3A_5 = vector.load %arg1[%get3A_3, %get3A_4] : memref<2000x2xf32, #tpu.memory_space<vmem>>, vector<2000x1xf32>
    %get3A_6 = vector.shape_cast %get3A_5 : vector<2000x1xf32> to vector<2000xf32>
    %add3A = arith.addf %get3A_2, %get3A_6 : vector<2000xf32>
    %add3A_7 = arith.constant 1.000000e+00 : f32
    %add3A_8 = vector.broadcast %add3A_7 : f32 to vector<2000xf32>
    %add3A_9 = arith.addf %add3A, %add3A_8 : vector<2000xf32>
    %rsqrt3A = math.rsqrt %add3A_9 : vector<2000xf32>
    %broadcast_in_dim3A = vector.shape_cast %rsqrt3A : vector<2000xf32> to vector<2000x1xf32>
    %get3A_10 = arith.constant 0 : index
    %get3A_11 = arith.constant 0 : index
    %get3A_12 = vector.load %arg2[%get3A_10, %get3A_11] : memref<2000x40xf32, #tpu.memory_space<vmem>>, vector<2000x40xf32>
    %get3A_13 = arith.constant 0 : index
    %get3A_14 = arith.constant 0 : index
    %get3A_15 = vector.load %arg3[%get3A_13, %get3A_14] : memref<2000x40xf32, #tpu.memory_space<vmem>>, vector<2000x40xf32>
    %add3A_16 = arith.addf %get3A_12, %get3A_15 : vector<2000x40xf32>
    %get3A_17 = arith.constant 0 : index
    %get3A_18 = arith.constant 0 : index
    %get3A_19 = vector.load %arg4[%get3A_17, %get3A_18] : memref<2000x40xf32, #tpu.memory_space<vmem>>, vector<2000x40xf32>
    %add3A_20 = arith.addf %add3A_16, %get3A_19 : vector<2000x40xf32>
    %mul3A = vector.broadcast %broadcast_in_dim3A : vector<2000x1xf32> to vector<2000x40xf32>
    %mul3A_21 = arith.mulf %add3A_20, %mul3A : vector<2000x40xf32>
    %get3A_22 = arith.constant 0 : index
    %get3A_23 = arith.constant 0 : index
    %get3A_24 = vector.load %arg5[%get3A_22, %get3A_23] : memref<1x40xf32, #tpu.memory_space<vmem>>, vector<1x40xf32>
    %get3A_25 = vector.shape_cast %get3A_24 : vector<1x40xf32> to vector<40xf32>
    %broadcast_in_dim3A_26 = vector.shape_cast %get3A_25 : vector<40xf32> to vector<1x40xf32>
    %add3A_27 = vector.broadcast %broadcast_in_dim3A_26 : vector<1x40xf32> to vector<2000x40xf32>
    %add3A_28 = arith.addf %mul3A_21, %add3A_27 : vector<2000x40xf32>
    %reduce_max3A = arith.constant dense<0xFF800000> : vector<2000xf32>
    %reduce_max3A_29 = vector.multi_reduction <maximumf>, %add3A_28, %reduce_max3A [1] : vector<2000x40xf32> to vector<2000xf32>
    %broadcast_in_dim3A_30 = vector.shape_cast %reduce_max3A_29 : vector<2000xf32> to vector<2000x1xf32>
    %sub3A = vector.broadcast %broadcast_in_dim3A_30 : vector<2000x1xf32> to vector<2000x40xf32>
    %sub3A_31 = arith.subf %add3A_28, %sub3A : vector<2000x40xf32>
    %exp3A = math.exp %sub3A_31 : vector<2000x40xf32>
    %reduce_sum3A = arith.constant dense<0.000000e+00> : vector<2000xf32>
    %reduce_sum3A_32 = vector.multi_reduction <add>, %exp3A, %reduce_sum3A [1] : vector<2000x40xf32> to vector<2000xf32>
    %broadcast_in_dim3A_33 = vector.shape_cast %reduce_sum3A_32 : vector<2000xf32> to vector<2000x1xf32>
    %sub3A_34 = vector.broadcast %broadcast_in_dim3A_30 : vector<2000x1xf32> to vector<2000x40xf32>
    %sub3A_35 = arith.subf %add3A_28, %sub3A_34 : vector<2000x40xf32>
    %log3A = math.log %broadcast_in_dim3A_33 : vector<2000x1xf32>
    %sub3A_36 = vector.broadcast %log3A : vector<2000x1xf32> to vector<2000x40xf32>
    %sub3A_37 = arith.subf %sub3A_35, %sub3A_36 : vector<2000x40xf32>
    %swap3A = arith.constant 0 : index
    %swap3A_38 = arith.constant 0 : index
    %swap3A_39 = vector.load %arg6[%swap3A, %swap3A_38] : memref<2000x40xf32, #tpu.memory_space<vmem>>, vector<2000x40xf32>
    tpu.vector_store %arg6[%swap3A, %swap3A_38], %sub3A_37 {strides = array<i32>} : memref<2000x40xf32, #tpu.memory_space<vmem>>, vector<2000x40xf32>,
    return
  }
  func.func @transform_0(%arg0: i32) -> (i32, i32) {
    %c0_i32 = arith.constant 0 : i32
    %c0_i32_0 = arith.constant 0 : i32
    return %arg0, %c0_i32 : i32, i32
  }
  func.func @transform_1(%arg0: i32) -> (i32, i32) {
    %c0_i32 = arith.constant 0 : i32
    %c0_i32_0 = arith.constant 0 : i32
    return %arg0, %c0_i32 : i32, i32
  }
  func.func @transform_2(%arg0: i32) -> (i32, i32) {
    %c0_i32 = arith.constant 0 : i32
    %c0_i32_0 = arith.constant 0 : i32
    return %arg0, %c0_i32 : i32, i32
  }
  func.func @transform_3(%arg0: i32) -> (i32, i32) {
    %c0_i32 = arith.constant 0 : i32
    %c0_i32_0 = arith.constant 0 : i32
    return %arg0, %c0_i32 : i32, i32
  }
  func.func @transform_4(%arg0: i32) -> (i32, i32) {
    %c0_i32 = arith.constant 0 : i32
    %c0_i32_0 = arith.constant 0 : i32
    %c0_i32_1 = arith.constant 0 : i32
    return %c0_i32, %c0_i32_0 : i32, i32
  }
  func.func @transform_5(%arg0: i32) -> (i32, i32) {
    %c0_i32 = arith.constant 0 : i32
    %c0_i32_0 = arith.constant 0 : i32
    return %arg0, %c0_i32 : i32, i32
  }
}

</mosaic_0001>

<sc_bundles>
// kernel: kernel.11.cloned.1.call-start
scs
__scs_entry_jumppad:
0x0: {  	(pc) =	sbr.rel $0x88, $3  }
0x1: {  	(tag) =	ssettag $0x0;
	lr =	simm.s32 $0x1  }
0x2: {  	[smem:$0x3F9B] =	sst lr;
	_ =	strace $0xD0000000  }
0x3: {  	_ = 	snop  }
0x4: {  	_ = 	snop  }
0x5: {  	_ = 	snop  }
0x6: {  	_ = 	snop  }
0x7: {  	_ = 	snop  }
__scs_overlays_trampoline_lowered:
0x8: {  	[smem:$0x3FAA] =	sst s0  }
0x9: {  	[smem:$0x3FAB] =	sst s1  }
0xa: {  	[smem:$0x3FAC] =	sst s2  }
0xb: {  	[smem:$0x3FAD] =	sst s3  }
0xc: {  	[smem:$0x3FAE] =	sst s4  }
0xd: {  	[smem:$0x3FAF] =	sst s5  }
0xe: {  	[smem:$0x3FB0] =	sst s6  }
0xf: {  	[smem:$0x3FB1] =	sst s7  }
0x10: {  	[smem:$0x3FB2] =	sst s8  }
0x11: {  	[smem:$0x3FB3] =	sst s9;
	s0 =	simm.s32 @!p0 $0x0  }
0x12: {  	s1 =	sld [smem:$0x3F99];
	s0 =	simm.s32 @p0 $0x1  }
0x13: {  	[smem:$0x3FB4] =	sst s0;
	s0 =	simm.s32 @!p1 $0x0  }
0x14: {  	s2 =	sld [smem:$0x3F98];
	s0 =	simm.s32 @p1 $0x1  }
0x15: {  	[smem:$0x3FB5] =	sst s0;
	s0 =	simm.s32 @!p2 $0x0  }
0x16: {  	s3 =	sld [smem:$0x3FDB];
	s0 =	simm.s32 @p2 $0x1  }
0x17: {  	s4 =	simm.s32 $0x1BF5;
	[smem:$0x3FB7] =	sst s0  }
0x18: {  	s0 =	sld [smem:$0x3F9A];
	_ =	swait.ge [sflag:s4], $0x0  }
0x19: {  	s7 =	sld [smem:$0x3F9B]  }
0x1a: {  	s8 =	sadd.s32 $0xFFFFE003, lr  }
0x1b: {  	s9 =	sadd.s32 $0xFFFFFEF7, lr;
	s5 =	simm.s32 $0xFFFFFFFF;
	p2 =	slt.u32 s8, $0xFFFFF086  }
0x1c: {  	p1 =	slt.u32 s9, $0xF7A;
	s5 =	simm.s32 @!p2 $0x0  }
0x1d: {  	s5 =	simm.s32 @p1 $0x1;
	p0 =	seq.s32 s7, s2  }
0x1e: {  	s7 =	smul.u32 @!p0 $0xF7A, s2;
	p2 =	seq.s32 @!p0 s5, $0x0  }
0x1f: {  	s9 =	smul.u32 $0xF7A, s1;
	s8 =	simm.s32 @!p0 $0x1BF5;
	p2 =	por !p2, p0  }
0x20: {  	[sflag:s8] =	ssyncset.s32 @!p0 $0xFFFFF086;
	s6 =	sadd.s32 @!p0 s3, s7;
	s7 =	simm.s32 @!p0 $0x108  }
0x21: {  	s3 =	sadd.s32 s3, s9;
	s6 =	sadd.s32 @!p0 $0x88, s6;
	s7 =	simm.s32 @p2 $0x1082  }
0x22: {  	[simem:s7], [sflag:s8] =	dma.local @!p0 [hbm:s6], $0xF7A  }
0x23: {  	s9 =	sor.u32 $0xD0000000, s2;
	s6 =	simm.s32 $0x108;
	_ =	swait.ge @!p0 [sflag:s8], $0x0  }
0x24: {  	s3 =	sadd.s32 $0x88, s3;
	s6 =	simm.s32 @!p1 $0x1082;
	[sflag:s4] =	ssyncset.s32 $0xFFFFF086  }
0x25: {  	[simem:s6], [sflag:s4] =	dma.local [hbm:s3], $0xF7A  }
0x26: {  	[smem:$0x3F9B] =	sst s1;
	(tag) =	ssettag s2;
	_ =	strace s9  }
0x27: {  	s1 =	sld [smem:$0x3FAB]  }
0x28: {  	s2 =	sld [smem:$0x3FAC]  }
0x29: {  	s4 =	sld [smem:$0x3FAE]  }
0x2a: {  	p0 =	seq.s32 s5, $0x0;
	s5 =	sld [smem:$0x3FAF]  }
0x2b: {  	s6 =	sld [smem:$0x3FB0]  }
0x2c: {  	s7 =	sld [smem:$0x3FB1]  }
0x2d: {  	s3 =	simm.s32 $0x108;
	s8 =	sld [smem:$0x3FB2]  }
0x2e: {  	s3 =	simm.s32 @!p0 $0x1082;
	s9 =	sld [smem:$0x3FB3]  }
0x2f: {  	lr =	sadd.s32 s0, s3;
	s0 =	sld [smem:$0x3FAA]  }
0x30: {  	s3 =	sld [smem:$0x3FAD]  }
0x31: {  	[smem:$0x3FB6] =	sst s10  }
0x32: {  	s10 =	sld [smem:$0x3FB4];
	_ =	sdelay $0x3  }
0x33: {  	p0 =	seq.s32 s10, $0x1;
	s10 =	sld [smem:$0x3FB6];
	_ =	sdelay $0x3  }
0x34: {  	[smem:$0x3FB6] =	sst s10  }
0x35: {  	s10 =	sld [smem:$0x3FB5];
	_ =	sdelay $0x3  }
0x36: {  	p1 =	seq.s32 s10, $0x1;
	s10 =	sld [smem:$0x3FB6];
	_ =	sdelay $0x3  }
0x37: {  	[smem:$0x3FB6] =	sst s10  }
0x38: {  	s10 =	sld [smem:$0x3FB7]  }
0x39: {  	_ = 	snop;
	(pc) =	sbr.ind lr, $3  }
0x3a: {  	_ = 	snop  }
0x3b: {  	_ = 	snop  }
0x3c: {  	p2 =	seq.s32 s10, $0x1;
	s10 =	sld [smem:$0x3FB6]  }
0x3d: {  	_ =	shalt  }
0x3e: {  	_ =	shalt  }
0x3f: {  	_ =	shalt  }
0x40: {  	_ =	shalt  }
0x41: {  	_ =	shalt  }
0x42: {  	_ =	shalt  }
0x43: {  	_ =	shalt  }
0x44: {  	_ =	shalt  }
0x45: {  	_ =	shalt  }
0x46: {  	_ =	shalt  }
0x47: {  	_ =	shalt  }
0x48: {  	_ =	shalt  }
0x49: {  	_ =	shalt  }
0x4a: {  	_ =	shalt  }
0x4b: {  	_ =	shalt  }
0x4c: {  	_ =	shalt  }
0x4d: {  	_ =	shalt  }
0x4e: {  	_ =	shalt  }
0x4f: {  	_ =	shalt  }
0x50: {  	_ =	shalt  }
0x51: {  	_ =	shalt  }
0x52: {  	_ =	shalt  }
0x53: {  	_ =	shalt  }
0x54: {  	_ =	shalt  }
0x55: {  	_ =	shalt  }
0x56: {  	_ =	shalt  }
0x57: {  	_ =	shalt  }
0x58: {  	_ =	shalt  }
0x59: {  	_ =	shalt  }
0x5a: {  	_ =	shalt  }
0x5b: {  	_ =	shalt  }
0x5c: {  	_ =	shalt  }
0x5d: {  	_ =	shalt  }
0x5e: {  	_ =	shalt  }
0x5f: {  	_ =	shalt  }
0x60: {  	_ =	shalt  }
0x61: {  	_ =	shalt  }
0x62: {  	_ =	shalt  }
0x63: {  	_ =	shalt  }
0x64: {  	_ =	shalt  }
0x65: {  	_ =	shalt  }
0x66: {  	_ =	shalt  }
0x67: {  	_ =	shalt  }
0x68: {  	_ =	shalt  }
0x69: {  	_ =	shalt  }
0x6a: {  	_ =	shalt  }
0x6b: {  	_ =	shalt  }
0x6c: {  	_ =	shalt  }
0x6d: {  	_ =	shalt  }
0x6e: {  	_ =	shalt  }
0x6f: {  	_ =	shalt  }
0x70: {  	_ =	shalt  }
0x71: {  	_ =	shalt  }
0x72: {  	_ =	shalt  }
0x73: {  	_ =	shalt  }
0x74: {  	_ =	shalt  }
0x75: {  	_ =	shalt  }
0x76: {  	_ =	shalt  }
0x77: {  	_ =	shalt  }
0x78: {  	_ =	shalt  }
0x79: {  	_ =	shalt  }
0x7a: {  	_ =	shalt  }
0x7b: {  	_ =	shalt  }
0x7c: {  	_ =	shalt  }
0x7d: {  	_ =	shalt  }
0x7e: {  	_ =	shalt  }
0x7f: {  	_ =	shalt  }
0x80: {  	_ =	shalt  }
0x81: {  	_ =	shalt  }
0x82: {  	_ =	shalt  }
0x83: {  	_ =	shalt  }
0x84: {  	_ =	shalt  }
0x85: {  	_ =	shalt  }
0x86: {  	_ =	shalt  }
0x87: {  	_ =	shalt  }
.Lfunc_end0:
.L_simem_size_0:
called_computation.1_lowered:
.L_overlay_start_0:
0x88: {  	s2 =	sld [smem:$0x3FD9]  }
0x89: {  	s3 =	sld [smem:$0x3FFE];
	_ =	sdelay $0x1  }
0x8a: {  	s1 =	srdreg.scid  }
0x8b: {  	s0 =	sand.u32 $0x1, s1  }
0x8c: {  	s17 =	sshll.u32 s0, $0xA;
	s2 =	sadd.s32 s3, s2  }
0x8d: {  	s2 =	sadd.s32 s2, s17  }
0x8e: {  	[smem:$0x3FC2] =	sst s2  }
0x8f: {  	_ = 	snop  }
0x90: {  	s2 =	sld [smem:$0x3FD0];
	(tm) =	ssettm $0x1  }
0x91: {  	s18 =	sld [smem:$0x3FFB];
	_ =	sdelay $0x3  }
0x92: {  	_ =	strace s18  }
0x93: {  	s3 =	sld [smem:$0x3FFC];
	_ =	sdelay $0x3  }
0x94: {  	_ =	strace s3  }
0x95: {  	s3 =	sld [smem:$0x3FFD];
	_ =	sdelay $0x3  }
0x96: {  	_ =	strace s3  }
0x97: {  	_ =	strace $0x8FFFFFFF  }
0x98: {  	s19 =	sld [smem:$0x3FDB];
	_ =	sdelay $0x1  }
0x99: {  	s4 =	simm.s32 $_scs_section_size  }
0x9a: {  	s5 =	simm.s32 $_size__tile_overlayer_lowered;
	s6 =	simm.s32 $_tile_overlayer_lowered  }
0x9b: {  	s22 =	simm.s32 $0x1BFF;
	s21 =	sshll.u32 s6, $0x1;
	s3 =	sadd.s32 s4, s19  }
0x9c: {  	s7 =	simm.s32 $0x0;
	s20 =	sshll.u32 s5, $0x1;
	s5 =	sadd.s32 s21, s3  }
0x9d: {  	[timem:s7], [sflag:s22] =	dma.local [hbm:s5], s20  }
0x9e: {  	_ =	swait.ge [sflag:s22], s20  }
0x9f: {  	s4 =	ssub.s32 $0x0, s20;
	[sflag:s22] =	ssyncset.done $0x0  }
0xa0: {  	[sflag:s22] =	ssyncadd.s32 s4;
	_ =	sdelay $0x1  }
0xa1: {  	s23 =	simm.s32 $0x1B8B  }
0xa2: {  	_ =	swait.ge [sflag:s23], $0x1  }
0xa3: {  	[sflag:s23] =	ssyncset.done $0x0  }
0xa4: {  	s25 =	simm.s32 $0x1B8E;
	s24 =	sld [smem:$0x3FFE];
	[sflag:s23] =	ssyncadd.s32 $0xFFFFFFFF  }
0xa5: {  	s26 =	simm.s32 $execute0_lowered;
	[smem:$0x3FD2] =	sst s25  }
0xa6: {  	s5 =	sshll.u32 s26, $0x1;
	_ =	strace $0x80000049;
	[dreg:$0x1] =	wrdreg $0xFFFFFFFF  }
0xa7: {  	s28 =	simm.s32 $_size_execute0_lowered;
	s3 =	sadd.s32 s3, s5;
	[dreg:$0x0] =	wrdreg $0x0  }
0xa8: {  	s5 =	sshll.u32 s28, $0x1;
	[dreg:$0x2] =	wrdreg s3  }
0xa9: {  	[dreg:$0x3] =	wrdreg s5  }
0xaa: {  	[dreg:$0x4] =	wrdreg $0xC0  }
0xab: {  	_ =	task [dreg:s7], $0x5FFFF  }
0xac: {  	[dreg:$0x1] =	wrdreg $0xFFFFFFFF  }
0xad: {  	[dreg:$0x0] =	wrdreg $0x60  }
0xae: {  	[dreg:$0x2] =	wrdreg s24  }
0xaf: {  	[dreg:$0x3] =	wrdreg s2  }
0xb0: {  	[dreg:$0x4] =	wrdreg $0xDF800  }
0xb1: {  	[dreg:$0x5] =	wrdreg $0x9  }
0xb2: {  	_ =	task.clear_ibuf [dreg:s7], $0x6FFFF;
	_ =	strace $0x90000049  }
0xb3: {  	s29 =	simm.s32 $0x9;
	_ =	strace $0x8000004B  }
0xb4: {  	_ =	swait.ge [sflag:s29], $0x1  }
0xb5: {  	[sflag:s29] =	ssyncadd.s32 $0xFFFFFFFF  }
0xb6: {  	_ =	strace $0x9000004B  }
0xb7: {  	_ =	sfence  }
0xb8: {  	s30 =	sld [smem:$0x0];
	_ =	sdelay $0x2  }
0xb9: {  	s31 =	sshll.u32 s1, $0xD;
	s1 =	sshrl.u32 s1, $0x2  }
0xba: {  	s3 =	sand.u32 $0x4000, s31;
	s1 =	sadd.s32 s1, s30  }
0xbb: {  	s0 =	sor.u32 s3, s0;
	s1 =	sshll.u32 s1, $0x11  }
0xbc: {  	s0 =	sor.u32 s1, s0  }
0xbd: {  	s0 =	sadd.s32 $0x8F2B, s0  }
0xbe: {  	[sflag:s0] =	ssyncadd.remote.s32 $0x1  }
0xbf: {  	_ =	sfence.sel $0xFFFF  }
0xc0: {  	[dreg:$0x0] =	wrdreg $0xFFFFFFFF;
	(pc) =	sbr.abs _section_cstart, $3  }
0xc1: {  	[dreg:$0x1] =	wrdreg $0xFFFFFFFF  }
0xc2: {  	_ =	task.clear_ibuf [dreg:s7], $0x2FFFF;
	_ =	strace $0x9FFFFFFF  }
0xc3: {  	(tm) =	ssettm $0x7FFFFFFF  }
tec
execute0_lowered:
.L_overlay_start_1:
0x0: {  	(tag) =	ssettag $0x1  }
0x1: {  	s0 =	rddreg [dreg:$0x0]  }
0x2: {  	s1 =	rddreg [dreg:$0x1]  }
0x3: {  	s2 =	rddreg [dreg:$0x2];
	s3 =	simm.s32 $0x0  }
0x4: {  	s9 =	stileid.u32;
	s6 =	srdreg.scid;
	s13 =	simm.s32 $0xB800  }
0x5: {  	s14 =	simm.s32 $0x9;
	s15 =	simm.s32 $0x80;
	s16 =	simm.s32 $0x7800  }
0x6: {  	s17 =	simm.s32 $0x8000;
	s19 =	simm.s32 $0x8800;
	s28 =	simm.s32 $0xA800  }
0x7: {  	s30 =	simm.s32 $0xB000;
	s31 =	simm.s32 $0x1;
	s18 =	simm.s32 $0x4  }
0x8: {  	s20 =	simm.s32 $0x5;
	s29 =	simm.s32 $0x0;
	s5 =	smul.u32 $0x780, s9  }
0x9: {  	[smem:$0x7FF] =	sst s3;
	s4 =	sadd.s32 $0x17200, s0;
	s7 =	smul.u32 $0x280, s9  }
0xa: {  	s8 =	sand.u32 $0x1, s6;
	s9 =	smul.u32 $0x2780, s9;
	s10 =	sadd.s32 $0x14000, s0  }
0xb: {  	_ =	strace $0x8000004A;
	s6 =	ssub.s32 $0x2, s8;
	[dreg:$0x5] =	wrdreg s10  }
0xc: {  	p0 =	seq.s32 s8, $0x0;
	s5 =	sadd.s32 s5, s0;
	s7 =	sadd.s32 s7, s0  }
0xd: {  	s21 =	sshrl.u32 s6, $0x1;
	s0 =	sadd.s32 $0x1C200, s0;
	s24 =	sshrl.u32 s9, $0x3  }
0xe: {  	s11 =	ssub.s32 s6, s21;
	s6 =	sadd.s32 s9, s2;
	s22 =	sadd.s32 $0x14A00, s7  }
0xf: {  	s7 =	sadd.s32 $0x11800, s7;
	s23 =	sadd.s32 $0x2800, s5;
	[dreg:$0x6] =	wrdreg s22  }
0x10: {  	s0 =	smov.u32 @p0 s1;
	s25 =	sadd.s32 $0xA000, s5;
	[dreg:$0x7] =	wrdreg s7  }
0x11: {  	p0 =	sne.s32 s8, $0x0;
	s21 =	simm.s32 $0x9000;
	[dreg:$0x8] =	wrdreg s23  }
0x12: {  	s1 =	simm.s32 $0x3;
	[dreg:$0x9] =	wrdreg s25;
	s26 =	smax.u32 s11, $0x1  }
0x13: {  	s0 =	sadd.s32 s0, s24;
	s23 =	simm.s32 $0x9800;
	s25 =	simm.s32 $0xA000  }
0x14: {  	s22 =	simm.s32 $0x6;
	s24 =	simm.s32 $0x7;
	[dreg:$0xa] =	wrdreg s26  }
0x15: {  	[dreg:$0xb] =	wrdreg s0;
	s0 =	simm.s32 $0x2;
	s26 =	simm.s32 $0x8  }
.LBB2_1:
0x16: {  	s5 =	rddreg [dreg:$0x5]  }
0x17: {  	[tilespmem:s13], [sflag:$0x9] =	stream.linear.gather [hbm4b:s5+s3], $0x2780, $0x38;
	[tilespmem:$0x10700] =	vst v63  }
0x18: {  	_ =	swait.ge [sflag:s14], $0x2780  }
0x19: {  	[sflag:s14] =	ssyncset.done $0x0  }
0x1a: {  	[sflag:s14] =	ssyncadd.s32 $0xFFFFD880  }
0x1b: {  	[spmem:s6] =	stream.linear.scatter [tilespmem:s13], [sflag:$0x9], $0x2780, $0x38;
	[tilespmem:$0x10700] =	vst v63  }
0x1c: {  	_ =	swait.ge [sflag:s14], $0x2780  }
0x1d: {  	[sflag:s14] =	ssyncset.done $0x0  }
0x1e: {  	s5 =	simm.s32 @p0 $0x0;
	s7 =	rddreg [dreg:$0x6];
	[sflag:s14] =	ssyncadd.s32 $0xFFFFD880  }
0x1f: {  	[tilespmem:s5], [sflag:$0x9] =	stream.linear.gather @p0 [hbm4b:s7+s5], $0x1400, $0x38;
	[tilespmem:$0x10700] =	vst v63  }
0x20: {  	s7 =	simm.s32 @p0 $0x9  }
0x21: {  	_ =	swait.ge @p0 [sflag:s7], $0x1400  }
0x22: {  	[sflag:s7] =	ssyncset.done @p0 $0x0  }
0x23: {  	s8 =	simm.s32 @p0 $0x3C00;
	s9 =	rddreg [dreg:$0x7];
	[sflag:s7] =	ssyncadd.s32 @p0 $0xFFFFEC00  }
0x24: {  	[tilespmem:s8], [sflag:$0x9] =	stream.linear.gather @p0 [hbm4b:s9+s5], $0x1400, $0x38;
	[tilespmem:$0x10700] =	vst v63  }
0x25: {  	_ =	swait.ge @p0 [sflag:s7], $0x1400  }
0x26: {  	[sflag:s7] =	ssyncset.done @p0 $0x0  }
0x27: {  	s5 =	simm.s32 @!p0 $0x0;
	[sflag:s7] =	ssyncadd.s32 @p0 $0xFFFFEC00;
	s7 =	rddreg [dreg:$0x8]  }
0x28: {  	[tilespmem:s5], [sflag:$0x9] =	stream.linear.gather @!p0 [hbm4b:s7+s5], $0x3C00, $0x38;
	[tilespmem:$0x10700] =	vst v63  }
0x29: {  	s7 =	simm.s32 @!p0 $0x9  }
0x2a: {  	_ =	swait.ge @!p0 [sflag:s7], $0x3C00  }
0x2b: {  	[sflag:s7] =	ssyncset.done @!p0 $0x0  }
0x2c: {  	s8 =	simm.s32 @!p0 $0x3C00;
	s9 =	rddreg [dreg:$0x9];
	[sflag:s7] =	ssyncadd.s32 @!p0 $0xFFFFC400  }
0x2d: {  	[tilespmem:s8], [sflag:$0x9] =	stream.linear.gather @!p0 [hbm4b:s9+s5], $0x3C00, $0x38;
	[tilespmem:$0x10700] =	vst v63  }
0x2e: {  	_ =	swait.ge @!p0 [sflag:s7], $0x3C00  }
0x2f: {  	[sflag:s7] =	ssyncset.done @!p0 $0x0  }
0x30: {  	[sflag:s7] =	ssyncadd.s32 @!p0 $0xFFFFC400  }
0x31: {  	[bflag:$0x0] =	sbarrier.arrive $0xFFFF  }
0x32: {  	[tilespmem:s16], [sflag:$0x1] =	stream.indirect.gather [hbm4b:s4+s15], $0x10, s3, s15, $0xb8;
	[tilespmem:$0x10700] =	vst v63  }
0x33: {  	_ = 	snop  }
0x34: {  	[tilespmem:s17], [sflag:$0x2] =	stream.indirect.gather [hbm4b:s4+s15], $0x10, s15, s15, $0xb8;
	[tilespmem:$0x10700] =	vst v63  }
0x35: {  	s12 =	simm.s32 $0x100  }
0x36: {  	[tilespmem:s19], [sflag:$0x3] =	stream.indirect.gather [hbm4b:s4+s15], $0x10, s12, s15, $0xb8;
	[tilespmem:$0x10700] =	vst v63  }
0x37: {  	s5 =	simm.s32 @!p0 $0x78;
	s7 =	simm.s32 $0x180  }
0x38: {  	[tilespmem:s21], [sflag:$0x4] =	stream.indirect.gather [hbm4b:s4+s15], $0x10, s7, s15, $0xb8;
	[tilespmem:$0x10700] =	vst v63  }
0x39: {  	s8 =	simm.s32 $0x200;
	s5 =	simm.s32 @p0 $0x28  }
0x3a: {  	[tilespmem:s23], [sflag:$0x5] =	stream.indirect.gather [hbm4b:s4+s15], $0x10, s8, s15, $0xb8;
	[tilespmem:$0x10700] =	vst v63  }
0x3b: {  	s9 =	simm.s32 $0x280;
	s12 =	sshll.u32 s5, $0x9  }
0x3c: {  	[tilespmem:s25], [sflag:$0x6] =	stream.indirect.gather [hbm4b:s4+s15], $0x10, s9, s15, $0xb8;
	[tilespmem:$0x10700] =	vst v63  }
0x3d: {  	s10 =	simm.s32 $0x300;
	s11 =	simm.s32 $0x380;
	s7 =	sand.u32 $0xF000, s12  }
0x3e: {  	[tilespmem:s28], [sflag:$0x7] =	stream.indirect.gather [hbm4b:s4+s15], $0x10, s10, s15, $0xb8;
	[tilespmem:$0x10700] =	vst v63  }
0x3f: {  	[dreg:$0x4] =	wrdreg s7;
	s7 =	simm.s32 $0x8;
	s8 =	simm.s32 $0x0  }
0x40: {  	[tilespmem:s30], [sflag:$0x8] =	stream.indirect.gather [hbm4b:s4+s15], $0x10, s11, s15, $0xb8;
	[tilespmem:$0x10700] =	vst v63  }
.LBB2_2:
0x41: {  	_ =	swait.ge [sflag:s31], $0x800  }
0x42: {  	s9 =	sshra.s32 s8, $0x2;
	[sflag:s31] =	ssyncset.done $0x0  }
0x43: {  	s10 =	sadd.s32 $0x3C00, s9;
	[sflag:s31] =	ssyncadd.s32 $0xFFFFF800  }
0x44: {  	[spmem:s2] =	stream.indirect.scatter.add.f32 [tilespmem:s16], [sflag:$0x9], $0x10, s10, s15, $0xb8;
	[tilespmem:$0x10700] =	vst v63  }
0x45: {  	p1 =	sge.u32 s7, s5;
	_ =	swait.ge [sflag:s14], $0x800  }
0x46: {  	s11 =	simm.s32 @!p1 $0x80;
	s10 =	sshra.s32 @!p1 s8, $0x2;
	[sflag:s14] =	ssyncset.done $0x0  }
0x47: {  	s12 =	simm.s32 @!p1 $0x7800;
	s10 =	sadd.s32 @!p1 $0x400, s10;
	[sflag:s14] =	ssyncadd.s32 $0xFFFFF800  }
0x48: {  	[tilespmem:s12], [sflag:$0x1] =	stream.indirect.gather @!p1 [hbm4b:s4+s11], $0x10, s10, s11, $0xb8;
	[tilespmem:$0x10700] =	vst v63  }
0x49: {  	_ =	swait.ge [sflag:s0], $0x800  }
0x4a: {  	[sflag:s0] =	ssyncset.done $0x0  }
0x4b: {  	s12 =	sadd.s32 $0x3C80, s9;
	s11 =	sadd.s32 $0x1, s7;
	[sflag:s0] =	ssyncadd.s32 $0xFFFFF800  }
0x4c: {  	[spmem:s2] =	stream.indirect.scatter.add.f32 [tilespmem:s17], [sflag:$0x9], $0x10, s12, s15, $0xb8;
	[tilespmem:$0x10700] =	vst v63  }
0x4d: {  	p1 =	sge.u32 s11, s5;
	_ =	swait.ge [sflag:s14], $0x800  }
0x4e: {  	s10 =	sshra.s32 @!p1 s8, $0x2;
	s11 =	simm.s32 @!p1 $0x80;
	[sflag:s14] =	ssyncset.done $0x0  }
0x4f: {  	s10 =	sadd.s32 @!p1 $0x480, s10;
	s12 =	simm.s32 @!p1 $0x8000;
	[sflag:s14] =	ssyncadd.s32 $0xFFFFF800  }
0x50: {  	[tilespmem:s12], [sflag:$0x2] =	stream.indirect.gather @!p1 [hbm4b:s4+s11], $0x10, s10, s11, $0xb8;
	[tilespmem:$0x10700] =	vst v63  }
0x51: {  	_ =	swait.ge [sflag:s1], $0x800  }
0x52: {  	[sflag:s1] =	ssyncset.done $0x0  }
0x53: {  	s12 =	sadd.s32 $0x3D00, s9;
	s11 =	sadd.s32 $0x2, s7;
	[sflag:s1] =	ssyncadd.s32 $0xFFFFF800  }
0x54: {  	[spmem:s2] =	stream.indirect.scatter.add.f32 [tilespmem:s19], [sflag:$0x9], $0x10, s12, s15, $0xb8;
	[tilespmem:$0x10700] =	vst v63  }
0x55: {  	p1 =	sge.u32 s11, s5;
	_ =	swait.ge [sflag:s14], $0x800  }
0x56: {  	s10 =	sshra.s32 @!p1 s8, $0x2;
	s11 =	simm.s32 @!p1 $0x80;
	[sflag:s14] =	ssyncset.done $0x0  }
0x57: {  	s10 =	sadd.s32 @!p1 $0x500, s10;
	s12 =	simm.s32 @!p1 $0x8800;
	[sflag:s14] =	ssyncadd.s32 $0xFFFFF800  }
0x58: {  	[tilespmem:s12], [sflag:$0x3] =	stream.indirect.gather @!p1 [hbm4b:s4+s11], $0x10, s10, s11, $0xb8;
	[tilespmem:$0x10700] =	vst v63  }
0x59: {  	_ =	swait.ge [sflag:s18], $0x800  }
0x5a: {  	[sflag:s18] =	ssyncset.done $0x0  }
0x5b: {  	s12 =	sadd.s32 $0x3D80, s9;
	s11 =	sadd.s32 $0x3, s7;
	[sflag:s18] =	ssyncadd.s32 $0xFFFFF800  }
0x5c: {  	[spmem:s2] =	stream.indirect.scatter.add.f32 [tilespmem:s21], [sflag:$0x9], $0x10, s12, s15, $0xb8;
	[tilespmem:$0x10700] =	vst v63  }
0x5d: {  	p1 =	sge.u32 s11, s5;
	_ =	swait.ge [sflag:s14], $0x800  }
0x5e: {  	s10 =	sshra.s32 @!p1 s8, $0x2;
	s11 =	simm.s32 @!p1 $0x80;
	[sflag:s14] =	ssyncset.done $0x0  }
0x5f: {  	s10 =	sadd.s32 @!p1 $0x580, s10;
	s12 =	simm.s32 @!p1 $0x9000;
	[sflag:s14] =	ssyncadd.s32 $0xFFFFF800  }
0x60: {  	[tilespmem:s12], [sflag:$0x4] =	stream.indirect.gather @!p1 [hbm4b:s4+s11], $0x10, s10, s11, $0xb8;
	[tilespmem:$0x10700] =	vst v63  }
0x61: {  	_ =	swait.ge [sflag:s20], $0x800  }
0x62: {  	[sflag:s20] =	ssyncset.done $0x0  }
0x63: {  	s12 =	sadd.s32 $0x3E00, s9;
	s11 =	sadd.s32 $0x4, s7;
	[sflag:s20] =	ssyncadd.s32 $0xFFFFF800  }
0x64: {  	[spmem:s2] =	stream.indirect.scatter.add.f32 [tilespmem:s23], [sflag:$0x9], $0x10, s12, s15, $0xb8;
	[tilespmem:$0x10700] =	vst v63  }
0x65: {  	p1 =	sge.u32 s11, s5;
	_ =	swait.ge [sflag:s14], $0x800  }
0x66: {  	s10 =	sshra.s32 @!p1 s8, $0x2;
	s11 =	simm.s32 @!p1 $0x80;
	[sflag:s14] =	ssyncset.done $0x0  }
0x67: {  	s10 =	sadd.s32 @!p1 $0x600, s10;
	s12 =	simm.s32 @!p1 $0x9800;
	[sflag:s14] =	ssyncadd.s32 $0xFFFFF800  }
0x68: {  	[tilespmem:s12], [sflag:$0x5] =	stream.indirect.gather @!p1 [hbm4b:s4+s11], $0x10, s10, s11, $0xb8;
	[tilespmem:$0x10700] =	vst v63  }
0x69: {  	_ =	swait.ge [sflag:s22], $0x800  }
0x6a: {  	[sflag:s22] =	ssyncset.done $0x0  }
0x6b: {  	s12 =	sadd.s32 $0x3E80, s9;
	s11 =	sadd.s32 $0x5, s7;
	[sflag:s22] =	ssyncadd.s32 $0xFFFFF800  }
0x6c: {  	[spmem:s2] =	stream.indirect.scatter.add.f32 [tilespmem:s25], [sflag:$0x9], $0x10, s12, s15, $0xb8;
	[tilespmem:$0x10700] =	vst v63  }
0x6d: {  	p1 =	sge.u32 s11, s5;
	_ =	swait.ge [sflag:s14], $0x800  }
0x6e: {  	s10 =	sshra.s32 @!p1 s8, $0x2;
	s11 =	simm.s32 @!p1 $0x80;
	[sflag:s14] =	ssyncset.done $0x0  }
0x6f: {  	s10 =	sadd.s32 @!p1 $0x680, s10;
	s12 =	simm.s32 @!p1 $0xA000;
	[sflag:s14] =	ssyncadd.s32 $0xFFFFF800  }
0x70: {  	[tilespmem:s12], [sflag:$0x6] =	stream.indirect.gather @!p1 [hbm4b:s4+s11], $0x10, s10, s11, $0xb8;
	[tilespmem:$0x10700] =	vst v63  }
0x71: {  	_ =	swait.ge [sflag:s24], $0x800  }
0x72: {  	[sflag:s24] =	ssyncset.done $0x0  }
0x73: {  	s12 =	sadd.s32 $0x3F00, s9;
	s11 =	sadd.s32 $0x6, s7;
	[sflag:s24] =	ssyncadd.s32 $0xFFFFF800  }
0x74: {  	[spmem:s2] =	stream.indirect.scatter.add.f32 [tilespmem:s28], [sflag:$0x9], $0x10, s12, s15, $0xb8;
	[tilespmem:$0x10700] =	vst v63  }
0x75: {  	p1 =	sge.u32 s11, s5;
	_ =	swait.ge [sflag:s14], $0x800  }
0x76: {  	s10 =	sshra.s32 @!p1 s8, $0x2;
	s11 =	simm.s32 @!p1 $0x80;
	[sflag:s14] =	ssyncset.done $0x0  }
0x77: {  	s10 =	sadd.s32 @!p1 $0x700, s10;
	s12 =	simm.s32 @!p1 $0xA800;
	[sflag:s14] =	ssyncadd.s32 $0xFFFFF800  }
0x78: {  	[tilespmem:s12], [sflag:$0x7] =	stream.indirect.gather @!p1 [hbm4b:s4+s11], $0x10, s10, s11, $0xb8;
	[tilespmem:$0x10700] =	vst v63  }
0x79: {  	_ =	swait.ge [sflag:s26], $0x800  }
0x7a: {  	s12 =	sadd.s32 $0x7, s7;
	[sflag:s26] =	ssyncset.done $0x0  }
0x7b: {  	s9 =	sadd.s32 $0x3F80, s9;
	p1 =	sge.u32 s12, s5;
	[sflag:s26] =	ssyncadd.s32 $0xFFFFF800  }
0x7c: {  	[spmem:s2] =	stream.indirect.scatter.add.f32 [tilespmem:s30], [sflag:$0x9], $0x10, s9, s15, $0xb8;
	[tilespmem:$0x10700] =	vst v63  }
0x7d: {  	s10 =	simm.s32 @!p1 $0x80;
	s11 =	simm.s32 @!p1 $0xB000;
	_ =	swait.ge [sflag:s14], $0x800  }
0x7e: {  	s9 =	sshra.s32 @!p1 s8, $0x2;
	s8 =	sadd.s32 $0x1000, s8;
	[sflag:s14] =	ssyncset.done $0x0  }
0x7f: {  	s9 =	sadd.s32 @!p1 $0x780, s9;
	s12 =	rddreg [dreg:$0x4];
	[sflag:s14] =	ssyncadd.s32 $0xFFFFF800  }
0x80: {  	[tilespmem:s11], [sflag:$0x8] =	stream.indirect.gather @!p1 [hbm4b:s4+s10], $0x10, s9, s10, $0xb8;
	[tilespmem:$0x10700] =	vst v63  }
0x81: {  	p1 =	sne.s32 s12, s8  }
.Ltmp0:
0x82: {  	_ = 	snop;
	(pc) =	sbr.rel @p1 .LBB2_2-.Ltmp0, $2  }
0x83: {  	_ =	sdelay $0x2  }
0x84: {  	s7 =	sadd.s32 $0x8, s7  }
0x85: {  	[bflag:$0x0] =	sbarrier.arrive $0xFFFF  }
0x86: {  	[tilespmem:s13], [sflag:$0x9] =	stream.linear.gather [spmem:s6], $0x2780, $0x38;
	[tilespmem:$0x10700] =	vst v63  }
0x87: {  	_ =	swait.ge [sflag:s14], $0x2780  }
0x88: {  	[sflag:s14] =	ssyncset.done $0x0  }
0x89: {  	s5 =	rddreg [dreg:$0xb];
	[sflag:s14] =	ssyncadd.s32 $0xFFFFD880  }
0x8a: {  	[hbm4b:s5+s3] =	stream.linear.scatter [tilespmem:s13], [sflag:$0x9], $0x2780, $0x38;
	[tilespmem:$0x10700] =	vst v63  }
0x8b: {  	_ =	swait.ge [sflag:s14], $0x2780  }
0x8c: {  	s29 =	sadd.s32 $0x1, s29;
	s12 =	rddreg [dreg:$0xa]  }
0x8d: {  	p1 =	sne.s32 s29, s12  }
.Ltmp1:
0x8e: {  	_ = 	snop;
	(pc) =	sbr.rel @p1 .LBB2_1-.Ltmp1, $3  }
0x8f: {  	_ =	sdelay $0x1  }
0x90: {  	[sflag:s14] =	ssyncset.done $0x0  }
0x91: {  	[sflag:s14] =	ssyncadd.s32 $0xFFFFD880  }
0x92: {  	_ =	sfence.sel $0x180000  }
0x93: {  	[bflag:$0x0] =	sbarrier.arrive $0xFFFF  }
0x94: {  	_ =	strace $0x9000004A  }
0x95: {  	s0 =	stileid.u32;
	[bflag:$0x2] =	sbarrier.arrive $0xFFFF  }
0x96: {  	p0 =	sne.s32 s0, $0x0;
	s0 =	rddreg [dreg:$0x3]  }
0x97: {  	s0 =	sadd.s32 @!p0 $0x100000, s0  }
0x98: {  	[sflag:s0] =	ssyncadd.tile.s32 @!p0 $0x1;
	_ =	shalt  }
.Lfunc_end2:
_tile_overlayer_lowered:
.L_overlay_start_2:
0x99: {  	(tag) =	ssettag $0x2  }
0x9a: {  	s0 =	rddreg [dreg:$0x0];
	s2 =	stileid.u32  }
0x9b: {  	s1 =	rddreg [dreg:$0x1];
	p0 =	sne.s32 s2, $0x0  }
0x9c: {  	s3 =	rddreg [dreg:$0x2];
	[bflag:$0x3] =	sbarrier.arrive $0xFFFF;
	s2 =	simm.s32 @!p0 $0x1C09  }
0x9d: {  	[timem:s3], [sflag:s2] =	dma.local @!p0 [hbm:s0], s1  }
0x9e: {  	s0 =	simm.s32 @!p0 $0x9  }
0x9f: {  	_ =	swait.ge @!p0 [sflag:s0], s1  }
0xa0: {  	s1 =	ssub.s32 @!p0 $0x0, s1;
	[sflag:s0] =	ssyncset.done @!p0 $0x0  }
0xa1: {  	[sflag:s0] =	ssyncadd.s32 @!p0 s1  }
0xa2: {  	[bflag:$0x3] =	sbarrier.arrive $0xFFFF  }
0xa3: {  	_ =	shalt  }

// kernel: kernel.14.cloned.1.call-start
scs
__scs_entry_jumppad:
0x0: {  	(pc) =	sbr.rel $0x88, $3  }
0x1: {  	(tag) =	ssettag $0x0;
	lr =	simm.s32 $0x1  }
0x2: {  	[smem:$0x3F9B] =	sst lr;
	_ =	strace $0xD0000000  }
0x3: {  	_ = 	snop  }
0x4: {  	_ = 	snop  }
0x5: {  	_ = 	snop  }
0x6: {  	_ = 	snop  }
0x7: {  	_ = 	snop  }
__scs_overlays_trampoline_lowered:
0x8: {  	[smem:$0x3FAA] =	sst s0  }
0x9: {  	[smem:$0x3FAB] =	sst s1  }
0xa: {  	[smem:$0x3FAC] =	sst s2  }
0xb: {  	[smem:$0x3FAD] =	sst s3  }
0xc: {  	[smem:$0x3FAE] =	sst s4  }
0xd: {  	[smem:$0x3FAF] =	sst s5  }
0xe: {  	[smem:$0x3FB0] =	sst s6  }
0xf: {  	[smem:$0x3FB1] =	sst s7  }
0x10: {  	[smem:$0x3FB2] =	sst s8  }
0x11: {  	[smem:$0x3FB3] =	sst s9;
	s0 =	simm.s32 @!p0 $0x0  }
0x12: {  	s1 =	sld [smem:$0x3F99];
	s0 =	simm.s32 @p0 $0x1  }
0x13: {  	[smem:$0x3FB4] =	sst s0;
	s0 =	simm.s32 @!p1 $0x0  }
0x14: {  	s2 =	sld [smem:$0x3F98];
	s0 =	simm.s32 @p1 $0x1  }
0x15: {  	[smem:$0x3FB5] =	sst s0;
	s0 =	simm.s32 @!p2 $0x0  }
0x16: {  	s3 =	sld [smem:$0x3FDB];
	s0 =	simm.s32 @p2 $0x1  }
0x17: {  	s4 =	simm.s32 $0x1BF5;
	[smem:$0x3FB7] =	sst s0  }
0x18: {  	s0 =	sld [smem:$0x3F9A];
	_ =	swait.ge [sflag:s4], $0x0  }
0x19: {  	s7 =	sld [smem:$0x3F9B]  }
0x1a: {  	s8 =	sadd.s32 $0xFFFFE003, lr  }
0x1b: {  	s9 =	sadd.s32 $0xFFFFFEF7, lr;
	s5 =	simm.s32 $0xFFFFFFFF;
	p2 =	slt.u32 s8, $0xFFFFF086  }
0x1c: {  	p1 =	slt.u32 s9, $0xF7A;
	s5 =	simm.s32 @!p2 $0x0  }
0x1d: {  	s5 =	simm.s32 @p1 $0x1;
	p0 =	seq.s32 s7, s2  }
0x1e: {  	s7 =	smul.u32 @!p0 $0xF7A, s2;
	p2 =	seq.s32 @!p0 s5, $0x0  }
0x1f: {  	s9 =	smul.u32 $0xF7A, s1;
	s8 =	simm.s32 @!p0 $0x1BF5;
	p2 =	por !p2, p0  }
0x20: {  	[sflag:s8] =	ssyncset.s32 @!p0 $0xFFFFF086;
	s6 =	sadd.s32 @!p0 s3, s7;
	s7 =	simm.s32 @!p0 $0x108  }
0x21: {  	s3 =	sadd.s32 s3, s9;
	s6 =	sadd.s32 @!p0 $0x88, s6;
	s7 =	simm.s32 @p2 $0x1082  }
0x22: {  	[simem:s7], [sflag:s8] =	dma.local @!p0 [hbm:s6], $0xF7A  }
0x23: {  	s9 =	sor.u32 $0xD0000000, s2;
	s6 =	simm.s32 $0x108;
	_ =	swait.ge @!p0 [sflag:s8], $0x0  }
0x24: {  	s3 =	sadd.s32 $0x88, s3;
	s6 =	simm.s32 @!p1 $0x1082;
	[sflag:s4] =	ssyncset.s32 $0xFFFFF086  }
0x25: {  	[simem:s6], [sflag:s4] =	dma.local [hbm:s3], $0xF7A  }
0x26: {  	[smem:$0x3F9B] =	sst s1;
	(tag) =	ssettag s2;
	_ =	strace s9  }
0x27: {  	s1 =	sld [smem:$0x3FAB]  }
0x28: {  	s2 =	sld [smem:$0x3FAC]  }
0x29: {  	s4 =	sld [smem:$0x3FAE]  }
0x2a: {  	p0 =	seq.s32 s5, $0x0;
	s5 =	sld [smem:$0x3FAF]  }
0x2b: {  	s6 =	sld [smem:$0x3FB0]  }
0x2c: {  	s7 =	sld [smem:$0x3FB1]  }
0x2d: {  	s3 =	simm.s32 $0x108;
	s8 =	sld [smem:$0x3FB2]  }
0x2e: {  	s3 =	simm.s32 @!p0 $0x1082;
	s9 =	sld [smem:$0x3FB3]  }
0x2f: {  	lr =	sadd.s32 s0, s3;
	s0 =	sld [smem:$0x3FAA]  }
0x30: {  	s3 =	sld [smem:$0x3FAD]  }
0x31: {  	[smem:$0x3FB6] =	sst s10  }
0x32: {  	s10 =	sld [smem:$0x3FB4];
	_ =	sdelay $0x3  }
0x33: {  	p0 =	seq.s32 s10, $0x1;
	s10 =	sld [smem:$0x3FB6];
	_ =	sdelay $0x3  }
0x34: {  	[smem:$0x3FB6] =	sst s10  }
0x35: {  	s10 =	sld [smem:$0x3FB5];
	_ =	sdelay $0x3  }
0x36: {  	p1 =	seq.s32 s10, $0x1;
	s10 =	sld [smem:$0x3FB6];
	_ =	sdelay $0x3  }
0x37: {  	[smem:$0x3FB6] =	sst s10  }
0x38: {  	s10 =	sld [smem:$0x3FB7]  }
0x39: {  	_ = 	snop;
	(pc) =	sbr.ind lr, $3  }
0x3a: {  	_ = 	snop  }
0x3b: {  	_ = 	snop  }
0x3c: {  	p2 =	seq.s32 s10, $0x1;
	s10 =	sld [smem:$0x3FB6]  }
0x3d: {  	_ =	shalt  }
0x3e: {  	_ =	shalt  }
0x3f: {  	_ =	shalt  }
0x40: {  	_ =	shalt  }
0x41: {  	_ =	shalt  }
0x42: {  	_ =	shalt  }
0x43: {  	_ =	shalt  }
0x44: {  	_ =	shalt  }
0x45: {  	_ =	shalt  }
0x46: {  	_ =	shalt  }
0x47: {  	_ =	shalt  }
0x48: {  	_ =	shalt  }
0x49: {  	_ =	shalt  }
0x4a: {  	_ =	shalt  }
0x4b: {  	_ =	shalt  }
0x4c: {  	_ =	shalt  }
0x4d: {  	_ =	shalt  }
0x4e: {  	_ =	shalt  }
0x4f: {  	_ =	shalt  }
0x50: {  	_ =	shalt  }
0x51: {  	_ =	shalt  }
0x52: {  	_ =	shalt  }
0x53: {  	_ =	shalt  }
0x54: {  	_ =	shalt  }
0x55: {  	_ =	shalt  }
0x56: {  	_ =	shalt  }
0x57: {  	_ =	shalt  }
0x58: {  	_ =	shalt  }
0x59: {  	_ =	shalt  }
0x5a: {  	_ =	shalt  }
0x5b: {  	_ =	shalt  }
0x5c: {  	_ =	shalt  }
0x5d: {  	_ =	shalt  }
0x5e: {  	_ =	shalt  }
0x5f: {  	_ =	shalt  }
0x60: {  	_ =	shalt  }
0x61: {  	_ =	shalt  }
0x62: {  	_ =	shalt  }
0x63: {  	_ =	shalt  }
0x64: {  	_ =	shalt  }
0x65: {  	_ =	shalt  }
0x66: {  	_ =	shalt  }
0x67: {  	_ =	shalt  }
0x68: {  	_ =	shalt  }
0x69: {  	_ =	shalt  }
0x6a: {  	_ =	shalt  }
0x6b: {  	_ =	shalt  }
0x6c: {  	_ =	shalt  }
0x6d: {  	_ =	shalt  }
0x6e: {  	_ =	shalt  }
0x6f: {  	_ =	shalt  }
0x70: {  	_ =	shalt  }
0x71: {  	_ =	shalt  }
0x72: {  	_ =	shalt  }
0x73: {  	_ =	shalt  }
0x74: {  	_ =	shalt  }
0x75: {  	_ =	shalt  }
0x76: {  	_ =	shalt  }
0x77: {  	_ =	shalt  }
0x78: {  	_ =	shalt  }
0x79: {  	_ =	shalt  }
0x7a: {  	_ =	shalt  }
0x7b: {  	_ =	shalt  }
0x7c: {  	_ =	shalt  }
0x7d: {  	_ =	shalt  }
0x7e: {  	_ =	shalt  }
0x7f: {  	_ =	shalt  }
0x80: {  	_ =	shalt  }
0x81: {  	_ =	shalt  }
0x82: {  	_ =	shalt  }
0x83: {  	_ =	shalt  }
0x84: {  	_ =	shalt  }
0x85: {  	_ =	shalt  }
0x86: {  	_ =	shalt  }
0x87: {  	_ =	shalt  }
.Lfunc_end0:
.L_simem_size_0:
called_computation.2_lowered:
.L_overlay_start_0:
0x88: {  	s2 =	sld [smem:$0x3FD9]  }
0x89: {  	s3 =	sld [smem:$0x3FFE];
	_ =	sdelay $0x1  }
0x8a: {  	s1 =	srdreg.scid  }
0x8b: {  	s0 =	sand.u32 $0x1, s1  }
0x8c: {  	s17 =	sshll.u32 s0, $0xA;
	s2 =	sadd.s32 s3, s2  }
0x8d: {  	s2 =	sadd.s32 s2, s17  }
0x8e: {  	[smem:$0x3FC2] =	sst s2  }
0x8f: {  	_ = 	snop  }
0x90: {  	s2 =	sld [smem:$0x3FD0];
	(tm) =	ssettm $0x1  }
0x91: {  	s18 =	sld [smem:$0x3FFB];
	_ =	sdelay $0x3  }
0x92: {  	_ =	strace s18  }
0x93: {  	s3 =	sld [smem:$0x3FFC];
	_ =	sdelay $0x3  }
0x94: {  	_ =	strace s3  }
0x95: {  	s3 =	sld [smem:$0x3FFD];
	_ =	sdelay $0x3  }
0x96: {  	_ =	strace s3  }
0x97: {  	_ =	strace $0x8FFFFFFF  }
0x98: {  	s19 =	sld [smem:$0x3FDB];
	_ =	sdelay $0x1  }
0x99: {  	s4 =	simm.s32 $_scs_section_size  }
0x9a: {  	s5 =	simm.s32 $_size__tile_overlayer_lowered;
	s6 =	simm.s32 $_tile_overlayer_lowered  }
0x9b: {  	s22 =	simm.s32 $0x1BFF;
	s21 =	sshll.u32 s6, $0x1;
	s3 =	sadd.s32 s4, s19  }
0x9c: {  	s7 =	simm.s32 $0x0;
	s20 =	sshll.u32 s5, $0x1;
	s5 =	sadd.s32 s21, s3  }
0x9d: {  	[timem:s7], [sflag:s22] =	dma.local [hbm:s5], s20  }
0x9e: {  	_ =	swait.ge [sflag:s22], s20  }
0x9f: {  	s4 =	ssub.s32 $0x0, s20;
	[sflag:s22] =	ssyncset.done $0x0  }
0xa0: {  	[sflag:s22] =	ssyncadd.s32 s4;
	_ =	sdelay $0x1  }
0xa1: {  	s23 =	simm.s32 $0x1B8B  }
0xa2: {  	_ =	swait.ge [sflag:s23], $0x1  }
0xa3: {  	[sflag:s23] =	ssyncset.done $0x0  }
0xa4: {  	s25 =	simm.s32 $0x1B8E;
	s24 =	sld [smem:$0x3FFE];
	[sflag:s23] =	ssyncadd.s32 $0xFFFFFFFF  }
0xa5: {  	s26 =	simm.s32 $execute0_lowered;
	[smem:$0x3FD2] =	sst s25  }
0xa6: {  	s5 =	sshll.u32 s26, $0x1;
	_ =	strace $0x8000004C;
	[dreg:$0x1] =	wrdreg $0xFFFFFFFF  }
0xa7: {  	s28 =	simm.s32 $_size_execute0_lowered;
	s3 =	sadd.s32 s3, s5;
	[dreg:$0x0] =	wrdreg $0x0  }
0xa8: {  	s5 =	sshll.u32 s28, $0x1;
	[dreg:$0x2] =	wrdreg s3  }
0xa9: {  	[dreg:$0x3] =	wrdreg s5  }
0xaa: {  	[dreg:$0x4] =	wrdreg $0xC0  }
0xab: {  	_ =	task [dreg:s7], $0x5FFFF  }
0xac: {  	[dreg:$0x1] =	wrdreg $0xFFFFFFFF  }
0xad: {  	[dreg:$0x0] =	wrdreg $0x60  }
0xae: {  	[dreg:$0x2] =	wrdreg s24  }
0xaf: {  	[dreg:$0x3] =	wrdreg s2  }
0xb0: {  	[dreg:$0x4] =	wrdreg $0x17AC00  }
0xb1: {  	[dreg:$0x5] =	wrdreg $0x9  }
0xb2: {  	_ =	task.clear_ibuf [dreg:s7], $0x6FFFF;
	_ =	strace $0x9000004C  }
0xb3: {  	s29 =	simm.s32 $0x9;
	_ =	strace $0x8000004E  }
0xb4: {  	_ =	swait.ge [sflag:s29], $0x1  }
0xb5: {  	[sflag:s29] =	ssyncadd.s32 $0xFFFFFFFF  }
0xb6: {  	_ =	strace $0x9000004E  }
0xb7: {  	_ =	sfence  }
0xb8: {  	s30 =	sld [smem:$0x0];
	_ =	sdelay $0x2  }
0xb9: {  	s31 =	sshll.u32 s1, $0xD;
	s1 =	sshrl.u32 s1, $0x2  }
0xba: {  	s3 =	sand.u32 $0x4000, s31;
	s1 =	sadd.s32 s1, s30  }
0xbb: {  	s0 =	sor.u32 s3, s0;
	s1 =	sshll.u32 s1, $0x11  }
0xbc: {  	s0 =	sor.u32 s1, s0  }
0xbd: {  	s0 =	sadd.s32 $0x8F2B, s0  }
0xbe: {  	[sflag:s0] =	ssyncadd.remote.s32 $0x1  }
0xbf: {  	_ =	sfence.sel $0xFFFF  }
0xc0: {  	[dreg:$0x0] =	wrdreg $0xFFFFFFFF;
	(pc) =	sbr.abs _section_cstart, $3  }
0xc1: {  	[dreg:$0x1] =	wrdreg $0xFFFFFFFF  }
0xc2: {  	_ =	task.clear_ibuf [dreg:s7], $0x2FFFF;
	_ =	strace $0x9FFFFFFF  }
0xc3: {  	(tm) =	ssettm $0x7FFFFFFF  }
tec
execute0_lowered:
.L_overlay_start_1:
0x0: {  	(tag) =	ssettag $0x1  }
0x1: {  	s0 =	rddreg [dreg:$0x0]  }
0x2: {  	s1 =	rddreg [dreg:$0x1]  }
0x3: {  	s2 =	rddreg [dreg:$0x2];
	s3 =	simm.s32 $0x0  }
0x4: {  	s9 =	stileid.u32;
	s6 =	srdreg.scid;
	s13 =	simm.s32 $0x11800  }
0x5: {  	s14 =	simm.s32 $0x9;
	s15 =	simm.s32 $0x80;
	s16 =	simm.s32 $0x7800  }
0x6: {  	s17 =	simm.s32 $0x8C00;
	s19 =	simm.s32 $0xA000;
	s28 =	simm.s32 $0xF000  }
0x7: {  	s30 =	simm.s32 $0x10400;
	s31 =	simm.s32 $0x1;
	s18 =	simm.s32 $0x4  }
0x8: {  	s20 =	simm.s32 $0x5;
	s29 =	simm.s32 $0x0;
	s5 =	smul.u32 $0x780, s9  }
0x9: {  	[smem:$0x7FF] =	sst s3;
	s4 =	sadd.s32 $0x17200, s0;
	s7 =	smul.u32 $0x280, s9  }
0xa: {  	s8 =	sand.u32 $0x1, s6;
	s9 =	smul.u32 $0x62C0, s9;
	s10 =	sadd.s32 $0x23600, s0  }
0xb: {  	_ =	strace $0x8000004D;
	s6 =	ssub.s32 $0x2, s8;
	[dreg:$0x5] =	wrdreg s10  }
0xc: {  	p0 =	seq.s32 s8, $0x0;
	s5 =	sadd.s32 s5, s0;
	s7 =	sadd.s32 s7, s0  }
0xd: {  	s21 =	sshrl.u32 s6, $0x1;
	s0 =	sadd.s32 $0x24400, s0;
	s24 =	sshrl.u32 s9, $0x3  }
0xe: {  	s11 =	ssub.s32 s6, s21;
	s6 =	sadd.s32 s9, s2;
	s22 =	sadd.s32 $0x14A00, s7  }
0xf: {  	s7 =	sadd.s32 $0x11800, s7;
	s23 =	sadd.s32 $0x2800, s5;
	[dreg:$0x6] =	wrdreg s22  }
0x10: {  	s0 =	smov.u32 @p0 s1;
	s25 =	sadd.s32 $0xA000, s5;
	[dreg:$0x7] =	wrdreg s7  }
0x11: {  	p0 =	sne.s32 s8, $0x0;
	s21 =	simm.s32 $0xB400;
	[dreg:$0x8] =	wrdreg s23  }
0x12: {  	s1 =	simm.s32 $0x3;
	[dreg:$0x9] =	wrdreg s25;
	s26 =	smax.u32 s11, $0x1  }
0x13: {  	s0 =	sadd.s32 s0, s24;
	s23 =	simm.s32 $0xC800;
	s25 =	simm.s32 $0xDC00  }
0x14: {  	s22 =	simm.s32 $0x6;
	s24 =	simm.s32 $0x7;
	[dreg:$0xa] =	wrdreg s26  }
0x15: {  	[dreg:$0xb] =	wrdreg s0;
	s0 =	simm.s32 $0x2;
	s26 =	simm.s32 $0x8  }
.LBB2_1:
0x16: {  	s5 =	rddreg [dreg:$0x5]  }
0x17: {  	[tilespmem:s13], [sflag:$0x9] =	stream.linear.gather [hbm4b:s5+s3], $0x62C0, $0x38;
	[tilespmem:$0x1DD80] =	vst v63  }
0x18: {  	_ =	swait.ge [sflag:s14], $0x62C0  }
0x19: {  	[sflag:s14] =	ssyncset.done $0x0  }
0x1a: {  	[sflag:s14] =	ssyncadd.s32 $0xFFFF9D40  }
0x1b: {  	[spmem:s6] =	stream.linear.scatter [tilespmem:s13], [sflag:$0x9], $0x62C0, $0x38;
	[tilespmem:$0x1DD80] =	vst v63  }
0x1c: {  	_ =	swait.ge [sflag:s14], $0x62C0  }
0x1d: {  	[sflag:s14] =	ssyncset.done $0x0  }
0x1e: {  	s5 =	simm.s32 @p0 $0x0;
	s7 =	rddreg [dreg:$0x6];
	[sflag:s14] =	ssyncadd.s32 $0xFFFF9D40  }
0x1f: {  	[tilespmem:s5], [sflag:$0x9] =	stream.linear.gather @p0 [hbm4b:s7+s5], $0x1400, $0x38;
	[tilespmem:$0x1DD80] =	vst v63  }
0x20: {  	s7 =	simm.s32 @p0 $0x9  }
0x21: {  	_ =	swait.ge @p0 [sflag:s7], $0x1400  }
0x22: {  	[sflag:s7] =	ssyncset.done @p0 $0x0  }
0x23: {  	s8 =	simm.s32 @p0 $0x3C00;
	s9 =	rddreg [dreg:$0x7];
	[sflag:s7] =	ssyncadd.s32 @p0 $0xFFFFEC00  }
0x24: {  	[tilespmem:s8], [sflag:$0x9] =	stream.linear.gather @p0 [hbm4b:s9+s5], $0x1400, $0x38;
	[tilespmem:$0x1DD80] =	vst v63  }
0x25: {  	_ =	swait.ge @p0 [sflag:s7], $0x1400  }
0x26: {  	[sflag:s7] =	ssyncset.done @p0 $0x0  }
0x27: {  	s5 =	simm.s32 @!p0 $0x0;
	[sflag:s7] =	ssyncadd.s32 @p0 $0xFFFFEC00;
	s7 =	rddreg [dreg:$0x8]  }
0x28: {  	[tilespmem:s5], [sflag:$0x9] =	stream.linear.gather @!p0 [hbm4b:s7+s5], $0x3C00, $0x38;
	[tilespmem:$0x1DD80] =	vst v63  }
0x29: {  	s7 =	simm.s32 @!p0 $0x9  }
0x2a: {  	_ =	swait.ge @!p0 [sflag:s7], $0x3C00  }
0x2b: {  	[sflag:s7] =	ssyncset.done @!p0 $0x0  }
0x2c: {  	s8 =	simm.s32 @!p0 $0x3C00;
	s9 =	rddreg [dreg:$0x9];
	[sflag:s7] =	ssyncadd.s32 @!p0 $0xFFFFC400  }
0x2d: {  	[tilespmem:s8], [sflag:$0x9] =	stream.linear.gather @!p0 [hbm4b:s9+s5], $0x3C00, $0x38;
	[tilespmem:$0x1DD80] =	vst v63  }
0x2e: {  	_ =	swait.ge @!p0 [sflag:s7], $0x3C00  }
0x2f: {  	[sflag:s7] =	ssyncset.done @!p0 $0x0  }
0x30: {  	[sflag:s7] =	ssyncadd.s32 @!p0 $0xFFFFC400  }
0x31: {  	[bflag:$0x0] =	sbarrier.arrive $0xFFFF  }
0x32: {  	[tilespmem:s16], [sflag:$0x1] =	stream.indirect.gather [hbm4b:s4+s15], $0x28, s3, s15, $0xb8;
	[tilespmem:$0x1DD80] =	vst v63  }
0x33: {  	_ = 	snop  }
0x34: {  	[tilespmem:s17], [sflag:$0x2] =	stream.indirect.gather [hbm4b:s4+s15], $0x28, s15, s15, $0xb8;
	[tilespmem:$0x1DD80] =	vst v63  }
0x35: {  	s12 =	simm.s32 $0x100  }
0x36: {  	[tilespmem:s19], [sflag:$0x3] =	stream.indirect.gather [hbm4b:s4+s15], $0x28, s12, s15, $0xb8;
	[tilespmem:$0x1DD80] =	vst v63  }
0x37: {  	s5 =	simm.s32 @!p0 $0x78;
	s7 =	simm.s32 $0x180  }
0x38: {  	[tilespmem:s21], [sflag:$0x4] =	stream.indirect.gather [hbm4b:s4+s15], $0x28, s7, s15, $0xb8;
	[tilespmem:$0x1DD80] =	vst v63  }
0x39: {  	s8 =	simm.s32 $0x200;
	s5 =	simm.s32 @p0 $0x28  }
0x3a: {  	[tilespmem:s23], [sflag:$0x5] =	stream.indirect.gather [hbm4b:s4+s15], $0x28, s8, s15, $0xb8;
	[tilespmem:$0x1DD80] =	vst v63  }
0x3b: {  	s9 =	simm.s32 $0x280;
	s12 =	sshll.u32 s5, $0x9  }
0x3c: {  	[tilespmem:s25], [sflag:$0x6] =	stream.indirect.gather [hbm4b:s4+s15], $0x28, s9, s15, $0xb8;
	[tilespmem:$0x1DD80] =	vst v63  }
0x3d: {  	s10 =	simm.s32 $0x300;
	s11 =	simm.s32 $0x380;
	s7 =	sand.u32 $0xF000, s12  }
0x3e: {  	[tilespmem:s28], [sflag:$0x7] =	stream.indirect.gather [hbm4b:s4+s15], $0x28, s10, s15, $0xb8;
	[tilespmem:$0x1DD80] =	vst v63  }
0x3f: {  	[dreg:$0x4] =	wrdreg s7;
	s7 =	simm.s32 $0x8;
	s8 =	simm.s32 $0x0  }
0x40: {  	[tilespmem:s30], [sflag:$0x8] =	stream.indirect.gather [hbm4b:s4+s15], $0x28, s11, s15, $0xb8;
	[tilespmem:$0x1DD80] =	vst v63  }
.LBB2_2:
0x41: {  	_ =	swait.ge [sflag:s31], $0x1400  }
0x42: {  	s9 =	sshra.s32 s8, $0x2;
	[sflag:s31] =	ssyncset.done $0x0  }
0x43: {  	s10 =	sadd.s32 $0x3C00, s9;
	[sflag:s31] =	ssyncadd.s32 $0xFFFFEC00  }
0x44: {  	[spmem:s2] =	stream.indirect.scatter.add.f32 [tilespmem:s16], [sflag:$0x9], $0x28, s10, s15, $0xb8;
	[tilespmem:$0x1DD80] =	vst v63  }
0x45: {  	p1 =	sge.u32 s7, s5;
	_ =	swait.ge [sflag:s14], $0x1400  }
0x46: {  	s11 =	simm.s32 @!p1 $0x80;
	s10 =	sshra.s32 @!p1 s8, $0x2;
	[sflag:s14] =	ssyncset.done $0x0  }
0x47: {  	s12 =	simm.s32 @!p1 $0x7800;
	s10 =	sadd.s32 @!p1 $0x400, s10;
	[sflag:s14] =	ssyncadd.s32 $0xFFFFEC00  }
0x48: {  	[tilespmem:s12], [sflag:$0x1] =	stream.indirect.gather @!p1 [hbm4b:s4+s11], $0x28, s10, s11, $0xb8;
	[tilespmem:$0x1DD80] =	vst v63  }
0x49: {  	_ =	swait.ge [sflag:s0], $0x1400  }
0x4a: {  	[sflag:s0] =	ssyncset.done $0x0  }
0x4b: {  	s12 =	sadd.s32 $0x3C80, s9;
	s11 =	sadd.s32 $0x1, s7;
	[sflag:s0] =	ssyncadd.s32 $0xFFFFEC00  }
0x4c: {  	[spmem:s2] =	stream.indirect.scatter.add.f32 [tilespmem:s17], [sflag:$0x9], $0x28, s12, s15, $0xb8;
	[tilespmem:$0x1DD80] =	vst v63  }
0x4d: {  	p1 =	sge.u32 s11, s5;
	_ =	swait.ge [sflag:s14], $0x1400  }
0x4e: {  	s10 =	sshra.s32 @!p1 s8, $0x2;
	s11 =	simm.s32 @!p1 $0x80;
	[sflag:s14] =	ssyncset.done $0x0  }
0x4f: {  	s10 =	sadd.s32 @!p1 $0x480, s10;
	s12 =	simm.s32 @!p1 $0x8C00;
	[sflag:s14] =	ssyncadd.s32 $0xFFFFEC00  }
0x50: {  	[tilespmem:s12], [sflag:$0x2] =	stream.indirect.gather @!p1 [hbm4b:s4+s11], $0x28, s10, s11, $0xb8;
	[tilespmem:$0x1DD80] =	vst v63  }
0x51: {  	_ =	swait.ge [sflag:s1], $0x1400  }
0x52: {  	[sflag:s1] =	ssyncset.done $0x0  }
0x53: {  	s12 =	sadd.s32 $0x3D00, s9;
	s11 =	sadd.s32 $0x2, s7;
	[sflag:s1] =	ssyncadd.s32 $0xFFFFEC00  }
0x54: {  	[spmem:s2] =	stream.indirect.scatter.add.f32 [tilespmem:s19], [sflag:$0x9], $0x28, s12, s15, $0xb8;
	[tilespmem:$0x1DD80] =	vst v63  }
0x55: {  	p1 =	sge.u32 s11, s5;
	_ =	swait.ge [sflag:s14], $0x1400  }
0x56: {  	s10 =	sshra.s32 @!p1 s8, $0x2;
	s11 =	simm.s32 @!p1 $0x80;
	[sflag:s14] =	ssyncset.done $0x0  }
0x57: {  	s10 =	sadd.s32 @!p1 $0x500, s10;
	s12 =	simm.s32 @!p1 $0xA000;
	[sflag:s14] =	ssyncadd.s32 $0xFFFFEC00  }
0x58: {  	[tilespmem:s12], [sflag:$0x3] =	stream.indirect.gather @!p1 [hbm4b:s4+s11], $0x28, s10, s11, $0xb8;
	[tilespmem:$0x1DD80] =	vst v63  }
0x59: {  	_ =	swait.ge [sflag:s18], $0x1400  }
0x5a: {  	[sflag:s18] =	ssyncset.done $0x0  }
0x5b: {  	s12 =	sadd.s32 $0x3D80, s9;
	s11 =	sadd.s32 $0x3, s7;
	[sflag:s18] =	ssyncadd.s32 $0xFFFFEC00  }
0x5c: {  	[spmem:s2] =	stream.indirect.scatter.add.f32 [tilespmem:s21], [sflag:$0x9], $0x28, s12, s15, $0xb8;
	[tilespmem:$0x1DD80] =	vst v63  }
0x5d: {  	p1 =	sge.u32 s11, s5;
	_ =	swait.ge [sflag:s14], $0x1400  }
0x5e: {  	s10 =	sshra.s32 @!p1 s8, $0x2;
	s11 =	simm.s32 @!p1 $0x80;
	[sflag:s14] =	ssyncset.done $0x0  }
0x5f: {  	s10 =	sadd.s32 @!p1 $0x580, s10;
	s12 =	simm.s32 @!p1 $0xB400;
	[sflag:s14] =	ssyncadd.s32 $0xFFFFEC00  }
0x60: {  	[tilespmem:s12], [sflag:$0x4] =	stream.indirect.gather @!p1 [hbm4b:s4+s11], $0x28, s10, s11, $0xb8;
	[tilespmem:$0x1DD80] =	vst v63  }
0x61: {  	_ =	swait.ge [sflag:s20], $0x1400  }
0x62: {  	[sflag:s20] =	ssyncset.done $0x0  }
0x63: {  	s12 =	sadd.s32 $0x3E00, s9;
	s11 =	sadd.s32 $0x4, s7;
	[sflag:s20] =	ssyncadd.s32 $0xFFFFEC00  }
0x64: {  	[spmem:s2] =	stream.indirect.scatter.add.f32 [tilespmem:s23], [sflag:$0x9], $0x28, s12, s15, $0xb8;
	[tilespmem:$0x1DD80] =	vst v63  }
0x65: {  	p1 =	sge.u32 s11, s5;
	_ =	swait.ge [sflag:s14], $0x1400  }
0x66: {  	s10 =	sshra.s32 @!p1 s8, $0x2;
	s11 =	simm.s32 @!p1 $0x80;
	[sflag:s14] =	ssyncset.done $0x0  }
0x67: {  	s10 =	sadd.s32 @!p1 $0x600, s10;
	s12 =	simm.s32 @!p1 $0xC800;
	[sflag:s14] =	ssyncadd.s32 $0xFFFFEC00  }
0x68: {  	[tilespmem:s12], [sflag:$0x5] =	stream.indirect.gather @!p1 [hbm4b:s4+s11], $0x28, s10, s11, $0xb8;
	[tilespmem:$0x1DD80] =	vst v63  }
0x69: {  	_ =	swait.ge [sflag:s22], $0x1400  }
0x6a: {  	[sflag:s22] =	ssyncset.done $0x0  }
0x6b: {  	s12 =	sadd.s32 $0x3E80, s9;
	s11 =	sadd.s32 $0x5, s7;
	[sflag:s22] =	ssyncadd.s32 $0xFFFFEC00  }
0x6c: {  	[spmem:s2] =	stream.indirect.scatter.add.f32 [tilespmem:s25], [sflag:$0x9], $0x28, s12, s15, $0xb8;
	[tilespmem:$0x1DD80] =	vst v63  }
0x6d: {  	p1 =	sge.u32 s11, s5;
	_ =	swait.ge [sflag:s14], $0x1400  }
0x6e: {  	s10 =	sshra.s32 @!p1 s8, $0x2;
	s11 =	simm.s32 @!p1 $0x80;
	[sflag:s14] =	ssyncset.done $0x0  }
0x6f: {  	s10 =	sadd.s32 @!p1 $0x680, s10;
	s12 =	simm.s32 @!p1 $0xDC00;
	[sflag:s14] =	ssyncadd.s32 $0xFFFFEC00  }
0x70: {  	[tilespmem:s12], [sflag:$0x6] =	stream.indirect.gather @!p1 [hbm4b:s4+s11], $0x28, s10, s11, $0xb8;
	[tilespmem:$0x1DD80] =	vst v63  }
0x71: {  	_ =	swait.ge [sflag:s24], $0x1400  }
0x72: {  	[sflag:s24] =	ssyncset.done $0x0  }
0x73: {  	s12 =	sadd.s32 $0x3F00, s9;
	s11 =	sadd.s32 $0x6, s7;
	[sflag:s24] =	ssyncadd.s32 $0xFFFFEC00  }
0x74: {  	[spmem:s2] =	stream.indirect.scatter.add.f32 [tilespmem:s28], [sflag:$0x9], $0x28, s12, s15, $0xb8;
	[tilespmem:$0x1DD80] =	vst v63  }
0x75: {  	p1 =	sge.u32 s11, s5;
	_ =	swait.ge [sflag:s14], $0x1400  }
0x76: {  	s10 =	sshra.s32 @!p1 s8, $0x2;
	s11 =	simm.s32 @!p1 $0x80;
	[sflag:s14] =	ssyncset.done $0x0  }
0x77: {  	s10 =	sadd.s32 @!p1 $0x700, s10;
	s12 =	simm.s32 @!p1 $0xF000;
	[sflag:s14] =	ssyncadd.s32 $0xFFFFEC00  }
0x78: {  	[tilespmem:s12], [sflag:$0x7] =	stream.indirect.gather @!p1 [hbm4b:s4+s11], $0x28, s10, s11, $0xb8;
	[tilespmem:$0x1DD80] =	vst v63  }
0x79: {  	_ =	swait.ge [sflag:s26], $0x1400  }
0x7a: {  	s12 =	sadd.s32 $0x7, s7;
	[sflag:s26] =	ssyncset.done $0x0  }
0x7b: {  	s9 =	sadd.s32 $0x3F80, s9;
	p1 =	sge.u32 s12, s5;
	[sflag:s26] =	ssyncadd.s32 $0xFFFFEC00  }
0x7c: {  	[spmem:s2] =	stream.indirect.scatter.add.f32 [tilespmem:s30], [sflag:$0x9], $0x28, s9, s15, $0xb8;
	[tilespmem:$0x1DD80] =	vst v63  }
0x7d: {  	s10 =	simm.s32 @!p1 $0x80;
	s11 =	simm.s32 @!p1 $0x10400;
	_ =	swait.ge [sflag:s14], $0x1400  }
0x7e: {  	s9 =	sshra.s32 @!p1 s8, $0x2;
	s8 =	sadd.s32 $0x1000, s8;
	[sflag:s14] =	ssyncset.done $0x0  }
0x7f: {  	s9 =	sadd.s32 @!p1 $0x780, s9;
	s12 =	rddreg [dreg:$0x4];
	[sflag:s14] =	ssyncadd.s32 $0xFFFFEC00  }
0x80: {  	[tilespmem:s11], [sflag:$0x8] =	stream.indirect.gather @!p1 [hbm4b:s4+s10], $0x28, s9, s10, $0xb8;
	[tilespmem:$0x1DD80] =	vst v63  }
0x81: {  	p1 =	sne.s32 s12, s8  }
.Ltmp0:
0x82: {  	_ = 	snop;
	(pc) =	sbr.rel @p1 .LBB2_2-.Ltmp0, $2  }
0x83: {  	_ =	sdelay $0x2  }
0x84: {  	s7 =	sadd.s32 $0x8, s7  }
0x85: {  	[bflag:$0x0] =	sbarrier.arrive $0xFFFF  }
0x86: {  	[tilespmem:s13], [sflag:$0x9] =	stream.linear.gather [spmem:s6], $0x62C0, $0x38;
	[tilespmem:$0x1DD80] =	vst v63  }
0x87: {  	_ =	swait.ge [sflag:s14], $0x62C0  }
0x88: {  	[sflag:s14] =	ssyncset.done $0x0  }
0x89: {  	s5 =	rddreg [dreg:$0xb];
	[sflag:s14] =	ssyncadd.s32 $0xFFFF9D40  }
0x8a: {  	[hbm4b:s5+s3] =	stream.linear.scatter [tilespmem:s13], [sflag:$0x9], $0x62C0, $0x38;
	[tilespmem:$0x1DD80] =	vst v63  }
0x8b: {  	_ =	swait.ge [sflag:s14], $0x62C0  }
0x8c: {  	s29 =	sadd.s32 $0x1, s29;
	s12 =	rddreg [dreg:$0xa]  }
0x8d: {  	p1 =	sne.s32 s29, s12  }
.Ltmp1:
0x8e: {  	_ = 	snop;
	(pc) =	sbr.rel @p1 .LBB2_1-.Ltmp1, $3  }
0x8f: {  	_ =	sdelay $0x1  }
0x90: {  	[sflag:s14] =	ssyncset.done $0x0  }
0x91: {  	[sflag:s14] =	ssyncadd.s32 $0xFFFF9D40  }
0x92: {  	_ =	sfence.sel $0x180000  }
0x93: {  	[bflag:$0x0] =	sbarrier.arrive $0xFFFF  }
0x94: {  	_ =	strace $0x9000004D  }
0x95: {  	s0 =	stileid.u32;
	[bflag:$0x2] =	sbarrier.arrive $0xFFFF  }
0x96: {  	p0 =	sne.s32 s0, $0x0;
	s0 =	rddreg [dreg:$0x3]  }
0x97: {  	s0 =	sadd.s32 @!p0 $0x100000, s0  }
0x98: {  	[sflag:s0] =	ssyncadd.tile.s32 @!p0 $0x1;
	_ =	shalt  }
.Lfunc_end2:
_tile_overlayer_lowered:
.L_overlay_start_2:
0x99: {  	(tag) =	ssettag $0x2  }
0x9a: {  	s0 =	rddreg [dreg:$0x0];
	s2 =	stileid.u32  }
0x9b: {  	s1 =	rddreg [dreg:$0x1];
	p0 =	sne.s32 s2, $0x0  }
0x9c: {  	s3 =	rddreg [dreg:$0x2];
	[bflag:$0x3] =	sbarrier.arrive $0xFFFF;
	s2 =	simm.s32 @!p0 $0x1C09  }
0x9d: {  	[timem:s3], [sflag:s2] =	dma.local @!p0 [hbm:s0], s1  }
0x9e: {  	s0 =	simm.s32 @!p0 $0x9  }
0x9f: {  	_ =	swait.ge @!p0 [sflag:s0], s1  }
0xa0: {  	s1 =	ssub.s32 @!p0 $0x0, s1;
	[sflag:s0] =	ssyncset.done @!p0 $0x0  }
0xa1: {  	[sflag:s0] =	ssyncadd.s32 @!p0 s1  }
0xa2: {  	[bflag:$0x3] =	sbarrier.arrive $0xFFFF  }
0xa3: {  	_ =	shalt  }

// kernel: kernel.8.cloned.1.call-start
scs
__scs_entry_jumppad:
0x0: {  	(pc) =	sbr.rel $0x88, $3  }
0x1: {  	(tag) =	ssettag $0x0;
	lr =	simm.s32 $0x1  }
0x2: {  	[smem:$0x3F9B] =	sst lr;
	_ =	strace $0xD0000000  }
0x3: {  	_ = 	snop  }
0x4: {  	_ = 	snop  }
0x5: {  	_ = 	snop  }
0x6: {  	_ = 	snop  }
0x7: {  	_ = 	snop  }
__scs_overlays_trampoline_lowered:
0x8: {  	[smem:$0x3FAA] =	sst s0  }
0x9: {  	[smem:$0x3FAB] =	sst s1  }
0xa: {  	[smem:$0x3FAC] =	sst s2  }
0xb: {  	[smem:$0x3FAD] =	sst s3  }
0xc: {  	[smem:$0x3FAE] =	sst s4  }
0xd: {  	[smem:$0x3FAF] =	sst s5  }
0xe: {  	[smem:$0x3FB0] =	sst s6  }
0xf: {  	[smem:$0x3FB1] =	sst s7  }
0x10: {  	[smem:$0x3FB2] =	sst s8  }
0x11: {  	[smem:$0x3FB3] =	sst s9;
	s0 =	simm.s32 @!p0 $0x0  }
0x12: {  	s1 =	sld [smem:$0x3F99];
	s0 =	simm.s32 @p0 $0x1  }
0x13: {  	[smem:$0x3FB4] =	sst s0;
	s0 =	simm.s32 @!p1 $0x0  }
0x14: {  	s2 =	sld [smem:$0x3F98];
	s0 =	simm.s32 @p1 $0x1  }
0x15: {  	[smem:$0x3FB5] =	sst s0;
	s0 =	simm.s32 @!p2 $0x0  }
0x16: {  	s3 =	sld [smem:$0x3FDB];
	s0 =	simm.s32 @p2 $0x1  }
0x17: {  	s4 =	simm.s32 $0x1BF5;
	[smem:$0x3FB7] =	sst s0  }
0x18: {  	s0 =	sld [smem:$0x3F9A];
	_ =	swait.ge [sflag:s4], $0x0  }
0x19: {  	s7 =	sld [smem:$0x3F9B]  }
0x1a: {  	s8 =	sadd.s32 $0xFFFFE003, lr  }
0x1b: {  	s9 =	sadd.s32 $0xFFFFFEF7, lr;
	s5 =	simm.s32 $0xFFFFFFFF;
	p2 =	slt.u32 s8, $0xFFFFF086  }
0x1c: {  	p1 =	slt.u32 s9, $0xF7A;
	s5 =	simm.s32 @!p2 $0x0  }
0x1d: {  	s5 =	simm.s32 @p1 $0x1;
	p0 =	seq.s32 s7, s2  }
0x1e: {  	s7 =	smul.u32 @!p0 $0xF7A, s2;
	p2 =	seq.s32 @!p0 s5, $0x0  }
0x1f: {  	s9 =	smul.u32 $0xF7A, s1;
	s8 =	simm.s32 @!p0 $0x1BF5;
	p2 =	por !p2, p0  }
0x20: {  	[sflag:s8] =	ssyncset.s32 @!p0 $0xFFFFF086;
	s6 =	sadd.s32 @!p0 s3, s7;
	s7 =	simm.s32 @!p0 $0x108  }
0x21: {  	s3 =	sadd.s32 s3, s9;
	s6 =	sadd.s32 @!p0 $0x88, s6;
	s7 =	simm.s32 @p2 $0x1082  }
0x22: {  	[simem:s7], [sflag:s8] =	dma.local @!p0 [hbm:s6], $0xF7A  }
0x23: {  	s9 =	sor.u32 $0xD0000000, s2;
	s6 =	simm.s32 $0x108;
	_ =	swait.ge @!p0 [sflag:s8], $0x0  }
0x24: {  	s3 =	sadd.s32 $0x88, s3;
	s6 =	simm.s32 @!p1 $0x1082;
	[sflag:s4] =	ssyncset.s32 $0xFFFFF086  }
0x25: {  	[simem:s6], [sflag:s4] =	dma.local [hbm:s3], $0xF7A  }
0x26: {  	[smem:$0x3F9B] =	sst s1;
	(tag) =	ssettag s2;
	_ =	strace s9  }
0x27: {  	s1 =	sld [smem:$0x3FAB]  }
0x28: {  	s2 =	sld [smem:$0x3FAC]  }
0x29: {  	s4 =	sld [smem:$0x3FAE]  }
0x2a: {  	p0 =	seq.s32 s5, $0x0;
	s5 =	sld [smem:$0x3FAF]  }
0x2b: {  	s6 =	sld [smem:$0x3FB0]  }
0x2c: {  	s7 =	sld [smem:$0x3FB1]  }
0x2d: {  	s3 =	simm.s32 $0x108;
	s8 =	sld [smem:$0x3FB2]  }
0x2e: {  	s3 =	simm.s32 @!p0 $0x1082;
	s9 =	sld [smem:$0x3FB3]  }
0x2f: {  	lr =	sadd.s32 s0, s3;
	s0 =	sld [smem:$0x3FAA]  }
0x30: {  	s3 =	sld [smem:$0x3FAD]  }
0x31: {  	[smem:$0x3FB6] =	sst s10  }
0x32: {  	s10 =	sld [smem:$0x3FB4];
	_ =	sdelay $0x3  }
0x33: {  	p0 =	seq.s32 s10, $0x1;
	s10 =	sld [smem:$0x3FB6];
	_ =	sdelay $0x3  }
0x34: {  	[smem:$0x3FB6] =	sst s10  }
0x35: {  	s10 =	sld [smem:$0x3FB5];
	_ =	sdelay $0x3  }
0x36: {  	p1 =	seq.s32 s10, $0x1;
	s10 =	sld [smem:$0x3FB6];
	_ =	sdelay $0x3  }
0x37: {  	[smem:$0x3FB6] =	sst s10  }
0x38: {  	s10 =	sld [smem:$0x3FB7]  }
0x39: {  	_ = 	snop;
	(pc) =	sbr.ind lr, $3  }
0x3a: {  	_ = 	snop  }
0x3b: {  	_ = 	snop  }
0x3c: {  	p2 =	seq.s32 s10, $0x1;
	s10 =	sld [smem:$0x3FB6]  }
0x3d: {  	_ =	shalt  }
0x3e: {  	_ =	shalt  }
0x3f: {  	_ =	shalt  }
0x40: {  	_ =	shalt  }
0x41: {  	_ =	shalt  }
0x42: {  	_ =	shalt  }
0x43: {  	_ =	shalt  }
0x44: {  	_ =	shalt  }
0x45: {  	_ =	shalt  }
0x46: {  	_ =	shalt  }
0x47: {  	_ =	shalt  }
0x48: {  	_ =	shalt  }
0x49: {  	_ =	shalt  }
0x4a: {  	_ =	shalt  }
0x4b: {  	_ =	shalt  }
0x4c: {  	_ =	shalt  }
0x4d: {  	_ =	shalt  }
0x4e: {  	_ =	shalt  }
0x4f: {  	_ =	shalt  }
0x50: {  	_ =	shalt  }
0x51: {  	_ =	shalt  }
0x52: {  	_ =	shalt  }
0x53: {  	_ =	shalt  }
0x54: {  	_ =	shalt  }
0x55: {  	_ =	shalt  }
0x56: {  	_ =	shalt  }
0x57: {  	_ =	shalt  }
0x58: {  	_ =	shalt  }
0x59: {  	_ =	shalt  }
0x5a: {  	_ =	shalt  }
0x5b: {  	_ =	shalt  }
0x5c: {  	_ =	shalt  }
0x5d: {  	_ =	shalt  }
0x5e: {  	_ =	shalt  }
0x5f: {  	_ =	shalt  }
0x60: {  	_ =	shalt  }
0x61: {  	_ =	shalt  }
0x62: {  	_ =	shalt  }
0x63: {  	_ =	shalt  }
0x64: {  	_ =	shalt  }
0x65: {  	_ =	shalt  }
0x66: {  	_ =	shalt  }
0x67: {  	_ =	shalt  }
0x68: {  	_ =	shalt  }
0x69: {  	_ =	shalt  }
0x6a: {  	_ =	shalt  }
0x6b: {  	_ =	shalt  }
0x6c: {  	_ =	shalt  }
0x6d: {  	_ =	shalt  }
0x6e: {  	_ =	shalt  }
0x6f: {  	_ =	shalt  }
0x70: {  	_ =	shalt  }
0x71: {  	_ =	shalt  }
0x72: {  	_ =	shalt  }
0x73: {  	_ =	shalt  }
0x74: {  	_ =	shalt  }
0x75: {  	_ =	shalt  }
0x76: {  	_ =	shalt  }
0x77: {  	_ =	shalt  }
0x78: {  	_ =	shalt  }
0x79: {  	_ =	shalt  }
0x7a: {  	_ =	shalt  }
0x7b: {  	_ =	shalt  }
0x7c: {  	_ =	shalt  }
0x7d: {  	_ =	shalt  }
0x7e: {  	_ =	shalt  }
0x7f: {  	_ =	shalt  }
0x80: {  	_ =	shalt  }
0x81: {  	_ =	shalt  }
0x82: {  	_ =	shalt  }
0x83: {  	_ =	shalt  }
0x84: {  	_ =	shalt  }
0x85: {  	_ =	shalt  }
0x86: {  	_ =	shalt  }
0x87: {  	_ =	shalt  }
.Lfunc_end0:
.L_simem_size_0:
called_computation_lowered:
.L_overlay_start_0:
0x88: {  	s2 =	sld [smem:$0x3FD9]  }
0x89: {  	s3 =	sld [smem:$0x3FFE];
	_ =	sdelay $0x1  }
0x8a: {  	s1 =	srdreg.scid  }
0x8b: {  	s0 =	sand.u32 $0x1, s1  }
0x8c: {  	s17 =	sshll.u32 s0, $0xA;
	s2 =	sadd.s32 s3, s2  }
0x8d: {  	s2 =	sadd.s32 s2, s17  }
0x8e: {  	[smem:$0x3FC2] =	sst s2  }
0x8f: {  	_ = 	snop  }
0x90: {  	s2 =	sld [smem:$0x3FD0];
	(tm) =	ssettm $0x1  }
0x91: {  	s18 =	sld [smem:$0x3FFB];
	_ =	sdelay $0x3  }
0x92: {  	_ =	strace s18  }
0x93: {  	s3 =	sld [smem:$0x3FFC];
	_ =	sdelay $0x3  }
0x94: {  	_ =	strace s3  }
0x95: {  	s3 =	sld [smem:$0x3FFD];
	_ =	sdelay $0x3  }
0x96: {  	_ =	strace s3  }
0x97: {  	_ =	strace $0x8FFFFFFF  }
0x98: {  	s19 =	sld [smem:$0x3FDB];
	_ =	sdelay $0x1  }
0x99: {  	s4 =	simm.s32 $_scs_section_size  }
0x9a: {  	s5 =	simm.s32 $_size__tile_overlayer_lowered;
	s6 =	simm.s32 $_tile_overlayer_lowered  }
0x9b: {  	s22 =	simm.s32 $0x1BFF;
	s21 =	sshll.u32 s6, $0x1;
	s3 =	sadd.s32 s4, s19  }
0x9c: {  	s7 =	simm.s32 $0x0;
	s20 =	sshll.u32 s5, $0x1;
	s5 =	sadd.s32 s21, s3  }
0x9d: {  	[timem:s7], [sflag:s22] =	dma.local [hbm:s5], s20  }
0x9e: {  	_ =	swait.ge [sflag:s22], s20  }
0x9f: {  	s4 =	ssub.s32 $0x0, s20;
	[sflag:s22] =	ssyncset.done $0x0  }
0xa0: {  	[sflag:s22] =	ssyncadd.s32 s4;
	_ =	sdelay $0x1  }
0xa1: {  	s23 =	simm.s32 $0x1B8B  }
0xa2: {  	_ =	swait.ge [sflag:s23], $0x1  }
0xa3: {  	[sflag:s23] =	ssyncset.done $0x0  }
0xa4: {  	s25 =	simm.s32 $0x1B8E;
	s24 =	sld [smem:$0x3FFE];
	[sflag:s23] =	ssyncadd.s32 $0xFFFFFFFF  }
0xa5: {  	s26 =	simm.s32 $execute0_lowered;
	[smem:$0x3FD2] =	sst s25  }
0xa6: {  	s5 =	sshll.u32 s26, $0x1;
	_ =	strace $0x80000046;
	[dreg:$0x1] =	wrdreg $0xFFFFFFFF  }
0xa7: {  	s28 =	simm.s32 $_size_execute0_lowered;
	s3 =	sadd.s32 s3, s5;
	[dreg:$0x0] =	wrdreg $0x0  }
0xa8: {  	s5 =	sshll.u32 s28, $0x1;
	[dreg:$0x2] =	wrdreg s3  }
0xa9: {  	[dreg:$0x3] =	wrdreg s5  }
0xaa: {  	[dreg:$0x4] =	wrdreg $0xC0  }
0xab: {  	_ =	task [dreg:s7], $0x5FFFF  }
0xac: {  	[dreg:$0x1] =	wrdreg $0xFFFFFFFF  }
0xad: {  	[dreg:$0x0] =	wrdreg $0x60  }
0xae: {  	[dreg:$0x2] =	wrdreg s24  }
0xaf: {  	[dreg:$0x3] =	wrdreg s2  }
0xb0: {  	[dreg:$0x4] =	wrdreg $0x3EF80  }
0xb1: {  	[dreg:$0x5] =	wrdreg $0x9  }
0xb2: {  	_ =	task.clear_ibuf [dreg:s7], $0x6FFFF;
	_ =	strace $0x90000046  }
0xb3: {  	s29 =	simm.s32 $0x9;
	_ =	strace $0x80000048  }
0xb4: {  	_ =	swait.ge [sflag:s29], $0x1  }
0xb5: {  	[sflag:s29] =	ssyncadd.s32 $0xFFFFFFFF  }
0xb6: {  	_ =	strace $0x90000048  }
0xb7: {  	_ =	sfence  }
0xb8: {  	s30 =	sld [smem:$0x0];
	_ =	sdelay $0x2  }
0xb9: {  	s31 =	sshll.u32 s1, $0xD;
	s1 =	sshrl.u32 s1, $0x2  }
0xba: {  	s3 =	sand.u32 $0x4000, s31;
	s1 =	sadd.s32 s1, s30  }
0xbb: {  	s0 =	sor.u32 s3, s0;
	s1 =	sshll.u32 s1, $0x11  }
0xbc: {  	s0 =	sor.u32 s1, s0  }
0xbd: {  	s0 =	sadd.s32 $0x8F2B, s0  }
0xbe: {  	[sflag:s0] =	ssyncadd.remote.s32 $0x1  }
0xbf: {  	_ =	sfence.sel $0xFFFF  }
0xc0: {  	[dreg:$0x0] =	wrdreg $0xFFFFFFFF;
	(pc) =	sbr.abs _section_cstart, $3  }
0xc1: {  	[dreg:$0x1] =	wrdreg $0xFFFFFFFF  }
0xc2: {  	_ =	task.clear_ibuf [dreg:s7], $0x2FFFF;
	_ =	strace $0x9FFFFFFF  }
0xc3: {  	(tm) =	ssettm $0x7FFFFFFF  }
tec
execute0_lowered:
.L_overlay_start_1:
0x0: {  	(tag) =	ssettag $0x1  }
0x1: {  	s6 =	rddreg [dreg:$0x0]  }
0x2: {  	s8 =	rddreg [dreg:$0x1]  }
0x3: {  	s2 =	rddreg [dreg:$0x2]  }
0x4: {  	s1 =	stileid.u32;
	s0 =	rddreg [dreg:$0x3]  }
0x5: {  	s3 =	simm.s32 $0x0;
	s7 =	srdreg.scid;
	s4 =	smul.u32 $0x780, s1  }
0x6: {  	s15 =	simm.s32 $0x0;
	[smem:$0x7FF] =	sst s3;
	s5 =	smul.u32 $0x280, s1  }
0x7: {  	s11 =	sand.u32 $0x1, s7;
	s12 =	smul.u32 $0x278, s1;
	s13 =	sadd.s32 $0x14400, s6  }
0x8: {  	_ =	strace $0x80000047;
	s7 =	ssub.s32 $0x2, s11;
	p0 =	seq.s32 s11, $0x0  }
0x9: {  	s9 =	sadd.s32 s4, s6;
	s10 =	sadd.s32 s5, s6;
	s4 =	sadd.s32 $0x14200, s6  }
0xa: {  	s5 =	sadd.s32 $0x14000, s6;
	s30 =	sshrl.u32 s7, $0x1;
	s6 =	sadd.s32 s12, s2  }
0xb: {  	s31 =	sshrl.u32 s12, $0x3;
	s13 =	smov.u32 @p0 s8;
	p0 =	sne.s32 s11, $0x0  }
0xc: {  	s11 =	simm.s32 $0x3C80;
	s12 =	simm.s32 $0x1;
	s14 =	ssub.s32 s7, s30  }
0xd: {  	s7 =	sadd.s32 $0x11800, s10;
	s8 =	sadd.s32 $0xA000, s9;
	s10 =	sadd.s32 s13, s31  }
0xe: {  	s13 =	simm.s32 $0x3C00;
	s9 =	smax.u32 s14, $0x1;
	s14 =	simm.s32 $0x80  }
.LBB2_1:
0xf: {  	[tilespmem:s11], [sflag:$0x1] =	stream.linear.gather [hbm4b:s5+s3], $0x278, $0x38;
	[tilespmem:$0x4170] =	vst v63  }
0x10: {  	_ =	swait.ge [sflag:s12], $0x278  }
0x11: {  	[sflag:s12] =	ssyncset.done $0x0  }
0x12: {  	[sflag:s12] =	ssyncadd.s32 $0xFFFFFD88  }
0x13: {  	[spmem:s6] =	stream.linear.scatter [tilespmem:s11], [sflag:$0x1], $0x278, $0x38;
	[tilespmem:$0x4170] =	vst v63  }
0x14: {  	_ =	swait.ge [sflag:s12], $0x278  }
0x15: {  	[sflag:s12] =	ssyncset.done $0x0  }
0x16: {  	s16 =	simm.s32 @p0 $0x0;
	[sflag:s12] =	ssyncadd.s32 $0xFFFFFD88  }
0x17: {  	[tilespmem:s16], [sflag:$0x1] =	stream.linear.gather @p0 [hbm4b:s7+s16], $0x1400, $0x38;
	[tilespmem:$0x4170] =	vst v63  }
0x18: {  	s16 =	simm.s32 @p0 $0x1  }
0x19: {  	_ =	swait.ge @p0 [sflag:s16], $0x1400  }
0x1a: {  	[sflag:s16] =	ssyncset.done @p0 $0x0  }
0x1b: {  	[sflag:s16] =	ssyncadd.s32 @p0 $0xFFFFEC00;
	s16 =	simm.s32 @!p0 $0x0  }
0x1c: {  	[tilespmem:s16], [sflag:$0x1] =	stream.linear.gather @!p0 [hbm4b:s8+s16], $0x3C00, $0x38;
	[tilespmem:$0x4170] =	vst v63  }
0x1d: {  	s16 =	simm.s32 @!p0 $0x1  }
0x1e: {  	_ =	swait.ge @!p0 [sflag:s16], $0x3C00  }
0x1f: {  	[sflag:s16] =	ssyncset.done @!p0 $0x0  }
0x20: {  	[sflag:s16] =	ssyncadd.s32 @!p0 $0xFFFFC400;
	s16 =	simm.s32 @!p0 $0x78  }
0x21: {  	[tilespmem:s13], [sflag:$0x1] =	stream.linear.gather [hbm4b:s4+s3], $0x80, $0x38;
	[tilespmem:$0x4170] =	vst v63  }
0x22: {  	s16 =	simm.s32 @p0 $0x28;
	_ =	swait.ge [sflag:s12], $0x80  }
0x23: {  	p1 =	sne.s32 s16, $0x1;
	[sflag:s12] =	ssyncset.done $0x0  }
.Ltmp0:
0x24: {  	[sflag:s12] =	ssyncadd.s32 $0xFFFFFF80;
	(pc) =	sbr.rel @!p1 .LBB2_3-.Ltmp0, $4  }
0x25: {  	[bflag:$0x0] =	sbarrier.arrive $0xFFFF  }
0x26: {  	[spmem:s2] =	stream.indirect.scatter.add.f32 [tilespmem:s13], [sflag:$0x1], $0x1, s3, s14, $0xb8;
	[tilespmem:$0x4170] =	vst v63  }
0x27: {  	_ =	swait.ge [sflag:s12], $0x80  }
0x28: {  	s17 =	simm.s32 $0x0;
	s16 =	sadd.s32 $0xFFFFFFFF, s16;
	[sflag:s12] =	ssyncset.done $0x0  }
.LBB2_2:
0x29: {  	p1 =	sne.s32 s16, $0x1;
	[sflag:s12] =	ssyncadd.s32 $0xFFFFFF80;
	s17 =	sadd.s32 $0x80, s17  }
.Ltmp1:
0x2a: {  	s16 =	sadd.s32 $0xFFFFFFFF, s16;
	(pc) =	sbr.rel @p1 .LBB2_2-.Ltmp1, $4  }
0x2b: {  	_ = 	snop  }
0x2c: {  	[spmem:s2] =	stream.indirect.scatter.add.f32 [tilespmem:s13], [sflag:$0x1], $0x1, s17, s14, $0xb8;
	[tilespmem:$0x4170] =	vst v63  }
0x2d: {  	_ =	swait.ge [sflag:s12], $0x80  }
0x2e: {  	[sflag:s12] =	ssyncset.done $0x0  }
.LBB2_3:
0x2f: {  	[sflag:s12] =	ssyncadd.s32 $0xFFFFFF80  }
0x30: {  	[bflag:$0x0] =	sbarrier.arrive $0xFFFF  }
0x31: {  	[tilespmem:s11], [sflag:$0x1] =	stream.linear.gather [spmem:s6], $0x278, $0x38;
	[tilespmem:$0x4170] =	vst v63  }
0x32: {  	s15 =	sadd.s32 $0x1, s15;
	_ =	swait.ge [sflag:s12], $0x278  }
0x33: {  	p1 =	sne.s32 s15, s9;
	[sflag:s12] =	ssyncset.done $0x0  }
.Ltmp2:
0x34: {  	[sflag:s12] =	ssyncadd.s32 $0xFFFFFD88;
	(pc) =	sbr.rel @p1 .LBB2_1-.Ltmp2, $4  }
0x35: {  	[hbm4b:s10+s3] =	stream.linear.scatter [tilespmem:s11], [sflag:$0x1], $0x278, $0x38;
	[tilespmem:$0x4170] =	vst v63  }
0x36: {  	_ =	swait.ge [sflag:s12], $0x278  }
0x37: {  	[sflag:s12] =	ssyncset.done $0x0  }
0x38: {  	[sflag:s12] =	ssyncadd.s32 $0xFFFFFD88  }
0x39: {  	_ =	sfence.sel $0x180000  }
0x3a: {  	[bflag:$0x0] =	sbarrier.arrive $0xFFFF  }
0x3b: {  	p0 =	sne.s32 s1, $0x0;
	_ =	strace $0x90000047  }
0x3c: {  	s0 =	sadd.s32 @!p0 $0x100000, s0;
	[bflag:$0x2] =	sbarrier.arrive $0xFFFF  }
0x3d: {  	[sflag:s0] =	ssyncadd.tile.s32 @!p0 $0x1;
	_ =	shalt  }
.Lfunc_end2:
_tile_overlayer_lowered:
.L_overlay_start_2:
0x3e: {  	(tag) =	ssettag $0x2  }
0x3f: {  	s0 =	rddreg [dreg:$0x0];
	s2 =	stileid.u32  }
0x40: {  	s1 =	rddreg [dreg:$0x1];
	p0 =	sne.s32 s2, $0x0  }
0x41: {  	s3 =	rddreg [dreg:$0x2];
	[bflag:$0x3] =	sbarrier.arrive $0xFFFF;
	s2 =	simm.s32 @!p0 $0x1C01  }
0x42: {  	[timem:s3], [sflag:s2] =	dma.local @!p0 [hbm:s0], s1  }
0x43: {  	s0 =	simm.s32 @!p0 $0x1  }
0x44: {  	_ =	swait.ge @!p0 [sflag:s0], s1  }
0x45: {  	s1 =	ssub.s32 @!p0 $0x0, s1;
	[sflag:s0] =	ssyncset.done @!p0 $0x0  }
0x46: {  	[sflag:s0] =	ssyncadd.s32 @!p0 s1  }
0x47: {  	[bflag:$0x3] =	sbarrier.arrive $0xFFFF  }
0x48: {  	_ =	shalt  }

</sc_bundles>
